<compile_context>
chip_gen: v7x
topology: tpu7x:2x2x1
jax: 0.10.2.dev20260603
libtpu: 0.0.44.dev20260713+nightly
codegen_flags: <defaults>
</compile_context>

<pallas_src>
import functools

import jax
import jax.numpy as jnp
from jax import lax
from jax.experimental import pallas as pl
from jax.experimental.pallas import tpu as pltpu
from jax.experimental.pallas import tpu_sc as plsc

N = 10000
E = 160000
IN_F = 256
HID = 512
OUT_F = 128

NC = 2
NS = 16
STRIPE = 624
TAIL = N - NS * STRIPE
EB = 128
NBATCH_P = 1280
NROWS_ACC = N
NBREAL = E // EB


def _mesh():
    return plsc.VectorSubcoreMesh(core_axis_name="c", subcore_axis_name="s")


def _edge_loop2(gref, acc_sh, sidx_all, didx_all, rows, semr, sems, nbt):

    def start_rows(k, j):
        pltpu.async_copy(gref.at[sidx_all.at[k]], rows[j], semr[j])

    def wait_rows(j):
        pltpu.make_async_copy(gref.at[pl.ds(0, EB)], rows[j], semr[j]).wait()

    def start_scatter(k, j):
        pltpu.async_copy(rows[j], acc_sh.at[didx_all.at[k]], sems[j], add=True)

    def wait_scatter(j):
        pltpu.make_async_copy(rows[j], acc_sh.at[pl.ds(0, EB)], sems[j]).wait()

    start_rows(0, 0)
    wait_rows(0)
    start_scatter(0, 0)
    start_rows(1, 1)

    def outer(g, carry):
        for j in (1, 0):
            k = 2 * g + (1 if j == 1 else 2)
            wait_rows(j)
            wait_scatter(1 - j)
            start_rows(k + 1, 1 - j)
            start_scatter(k, j)
        return carry

    lax.fori_loop(0, (nbt - 2) // 2, outer, 0)
    wait_rows(1)
    start_scatter(nbt - 1, 1)
    wait_scatter(0)
    wait_scatter(1)


def _striped_copy(s, src, dst):
    pltpu.sync_copy(src.at[pl.ds(s * STRIPE, STRIPE)],
                    dst.at[pl.ds(s * STRIPE, STRIPE)])

    @pl.when(s == NS - 1)
    def _tail():
        pltpu.sync_copy(src.at[pl.ds(NS * STRIPE, TAIL)],
                        dst.at[pl.ds(NS * STRIPE, TAIL)])


def _deg_body(dst_hbm, ones_hbm, zeros_hbm, out_hbm,
              didx_all, ones_v, sem0, sem1, acc_sh):
    c = lax.axis_index("c")
    s = lax.axis_index("s")
    w = c * NS + s
    nbt = NBATCH_P // (NC * NS)
    pltpu.sync_copy(zeros_hbm, acc_sh.at[pl.ds(s * STRIPE, STRIPE)])

    @pl.when(s == NS - 1)
    def _tail():
        pltpu.sync_copy(zeros_hbm.at[pl.ds(0, TAIL)],
                        acc_sh.at[pl.ds(NS * STRIPE, TAIL)])

    pltpu.sync_copy(ones_hbm, ones_v)
    pltpu.sync_copy(dst_hbm.at[pl.ds(w * nbt, nbt)], didx_all)
    plsc.subcore_barrier()

    sems = (sem0, sem1)

    def start_scatter(k, j):
        pltpu.async_copy(ones_v, acc_sh.at[didx_all.at[k]], sems[j], add=True)

    def wait_scatter(j):
        pltpu.make_async_copy(ones_v, acc_sh.at[pl.ds(0, EB)], sems[j]).wait()

    nreal = jnp.clip(NBREAL - w * nbt, 0, nbt)
    start_scatter(0, 0)
    start_scatter(1, 1)

    def body(g, carry):
        for j in (0, 1):
            k = 2 * g + 2 + j
            wait_scatter(j)
            start_scatter(k, j)
        return carry

    lax.fori_loop(0, (nreal - 2) // 2, body, 0)
    wait_scatter(0)
    wait_scatter(1)
    plsc.subcore_barrier()
    _striped_copy(s, acc_sh, out_hbm.at[c])


@functools.cache
def _deg_kernel():
    return pl.kernel(
        _deg_body,
        out_type=jax.ShapeDtypeStruct((NC, N, 128), jnp.float32),
        mesh=_mesh(),
        scratch_types=[
            pltpu.VMEM((NBATCH_P // (NC * NS), EB), jnp.int32),
            pltpu.VMEM((EB, 128), jnp.float32),
            pltpu.SemaphoreType.DMA,
            pltpu.SemaphoreType.DMA,
            pltpu.VMEM_SHARED((NROWS_ACC, 128), jnp.float32),
        ],
    )


def _agg_scratch(nbt):
    return [
        pltpu.VMEM((nbt, EB), jnp.int32),
        pltpu.VMEM((nbt, EB), jnp.int32),
        pltpu.VMEM((EB, 128), jnp.float32),
        pltpu.VMEM((EB, 128), jnp.float32),
        pltpu.SemaphoreType.DMA,
        pltpu.SemaphoreType.DMA,
        pltpu.SemaphoreType.DMA,
        pltpu.SemaphoreType.DMA,
        pltpu.VMEM_SHARED((NROWS_ACC, 128), jnp.float32),
    ]


def _agg1_body(hs_hbm, src_hbm, dst_hbm, out_hbm,
               sidx_all, didx_all, rows0, rows1,
               semr0, semr1, sems0, sems1, acc_sh):
    c = lax.axis_index("c")
    s = lax.axis_index("s")
    nbt = NBATCH_P // NS

    for ch in range(4):
        @pl.when(ch % NC == c)
        def _chunk():
            hs_view = hs_hbm.at[ch]
            _striped_copy(s, hs_view, acc_sh)
            plsc.subcore_barrier()
            for half in range(2):
                base = s * nbt + half * (nbt // 2)
                pltpu.sync_copy(src_hbm.at[pl.ds(base, nbt // 2)], sidx_all)
                pltpu.sync_copy(dst_hbm.at[pl.ds(base, nbt // 2)], didx_all)
                nreal = jnp.clip(NBREAL - base, 0, nbt // 2)
                _edge_loop2(hs_view, acc_sh, sidx_all, didx_all,
                            (rows0, rows1), (semr0, semr1), (sems0, sems1),
                            nreal)
            plsc.subcore_barrier()
            _striped_copy(s, acc_sh, out_hbm.at[ch])


@functools.cache
def _agg1_kernel():
    return pl.kernel(
        _agg1_body,
        out_type=jax.ShapeDtypeStruct((4, N, 128), jnp.float32),
        mesh=_mesh(),
        scratch_types=_agg_scratch(NBATCH_P // NS // 2),
    )


def _agg2_body(hs_hbm, src_hbm, dst_hbm, out_hbm,
               sidx_all, didx_all, rows0, rows1,
               semr0, semr1, sems0, sems1, acc_sh):
    c = lax.axis_index("c")
    s = lax.axis_index("s")
    nbt = NBATCH_P // NC // NS
    base = c * (NBATCH_P // NC) + s * nbt

    _striped_copy(s, hs_hbm, acc_sh)
    pltpu.sync_copy(src_hbm.at[pl.ds(base, nbt)], sidx_all)
    pltpu.sync_copy(dst_hbm.at[pl.ds(base, nbt)], didx_all)
    plsc.subcore_barrier()
    nreal = jnp.clip(NBREAL - base, 0, nbt)
    _edge_loop2(hs_hbm, acc_sh, sidx_all, didx_all,
                (rows0, rows1), (semr0, semr1), (sems0, sems1), nreal)
    plsc.subcore_barrier()
    _striped_copy(s, acc_sh, out_hbm.at[c])


@functools.cache
def _agg2_kernel():
    return pl.kernel(
        _agg2_body,
        out_type=jax.ShapeDtypeStruct((NC, N, 128), jnp.float32),
        mesh=_mesh(),
        scratch_types=_agg_scratch(NBATCH_P // NC // NS),
    )


def _mm1_body(x_ref, w_ref, deg_ref, hs_ref, dinv_ref):
    deg = deg_ref[0, :, 0:1] + deg_ref[1, :, 0:1] + 1.0
    dinv = lax.rsqrt(jnp.maximum(deg, 1.0))
    h = jnp.dot(x_ref[...].astype(jnp.bfloat16), w_ref[...].astype(jnp.bfloat16),
                preferred_element_type=jnp.float32)
    hs_ref[0] = h * dinv
    dinv_ref[...] = dinv


def _mm1(x, w1, degw):
    rb = 1000
    grid = (N // rb, 4)
    return pl.pallas_call(
        _mm1_body,
        grid=grid,
        in_specs=[
            pl.BlockSpec((rb, IN_F), lambda i, j: (i, 0)),
            pl.BlockSpec((IN_F, 128), lambda i, j: (0, j)),
            pl.BlockSpec((NC, rb, 128), lambda i, j: (0, i, 0)),
        ],
        out_specs=[
            pl.BlockSpec((1, rb, 128), lambda i, j: (j, i, 0)),
            pl.BlockSpec((rb, 1), lambda i, j: (i, 0)),
        ],
        out_shape=[
            jax.ShapeDtypeStruct((4, N, 128), jnp.float32),
            jax.ShapeDtypeStruct((N, 1), jnp.float32),
        ],
    )(x, w1, degw)


def _mm2_body(agg_ref, dinv_ref, b1_ref, w2_ref, hs2_ref):
    dinv = dinv_ref[...]
    acc = jnp.zeros((agg_ref.shape[1], 128), jnp.float32)
    for kk in range(4):
        a = jnp.maximum(agg_ref[kk] * dinv + b1_ref[kk], 0.0)
        acc = acc + jnp.dot(a.astype(jnp.bfloat16),
                            w2_ref[kk].astype(jnp.bfloat16),
                            preferred_element_type=jnp.float32)
    hs2_ref[...] = acc * dinv


def _mm2(agg1, dinv, b1r, w2r):
    rb = 1000
    return pl.pallas_call(
        _mm2_body,
        grid=(N // rb,),
        in_specs=[
            pl.BlockSpec((4, rb, 128), lambda i: (0, i, 0)),
            pl.BlockSpec((rb, 1), lambda i: (i, 0)),
            pl.BlockSpec((4, 1, 128), lambda i: (0, 0, 0)),
            pl.BlockSpec((4, 128, 128), lambda i: (0, 0, 0)),
        ],
        out_specs=pl.BlockSpec((rb, 128), lambda i: (i, 0)),
        out_shape=jax.ShapeDtypeStruct((N, 128), jnp.float32),
    )(agg1, dinv, b1r, w2r)


def _fin_body(p_ref, hs2_ref, dinv_ref, b2_ref, out_ref):
    z = (p_ref[0] + p_ref[1] - hs2_ref[...]) * dinv_ref[...] + b2_ref[...]
    m = jnp.max(z, axis=1, keepdims=True)
    zs = z - m
    out_ref[...] = zs - jnp.log(jnp.sum(jnp.exp(zs), axis=1, keepdims=True))


def _fin(p2, hs2, dinv, b2r):
    rb = 1000
    return pl.pallas_call(
        _fin_body,
        grid=(N // rb,),
        in_specs=[
            pl.BlockSpec((NC, rb, 128), lambda i: (0, i, 0)),
            pl.BlockSpec((rb, 128), lambda i: (i, 0)),
            pl.BlockSpec((rb, 1), lambda i: (i, 0)),
            pl.BlockSpec((1, 128), lambda i: (0, 0)),
        ],
        out_specs=pl.BlockSpec((rb, 128), lambda i: (i, 0)),
        out_shape=jax.ShapeDtypeStruct((N, 128), jnp.float32),
    )(p2, hs2, dinv, b2r)


def kernel(x, edge_index, W1, b1, W2, b2):
    pad = NBATCH_P * EB - E
    spread = jnp.arange(pad, dtype=jnp.int32) % 128
    src = jnp.concatenate(
        [edge_index[0], spread]).reshape(NBATCH_P, EB)
    dst = jnp.concatenate(
        [edge_index[1], spread]).reshape(NBATCH_P, EB)
    ones16 = jnp.ones((EB, 128), jnp.float32)
    zeros16 = jnp.zeros((STRIPE, 128), jnp.float32)

    degw = _deg_kernel()(dst, ones16, zeros16)
    hs1, dinv = _mm1(x, W1, degw)
    agg1 = _agg1_kernel()(hs1, src, dst)
    hs2 = _mm2(agg1, dinv, b1.reshape(4, 1, 128), W2.reshape(4, 128, 128))
    p2 = _agg2_kernel()(hs2, src, dst)
    return _fin(p2, hs2, dinv, b2.reshape(1, 128))

# --- scband reference (transcript-rebuilt; emitter-appended) ---
"""Pipeline reference for scband-gcnnet-86182813761622 (READ-ONLY COPY).

The authoritative reference and input builder live on the scoring server;
editing this copy changes nothing except your own understanding.
"""

import jax, jax.numpy as jnp
import numpy as np

N = 10000
E = 160000
IN = 256
HID = 512
OUT = 128


def gcn_conv(x, src, dst, W, b, n):
    # PyG GCNConv: h = X @ W, add self loops, symmetric deg normalization, scatter-add, + bias
    h = x @ W
    loop = jnp.arange(n, dtype=src.dtype)
    s = jnp.concatenate([src, loop])
    d = jnp.concatenate([dst, loop])
    deg = jnp.zeros((n,), x.dtype).at[d].add(jnp.ones((s.shape[0],), x.dtype))
    dinv = jax.lax.rsqrt(jnp.maximum(deg, 1.0))
    norm = dinv[s] * dinv[d]
    msg = h[s] * norm[:, None]
    out = jnp.zeros((n, h.shape[1]), x.dtype).at[d].add(msg)
    return out + b


def setup_inputs(seed: int = 0) -> dict:
    key = jax.random.key(seed)
    k1, k2, k3, k4, k5, k6 = jax.random.split(key, 6)
    x = jax.random.normal(k1, (N, IN), dtype=jnp.float32)
    edge_index = jax.random.randint(k2, (2, E), 0, N, dtype=jnp.int32)
    W1 = jax.random.normal(k3, (IN, HID), dtype=jnp.float32) * (1.0 / np.sqrt(IN))
    b1 = jnp.zeros((HID,), dtype=jnp.float32)
    W2 = jax.random.normal(k4, (HID, OUT), dtype=jnp.float32) * (1.0 / np.sqrt(HID))
    b2 = jnp.zeros((OUT,), dtype=jnp.float32)
    return {"x": x, "edge_index": edge_index, "W1": W1, "b1": b1, "W2": W2, "b2": b2}


def reference(x, edge_index, W1, b1, W2, b2):
    # forward of GCNNet (eval mode: dropout is identity). Original casts to double;
    # we keep float32 (jax default, x64 disabled) with identical math.
    src, dst = edge_index[0], edge_index[1]
    h = gcn_conv(x, src, dst, W1, b1, N)
    h = jax.nn.relu(h)
    h = gcn_conv(h, src, dst, W2, b2, N)
    return jax.nn.log_softmax(h, axis=1)

if __name__ == "__main__":
    import jax
    _d = setup_inputs()
    print(jax.jit(kernel)(*tuple(_d.values())))

</pallas_src>

<mosaic_0001>
#map = affine_map<(d0, d1) -> (0, 0)>
#map1 = affine_map<(d0, d1) -> (0, 0, 0)>
module attributes {stable_mosaic.version = 14 : i64} {
  func.func @_deg_body(%arg0: i32, %arg1: i32, %arg2: memref<1280x128xi32, #tpu.memory_space<hbm>>, %arg3: memref<128x128xf32, #tpu.memory_space<hbm>>, %arg4: memref<624x128xf32, #tpu.memory_space<hbm>>, %arg5: memref<2x10000x128xf32, #tpu.memory_space<hbm>>, %arg6: memref<40x128xi32, #tpu.memory_space<vmem>>, %arg7: memref<128x128xf32, #tpu.memory_space<vmem>>, %arg8: memref<!tpu.dma_semaphore, #tpu.memory_space<semaphore_mem>>, %arg9: memref<!tpu.dma_semaphore, #tpu.memory_space<semaphore_mem>>, %arg10: memref<10000x128xf32, #tpu.memory_space<vmem_shared>>) attributes {dimension_semantics = [#tpu.dimension_semantics<core_parallel>, #tpu.dimension_semantics<subcore_parallel>], iteration_bounds = array<i64: 2, 16>, scalar_prefetch = 0 : i64, scratch_operands = 5 : i64, tpu.core_type = #tpu.core_type<sc_vector_subcore>, window_params = [{transform_indices = #map}, {transform_indices = #map}, {transform_indices = #map}, {transform_indices = #map1}]} {
    %mul3A = arith.constant 16 : i32
    %mul3A_0 = arith.muli %arg0, %mul3A : i32
    %add3A = arith.addi %mul3A_0, %arg1 : i32
    %mul3A_1 = arith.constant 624 : i32
    %mul3A_2 = arith.muli %arg1, %mul3A_1 : i32
    "tpu.region"() ({
      %run_scoped3A = tpu.sem_alloc : memref<!tpu.dma_semaphore, #tpu.memory_space<semaphore_mem>>
      %dma_start3A_74 = arith.constant 0 : i32
      %dma_start3A_75 = tpu.memref_slice %arg10[%mul3A_2, %dma_start3A_74] : memref<10000x128xf32, #tpu.memory_space<vmem_shared>> -> memref<624x128xf32, #tpu.memory_space<vmem_shared>>
      tpu.enqueue_dma source(%arg4 : memref<624x128xf32, #tpu.memory_space<hbm>>) target(%dma_start3A_75 : memref<624x128xf32, #tpu.memory_space<vmem_shared>>) target_semaphore(%run_scoped3A : memref<!tpu.dma_semaphore, #tpu.memory_space<semaphore_mem>>)
      %dma_wait3A_76 = arith.constant 0 : i32
      %dma_wait3A_77 = tpu.memref_slice %arg10[%mul3A_2, %dma_wait3A_76] : memref<10000x128xf32, #tpu.memory_space<vmem_shared>> -> memref<624x128xf32, #tpu.memory_space<vmem_shared>>
      tpu.wait_dma2 semaphore(%run_scoped3A : memref<!tpu.dma_semaphore, #tpu.memory_space<semaphore_mem>>) src(%arg4 : memref<624x128xf32, #tpu.memory_space<hbm>>) dst(%dma_wait3A_77 : memref<624x128xf32, #tpu.memory_space<vmem_shared>>)
      tpu.yield
    }) : () -> ()
    %eq3A = arith.constant 15 : i32
    %eq3A_3 = arith.cmpi eq, %arg1, %eq3A : i32
    %convert_element_type3A = arith.extui %eq3A_3 : i1 to i32
    %cond3A = arith.constant 0 : i32
    %cond3A_4 = arith.cmpi ne, %convert_element_type3A, %cond3A : i32
    scf.if %cond3A_4 {
      "tpu.region"() ({
        %run_scoped3A = tpu.sem_alloc : memref<!tpu.dma_semaphore, #tpu.memory_space<semaphore_mem>>
        %dma_start3A_74 = arith.constant 9984 : i32
        %dma_start3A_75 = arith.constant 0 : i32
        %dma_start3A_76 = tpu.memref_slice %arg10[%dma_start3A_74, %dma_start3A_75] : memref<10000x128xf32, #tpu.memory_space<vmem_shared>> -> memref<16x128xf32, #tpu.memory_space<vmem_shared>>
        %dma_start3A_77 = arith.constant 0 : i32
        %dma_start3A_78 = arith.constant 0 : i32
        %dma_start3A_79 = tpu.memref_slice %arg4[%dma_start3A_77, %dma_start3A_78] : memref<624x128xf32, #tpu.memory_space<hbm>> -> memref<16x128xf32, #tpu.memory_space<hbm>>
        tpu.enqueue_dma source(%dma_start3A_79 : memref<16x128xf32, #tpu.memory_space<hbm>>) target(%dma_start3A_76 : memref<16x128xf32, #tpu.memory_space<vmem_shared>>) target_semaphore(%run_scoped3A : memref<!tpu.dma_semaphore, #tpu.memory_space<semaphore_mem>>)
        %dma_wait3A_80 = arith.constant 9984 : i32
        %dma_wait3A_81 = arith.constant 0 : i32
        %dma_wait3A_82 = tpu.memref_slice %arg10[%dma_wait3A_80, %dma_wait3A_81] : memref<10000x128xf32, #tpu.memory_space<vmem_shared>> -> memref<16x128xf32, #tpu.memory_space<vmem_shared>>
        %dma_wait3A_83 = arith.constant 0 : i32
        %dma_wait3A_84 = arith.constant 0 : i32
        %dma_wait3A_85 = tpu.memref_slice %arg4[%dma_wait3A_83, %dma_wait3A_84] : memref<624x128xf32, #tpu.memory_space<hbm>> -> memref<16x128xf32, #tpu.memory_space<hbm>>
        tpu.wait_dma2 semaphore(%run_scoped3A : memref<!tpu.dma_semaphore, #tpu.memory_space<semaphore_mem>>) src(%dma_wait3A_85 : memref<16x128xf32, #tpu.memory_space<hbm>>) dst(%dma_wait3A_82 : memref<16x128xf32, #tpu.memory_space<vmem_shared>>)
        tpu.yield
      }) : () -> ()
    } else {
    }
    "tpu.region"() ({
      %run_scoped3A = tpu.sem_alloc : memref<!tpu.dma_semaphore, #tpu.memory_space<semaphore_mem>>
      tpu.enqueue_dma source(%arg3 : memref<128x128xf32, #tpu.memory_space<hbm>>) target(%arg7 : memref<128x128xf32, #tpu.memory_space<vmem>>) target_semaphore(%run_scoped3A : memref<!tpu.dma_semaphore, #tpu.memory_space<semaphore_mem>>)
      tpu.wait_dma2 semaphore(%run_scoped3A : memref<!tpu.dma_semaphore, #tpu.memory_space<semaphore_mem>>) src(%arg3 : memref<128x128xf32, #tpu.memory_space<hbm>>) dst(%arg7 : memref<128x128xf32, #tpu.memory_space<vmem>>)
      tpu.yield
    }) : () -> ()
    %mul3A_5 = arith.constant 40 : i32
    %mul3A_6 = arith.muli %add3A, %mul3A_5 : i32
    "tpu.region"() ({
      %run_scoped3A = tpu.sem_alloc : memref<!tpu.dma_semaphore, #tpu.memory_space<semaphore_mem>>
      %dma_start3A_74 = arith.constant 0 : i32
      %dma_start3A_75 = tpu.memref_slice %arg2[%mul3A_6, %dma_start3A_74] : memref<1280x128xi32, #tpu.memory_space<hbm>> -> memref<40x128xi32, #tpu.memory_space<hbm>>
      %dma_start3A_76 = arith.constant 0 : i32
      %dma_start3A_77 = tpu.memref_slice %arg2[%mul3A_6, %dma_start3A_76] : memref<1280x128xi32, #tpu.memory_space<hbm>> -> memref<40x128xi32, #tpu.memory_space<hbm>>
      tpu.enqueue_dma source(%dma_start3A_77 : memref<40x128xi32, #tpu.memory_space<hbm>>) target(%arg6 : memref<40x128xi32, #tpu.memory_space<vmem>>) target_semaphore(%run_scoped3A : memref<!tpu.dma_semaphore, #tpu.memory_space<semaphore_mem>>)
      %dma_wait3A_78 = arith.constant 0 : i32
      %dma_wait3A_79 = tpu.memref_slice %arg2[%mul3A_6, %dma_wait3A_78] : memref<1280x128xi32, #tpu.memory_space<hbm>> -> memref<40x128xi32, #tpu.memory_space<hbm>>
      %dma_wait3A_80 = arith.constant 0 : i32
      %dma_wait3A_81 = tpu.memref_slice %arg2[%mul3A_6, %dma_wait3A_80] : memref<1280x128xi32, #tpu.memory_space<hbm>> -> memref<40x128xi32, #tpu.memory_space<hbm>>
      tpu.wait_dma2 semaphore(%run_scoped3A : memref<!tpu.dma_semaphore, #tpu.memory_space<semaphore_mem>>) src(%dma_wait3A_81 : memref<40x128xi32, #tpu.memory_space<hbm>>) dst(%arg6 : memref<40x128xi32, #tpu.memory_space<vmem>>)
      tpu.yield
    }) : () -> ()
    %barrier3A = arith.constant 0 : index
    tpu.barrier barrier_id(%barrier3A)
    %mul3A_7 = arith.constant 40 : i32
    %mul3A_8 = arith.muli %add3A, %mul3A_7 : i32
    %sub3A = arith.constant 1250 : i32
    %sub3A_9 = arith.subi %sub3A, %mul3A_8 : i32
    %jit3A = arith.constant 0 : i32
    %jit3A_10 = arith.constant 40 : i32
    %max3A = arith.maxsi %jit3A, %sub3A_9 : i32
    %min3A = arith.minsi %jit3A_10, %max3A : i32
    %dma_start3A = arith.constant 0 : i32
    %dma_start3A_11 = arith.constant 0 : i32
    %dma_start3A_12 = tpu.memref_slice %arg6[%dma_start3A, %dma_start3A_11] : memref<40x128xi32, #tpu.memory_space<vmem>> -> memref<1x128xi32, #tpu.memory_space<vmem>>
    %dma_start3A_13 = tpu.memref_squeeze %dma_start3A_12 : memref<1x128xi32, #tpu.memory_space<vmem>> -> memref<128xi32, #tpu.memory_space<vmem>>
    %dma_start3A_14 = arith.constant 0 : i32
    %dma_start3A_15 = arith.constant 0 : i32
    %dma_start3A_16 = tpu.memref_slice %arg10[%dma_start3A_14, %dma_start3A_15] : memref<10000x128xf32, #tpu.memory_space<vmem_shared>> -> memref<10000x128xf32, #tpu.memory_space<vmem_shared>>
    tpu.enqueue_indirect_dma source(%arg7 : memref<128x128xf32, #tpu.memory_space<vmem>>) target(%dma_start3A_16 : memref<10000x128xf32, #tpu.memory_space<vmem_shared>>) offsets(%dma_start3A_13 : memref<128xi32, #tpu.memory_space<vmem>>) semaphore(%arg8 : memref<!tpu.dma_semaphore, #tpu.memory_space<semaphore_mem>>) {add = true}
    %dma_start3A_17 = arith.constant 1 : i32
    %dma_start3A_18 = arith.constant 0 : i32
    %dma_start3A_19 = tpu.memref_slice %arg6[%dma_start3A_17, %dma_start3A_18] : memref<40x128xi32, #tpu.memory_space<vmem>> -> memref<1x128xi32, #tpu.memory_space<vmem>>
    %dma_start3A_20 = tpu.memref_squeeze %dma_start3A_19 : memref<1x128xi32, #tpu.memory_space<vmem>> -> memref<128xi32, #tpu.memory_space<vmem>>
    %dma_start3A_21 = arith.constant 0 : i32
    %dma_start3A_22 = arith.constant 0 : i32
    %dma_start3A_23 = tpu.memref_slice %arg10[%dma_start3A_21, %dma_start3A_22] : memref<10000x128xf32, #tpu.memory_space<vmem_shared>> -> memref<10000x128xf32, #tpu.memory_space<vmem_shared>>
    tpu.enqueue_indirect_dma source(%arg7 : memref<128x128xf32, #tpu.memory_space<vmem>>) target(%dma_start3A_23 : memref<10000x128xf32, #tpu.memory_space<vmem_shared>>) offsets(%dma_start3A_20 : memref<128xi32, #tpu.memory_space<vmem>>) semaphore(%arg9 : memref<!tpu.dma_semaphore, #tpu.memory_space<semaphore_mem>>) {add = true}
    %sub3A_24 = arith.constant 2 : i32
    %sub3A_25 = arith.subi %min3A, %sub3A_24 : i32
    %jit3A_26 = arith.constant 2 : i32
    %div3A = arith.divsi %sub3A_25, %jit3A_26 : i32
    %sign3A = arith.constant 0 : i32
    %sign3A_27 = arith.cmpi sgt, %sub3A_25, %sign3A : i32
    %sign3A_28 = arith.extui %sign3A_27 : i1 to i32
    %sign3A_29 = arith.constant 0 : i32
    %sign3A_30 = arith.cmpi slt, %sub3A_25, %sign3A_29 : i32
    %sign3A_31 = arith.extui %sign3A_30 : i1 to i32
    %sign3A_32 = arith.subi %sign3A_28, %sign3A_31 : i32
    %sign3A_33 = arith.constant 0 : i32
    %sign3A_34 = arith.cmpi sgt, %jit3A_26, %sign3A_33 : i32
    %sign3A_35 = arith.extui %sign3A_34 : i1 to i32
    %sign3A_36 = arith.constant 0 : i32
    %sign3A_37 = arith.cmpi slt, %jit3A_26, %sign3A_36 : i32
    %sign3A_38 = arith.extui %sign3A_37 : i1 to i32
    %sign3A_39 = arith.subi %sign3A_35, %sign3A_38 : i32
    %ne3A = arith.cmpi ne, %sign3A_32, %sign3A_39 : i32
    %rem3A = arith.remsi %sub3A_25, %jit3A_26 : i32
    %ne3A_40 = arith.constant 0 : i32
    %ne3A_41 = arith.cmpi ne, %rem3A, %ne3A_40 : i32
    %and3A = arith.andi %ne3A, %ne3A_41 : i1
    %sub3A_42 = arith.constant 1 : i32
    %sub3A_43 = arith.subi %div3A, %sub3A_42 : i32
    %select_n3A = arith.select %and3A, %sub3A_43, %div3A : i32
    %while3A = arith.constant 0 : i32
    %while3A_44 = arith.constant 0 : i32
    %while3A_45 = arith.subi %select_n3A, %while3A_44 : i32
    %while3A_46 = arith.addi %while3A_44, %while3A_45 : i32
    %while3A_47 = arith.constant 1 : i32
    %while3A_48 = arith.divsi %while3A_45, %while3A_47 : i32
    %while3A_49 = arith.muli %while3A_48, %while3A_47 : i32
    %while3A_50 = arith.addi %while3A_44, %while3A_49 : i32
    %while3A_51 = arith.constant 1 : i32
    scf.for %while3A_74 = %while3A_44 to %while3A_50 step %while3A_51  : i32 {
      %mul3A_75 = arith.constant 2 : i32
      %mul3A_76 = arith.muli %mul3A_75, %while3A_74 : i32
      %add3A_77 = arith.constant 2 : i32
      %add3A_78 = arith.addi %mul3A_76, %add3A_77 : i32
      %add3A_79 = arith.constant 0 : i32
      %add3A_80 = arith.addi %add3A_78, %add3A_79 : i32
      %dma_wait3A_81 = arith.constant 0 : i32
      %dma_wait3A_82 = arith.constant 0 : i32
      %dma_wait3A_83 = tpu.memref_slice %arg10[%dma_wait3A_81, %dma_wait3A_82] : memref<10000x128xf32, #tpu.memory_space<vmem_shared>> -> memref<128x128xf32, #tpu.memory_space<vmem_shared>>
      %dma_wait3A_84 = arith.constant 0 : i32
      %dma_wait3A_85 = arith.constant 0 : i32
      %dma_wait3A_86 = tpu.memref_slice %arg10[%dma_wait3A_84, %dma_wait3A_85] : memref<10000x128xf32, #tpu.memory_space<vmem_shared>> -> memref<128x128xf32, #tpu.memory_space<vmem_shared>>
      tpu.wait_dma2 semaphore(%arg8 : memref<!tpu.dma_semaphore, #tpu.memory_space<semaphore_mem>>) src(%arg7 : memref<128x128xf32, #tpu.memory_space<vmem>>) dst(%dma_wait3A_86 : memref<128x128xf32, #tpu.memory_space<vmem_shared>>)
      %dma_start3A_87 = arith.constant 0 : i32
      %dma_start3A_88 = tpu.memref_slice %arg6[%add3A_80, %dma_start3A_87] : memref<40x128xi32, #tpu.memory_space<vmem>> -> memref<1x128xi32, #tpu.memory_space<vmem>>
      %dma_start3A_89 = tpu.memref_squeeze %dma_start3A_88 : memref<1x128xi32, #tpu.memory_space<vmem>> -> memref<128xi32, #tpu.memory_space<vmem>>
      %dma_start3A_90 = arith.constant 0 : i32
      %dma_start3A_91 = arith.constant 0 : i32
      %dma_start3A_92 = tpu.memref_slice %arg10[%dma_start3A_90, %dma_start3A_91] : memref<10000x128xf32, #tpu.memory_space<vmem_shared>> -> memref<10000x128xf32, #tpu.memory_space<vmem_shared>>
      tpu.enqueue_indirect_dma source(%arg7 : memref<128x128xf32, #tpu.memory_space<vmem>>) target(%dma_start3A_92 : memref<10000x128xf32, #tpu.memory_space<vmem_shared>>) offsets(%dma_start3A_89 : memref<128xi32, #tpu.memory_space<vmem>>) semaphore(%arg8 : memref<!tpu.dma_semaphore, #tpu.memory_space<semaphore_mem>>) {add = true}
      %mul3A_93 = arith.constant 2 : i32
      %mul3A_94 = arith.muli %mul3A_93, %while3A_74 : i32
      %add3A_95 = arith.constant 2 : i32
      %add3A_96 = arith.addi %mul3A_94, %add3A_95 : i32
      %add3A_97 = arith.constant 1 : i32
      %add3A_98 = arith.addi %add3A_96, %add3A_97 : i32
      %dma_wait3A_99 = arith.constant 0 : i32
      %dma_wait3A_100 = arith.constant 0 : i32
      %dma_wait3A_101 = tpu.memref_slice %arg10[%dma_wait3A_99, %dma_wait3A_100] : memref<10000x128xf32, #tpu.memory_space<vmem_shared>> -> memref<128x128xf32, #tpu.memory_space<vmem_shared>>
      %dma_wait3A_102 = arith.constant 0 : i32
      %dma_wait3A_103 = arith.constant 0 : i32
      %dma_wait3A_104 = tpu.memref_slice %arg10[%dma_wait3A_102, %dma_wait3A_103] : memref<10000x128xf32, #tpu.memory_space<vmem_shared>> -> memref<128x128xf32, #tpu.memory_space<vmem_shared>>
      tpu.wait_dma2 semaphore(%arg9 : memref<!tpu.dma_semaphore, #tpu.memory_space<semaphore_mem>>) src(%arg7 : memref<128x128xf32, #tpu.memory_space<vmem>>) dst(%dma_wait3A_104 : memref<128x128xf32, #tpu.memory_space<vmem_shared>>)
      %dma_start3A_105 = arith.constant 0 : i32
      %dma_start3A_106 = tpu.memref_slice %arg6[%add3A_98, %dma_start3A_105] : memref<40x128xi32, #tpu.memory_space<vmem>> -> memref<1x128xi32, #tpu.memory_space<vmem>>
      %dma_start3A_107 = tpu.memref_squeeze %dma_start3A_106 : memref<1x128xi32, #tpu.memory_space<vmem>> -> memref<128xi32, #tpu.memory_space<vmem>>
      %dma_start3A_108 = arith.constant 0 : i32
      %dma_start3A_109 = arith.constant 0 : i32
      %dma_start3A_110 = tpu.memref_slice %arg10[%dma_start3A_108, %dma_start3A_109] : memref<10000x128xf32, #tpu.memory_space<vmem_shared>> -> memref<10000x128xf32, #tpu.memory_space<vmem_shared>>
      tpu.enqueue_indirect_dma source(%arg7 : memref<128x128xf32, #tpu.memory_space<vmem>>) target(%dma_start3A_110 : memref<10000x128xf32, #tpu.memory_space<vmem_shared>>) offsets(%dma_start3A_107 : memref<128xi32, #tpu.memory_space<vmem>>) semaphore(%arg9 : memref<!tpu.dma_semaphore, #tpu.memory_space<semaphore_mem>>) {add = true}
    }
    %while3A_52 = arith.constant 1 : i32
    scf.for %while3A_74 = %while3A_50 to %while3A_46 step %while3A_52  : i32 {
      %mul3A_75 = arith.constant 2 : i32
      %mul3A_76 = arith.muli %mul3A_75, %while3A_74 : i32
      %add3A_77 = arith.constant 2 : i32
      %add3A_78 = arith.addi %mul3A_76, %add3A_77 : i32
      %add3A_79 = arith.constant 0 : i32
      %add3A_80 = arith.addi %add3A_78, %add3A_79 : i32
      %dma_wait3A_81 = arith.constant 0 : i32
      %dma_wait3A_82 = arith.constant 0 : i32
      %dma_wait3A_83 = tpu.memref_slice %arg10[%dma_wait3A_81, %dma_wait3A_82] : memref<10000x128xf32, #tpu.memory_space<vmem_shared>> -> memref<128x128xf32, #tpu.memory_space<vmem_shared>>
      %dma_wait3A_84 = arith.constant 0 : i32
      %dma_wait3A_85 = arith.constant 0 : i32
      %dma_wait3A_86 = tpu.memref_slice %arg10[%dma_wait3A_84, %dma_wait3A_85] : memref<10000x128xf32, #tpu.memory_space<vmem_shared>> -> memref<128x128xf32, #tpu.memory_space<vmem_shared>>
      tpu.wait_dma2 semaphore(%arg8 : memref<!tpu.dma_semaphore, #tpu.memory_space<semaphore_mem>>) src(%arg7 : memref<128x128xf32, #tpu.memory_space<vmem>>) dst(%dma_wait3A_86 : memref<128x128xf32, #tpu.memory_space<vmem_shared>>)
      %dma_start3A_87 = arith.constant 0 : i32
      %dma_start3A_88 = tpu.memref_slice %arg6[%add3A_80, %dma_start3A_87] : memref<40x128xi32, #tpu.memory_space<vmem>> -> memref<1x128xi32, #tpu.memory_space<vmem>>
      %dma_start3A_89 = tpu.memref_squeeze %dma_start3A_88 : memref<1x128xi32, #tpu.memory_space<vmem>> -> memref<128xi32, #tpu.memory_space<vmem>>
      %dma_start3A_90 = arith.constant 0 : i32
      %dma_start3A_91 = arith.constant 0 : i32
      %dma_start3A_92 = tpu.memref_slice %arg10[%dma_start3A_90, %dma_start3A_91] : memref<10000x128xf32, #tpu.memory_space<vmem_shared>> -> memref<10000x128xf32, #tpu.memory_space<vmem_shared>>
      tpu.enqueue_indirect_dma source(%arg7 : memref<128x128xf32, #tpu.memory_space<vmem>>) target(%dma_start3A_92 : memref<10000x128xf32, #tpu.memory_space<vmem_shared>>) offsets(%dma_start3A_89 : memref<128xi32, #tpu.memory_space<vmem>>) semaphore(%arg8 : memref<!tpu.dma_semaphore, #tpu.memory_space<semaphore_mem>>) {add = true}
      %mul3A_93 = arith.constant 2 : i32
      %mul3A_94 = arith.muli %mul3A_93, %while3A_74 : i32
      %add3A_95 = arith.constant 2 : i32
      %add3A_96 = arith.addi %mul3A_94, %add3A_95 : i32
      %add3A_97 = arith.constant 1 : i32
      %add3A_98 = arith.addi %add3A_96, %add3A_97 : i32
      %dma_wait3A_99 = arith.constant 0 : i32
      %dma_wait3A_100 = arith.constant 0 : i32
      %dma_wait3A_101 = tpu.memref_slice %arg10[%dma_wait3A_99, %dma_wait3A_100] : memref<10000x128xf32, #tpu.memory_space<vmem_shared>> -> memref<128x128xf32, #tpu.memory_space<vmem_shared>>
      %dma_wait3A_102 = arith.constant 0 : i32
      %dma_wait3A_103 = arith.constant 0 : i32
      %dma_wait3A_104 = tpu.memref_slice %arg10[%dma_wait3A_102, %dma_wait3A_103] : memref<10000x128xf32, #tpu.memory_space<vmem_shared>> -> memref<128x128xf32, #tpu.memory_space<vmem_shared>>
      tpu.wait_dma2 semaphore(%arg9 : memref<!tpu.dma_semaphore, #tpu.memory_space<semaphore_mem>>) src(%arg7 : memref<128x128xf32, #tpu.memory_space<vmem>>) dst(%dma_wait3A_104 : memref<128x128xf32, #tpu.memory_space<vmem_shared>>)
      %dma_start3A_105 = arith.constant 0 : i32
      %dma_start3A_106 = tpu.memref_slice %arg6[%add3A_98, %dma_start3A_105] : memref<40x128xi32, #tpu.memory_space<vmem>> -> memref<1x128xi32, #tpu.memory_space<vmem>>
      %dma_start3A_107 = tpu.memref_squeeze %dma_start3A_106 : memref<1x128xi32, #tpu.memory_space<vmem>> -> memref<128xi32, #tpu.memory_space<vmem>>
      %dma_start3A_108 = arith.constant 0 : i32
      %dma_start3A_109 = arith.constant 0 : i32
      %dma_start3A_110 = tpu.memref_slice %arg10[%dma_start3A_108, %dma_start3A_109] : memref<10000x128xf32, #tpu.memory_space<vmem_shared>> -> memref<10000x128xf32, #tpu.memory_space<vmem_shared>>
      tpu.enqueue_indirect_dma source(%arg7 : memref<128x128xf32, #tpu.memory_space<vmem>>) target(%dma_start3A_110 : memref<10000x128xf32, #tpu.memory_space<vmem_shared>>) offsets(%dma_start3A_107 : memref<128xi32, #tpu.memory_space<vmem>>) semaphore(%arg9 : memref<!tpu.dma_semaphore, #tpu.memory_space<semaphore_mem>>) {add = true}
    }
    %dma_wait3A = arith.constant 0 : i32
    %dma_wait3A_53 = arith.constant 0 : i32
    %dma_wait3A_54 = tpu.memref_slice %arg10[%dma_wait3A, %dma_wait3A_53] : memref<10000x128xf32, #tpu.memory_space<vmem_shared>> -> memref<128x128xf32, #tpu.memory_space<vmem_shared>>
    %dma_wait3A_55 = arith.constant 0 : i32
    %dma_wait3A_56 = arith.constant 0 : i32
    %dma_wait3A_57 = tpu.memref_slice %arg10[%dma_wait3A_55, %dma_wait3A_56] : memref<10000x128xf32, #tpu.memory_space<vmem_shared>> -> memref<128x128xf32, #tpu.memory_space<vmem_shared>>
    tpu.wait_dma2 semaphore(%arg8 : memref<!tpu.dma_semaphore, #tpu.memory_space<semaphore_mem>>) src(%arg7 : memref<128x128xf32, #tpu.memory_space<vmem>>) dst(%dma_wait3A_57 : memref<128x128xf32, #tpu.memory_space<vmem_shared>>)
    %dma_wait3A_58 = arith.constant 0 : i32
    %dma_wait3A_59 = arith.constant 0 : i32
    %dma_wait3A_60 = tpu.memref_slice %arg10[%dma_wait3A_58, %dma_wait3A_59] : memref<10000x128xf32, #tpu.memory_space<vmem_shared>> -> memref<128x128xf32, #tpu.memory_space<vmem_shared>>
    %dma_wait3A_61 = arith.constant 0 : i32
    %dma_wait3A_62 = arith.constant 0 : i32
    %dma_wait3A_63 = tpu.memref_slice %arg10[%dma_wait3A_61, %dma_wait3A_62] : memref<10000x128xf32, #tpu.memory_space<vmem_shared>> -> memref<128x128xf32, #tpu.memory_space<vmem_shared>>
    tpu.wait_dma2 semaphore(%arg9 : memref<!tpu.dma_semaphore, #tpu.memory_space<semaphore_mem>>) src(%arg7 : memref<128x128xf32, #tpu.memory_space<vmem>>) dst(%dma_wait3A_63 : memref<128x128xf32, #tpu.memory_space<vmem_shared>>)
    %barrier3A_64 = arith.constant 0 : index
    tpu.barrier barrier_id(%barrier3A_64)
    %mul3A_65 = arith.constant 624 : i32
    %mul3A_66 = arith.muli %arg1, %mul3A_65 : i32
    %mul3A_67 = arith.constant 624 : i32
    %mul3A_68 = arith.muli %arg1, %mul3A_67 : i32
    "tpu.region"() ({
      %run_scoped3A = tpu.sem_alloc : memref<!tpu.dma_semaphore, #tpu.memory_space<semaphore_mem>>
      %dma_start3A_74 = arith.constant 0 : i32
      %dma_start3A_75 = arith.constant 0 : i32
      %dma_start3A_76 = tpu.memref_slice %arg5[%arg0, %dma_start3A_74, %dma_start3A_75] : memref<2x10000x128xf32, #tpu.memory_space<hbm>> -> memref<1x10000x128xf32, #tpu.memory_space<hbm>>
      %dma_start3A_77 = tpu.memref_squeeze %dma_start3A_76 : memref<1x10000x128xf32, #tpu.memory_space<hbm>> -> memref<10000x128xf32, #tpu.memory_space<hbm>>
      %dma_start3A_78 = arith.constant 0 : i32
      %dma_start3A_79 = tpu.memref_slice %dma_start3A_77[%mul3A_68, %dma_start3A_78] : memref<10000x128xf32, #tpu.memory_space<hbm>> -> memref<624x128xf32, #tpu.memory_space<hbm>>
      %dma_start3A_80 = arith.constant 0 : i32
      %dma_start3A_81 = tpu.memref_slice %arg10[%mul3A_66, %dma_start3A_80] : memref<10000x128xf32, #tpu.memory_space<vmem_shared>> -> memref<624x128xf32, #tpu.memory_space<vmem_shared>>
      tpu.enqueue_dma source(%dma_start3A_81 : memref<624x128xf32, #tpu.memory_space<vmem_shared>>) target(%dma_start3A_79 : memref<624x128xf32, #tpu.memory_space<hbm>>) target_semaphore(%run_scoped3A : memref<!tpu.dma_semaphore, #tpu.memory_space<semaphore_mem>>)
      %dma_wait3A_82 = arith.constant 0 : i32
      %dma_wait3A_83 = arith.constant 0 : i32
      %dma_wait3A_84 = tpu.memref_slice %arg5[%arg0, %dma_wait3A_82, %dma_wait3A_83] : memref<2x10000x128xf32, #tpu.memory_space<hbm>> -> memref<1x10000x128xf32, #tpu.memory_space<hbm>>
      %dma_wait3A_85 = tpu.memref_squeeze %dma_wait3A_84 : memref<1x10000x128xf32, #tpu.memory_space<hbm>> -> memref<10000x128xf32, #tpu.memory_space<hbm>>
      %dma_wait3A_86 = arith.constant 0 : i32
      %dma_wait3A_87 = tpu.memref_slice %dma_wait3A_85[%mul3A_68, %dma_wait3A_86] : memref<10000x128xf32, #tpu.memory_space<hbm>> -> memref<624x128xf32, #tpu.memory_space<hbm>>
      %dma_wait3A_88 = arith.constant 0 : i32
      %dma_wait3A_89 = tpu.memref_slice %arg10[%mul3A_66, %dma_wait3A_88] : memref<10000x128xf32, #tpu.memory_space<vmem_shared>> -> memref<624x128xf32, #tpu.memory_space<vmem_shared>>
      tpu.wait_dma2 semaphore(%run_scoped3A : memref<!tpu.dma_semaphore, #tpu.memory_space<semaphore_mem>>) src(%dma_wait3A_89 : memref<624x128xf32, #tpu.memory_space<vmem_shared>>) dst(%dma_wait3A_87 : memref<624x128xf32, #tpu.memory_space<hbm>>)
      tpu.yield
    }) : () -> ()
    %eq3A_69 = arith.constant 15 : i32
    %eq3A_70 = arith.cmpi eq, %arg1, %eq3A_69 : i32
    %convert_element_type3A_71 = arith.extui %eq3A_70 : i1 to i32
    %cond3A_72 = arith.constant 0 : i32
    %cond3A_73 = arith.cmpi ne, %convert_element_type3A_71, %cond3A_72 : i32
    scf.if %cond3A_73 {
      "tpu.region"() ({
        %run_scoped3A = tpu.sem_alloc : memref<!tpu.dma_semaphore, #tpu.memory_space<semaphore_mem>>
        %dma_start3A_74 = arith.constant 0 : i32
        %dma_start3A_75 = arith.constant 0 : i32
        %dma_start3A_76 = tpu.memref_slice %arg5[%arg0, %dma_start3A_74, %dma_start3A_75] : memref<2x10000x128xf32, #tpu.memory_space<hbm>> -> memref<1x10000x128xf32, #tpu.memory_space<hbm>>
        %dma_start3A_77 = tpu.memref_squeeze %dma_start3A_76 : memref<1x10000x128xf32, #tpu.memory_space<hbm>> -> memref<10000x128xf32, #tpu.memory_space<hbm>>
        %dma_start3A_78 = arith.constant 9984 : i32
        %dma_start3A_79 = arith.constant 0 : i32
        %dma_start3A_80 = tpu.memref_slice %dma_start3A_77[%dma_start3A_78, %dma_start3A_79] : memref<10000x128xf32, #tpu.memory_space<hbm>> -> memref<16x128xf32, #tpu.memory_space<hbm>>
        %dma_start3A_81 = arith.constant 9984 : i32
        %dma_start3A_82 = arith.constant 0 : i32
        %dma_start3A_83 = tpu.memref_slice %arg10[%dma_start3A_81, %dma_start3A_82] : memref<10000x128xf32, #tpu.memory_space<vmem_shared>> -> memref<16x128xf32, #tpu.memory_space<vmem_shared>>
        tpu.enqueue_dma source(%dma_start3A_83 : memref<16x128xf32, #tpu.memory_space<vmem_shared>>) target(%dma_start3A_80 : memref<16x128xf32, #tpu.memory_space<hbm>>) target_semaphore(%run_scoped3A : memref<!tpu.dma_semaphore, #tpu.memory_space<semaphore_mem>>)
        %dma_wait3A_84 = arith.constant 0 : i32
        %dma_wait3A_85 = arith.constant 0 : i32
        %dma_wait3A_86 = tpu.memref_slice %arg5[%arg0, %dma_wait3A_84, %dma_wait3A_85] : memref<2x10000x128xf32, #tpu.memory_space<hbm>> -> memref<1x10000x128xf32, #tpu.memory_space<hbm>>
        %dma_wait3A_87 = tpu.memref_squeeze %dma_wait3A_86 : memref<1x10000x128xf32, #tpu.memory_space<hbm>> -> memref<10000x128xf32, #tpu.memory_space<hbm>>
        %dma_wait3A_88 = arith.constant 9984 : i32
        %dma_wait3A_89 = arith.constant 0 : i32
        %dma_wait3A_90 = tpu.memref_slice %dma_wait3A_87[%dma_wait3A_88, %dma_wait3A_89] : memref<10000x128xf32, #tpu.memory_space<hbm>> -> memref<16x128xf32, #tpu.memory_space<hbm>>
        %dma_wait3A_91 = arith.constant 9984 : i32
        %dma_wait3A_92 = arith.constant 0 : i32
        %dma_wait3A_93 = tpu.memref_slice %arg10[%dma_wait3A_91, %dma_wait3A_92] : memref<10000x128xf32, #tpu.memory_space<vmem_shared>> -> memref<16x128xf32, #tpu.memory_space<vmem_shared>>
        tpu.wait_dma2 semaphore(%run_scoped3A : memref<!tpu.dma_semaphore, #tpu.memory_space<semaphore_mem>>) src(%dma_wait3A_93 : memref<16x128xf32, #tpu.memory_space<vmem_shared>>) dst(%dma_wait3A_90 : memref<16x128xf32, #tpu.memory_space<hbm>>)
        tpu.yield
      }) : () -> ()
    } else {
    }
    return
  }
}

#map = affine_map<(d0, d1) -> (0, 0)>
#map1 = affine_map<(d0, d1) -> (0, 0, 0)>
module attributes {stable_mosaic.version = 14 : i64} {
  func.func @_agg2_body(%arg0: i32, %arg1: i32, %arg2: memref<10000x128xf32, #tpu.memory_space<hbm>>, %arg3: memref<1280x128xi32, #tpu.memory_space<hbm>>, %arg4: memref<1280x128xi32, #tpu.memory_space<hbm>>, %arg5: memref<2x10000x128xf32, #tpu.memory_space<hbm>>, %arg6: memref<40x128xi32, #tpu.memory_space<vmem>>, %arg7: memref<40x128xi32, #tpu.memory_space<vmem>>, %arg8: memref<128x128xf32, #tpu.memory_space<vmem>>, %arg9: memref<128x128xf32, #tpu.memory_space<vmem>>, %arg10: memref<!tpu.dma_semaphore, #tpu.memory_space<semaphore_mem>>, %arg11: memref<!tpu.dma_semaphore, #tpu.memory_space<semaphore_mem>>, %arg12: memref<!tpu.dma_semaphore, #tpu.memory_space<semaphore_mem>>, %arg13: memref<!tpu.dma_semaphore, #tpu.memory_space<semaphore_mem>>, %arg14: memref<10000x128xf32, #tpu.memory_space<vmem_shared>>) attributes {dimension_semantics = [#tpu.dimension_semantics<core_parallel>, #tpu.dimension_semantics<subcore_parallel>], iteration_bounds = array<i64: 2, 16>, scalar_prefetch = 0 : i64, scratch_operands = 9 : i64, tpu.core_type = #tpu.core_type<sc_vector_subcore>, window_params = [{transform_indices = #map}, {transform_indices = #map}, {transform_indices = #map}, {transform_indices = #map1}]} {
    %mul3A = arith.constant 640 : i32
    %mul3A_0 = arith.muli %arg0, %mul3A : i32
    %mul3A_1 = arith.constant 40 : i32
    %mul3A_2 = arith.muli %arg1, %mul3A_1 : i32
    %add3A = arith.addi %mul3A_0, %mul3A_2 : i32
    %mul3A_3 = arith.constant 624 : i32
    %mul3A_4 = arith.muli %arg1, %mul3A_3 : i32
    %mul3A_5 = arith.constant 624 : i32
    %mul3A_6 = arith.muli %arg1, %mul3A_5 : i32
    "tpu.region"() ({
      %run_scoped3A = tpu.sem_alloc : memref<!tpu.dma_semaphore, #tpu.memory_space<semaphore_mem>>
      %dma_start3A_101 = arith.constant 0 : i32
      %dma_start3A_102 = tpu.memref_slice %arg14[%mul3A_6, %dma_start3A_101] : memref<10000x128xf32, #tpu.memory_space<vmem_shared>> -> memref<624x128xf32, #tpu.memory_space<vmem_shared>>
      %dma_start3A_103 = arith.constant 0 : i32
      %dma_start3A_104 = tpu.memref_slice %arg2[%mul3A_4, %dma_start3A_103] : memref<10000x128xf32, #tpu.memory_space<hbm>> -> memref<624x128xf32, #tpu.memory_space<hbm>>
      tpu.enqueue_dma source(%dma_start3A_104 : memref<624x128xf32, #tpu.memory_space<hbm>>) target(%dma_start3A_102 : memref<624x128xf32, #tpu.memory_space<vmem_shared>>) target_semaphore(%run_scoped3A : memref<!tpu.dma_semaphore, #tpu.memory_space<semaphore_mem>>)
      %dma_wait3A_105 = arith.constant 0 : i32
      %dma_wait3A_106 = tpu.memref_slice %arg14[%mul3A_6, %dma_wait3A_105] : memref<10000x128xf32, #tpu.memory_space<vmem_shared>> -> memref<624x128xf32, #tpu.memory_space<vmem_shared>>
      %dma_wait3A_107 = arith.constant 0 : i32
      %dma_wait3A_108 = tpu.memref_slice %arg2[%mul3A_4, %dma_wait3A_107] : memref<10000x128xf32, #tpu.memory_space<hbm>> -> memref<624x128xf32, #tpu.memory_space<hbm>>
      tpu.wait_dma2 semaphore(%run_scoped3A : memref<!tpu.dma_semaphore, #tpu.memory_space<semaphore_mem>>) src(%dma_wait3A_108 : memref<624x128xf32, #tpu.memory_space<hbm>>) dst(%dma_wait3A_106 : memref<624x128xf32, #tpu.memory_space<vmem_shared>>)
      tpu.yield
    }) : () -> ()
    %eq3A = arith.constant 15 : i32
    %eq3A_7 = arith.cmpi eq, %arg1, %eq3A : i32
    %convert_element_type3A = arith.extui %eq3A_7 : i1 to i32
    %cond3A = arith.constant 0 : i32
    %cond3A_8 = arith.cmpi ne, %convert_element_type3A, %cond3A : i32
    scf.if %cond3A_8 {
      "tpu.region"() ({
        %run_scoped3A = tpu.sem_alloc : memref<!tpu.dma_semaphore, #tpu.memory_space<semaphore_mem>>
        %dma_start3A_101 = arith.constant 9984 : i32
        %dma_start3A_102 = arith.constant 0 : i32
        %dma_start3A_103 = tpu.memref_slice %arg14[%dma_start3A_101, %dma_start3A_102] : memref<10000x128xf32, #tpu.memory_space<vmem_shared>> -> memref<16x128xf32, #tpu.memory_space<vmem_shared>>
        %dma_start3A_104 = arith.constant 9984 : i32
        %dma_start3A_105 = arith.constant 0 : i32
        %dma_start3A_106 = tpu.memref_slice %arg2[%dma_start3A_104, %dma_start3A_105] : memref<10000x128xf32, #tpu.memory_space<hbm>> -> memref<16x128xf32, #tpu.memory_space<hbm>>
        tpu.enqueue_dma source(%dma_start3A_106 : memref<16x128xf32, #tpu.memory_space<hbm>>) target(%dma_start3A_103 : memref<16x128xf32, #tpu.memory_space<vmem_shared>>) target_semaphore(%run_scoped3A : memref<!tpu.dma_semaphore, #tpu.memory_space<semaphore_mem>>)
        %dma_wait3A_107 = arith.constant 9984 : i32
        %dma_wait3A_108 = arith.constant 0 : i32
        %dma_wait3A_109 = tpu.memref_slice %arg14[%dma_wait3A_107, %dma_wait3A_108] : memref<10000x128xf32, #tpu.memory_space<vmem_shared>> -> memref<16x128xf32, #tpu.memory_space<vmem_shared>>
        %dma_wait3A_110 = arith.constant 9984 : i32
        %dma_wait3A_111 = arith.constant 0 : i32
        %dma_wait3A_112 = tpu.memref_slice %arg2[%dma_wait3A_110, %dma_wait3A_111] : memref<10000x128xf32, #tpu.memory_space<hbm>> -> memref<16x128xf32, #tpu.memory_space<hbm>>
        tpu.wait_dma2 semaphore(%run_scoped3A : memref<!tpu.dma_semaphore, #tpu.memory_space<semaphore_mem>>) src(%dma_wait3A_112 : memref<16x128xf32, #tpu.memory_space<hbm>>) dst(%dma_wait3A_109 : memref<16x128xf32, #tpu.memory_space<vmem_shared>>)
        tpu.yield
      }) : () -> ()
    } else {
    }
    "tpu.region"() ({
      %run_scoped3A = tpu.sem_alloc : memref<!tpu.dma_semaphore, #tpu.memory_space<semaphore_mem>>
      %dma_start3A_101 = arith.constant 0 : i32
      %dma_start3A_102 = tpu.memref_slice %arg3[%add3A, %dma_start3A_101] : memref<1280x128xi32, #tpu.memory_space<hbm>> -> memref<40x128xi32, #tpu.memory_space<hbm>>
      %dma_start3A_103 = arith.constant 0 : i32
      %dma_start3A_104 = tpu.memref_slice %arg3[%add3A, %dma_start3A_103] : memref<1280x128xi32, #tpu.memory_space<hbm>> -> memref<40x128xi32, #tpu.memory_space<hbm>>
      tpu.enqueue_dma source(%dma_start3A_104 : memref<40x128xi32, #tpu.memory_space<hbm>>) target(%arg6 : memref<40x128xi32, #tpu.memory_space<vmem>>) target_semaphore(%run_scoped3A : memref<!tpu.dma_semaphore, #tpu.memory_space<semaphore_mem>>)
      %dma_wait3A_105 = arith.constant 0 : i32
      %dma_wait3A_106 = tpu.memref_slice %arg3[%add3A, %dma_wait3A_105] : memref<1280x128xi32, #tpu.memory_space<hbm>> -> memref<40x128xi32, #tpu.memory_space<hbm>>
      %dma_wait3A_107 = arith.constant 0 : i32
      %dma_wait3A_108 = tpu.memref_slice %arg3[%add3A, %dma_wait3A_107] : memref<1280x128xi32, #tpu.memory_space<hbm>> -> memref<40x128xi32, #tpu.memory_space<hbm>>
      tpu.wait_dma2 semaphore(%run_scoped3A : memref<!tpu.dma_semaphore, #tpu.memory_space<semaphore_mem>>) src(%dma_wait3A_108 : memref<40x128xi32, #tpu.memory_space<hbm>>) dst(%arg6 : memref<40x128xi32, #tpu.memory_space<vmem>>)
      tpu.yield
    }) : () -> ()
    "tpu.region"() ({
      %run_scoped3A = tpu.sem_alloc : memref<!tpu.dma_semaphore, #tpu.memory_space<semaphore_mem>>
      %dma_start3A_101 = arith.constant 0 : i32
      %dma_start3A_102 = tpu.memref_slice %arg4[%add3A, %dma_start3A_101] : memref<1280x128xi32, #tpu.memory_space<hbm>> -> memref<40x128xi32, #tpu.memory_space<hbm>>
      %dma_start3A_103 = arith.constant 0 : i32
      %dma_start3A_104 = tpu.memref_slice %arg4[%add3A, %dma_start3A_103] : memref<1280x128xi32, #tpu.memory_space<hbm>> -> memref<40x128xi32, #tpu.memory_space<hbm>>
      tpu.enqueue_dma source(%dma_start3A_104 : memref<40x128xi32, #tpu.memory_space<hbm>>) target(%arg7 : memref<40x128xi32, #tpu.memory_space<vmem>>) target_semaphore(%run_scoped3A : memref<!tpu.dma_semaphore, #tpu.memory_space<semaphore_mem>>)
      %dma_wait3A_105 = arith.constant 0 : i32
      %dma_wait3A_106 = tpu.memref_slice %arg4[%add3A, %dma_wait3A_105] : memref<1280x128xi32, #tpu.memory_space<hbm>> -> memref<40x128xi32, #tpu.memory_space<hbm>>
      %dma_wait3A_107 = arith.constant 0 : i32
      %dma_wait3A_108 = tpu.memref_slice %arg4[%add3A, %dma_wait3A_107] : memref<1280x128xi32, #tpu.memory_space<hbm>> -> memref<40x128xi32, #tpu.memory_space<hbm>>
      tpu.wait_dma2 semaphore(%run_scoped3A : memref<!tpu.dma_semaphore, #tpu.memory_space<semaphore_mem>>) src(%dma_wait3A_108 : memref<40x128xi32, #tpu.memory_space<hbm>>) dst(%arg7 : memref<40x128xi32, #tpu.memory_space<vmem>>)
      tpu.yield
    }) : () -> ()
    %barrier3A = arith.constant 0 : index
    tpu.barrier barrier_id(%barrier3A)
    %sub3A = arith.constant 1250 : i32
    %sub3A_9 = arith.subi %sub3A, %add3A : i32
    %jit3A = arith.constant 0 : i32
    %jit3A_10 = arith.constant 40 : i32
    %max3A = arith.maxsi %jit3A, %sub3A_9 : i32
    %min3A = arith.minsi %jit3A_10, %max3A : i32
    %dma_start3A = arith.constant 0 : i32
    %dma_start3A_11 = arith.constant 0 : i32
    %dma_start3A_12 = tpu.memref_slice %arg6[%dma_start3A, %dma_start3A_11] : memref<40x128xi32, #tpu.memory_space<vmem>> -> memref<1x128xi32, #tpu.memory_space<vmem>>
    %dma_start3A_13 = tpu.memref_squeeze %dma_start3A_12 : memref<1x128xi32, #tpu.memory_space<vmem>> -> memref<128xi32, #tpu.memory_space<vmem>>
    %dma_start3A_14 = arith.constant 0 : i32
    %dma_start3A_15 = arith.constant 0 : i32
    %dma_start3A_16 = tpu.memref_slice %arg2[%dma_start3A_14, %dma_start3A_15] : memref<10000x128xf32, #tpu.memory_space<hbm>> -> memref<10000x128xf32, #tpu.memory_space<hbm>>
    tpu.enqueue_indirect_dma source(%dma_start3A_16 : memref<10000x128xf32, #tpu.memory_space<hbm>>) target(%arg8 : memref<128x128xf32, #tpu.memory_space<vmem>>) offsets(%dma_start3A_13 : memref<128xi32, #tpu.memory_space<vmem>>) semaphore(%arg10 : memref<!tpu.dma_semaphore, #tpu.memory_space<semaphore_mem>>)
    %dma_wait3A = arith.constant 0 : i32
    %dma_wait3A_17 = arith.constant 0 : i32
    %dma_wait3A_18 = tpu.memref_slice %arg2[%dma_wait3A, %dma_wait3A_17] : memref<10000x128xf32, #tpu.memory_space<hbm>> -> memref<128x128xf32, #tpu.memory_space<hbm>>
    %dma_wait3A_19 = arith.constant 0 : i32
    %dma_wait3A_20 = arith.constant 0 : i32
    %dma_wait3A_21 = tpu.memref_slice %arg2[%dma_wait3A_19, %dma_wait3A_20] : memref<10000x128xf32, #tpu.memory_space<hbm>> -> memref<128x128xf32, #tpu.memory_space<hbm>>
    tpu.wait_dma2 semaphore(%arg10 : memref<!tpu.dma_semaphore, #tpu.memory_space<semaphore_mem>>) src(%dma_wait3A_21 : memref<128x128xf32, #tpu.memory_space<hbm>>) dst(%arg8 : memref<128x128xf32, #tpu.memory_space<vmem>>)
    %dma_start3A_22 = arith.constant 0 : i32
    %dma_start3A_23 = arith.constant 0 : i32
    %dma_start3A_24 = tpu.memref_slice %arg7[%dma_start3A_22, %dma_start3A_23] : memref<40x128xi32, #tpu.memory_space<vmem>> -> memref<1x128xi32, #tpu.memory_space<vmem>>
    %dma_start3A_25 = tpu.memref_squeeze %dma_start3A_24 : memref<1x128xi32, #tpu.memory_space<vmem>> -> memref<128xi32, #tpu.memory_space<vmem>>
    %dma_start3A_26 = arith.constant 0 : i32
    %dma_start3A_27 = arith.constant 0 : i32
    %dma_start3A_28 = tpu.memref_slice %arg14[%dma_start3A_26, %dma_start3A_27] : memref<10000x128xf32, #tpu.memory_space<vmem_shared>> -> memref<10000x128xf32, #tpu.memory_space<vmem_shared>>
    tpu.enqueue_indirect_dma source(%arg8 : memref<128x128xf32, #tpu.memory_space<vmem>>) target(%dma_start3A_28 : memref<10000x128xf32, #tpu.memory_space<vmem_shared>>) offsets(%dma_start3A_25 : memref<128xi32, #tpu.memory_space<vmem>>) semaphore(%arg12 : memref<!tpu.dma_semaphore, #tpu.memory_space<semaphore_mem>>) {add = true}
    %dma_start3A_29 = arith.constant 1 : i32
    %dma_start3A_30 = arith.constant 0 : i32
    %dma_start3A_31 = tpu.memref_slice %arg6[%dma_start3A_29, %dma_start3A_30] : memref<40x128xi32, #tpu.memory_space<vmem>> -> memref<1x128xi32, #tpu.memory_space<vmem>>
    %dma_start3A_32 = tpu.memref_squeeze %dma_start3A_31 : memref<1x128xi32, #tpu.memory_space<vmem>> -> memref<128xi32, #tpu.memory_space<vmem>>
    %dma_start3A_33 = arith.constant 0 : i32
    %dma_start3A_34 = arith.constant 0 : i32
    %dma_start3A_35 = tpu.memref_slice %arg2[%dma_start3A_33, %dma_start3A_34] : memref<10000x128xf32, #tpu.memory_space<hbm>> -> memref<10000x128xf32, #tpu.memory_space<hbm>>
    tpu.enqueue_indirect_dma source(%dma_start3A_35 : memref<10000x128xf32, #tpu.memory_space<hbm>>) target(%arg9 : memref<128x128xf32, #tpu.memory_space<vmem>>) offsets(%dma_start3A_32 : memref<128xi32, #tpu.memory_space<vmem>>) semaphore(%arg11 : memref<!tpu.dma_semaphore, #tpu.memory_space<semaphore_mem>>)
    %sub3A_36 = arith.constant 2 : i32
    %sub3A_37 = arith.subi %min3A, %sub3A_36 : i32
    %jit3A_38 = arith.constant 2 : i32
    %div3A = arith.divsi %sub3A_37, %jit3A_38 : i32
    %sign3A = arith.constant 0 : i32
    %sign3A_39 = arith.cmpi sgt, %sub3A_37, %sign3A : i32
    %sign3A_40 = arith.extui %sign3A_39 : i1 to i32
    %sign3A_41 = arith.constant 0 : i32
    %sign3A_42 = arith.cmpi slt, %sub3A_37, %sign3A_41 : i32
    %sign3A_43 = arith.extui %sign3A_42 : i1 to i32
    %sign3A_44 = arith.subi %sign3A_40, %sign3A_43 : i32
    %sign3A_45 = arith.constant 0 : i32
    %sign3A_46 = arith.cmpi sgt, %jit3A_38, %sign3A_45 : i32
    %sign3A_47 = arith.extui %sign3A_46 : i1 to i32
    %sign3A_48 = arith.constant 0 : i32
    %sign3A_49 = arith.cmpi slt, %jit3A_38, %sign3A_48 : i32
    %sign3A_50 = arith.extui %sign3A_49 : i1 to i32
    %sign3A_51 = arith.subi %sign3A_47, %sign3A_50 : i32
    %ne3A = arith.cmpi ne, %sign3A_44, %sign3A_51 : i32
    %rem3A = arith.remsi %sub3A_37, %jit3A_38 : i32
    %ne3A_52 = arith.constant 0 : i32
    %ne3A_53 = arith.cmpi ne, %rem3A, %ne3A_52 : i32
    %and3A = arith.andi %ne3A, %ne3A_53 : i1
    %sub3A_54 = arith.constant 1 : i32
    %sub3A_55 = arith.subi %div3A, %sub3A_54 : i32
    %select_n3A = arith.select %and3A, %sub3A_55, %div3A : i32
    %while3A = arith.constant 0 : i32
    %while3A_56 = arith.constant 0 : i32
    %while3A_57 = arith.subi %select_n3A, %while3A_56 : i32
    %while3A_58 = arith.addi %while3A_56, %while3A_57 : i32
    %while3A_59 = arith.constant 1 : i32
    %while3A_60 = arith.divsi %while3A_57, %while3A_59 : i32
    %while3A_61 = arith.muli %while3A_60, %while3A_59 : i32
    %while3A_62 = arith.addi %while3A_56, %while3A_61 : i32
    %while3A_63 = arith.constant 1 : i32
    scf.for %while3A_101 = %while3A_56 to %while3A_62 step %while3A_63  : i32 {
      %mul3A_102 = arith.constant 2 : i32
      %mul3A_103 = arith.muli %mul3A_102, %while3A_101 : i32
      %add3A_104 = arith.constant 1 : i32
      %add3A_105 = arith.addi %mul3A_103, %add3A_104 : i32
      %dma_wait3A_106 = arith.constant 0 : i32
      %dma_wait3A_107 = arith.constant 0 : i32
      %dma_wait3A_108 = tpu.memref_slice %arg2[%dma_wait3A_106, %dma_wait3A_107] : memref<10000x128xf32, #tpu.memory_space<hbm>> -> memref<128x128xf32, #tpu.memory_space<hbm>>
      %dma_wait3A_109 = arith.constant 0 : i32
      %dma_wait3A_110 = arith.constant 0 : i32
      %dma_wait3A_111 = tpu.memref_slice %arg2[%dma_wait3A_109, %dma_wait3A_110] : memref<10000x128xf32, #tpu.memory_space<hbm>> -> memref<128x128xf32, #tpu.memory_space<hbm>>
      tpu.wait_dma2 semaphore(%arg11 : memref<!tpu.dma_semaphore, #tpu.memory_space<semaphore_mem>>) src(%dma_wait3A_111 : memref<128x128xf32, #tpu.memory_space<hbm>>) dst(%arg9 : memref<128x128xf32, #tpu.memory_space<vmem>>)
      %dma_wait3A_112 = arith.constant 0 : i32
      %dma_wait3A_113 = arith.constant 0 : i32
      %dma_wait3A_114 = tpu.memref_slice %arg14[%dma_wait3A_112, %dma_wait3A_113] : memref<10000x128xf32, #tpu.memory_space<vmem_shared>> -> memref<128x128xf32, #tpu.memory_space<vmem_shared>>
      %dma_wait3A_115 = arith.constant 0 : i32
      %dma_wait3A_116 = arith.constant 0 : i32
      %dma_wait3A_117 = tpu.memref_slice %arg14[%dma_wait3A_115, %dma_wait3A_116] : memref<10000x128xf32, #tpu.memory_space<vmem_shared>> -> memref<128x128xf32, #tpu.memory_space<vmem_shared>>
      tpu.wait_dma2 semaphore(%arg12 : memref<!tpu.dma_semaphore, #tpu.memory_space<semaphore_mem>>) src(%arg8 : memref<128x128xf32, #tpu.memory_space<vmem>>) dst(%dma_wait3A_117 : memref<128x128xf32, #tpu.memory_space<vmem_shared>>)
      %add3A_118 = arith.constant 1 : i32
      %add3A_119 = arith.addi %add3A_105, %add3A_118 : i32
      %dma_start3A_120 = arith.constant 0 : i32
      %dma_start3A_121 = tpu.memref_slice %arg6[%add3A_119, %dma_start3A_120] : memref<40x128xi32, #tpu.memory_space<vmem>> -> memref<1x128xi32, #tpu.memory_space<vmem>>
      %dma_start3A_122 = tpu.memref_squeeze %dma_start3A_121 : memref<1x128xi32, #tpu.memory_space<vmem>> -> memref<128xi32, #tpu.memory_space<vmem>>
      %dma_start3A_123 = arith.constant 0 : i32
      %dma_start3A_124 = arith.constant 0 : i32
      %dma_start3A_125 = tpu.memref_slice %arg2[%dma_start3A_123, %dma_start3A_124] : memref<10000x128xf32, #tpu.memory_space<hbm>> -> memref<10000x128xf32, #tpu.memory_space<hbm>>
      tpu.enqueue_indirect_dma source(%dma_start3A_125 : memref<10000x128xf32, #tpu.memory_space<hbm>>) target(%arg8 : memref<128x128xf32, #tpu.memory_space<vmem>>) offsets(%dma_start3A_122 : memref<128xi32, #tpu.memory_space<vmem>>) semaphore(%arg10 : memref<!tpu.dma_semaphore, #tpu.memory_space<semaphore_mem>>)
      %dma_start3A_126 = arith.constant 0 : i32
      %dma_start3A_127 = tpu.memref_slice %arg7[%add3A_105, %dma_start3A_126] : memref<40x128xi32, #tpu.memory_space<vmem>> -> memref<1x128xi32, #tpu.memory_space<vmem>>
      %dma_start3A_128 = tpu.memref_squeeze %dma_start3A_127 : memref<1x128xi32, #tpu.memory_space<vmem>> -> memref<128xi32, #tpu.memory_space<vmem>>
      %dma_start3A_129 = arith.constant 0 : i32
      %dma_start3A_130 = arith.constant 0 : i32
      %dma_start3A_131 = tpu.memref_slice %arg14[%dma_start3A_129, %dma_start3A_130] : memref<10000x128xf32, #tpu.memory_space<vmem_shared>> -> memref<10000x128xf32, #tpu.memory_space<vmem_shared>>
      tpu.enqueue_indirect_dma source(%arg9 : memref<128x128xf32, #tpu.memory_space<vmem>>) target(%dma_start3A_131 : memref<10000x128xf32, #tpu.memory_space<vmem_shared>>) offsets(%dma_start3A_128 : memref<128xi32, #tpu.memory_space<vmem>>) semaphore(%arg13 : memref<!tpu.dma_semaphore, #tpu.memory_space<semaphore_mem>>) {add = true}
      %mul3A_132 = arith.constant 2 : i32
      %mul3A_133 = arith.muli %mul3A_132, %while3A_101 : i32
      %add3A_134 = arith.constant 2 : i32
      %add3A_135 = arith.addi %mul3A_133, %add3A_134 : i32
      %dma_wait3A_136 = arith.constant 0 : i32
      %dma_wait3A_137 = arith.constant 0 : i32
      %dma_wait3A_138 = tpu.memref_slice %arg2[%dma_wait3A_136, %dma_wait3A_137] : memref<10000x128xf32, #tpu.memory_space<hbm>> -> memref<128x128xf32, #tpu.memory_space<hbm>>
      %dma_wait3A_139 = arith.constant 0 : i32
      %dma_wait3A_140 = arith.constant 0 : i32
      %dma_wait3A_141 = tpu.memref_slice %arg2[%dma_wait3A_139, %dma_wait3A_140] : memref<10000x128xf32, #tpu.memory_space<hbm>> -> memref<128x128xf32, #tpu.memory_space<hbm>>
      tpu.wait_dma2 semaphore(%arg10 : memref<!tpu.dma_semaphore, #tpu.memory_space<semaphore_mem>>) src(%dma_wait3A_141 : memref<128x128xf32, #tpu.memory_space<hbm>>) dst(%arg8 : memref<128x128xf32, #tpu.memory_space<vmem>>)
      %dma_wait3A_142 = arith.constant 0 : i32
      %dma_wait3A_143 = arith.constant 0 : i32
      %dma_wait3A_144 = tpu.memref_slice %arg14[%dma_wait3A_142, %dma_wait3A_143] : memref<10000x128xf32, #tpu.memory_space<vmem_shared>> -> memref<128x128xf32, #tpu.memory_space<vmem_shared>>
      %dma_wait3A_145 = arith.constant 0 : i32
      %dma_wait3A_146 = arith.constant 0 : i32
      %dma_wait3A_147 = tpu.memref_slice %arg14[%dma_wait3A_145, %dma_wait3A_146] : memref<10000x128xf32, #tpu.memory_space<vmem_shared>> -> memref<128x128xf32, #tpu.memory_space<vmem_shared>>
      tpu.wait_dma2 semaphore(%arg13 : memref<!tpu.dma_semaphore, #tpu.memory_space<semaphore_mem>>) src(%arg9 : memref<128x128xf32, #tpu.memory_space<vmem>>) dst(%dma_wait3A_147 : memref<128x128xf32, #tpu.memory_space<vmem_shared>>)
      %add3A_148 = arith.constant 1 : i32
      %add3A_149 = arith.addi %add3A_135, %add3A_148 : i32
      %dma_start3A_150 = arith.constant 0 : i32
      %dma_start3A_151 = tpu.memref_slice %arg6[%add3A_149, %dma_start3A_150] : memref<40x128xi32, #tpu.memory_space<vmem>> -> memref<1x128xi32, #tpu.memory_space<vmem>>
      %dma_start3A_152 = tpu.memref_squeeze %dma_start3A_151 : memref<1x128xi32, #tpu.memory_space<vmem>> -> memref<128xi32, #tpu.memory_space<vmem>>
      %dma_start3A_153 = arith.constant 0 : i32
      %dma_start3A_154 = arith.constant 0 : i32
      %dma_start3A_155 = tpu.memref_slice %arg2[%dma_start3A_153, %dma_start3A_154] : memref<10000x128xf32, #tpu.memory_space<hbm>> -> memref<10000x128xf32, #tpu.memory_space<hbm>>
      tpu.enqueue_indirect_dma source(%dma_start3A_155 : memref<10000x128xf32, #tpu.memory_space<hbm>>) target(%arg9 : memref<128x128xf32, #tpu.memory_space<vmem>>) offsets(%dma_start3A_152 : memref<128xi32, #tpu.memory_space<vmem>>) semaphore(%arg11 : memref<!tpu.dma_semaphore, #tpu.memory_space<semaphore_mem>>)
      %dma_start3A_156 = arith.constant 0 : i32
      %dma_start3A_157 = tpu.memref_slice %arg7[%add3A_135, %dma_start3A_156] : memref<40x128xi32, #tpu.memory_space<vmem>> -> memref<1x128xi32, #tpu.memory_space<vmem>>
      %dma_start3A_158 = tpu.memref_squeeze %dma_start3A_157 : memref<1x128xi32, #tpu.memory_space<vmem>> -> memref<128xi32, #tpu.memory_space<vmem>>
      %dma_start3A_159 = arith.constant 0 : i32
      %dma_start3A_160 = arith.constant 0 : i32
      %dma_start3A_161 = tpu.memref_slice %arg14[%dma_start3A_159, %dma_start3A_160] : memref<10000x128xf32, #tpu.memory_space<vmem_shared>> -> memref<10000x128xf32, #tpu.memory_space<vmem_shared>>
      tpu.enqueue_indirect_dma source(%arg8 : memref<128x128xf32, #tpu.memory_space<vmem>>) target(%dma_start3A_161 : memref<10000x128xf32, #tpu.memory_space<vmem_shared>>) offsets(%dma_start3A_158 : memref<128xi32, #tpu.memory_space<vmem>>) semaphore(%arg12 : memref<!tpu.dma_semaphore, #tpu.memory_space<semaphore_mem>>) {add = true}
    }
    %while3A_64 = arith.constant 1 : i32
    scf.for %while3A_101 = %while3A_62 to %while3A_58 step %while3A_64  : i32 {
      %mul3A_102 = arith.constant 2 : i32
      %mul3A_103 = arith.muli %mul3A_102, %while3A_101 : i32
      %add3A_104 = arith.constant 1 : i32
      %add3A_105 = arith.addi %mul3A_103, %add3A_104 : i32
      %dma_wait3A_106 = arith.constant 0 : i32
      %dma_wait3A_107 = arith.constant 0 : i32
      %dma_wait3A_108 = tpu.memref_slice %arg2[%dma_wait3A_106, %dma_wait3A_107] : memref<10000x128xf32, #tpu.memory_space<hbm>> -> memref<128x128xf32, #tpu.memory_space<hbm>>
      %dma_wait3A_109 = arith.constant 0 : i32
      %dma_wait3A_110 = arith.constant 0 : i32
      %dma_wait3A_111 = tpu.memref_slice %arg2[%dma_wait3A_109, %dma_wait3A_110] : memref<10000x128xf32, #tpu.memory_space<hbm>> -> memref<128x128xf32, #tpu.memory_space<hbm>>
      tpu.wait_dma2 semaphore(%arg11 : memref<!tpu.dma_semaphore, #tpu.memory_space<semaphore_mem>>) src(%dma_wait3A_111 : memref<128x128xf32, #tpu.memory_space<hbm>>) dst(%arg9 : memref<128x128xf32, #tpu.memory_space<vmem>>)
      %dma_wait3A_112 = arith.constant 0 : i32
      %dma_wait3A_113 = arith.constant 0 : i32
      %dma_wait3A_114 = tpu.memref_slice %arg14[%dma_wait3A_112, %dma_wait3A_113] : memref<10000x128xf32, #tpu.memory_space<vmem_shared>> -> memref<128x128xf32, #tpu.memory_space<vmem_shared>>
      %dma_wait3A_115 = arith.constant 0 : i32
      %dma_wait3A_116 = arith.constant 0 : i32
      %dma_wait3A_117 = tpu.memref_slice %arg14[%dma_wait3A_115, %dma_wait3A_116] : memref<10000x128xf32, #tpu.memory_space<vmem_shared>> -> memref<128x128xf32, #tpu.memory_space<vmem_shared>>
      tpu.wait_dma2 semaphore(%arg12 : memref<!tpu.dma_semaphore, #tpu.memory_space<semaphore_mem>>) src(%arg8 : memref<128x128xf32, #tpu.memory_space<vmem>>) dst(%dma_wait3A_117 : memref<128x128xf32, #tpu.memory_space<vmem_shared>>)
      %add3A_118 = arith.constant 1 : i32
      %add3A_119 = arith.addi %add3A_105, %add3A_118 : i32
      %dma_start3A_120 = arith.constant 0 : i32
      %dma_start3A_121 = tpu.memref_slice %arg6[%add3A_119, %dma_start3A_120] : memref<40x128xi32, #tpu.memory_space<vmem>> -> memref<1x128xi32, #tpu.memory_space<vmem>>
      %dma_start3A_122 = tpu.memref_squeeze %dma_start3A_121 : memref<1x128xi32, #tpu.memory_space<vmem>> -> memref<128xi32, #tpu.memory_space<vmem>>
      %dma_start3A_123 = arith.constant 0 : i32
      %dma_start3A_124 = arith.constant 0 : i32
      %dma_start3A_125 = tpu.memref_slice %arg2[%dma_start3A_123, %dma_start3A_124] : memref<10000x128xf32, #tpu.memory_space<hbm>> -> memref<10000x128xf32, #tpu.memory_space<hbm>>
      tpu.enqueue_indirect_dma source(%dma_start3A_125 : memref<10000x128xf32, #tpu.memory_space<hbm>>) target(%arg8 : memref<128x128xf32, #tpu.memory_space<vmem>>) offsets(%dma_start3A_122 : memref<128xi32, #tpu.memory_space<vmem>>) semaphore(%arg10 : memref<!tpu.dma_semaphore, #tpu.memory_space<semaphore_mem>>)
      %dma_start3A_126 = arith.constant 0 : i32
      %dma_start3A_127 = tpu.memref_slice %arg7[%add3A_105, %dma_start3A_126] : memref<40x128xi32, #tpu.memory_space<vmem>> -> memref<1x128xi32, #tpu.memory_space<vmem>>
      %dma_start3A_128 = tpu.memref_squeeze %dma_start3A_127 : memref<1x128xi32, #tpu.memory_space<vmem>> -> memref<128xi32, #tpu.memory_space<vmem>>
      %dma_start3A_129 = arith.constant 0 : i32
      %dma_start3A_130 = arith.constant 0 : i32
      %dma_start3A_131 = tpu.memref_slice %arg14[%dma_start3A_129, %dma_start3A_130] : memref<10000x128xf32, #tpu.memory_space<vmem_shared>> -> memref<10000x128xf32, #tpu.memory_space<vmem_shared>>
      tpu.enqueue_indirect_dma source(%arg9 : memref<128x128xf32, #tpu.memory_space<vmem>>) target(%dma_start3A_131 : memref<10000x128xf32, #tpu.memory_space<vmem_shared>>) offsets(%dma_start3A_128 : memref<128xi32, #tpu.memory_space<vmem>>) semaphore(%arg13 : memref<!tpu.dma_semaphore, #tpu.memory_space<semaphore_mem>>) {add = true}
      %mul3A_132 = arith.constant 2 : i32
      %mul3A_133 = arith.muli %mul3A_132, %while3A_101 : i32
      %add3A_134 = arith.constant 2 : i32
      %add3A_135 = arith.addi %mul3A_133, %add3A_134 : i32
      %dma_wait3A_136 = arith.constant 0 : i32
      %dma_wait3A_137 = arith.constant 0 : i32
      %dma_wait3A_138 = tpu.memref_slice %arg2[%dma_wait3A_136, %dma_wait3A_137] : memref<10000x128xf32, #tpu.memory_space<hbm>> -> memref<128x128xf32, #tpu.memory_space<hbm>>
      %dma_wait3A_139 = arith.constant 0 : i32
      %dma_wait3A_140 = arith.constant 0 : i32
      %dma_wait3A_141 = tpu.memref_slice %arg2[%dma_wait3A_139, %dma_wait3A_140] : memref<10000x128xf32, #tpu.memory_space<hbm>> -> memref<128x128xf32, #tpu.memory_space<hbm>>
      tpu.wait_dma2 semaphore(%arg10 : memref<!tpu.dma_semaphore, #tpu.memory_space<semaphore_mem>>) src(%dma_wait3A_141 : memref<128x128xf32, #tpu.memory_space<hbm>>) dst(%arg8 : memref<128x128xf32, #tpu.memory_space<vmem>>)
      %dma_wait3A_142 = arith.constant 0 : i32
      %dma_wait3A_143 = arith.constant 0 : i32
      %dma_wait3A_144 = tpu.memref_slice %arg14[%dma_wait3A_142, %dma_wait3A_143] : memref<10000x128xf32, #tpu.memory_space<vmem_shared>> -> memref<128x128xf32, #tpu.memory_space<vmem_shared>>
      %dma_wait3A_145 = arith.constant 0 : i32
      %dma_wait3A_146 = arith.constant 0 : i32
      %dma_wait3A_147 = tpu.memref_slice %arg14[%dma_wait3A_145, %dma_wait3A_146] : memref<10000x128xf32, #tpu.memory_space<vmem_shared>> -> memref<128x128xf32, #tpu.memory_space<vmem_shared>>
      tpu.wait_dma2 semaphore(%arg13 : memref<!tpu.dma_semaphore, #tpu.memory_space<semaphore_mem>>) src(%arg9 : memref<128x128xf32, #tpu.memory_space<vmem>>) dst(%dma_wait3A_147 : memref<128x128xf32, #tpu.memory_space<vmem_shared>>)
      %add3A_148 = arith.constant 1 : i32
      %add3A_149 = arith.addi %add3A_135, %add3A_148 : i32
      %dma_start3A_150 = arith.constant 0 : i32
      %dma_start3A_151 = tpu.memref_slice %arg6[%add3A_149, %dma_start3A_150] : memref<40x128xi32, #tpu.memory_space<vmem>> -> memref<1x128xi32, #tpu.memory_space<vmem>>
      %dma_start3A_152 = tpu.memref_squeeze %dma_start3A_151 : memref<1x128xi32, #tpu.memory_space<vmem>> -> memref<128xi32, #tpu.memory_space<vmem>>
      %dma_start3A_153 = arith.constant 0 : i32
      %dma_start3A_154 = arith.constant 0 : i32
      %dma_start3A_155 = tpu.memref_slice %arg2[%dma_start3A_153, %dma_start3A_154] : memref<10000x128xf32, #tpu.memory_space<hbm>> -> memref<10000x128xf32, #tpu.memory_space<hbm>>
      tpu.enqueue_indirect_dma source(%dma_start3A_155 : memref<10000x128xf32, #tpu.memory_space<hbm>>) target(%arg9 : memref<128x128xf32, #tpu.memory_space<vmem>>) offsets(%dma_start3A_152 : memref<128xi32, #tpu.memory_space<vmem>>) semaphore(%arg11 : memref<!tpu.dma_semaphore, #tpu.memory_space<semaphore_mem>>)
      %dma_start3A_156 = arith.constant 0 : i32
      %dma_start3A_157 = tpu.memref_slice %arg7[%add3A_135, %dma_start3A_156] : memref<40x128xi32, #tpu.memory_space<vmem>> -> memref<1x128xi32, #tpu.memory_space<vmem>>
      %dma_start3A_158 = tpu.memref_squeeze %dma_start3A_157 : memref<1x128xi32, #tpu.memory_space<vmem>> -> memref<128xi32, #tpu.memory_space<vmem>>
      %dma_start3A_159 = arith.constant 0 : i32
      %dma_start3A_160 = arith.constant 0 : i32
      %dma_start3A_161 = tpu.memref_slice %arg14[%dma_start3A_159, %dma_start3A_160] : memref<10000x128xf32, #tpu.memory_space<vmem_shared>> -> memref<10000x128xf32, #tpu.memory_space<vmem_shared>>
      tpu.enqueue_indirect_dma source(%arg8 : memref<128x128xf32, #tpu.memory_space<vmem>>) target(%dma_start3A_161 : memref<10000x128xf32, #tpu.memory_space<vmem_shared>>) offsets(%dma_start3A_158 : memref<128xi32, #tpu.memory_space<vmem>>) semaphore(%arg12 : memref<!tpu.dma_semaphore, #tpu.memory_space<semaphore_mem>>) {add = true}
    }
    %dma_wait3A_65 = arith.constant 0 : i32
    %dma_wait3A_66 = arith.constant 0 : i32
    %dma_wait3A_67 = tpu.memref_slice %arg2[%dma_wait3A_65, %dma_wait3A_66] : memref<10000x128xf32, #tpu.memory_space<hbm>> -> memref<128x128xf32, #tpu.memory_space<hbm>>
    %dma_wait3A_68 = arith.constant 0 : i32
    %dma_wait3A_69 = arith.constant 0 : i32
    %dma_wait3A_70 = tpu.memref_slice %arg2[%dma_wait3A_68, %dma_wait3A_69] : memref<10000x128xf32, #tpu.memory_space<hbm>> -> memref<128x128xf32, #tpu.memory_space<hbm>>
    tpu.wait_dma2 semaphore(%arg11 : memref<!tpu.dma_semaphore, #tpu.memory_space<semaphore_mem>>) src(%dma_wait3A_70 : memref<128x128xf32, #tpu.memory_space<hbm>>) dst(%arg9 : memref<128x128xf32, #tpu.memory_space<vmem>>)
    %sub3A_71 = arith.constant 1 : i32
    %sub3A_72 = arith.subi %min3A, %sub3A_71 : i32
    %dma_start3A_73 = arith.constant 0 : i32
    %dma_start3A_74 = tpu.memref_slice %arg7[%sub3A_72, %dma_start3A_73] : memref<40x128xi32, #tpu.memory_space<vmem>> -> memref<1x128xi32, #tpu.memory_space<vmem>>
    %dma_start3A_75 = tpu.memref_squeeze %dma_start3A_74 : memref<1x128xi32, #tpu.memory_space<vmem>> -> memref<128xi32, #tpu.memory_space<vmem>>
    %dma_start3A_76 = arith.constant 0 : i32
    %dma_start3A_77 = arith.constant 0 : i32
    %dma_start3A_78 = tpu.memref_slice %arg14[%dma_start3A_76, %dma_start3A_77] : memref<10000x128xf32, #tpu.memory_space<vmem_shared>> -> memref<10000x128xf32, #tpu.memory_space<vmem_shared>>
    tpu.enqueue_indirect_dma source(%arg9 : memref<128x128xf32, #tpu.memory_space<vmem>>) target(%dma_start3A_78 : memref<10000x128xf32, #tpu.memory_space<vmem_shared>>) offsets(%dma_start3A_75 : memref<128xi32, #tpu.memory_space<vmem>>) semaphore(%arg13 : memref<!tpu.dma_semaphore, #tpu.memory_space<semaphore_mem>>) {add = true}
    %dma_wait3A_79 = arith.constant 0 : i32
    %dma_wait3A_80 = arith.constant 0 : i32
    %dma_wait3A_81 = tpu.memref_slice %arg14[%dma_wait3A_79, %dma_wait3A_80] : memref<10000x128xf32, #tpu.memory_space<vmem_shared>> -> memref<128x128xf32, #tpu.memory_space<vmem_shared>>
    %dma_wait3A_82 = arith.constant 0 : i32
    %dma_wait3A_83 = arith.constant 0 : i32
    %dma_wait3A_84 = tpu.memref_slice %arg14[%dma_wait3A_82, %dma_wait3A_83] : memref<10000x128xf32, #tpu.memory_space<vmem_shared>> -> memref<128x128xf32, #tpu.memory_space<vmem_shared>>
    tpu.wait_dma2 semaphore(%arg12 : memref<!tpu.dma_semaphore, #tpu.memory_space<semaphore_mem>>) src(%arg8 : memref<128x128xf32, #tpu.memory_space<vmem>>) dst(%dma_wait3A_84 : memref<128x128xf32, #tpu.memory_space<vmem_shared>>)
    %dma_wait3A_85 = arith.constant 0 : i32
    %dma_wait3A_86 = arith.constant 0 : i32
    %dma_wait3A_87 = tpu.memref_slice %arg14[%dma_wait3A_85, %dma_wait3A_86] : memref<10000x128xf32, #tpu.memory_space<vmem_shared>> -> memref<128x128xf32, #tpu.memory_space<vmem_shared>>
    %dma_wait3A_88 = arith.constant 0 : i32
    %dma_wait3A_89 = arith.constant 0 : i32
    %dma_wait3A_90 = tpu.memref_slice %arg14[%dma_wait3A_88, %dma_wait3A_89] : memref<10000x128xf32, #tpu.memory_space<vmem_shared>> -> memref<128x128xf32, #tpu.memory_space<vmem_shared>>
    tpu.wait_dma2 semaphore(%arg13 : memref<!tpu.dma_semaphore, #tpu.memory_space<semaphore_mem>>) src(%arg9 : memref<128x128xf32, #tpu.memory_space<vmem>>) dst(%dma_wait3A_90 : memref<128x128xf32, #tpu.memory_space<vmem_shared>>)
    %barrier3A_91 = arith.constant 0 : index
    tpu.barrier barrier_id(%barrier3A_91)
    %mul3A_92 = arith.constant 624 : i32
    %mul3A_93 = arith.muli %arg1, %mul3A_92 : i32
    %mul3A_94 = arith.constant 624 : i32
    %mul3A_95 = arith.muli %arg1, %mul3A_94 : i32
    "tpu.region"() ({
      %run_scoped3A = tpu.sem_alloc : memref<!tpu.dma_semaphore, #tpu.memory_space<semaphore_mem>>
      %dma_start3A_101 = arith.constant 0 : i32
      %dma_start3A_102 = arith.constant 0 : i32
      %dma_start3A_103 = tpu.memref_slice %arg5[%arg0, %dma_start3A_101, %dma_start3A_102] : memref<2x10000x128xf32, #tpu.memory_space<hbm>> -> memref<1x10000x128xf32, #tpu.memory_space<hbm>>
      %dma_start3A_104 = tpu.memref_squeeze %dma_start3A_103 : memref<1x10000x128xf32, #tpu.memory_space<hbm>> -> memref<10000x128xf32, #tpu.memory_space<hbm>>
      %dma_start3A_105 = arith.constant 0 : i32
      %dma_start3A_106 = tpu.memref_slice %dma_start3A_104[%mul3A_95, %dma_start3A_105] : memref<10000x128xf32, #tpu.memory_space<hbm>> -> memref<624x128xf32, #tpu.memory_space<hbm>>
      %dma_start3A_107 = arith.constant 0 : i32
      %dma_start3A_108 = tpu.memref_slice %arg14[%mul3A_93, %dma_start3A_107] : memref<10000x128xf32, #tpu.memory_space<vmem_shared>> -> memref<624x128xf32, #tpu.memory_space<vmem_shared>>
      tpu.enqueue_dma source(%dma_start3A_108 : memref<624x128xf32, #tpu.memory_space<vmem_shared>>) target(%dma_start3A_106 : memref<624x128xf32, #tpu.memory_space<hbm>>) target_semaphore(%run_scoped3A : memref<!tpu.dma_semaphore, #tpu.memory_space<semaphore_mem>>)
      %dma_wait3A_109 = arith.constant 0 : i32
      %dma_wait3A_110 = arith.constant 0 : i32
      %dma_wait3A_111 = tpu.memref_slice %arg5[%arg0, %dma_wait3A_109, %dma_wait3A_110] : memref<2x10000x128xf32, #tpu.memory_space<hbm>> -> memref<1x10000x128xf32, #tpu.memory_space<hbm>>
      %dma_wait3A_112 = tpu.memref_squeeze %dma_wait3A_111 : memref<1x10000x128xf32, #tpu.memory_space<hbm>> -> memref<10000x128xf32, #tpu.memory_space<hbm>>
      %dma_wait3A_113 = arith.constant 0 : i32
      %dma_wait3A_114 = tpu.memref_slice %dma_wait3A_112[%mul3A_95, %dma_wait3A_113] : memref<10000x128xf32, #tpu.memory_space<hbm>> -> memref<624x128xf32, #tpu.memory_space<hbm>>
      %dma_wait3A_115 = arith.constant 0 : i32
      %dma_wait3A_116 = tpu.memref_slice %arg14[%mul3A_93, %dma_wait3A_115] : memref<10000x128xf32, #tpu.memory_space<vmem_shared>> -> memref<624x128xf32, #tpu.memory_space<vmem_shared>>
      tpu.wait_dma2 semaphore(%run_scoped3A : memref<!tpu.dma_semaphore, #tpu.memory_space<semaphore_mem>>) src(%dma_wait3A_116 : memref<624x128xf32, #tpu.memory_space<vmem_shared>>) dst(%dma_wait3A_114 : memref<624x128xf32, #tpu.memory_space<hbm>>)
      tpu.yield
    }) : () -> ()
    %eq3A_96 = arith.constant 15 : i32
    %eq3A_97 = arith.cmpi eq, %arg1, %eq3A_96 : i32
    %convert_element_type3A_98 = arith.extui %eq3A_97 : i1 to i32
    %cond3A_99 = arith.constant 0 : i32
    %cond3A_100 = arith.cmpi ne, %convert_element_type3A_98, %cond3A_99 : i32
    scf.if %cond3A_100 {
      "tpu.region"() ({
        %run_scoped3A = tpu.sem_alloc : memref<!tpu.dma_semaphore, #tpu.memory_space<semaphore_mem>>
        %dma_start3A_101 = arith.constant 0 : i32
        %dma_start3A_102 = arith.constant 0 : i32
        %dma_start3A_103 = tpu.memref_slice %arg5[%arg0, %dma_start3A_101, %dma_start3A_102] : memref<2x10000x128xf32, #tpu.memory_space<hbm>> -> memref<1x10000x128xf32, #tpu.memory_space<hbm>>
        %dma_start3A_104 = tpu.memref_squeeze %dma_start3A_103 : memref<1x10000x128xf32, #tpu.memory_space<hbm>> -> memref<10000x128xf32, #tpu.memory_space<hbm>>
        %dma_start3A_105 = arith.constant 9984 : i32
        %dma_start3A_106 = arith.constant 0 : i32
        %dma_start3A_107 = tpu.memref_slice %dma_start3A_104[%dma_start3A_105, %dma_start3A_106] : memref<10000x128xf32, #tpu.memory_space<hbm>> -> memref<16x128xf32, #tpu.memory_space<hbm>>
        %dma_start3A_108 = arith.constant 9984 : i32
        %dma_start3A_109 = arith.constant 0 : i32
        %dma_start3A_110 = tpu.memref_slice %arg14[%dma_start3A_108, %dma_start3A_109] : memref<10000x128xf32, #tpu.memory_space<vmem_shared>> -> memref<16x128xf32, #tpu.memory_space<vmem_shared>>
        tpu.enqueue_dma source(%dma_start3A_110 : memref<16x128xf32, #tpu.memory_space<vmem_shared>>) target(%dma_start3A_107 : memref<16x128xf32, #tpu.memory_space<hbm>>) target_semaphore(%run_scoped3A : memref<!tpu.dma_semaphore, #tpu.memory_space<semaphore_mem>>)
        %dma_wait3A_111 = arith.constant 0 : i32
        %dma_wait3A_112 = arith.constant 0 : i32
        %dma_wait3A_113 = tpu.memref_slice %arg5[%arg0, %dma_wait3A_111, %dma_wait3A_112] : memref<2x10000x128xf32, #tpu.memory_space<hbm>> -> memref<1x10000x128xf32, #tpu.memory_space<hbm>>
        %dma_wait3A_114 = tpu.memref_squeeze %dma_wait3A_113 : memref<1x10000x128xf32, #tpu.memory_space<hbm>> -> memref<10000x128xf32, #tpu.memory_space<hbm>>
        %dma_wait3A_115 = arith.constant 9984 : i32
        %dma_wait3A_116 = arith.constant 0 : i32
        %dma_wait3A_117 = tpu.memref_slice %dma_wait3A_114[%dma_wait3A_115, %dma_wait3A_116] : memref<10000x128xf32, #tpu.memory_space<hbm>> -> memref<16x128xf32, #tpu.memory_space<hbm>>
        %dma_wait3A_118 = arith.constant 9984 : i32
        %dma_wait3A_119 = arith.constant 0 : i32
        %dma_wait3A_120 = tpu.memref_slice %arg14[%dma_wait3A_118, %dma_wait3A_119] : memref<10000x128xf32, #tpu.memory_space<vmem_shared>> -> memref<16x128xf32, #tpu.memory_space<vmem_shared>>
        tpu.wait_dma2 semaphore(%run_scoped3A : memref<!tpu.dma_semaphore, #tpu.memory_space<semaphore_mem>>) src(%dma_wait3A_120 : memref<16x128xf32, #tpu.memory_space<vmem_shared>>) dst(%dma_wait3A_117 : memref<16x128xf32, #tpu.memory_space<hbm>>)
        tpu.yield
      }) : () -> ()
    } else {
    }
    return
  }
}

#map = affine_map<(d0, d1) -> (0, 0, 0)>
#map1 = affine_map<(d0, d1) -> (0, 0)>
module attributes {stable_mosaic.version = 14 : i64} {
  func.func @_agg1_body(%arg0: i32, %arg1: i32, %arg2: memref<4x10000x128xf32, #tpu.memory_space<hbm>>, %arg3: memref<1280x128xi32, #tpu.memory_space<hbm>>, %arg4: memref<1280x128xi32, #tpu.memory_space<hbm>>, %arg5: memref<4x10000x128xf32, #tpu.memory_space<hbm>>, %arg6: memref<40x128xi32, #tpu.memory_space<vmem>>, %arg7: memref<40x128xi32, #tpu.memory_space<vmem>>, %arg8: memref<128x128xf32, #tpu.memory_space<vmem>>, %arg9: memref<128x128xf32, #tpu.memory_space<vmem>>, %arg10: memref<!tpu.dma_semaphore, #tpu.memory_space<semaphore_mem>>, %arg11: memref<!tpu.dma_semaphore, #tpu.memory_space<semaphore_mem>>, %arg12: memref<!tpu.dma_semaphore, #tpu.memory_space<semaphore_mem>>, %arg13: memref<!tpu.dma_semaphore, #tpu.memory_space<semaphore_mem>>, %arg14: memref<10000x128xf32, #tpu.memory_space<vmem_shared>>) attributes {dimension_semantics = [#tpu.dimension_semantics<core_parallel>, #tpu.dimension_semantics<subcore_parallel>], iteration_bounds = array<i64: 2, 16>, scalar_prefetch = 0 : i64, scratch_operands = 9 : i64, tpu.core_type = #tpu.core_type<sc_vector_subcore>, window_params = [{transform_indices = #map}, {transform_indices = #map1}, {transform_indices = #map1}, {transform_indices = #map}]} {
    %eq3A = arith.constant 0 : i32
    %eq3A_0 = arith.cmpi eq, %arg0, %eq3A : i32
    %convert_element_type3A = arith.extui %eq3A_0 : i1 to i32
    %cond3A = arith.constant 0 : i32
    %cond3A_1 = arith.cmpi ne, %convert_element_type3A, %cond3A : i32
    scf.if %cond3A_1 {
      %mul3A = arith.constant 624 : i32
      %mul3A_17 = arith.muli %arg1, %mul3A : i32
      %mul3A_18 = arith.constant 624 : i32
      %mul3A_19 = arith.muli %arg1, %mul3A_18 : i32
      %run_scoped3A = arith.constant 0 : i32
      "tpu.region"() ({
        %run_scoped3A_280 = tpu.sem_alloc : memref<!tpu.dma_semaphore, #tpu.memory_space<semaphore_mem>>
        %dma_start3A_281 = arith.constant 0 : i32
        %dma_start3A_282 = tpu.memref_slice %arg14[%mul3A_19, %dma_start3A_281] : memref<10000x128xf32, #tpu.memory_space<vmem_shared>> -> memref<624x128xf32, #tpu.memory_space<vmem_shared>>
        %dma_start3A_283 = arith.constant 0 : i32
        %dma_start3A_284 = arith.constant 0 : i32
        %dma_start3A_285 = tpu.memref_slice %arg2[%run_scoped3A, %dma_start3A_283, %dma_start3A_284] : memref<4x10000x128xf32, #tpu.memory_space<hbm>> -> memref<1x10000x128xf32, #tpu.memory_space<hbm>>
        %dma_start3A_286 = tpu.memref_squeeze %dma_start3A_285 : memref<1x10000x128xf32, #tpu.memory_space<hbm>> -> memref<10000x128xf32, #tpu.memory_space<hbm>>
        %dma_start3A_287 = arith.constant 0 : i32
        %dma_start3A_288 = tpu.memref_slice %dma_start3A_286[%mul3A_17, %dma_start3A_287] : memref<10000x128xf32, #tpu.memory_space<hbm>> -> memref<624x128xf32, #tpu.memory_space<hbm>>
        tpu.enqueue_dma source(%dma_start3A_288 : memref<624x128xf32, #tpu.memory_space<hbm>>) target(%dma_start3A_282 : memref<624x128xf32, #tpu.memory_space<vmem_shared>>) target_semaphore(%run_scoped3A_280 : memref<!tpu.dma_semaphore, #tpu.memory_space<semaphore_mem>>)
        %dma_wait3A_289 = arith.constant 0 : i32
        %dma_wait3A_290 = tpu.memref_slice %arg14[%mul3A_19, %dma_wait3A_289] : memref<10000x128xf32, #tpu.memory_space<vmem_shared>> -> memref<624x128xf32, #tpu.memory_space<vmem_shared>>
        %dma_wait3A_291 = arith.constant 0 : i32
        %dma_wait3A_292 = arith.constant 0 : i32
        %dma_wait3A_293 = tpu.memref_slice %arg2[%run_scoped3A, %dma_wait3A_291, %dma_wait3A_292] : memref<4x10000x128xf32, #tpu.memory_space<hbm>> -> memref<1x10000x128xf32, #tpu.memory_space<hbm>>
        %dma_wait3A_294 = tpu.memref_squeeze %dma_wait3A_293 : memref<1x10000x128xf32, #tpu.memory_space<hbm>> -> memref<10000x128xf32, #tpu.memory_space<hbm>>
        %dma_wait3A_295 = arith.constant 0 : i32
        %dma_wait3A_296 = tpu.memref_slice %dma_wait3A_294[%mul3A_17, %dma_wait3A_295] : memref<10000x128xf32, #tpu.memory_space<hbm>> -> memref<624x128xf32, #tpu.memory_space<hbm>>
        tpu.wait_dma2 semaphore(%run_scoped3A_280 : memref<!tpu.dma_semaphore, #tpu.memory_space<semaphore_mem>>) src(%dma_wait3A_296 : memref<624x128xf32, #tpu.memory_space<hbm>>) dst(%dma_wait3A_290 : memref<624x128xf32, #tpu.memory_space<vmem_shared>>)
        tpu.yield
      }) : () -> ()
      %eq3A_20 = arith.constant 15 : i32
      %eq3A_21 = arith.cmpi eq, %arg1, %eq3A_20 : i32
      %convert_element_type3A_22 = arith.extui %eq3A_21 : i1 to i32
      %cond3A_23 = arith.constant 0 : i32
      %cond3A_24 = arith.constant 0 : i32
      %cond3A_25 = arith.cmpi ne, %convert_element_type3A_22, %cond3A_24 : i32
      scf.if %cond3A_25 {
        "tpu.region"() ({
          %run_scoped3A_280 = tpu.sem_alloc : memref<!tpu.dma_semaphore, #tpu.memory_space<semaphore_mem>>
          %dma_start3A_281 = arith.constant 9984 : i32
          %dma_start3A_282 = arith.constant 0 : i32
          %dma_start3A_283 = tpu.memref_slice %arg14[%dma_start3A_281, %dma_start3A_282] : memref<10000x128xf32, #tpu.memory_space<vmem_shared>> -> memref<16x128xf32, #tpu.memory_space<vmem_shared>>
          %dma_start3A_284 = arith.constant 0 : i32
          %dma_start3A_285 = arith.constant 0 : i32
          %dma_start3A_286 = tpu.memref_slice %arg2[%cond3A_23, %dma_start3A_284, %dma_start3A_285] : memref<4x10000x128xf32, #tpu.memory_space<hbm>> -> memref<1x10000x128xf32, #tpu.memory_space<hbm>>
          %dma_start3A_287 = tpu.memref_squeeze %dma_start3A_286 : memref<1x10000x128xf32, #tpu.memory_space<hbm>> -> memref<10000x128xf32, #tpu.memory_space<hbm>>
          %dma_start3A_288 = arith.constant 9984 : i32
          %dma_start3A_289 = arith.constant 0 : i32
          %dma_start3A_290 = tpu.memref_slice %dma_start3A_287[%dma_start3A_288, %dma_start3A_289] : memref<10000x128xf32, #tpu.memory_space<hbm>> -> memref<16x128xf32, #tpu.memory_space<hbm>>
          tpu.enqueue_dma source(%dma_start3A_290 : memref<16x128xf32, #tpu.memory_space<hbm>>) target(%dma_start3A_283 : memref<16x128xf32, #tpu.memory_space<vmem_shared>>) target_semaphore(%run_scoped3A_280 : memref<!tpu.dma_semaphore, #tpu.memory_space<semaphore_mem>>)
          %dma_wait3A_291 = arith.constant 9984 : i32
          %dma_wait3A_292 = arith.constant 0 : i32
          %dma_wait3A_293 = tpu.memref_slice %arg14[%dma_wait3A_291, %dma_wait3A_292] : memref<10000x128xf32, #tpu.memory_space<vmem_shared>> -> memref<16x128xf32, #tpu.memory_space<vmem_shared>>
          %dma_wait3A_294 = arith.constant 0 : i32
          %dma_wait3A_295 = arith.constant 0 : i32
          %dma_wait3A_296 = tpu.memref_slice %arg2[%cond3A_23, %dma_wait3A_294, %dma_wait3A_295] : memref<4x10000x128xf32, #tpu.memory_space<hbm>> -> memref<1x10000x128xf32, #tpu.memory_space<hbm>>
          %dma_wait3A_297 = tpu.memref_squeeze %dma_wait3A_296 : memref<1x10000x128xf32, #tpu.memory_space<hbm>> -> memref<10000x128xf32, #tpu.memory_space<hbm>>
          %dma_wait3A_298 = arith.constant 9984 : i32
          %dma_wait3A_299 = arith.constant 0 : i32
          %dma_wait3A_300 = tpu.memref_slice %dma_wait3A_297[%dma_wait3A_298, %dma_wait3A_299] : memref<10000x128xf32, #tpu.memory_space<hbm>> -> memref<16x128xf32, #tpu.memory_space<hbm>>
          tpu.wait_dma2 semaphore(%run_scoped3A_280 : memref<!tpu.dma_semaphore, #tpu.memory_space<semaphore_mem>>) src(%dma_wait3A_300 : memref<16x128xf32, #tpu.memory_space<hbm>>) dst(%dma_wait3A_293 : memref<16x128xf32, #tpu.memory_space<vmem_shared>>)
          tpu.yield
        }) : () -> ()
      } else {
      }
      %barrier3A = arith.constant 0 : index
      tpu.barrier barrier_id(%barrier3A)
      %mul3A_26 = arith.constant 80 : i32
      %mul3A_27 = arith.muli %arg1, %mul3A_26 : i32
      %add3A = arith.constant 0 : i32
      %add3A_28 = arith.addi %mul3A_27, %add3A : i32
      "tpu.region"() ({
        %run_scoped3A_280 = tpu.sem_alloc : memref<!tpu.dma_semaphore, #tpu.memory_space<semaphore_mem>>
        %dma_start3A_281 = arith.constant 0 : i32
        %dma_start3A_282 = tpu.memref_slice %arg3[%add3A_28, %dma_start3A_281] : memref<1280x128xi32, #tpu.memory_space<hbm>> -> memref<40x128xi32, #tpu.memory_space<hbm>>
        %dma_start3A_283 = arith.constant 0 : i32
        %dma_start3A_284 = tpu.memref_slice %arg3[%add3A_28, %dma_start3A_283] : memref<1280x128xi32, #tpu.memory_space<hbm>> -> memref<40x128xi32, #tpu.memory_space<hbm>>
        tpu.enqueue_dma source(%dma_start3A_284 : memref<40x128xi32, #tpu.memory_space<hbm>>) target(%arg6 : memref<40x128xi32, #tpu.memory_space<vmem>>) target_semaphore(%run_scoped3A_280 : memref<!tpu.dma_semaphore, #tpu.memory_space<semaphore_mem>>)
        %dma_wait3A_285 = arith.constant 0 : i32
        %dma_wait3A_286 = tpu.memref_slice %arg3[%add3A_28, %dma_wait3A_285] : memref<1280x128xi32, #tpu.memory_space<hbm>> -> memref<40x128xi32, #tpu.memory_space<hbm>>
        %dma_wait3A_287 = arith.constant 0 : i32
        %dma_wait3A_288 = tpu.memref_slice %arg3[%add3A_28, %dma_wait3A_287] : memref<1280x128xi32, #tpu.memory_space<hbm>> -> memref<40x128xi32, #tpu.memory_space<hbm>>
        tpu.wait_dma2 semaphore(%run_scoped3A_280 : memref<!tpu.dma_semaphore, #tpu.memory_space<semaphore_mem>>) src(%dma_wait3A_288 : memref<40x128xi32, #tpu.memory_space<hbm>>) dst(%arg6 : memref<40x128xi32, #tpu.memory_space<vmem>>)
        tpu.yield
      }) : () -> ()
      "tpu.region"() ({
        %run_scoped3A_280 = tpu.sem_alloc : memref<!tpu.dma_semaphore, #tpu.memory_space<semaphore_mem>>
        %dma_start3A_281 = arith.constant 0 : i32
        %dma_start3A_282 = tpu.memref_slice %arg4[%add3A_28, %dma_start3A_281] : memref<1280x128xi32, #tpu.memory_space<hbm>> -> memref<40x128xi32, #tpu.memory_space<hbm>>
        %dma_start3A_283 = arith.constant 0 : i32
        %dma_start3A_284 = tpu.memref_slice %arg4[%add3A_28, %dma_start3A_283] : memref<1280x128xi32, #tpu.memory_space<hbm>> -> memref<40x128xi32, #tpu.memory_space<hbm>>
        tpu.enqueue_dma source(%dma_start3A_284 : memref<40x128xi32, #tpu.memory_space<hbm>>) target(%arg7 : memref<40x128xi32, #tpu.memory_space<vmem>>) target_semaphore(%run_scoped3A_280 : memref<!tpu.dma_semaphore, #tpu.memory_space<semaphore_mem>>)
        %dma_wait3A_285 = arith.constant 0 : i32
        %dma_wait3A_286 = tpu.memref_slice %arg4[%add3A_28, %dma_wait3A_285] : memref<1280x128xi32, #tpu.memory_space<hbm>> -> memref<40x128xi32, #tpu.memory_space<hbm>>
        %dma_wait3A_287 = arith.constant 0 : i32
        %dma_wait3A_288 = tpu.memref_slice %arg4[%add3A_28, %dma_wait3A_287] : memref<1280x128xi32, #tpu.memory_space<hbm>> -> memref<40x128xi32, #tpu.memory_space<hbm>>
        tpu.wait_dma2 semaphore(%run_scoped3A_280 : memref<!tpu.dma_semaphore, #tpu.memory_space<semaphore_mem>>) src(%dma_wait3A_288 : memref<40x128xi32, #tpu.memory_space<hbm>>) dst(%arg7 : memref<40x128xi32, #tpu.memory_space<vmem>>)
        tpu.yield
      }) : () -> ()
      %sub3A = arith.constant 1250 : i32
      %sub3A_29 = arith.subi %sub3A, %add3A_28 : i32
      %jit3A = arith.constant 0 : i32
      %jit3A_30 = arith.constant 40 : i32
      %max3A = arith.maxsi %jit3A, %sub3A_29 : i32
      %min3A = arith.minsi %jit3A_30, %max3A : i32
      %dma_start3A = arith.constant 0 : i32
      %dma_start3A_31 = arith.constant 0 : i32
      %dma_start3A_32 = arith.constant 0 : i32
      %dma_start3A_33 = tpu.memref_slice %arg6[%dma_start3A_31, %dma_start3A_32] : memref<40x128xi32, #tpu.memory_space<vmem>> -> memref<1x128xi32, #tpu.memory_space<vmem>>
      %dma_start3A_34 = tpu.memref_squeeze %dma_start3A_33 : memref<1x128xi32, #tpu.memory_space<vmem>> -> memref<128xi32, #tpu.memory_space<vmem>>
      %dma_start3A_35 = arith.constant 0 : i32
      %dma_start3A_36 = arith.constant 0 : i32
      %dma_start3A_37 = tpu.memref_slice %arg2[%dma_start3A, %dma_start3A_35, %dma_start3A_36] : memref<4x10000x128xf32, #tpu.memory_space<hbm>> -> memref<1x10000x128xf32, #tpu.memory_space<hbm>>
      %dma_start3A_38 = tpu.memref_squeeze %dma_start3A_37 : memref<1x10000x128xf32, #tpu.memory_space<hbm>> -> memref<10000x128xf32, #tpu.memory_space<hbm>>
      %dma_start3A_39 = arith.constant 0 : i32
      %dma_start3A_40 = arith.constant 0 : i32
      %dma_start3A_41 = tpu.memref_slice %dma_start3A_38[%dma_start3A_39, %dma_start3A_40] : memref<10000x128xf32, #tpu.memory_space<hbm>> -> memref<10000x128xf32, #tpu.memory_space<hbm>>
      tpu.enqueue_indirect_dma source(%dma_start3A_41 : memref<10000x128xf32, #tpu.memory_space<hbm>>) target(%arg8 : memref<128x128xf32, #tpu.memory_space<vmem>>) offsets(%dma_start3A_34 : memref<128xi32, #tpu.memory_space<vmem>>) semaphore(%arg10 : memref<!tpu.dma_semaphore, #tpu.memory_space<semaphore_mem>>)
      %dma_wait3A = arith.constant 0 : i32
      %dma_wait3A_42 = arith.constant 0 : i32
      %dma_wait3A_43 = arith.constant 0 : i32
      %dma_wait3A_44 = tpu.memref_slice %arg2[%dma_wait3A, %dma_wait3A_42, %dma_wait3A_43] : memref<4x10000x128xf32, #tpu.memory_space<hbm>> -> memref<1x10000x128xf32, #tpu.memory_space<hbm>>
      %dma_wait3A_45 = tpu.memref_squeeze %dma_wait3A_44 : memref<1x10000x128xf32, #tpu.memory_space<hbm>> -> memref<10000x128xf32, #tpu.memory_space<hbm>>
      %dma_wait3A_46 = arith.constant 0 : i32
      %dma_wait3A_47 = arith.constant 0 : i32
      %dma_wait3A_48 = tpu.memref_slice %dma_wait3A_45[%dma_wait3A_46, %dma_wait3A_47] : memref<10000x128xf32, #tpu.memory_space<hbm>> -> memref<128x128xf32, #tpu.memory_space<hbm>>
      %dma_wait3A_49 = arith.constant 0 : i32
      %dma_wait3A_50 = arith.constant 0 : i32
      %dma_wait3A_51 = tpu.memref_slice %arg2[%dma_wait3A, %dma_wait3A_49, %dma_wait3A_50] : memref<4x10000x128xf32, #tpu.memory_space<hbm>> -> memref<1x10000x128xf32, #tpu.memory_space<hbm>>
      %dma_wait3A_52 = tpu.memref_squeeze %dma_wait3A_51 : memref<1x10000x128xf32, #tpu.memory_space<hbm>> -> memref<10000x128xf32, #tpu.memory_space<hbm>>
      %dma_wait3A_53 = arith.constant 0 : i32
      %dma_wait3A_54 = arith.constant 0 : i32
      %dma_wait3A_55 = tpu.memref_slice %dma_wait3A_52[%dma_wait3A_53, %dma_wait3A_54] : memref<10000x128xf32, #tpu.memory_space<hbm>> -> memref<128x128xf32, #tpu.memory_space<hbm>>
      tpu.wait_dma2 semaphore(%arg10 : memref<!tpu.dma_semaphore, #tpu.memory_space<semaphore_mem>>) src(%dma_wait3A_55 : memref<128x128xf32, #tpu.memory_space<hbm>>) dst(%arg8 : memref<128x128xf32, #tpu.memory_space<vmem>>)
      %dma_start3A_56 = arith.constant 0 : i32
      %dma_start3A_57 = arith.constant 0 : i32
      %dma_start3A_58 = tpu.memref_slice %arg7[%dma_start3A_56, %dma_start3A_57] : memref<40x128xi32, #tpu.memory_space<vmem>> -> memref<1x128xi32, #tpu.memory_space<vmem>>
      %dma_start3A_59 = tpu.memref_squeeze %dma_start3A_58 : memref<1x128xi32, #tpu.memory_space<vmem>> -> memref<128xi32, #tpu.memory_space<vmem>>
      %dma_start3A_60 = arith.constant 0 : i32
      %dma_start3A_61 = arith.constant 0 : i32
      %dma_start3A_62 = tpu.memref_slice %arg14[%dma_start3A_60, %dma_start3A_61] : memref<10000x128xf32, #tpu.memory_space<vmem_shared>> -> memref<10000x128xf32, #tpu.memory_space<vmem_shared>>
      tpu.enqueue_indirect_dma source(%arg8 : memref<128x128xf32, #tpu.memory_space<vmem>>) target(%dma_start3A_62 : memref<10000x128xf32, #tpu.memory_space<vmem_shared>>) offsets(%dma_start3A_59 : memref<128xi32, #tpu.memory_space<vmem>>) semaphore(%arg12 : memref<!tpu.dma_semaphore, #tpu.memory_space<semaphore_mem>>) {add = true}
      %dma_start3A_63 = arith.constant 0 : i32
      %dma_start3A_64 = arith.constant 1 : i32
      %dma_start3A_65 = arith.constant 0 : i32
      %dma_start3A_66 = tpu.memref_slice %arg6[%dma_start3A_64, %dma_start3A_65] : memref<40x128xi32, #tpu.memory_space<vmem>> -> memref<1x128xi32, #tpu.memory_space<vmem>>
      %dma_start3A_67 = tpu.memref_squeeze %dma_start3A_66 : memref<1x128xi32, #tpu.memory_space<vmem>> -> memref<128xi32, #tpu.memory_space<vmem>>
      %dma_start3A_68 = arith.constant 0 : i32
      %dma_start3A_69 = arith.constant 0 : i32
      %dma_start3A_70 = tpu.memref_slice %arg2[%dma_start3A_63, %dma_start3A_68, %dma_start3A_69] : memref<4x10000x128xf32, #tpu.memory_space<hbm>> -> memref<1x10000x128xf32, #tpu.memory_space<hbm>>
      %dma_start3A_71 = tpu.memref_squeeze %dma_start3A_70 : memref<1x10000x128xf32, #tpu.memory_space<hbm>> -> memref<10000x128xf32, #tpu.memory_space<hbm>>
      %dma_start3A_72 = arith.constant 0 : i32
      %dma_start3A_73 = arith.constant 0 : i32
      %dma_start3A_74 = tpu.memref_slice %dma_start3A_71[%dma_start3A_72, %dma_start3A_73] : memref<10000x128xf32, #tpu.memory_space<hbm>> -> memref<10000x128xf32, #tpu.memory_space<hbm>>
      tpu.enqueue_indirect_dma source(%dma_start3A_74 : memref<10000x128xf32, #tpu.memory_space<hbm>>) target(%arg9 : memref<128x128xf32, #tpu.memory_space<vmem>>) offsets(%dma_start3A_67 : memref<128xi32, #tpu.memory_space<vmem>>) semaphore(%arg11 : memref<!tpu.dma_semaphore, #tpu.memory_space<semaphore_mem>>)
      %sub3A_75 = arith.constant 2 : i32
      %sub3A_76 = arith.subi %min3A, %sub3A_75 : i32
      %jit3A_77 = arith.constant 2 : i32
      %div3A = arith.divsi %sub3A_76, %jit3A_77 : i32
      %sign3A = arith.constant 0 : i32
      %sign3A_78 = arith.cmpi sgt, %sub3A_76, %sign3A : i32
      %sign3A_79 = arith.extui %sign3A_78 : i1 to i32
      %sign3A_80 = arith.constant 0 : i32
      %sign3A_81 = arith.cmpi slt, %sub3A_76, %sign3A_80 : i32
      %sign3A_82 = arith.extui %sign3A_81 : i1 to i32
      %sign3A_83 = arith.subi %sign3A_79, %sign3A_82 : i32
      %sign3A_84 = arith.constant 0 : i32
      %sign3A_85 = arith.cmpi sgt, %jit3A_77, %sign3A_84 : i32
      %sign3A_86 = arith.extui %sign3A_85 : i1 to i32
      %sign3A_87 = arith.constant 0 : i32
      %sign3A_88 = arith.cmpi slt, %jit3A_77, %sign3A_87 : i32
      %sign3A_89 = arith.extui %sign3A_88 : i1 to i32
      %sign3A_90 = arith.subi %sign3A_86, %sign3A_89 : i32
      %ne3A = arith.cmpi ne, %sign3A_83, %sign3A_90 : i32
      %rem3A = arith.remsi %sub3A_76, %jit3A_77 : i32
      %ne3A_91 = arith.constant 0 : i32
      %ne3A_92 = arith.cmpi ne, %rem3A, %ne3A_91 : i32
      %and3A = arith.andi %ne3A, %ne3A_92 : i1
      %sub3A_93 = arith.constant 1 : i32
      %sub3A_94 = arith.subi %div3A, %sub3A_93 : i32
      %select_n3A = arith.select %and3A, %sub3A_94, %div3A : i32
      %while3A = arith.constant 0 : i32
      %while3A_95 = arith.constant 0 : i32
      %while3A_96 = arith.constant 0 : i32
      %while3A_97 = arith.subi %select_n3A, %while3A_96 : i32
      %while3A_98 = arith.addi %while3A_96, %while3A_97 : i32
      %while3A_99 = arith.constant 1 : i32
      %while3A_100 = arith.divsi %while3A_97, %while3A_99 : i32
      %while3A_101 = arith.muli %while3A_100, %while3A_99 : i32
      %while3A_102 = arith.addi %while3A_96, %while3A_101 : i32
      %while3A_103 = arith.constant 1 : i32
      scf.for %while3A_280 = %while3A_96 to %while3A_102 step %while3A_103  : i32 {
        %mul3A_281 = arith.constant 2 : i32
        %mul3A_282 = arith.muli %mul3A_281, %while3A_280 : i32
        %add3A_283 = arith.constant 1 : i32
        %add3A_284 = arith.addi %mul3A_282, %add3A_283 : i32
        %dma_wait3A_285 = arith.constant 0 : i32
        %dma_wait3A_286 = arith.constant 0 : i32
        %dma_wait3A_287 = tpu.memref_slice %arg2[%while3A_95, %dma_wait3A_285, %dma_wait3A_286] : memref<4x10000x128xf32, #tpu.memory_space<hbm>> -> memref<1x10000x128xf32, #tpu.memory_space<hbm>>
        %dma_wait3A_288 = tpu.memref_squeeze %dma_wait3A_287 : memref<1x10000x128xf32, #tpu.memory_space<hbm>> -> memref<10000x128xf32, #tpu.memory_space<hbm>>
        %dma_wait3A_289 = arith.constant 0 : i32
        %dma_wait3A_290 = arith.constant 0 : i32
        %dma_wait3A_291 = tpu.memref_slice %dma_wait3A_288[%dma_wait3A_289, %dma_wait3A_290] : memref<10000x128xf32, #tpu.memory_space<hbm>> -> memref<128x128xf32, #tpu.memory_space<hbm>>
        %dma_wait3A_292 = arith.constant 0 : i32
        %dma_wait3A_293 = arith.constant 0 : i32
        %dma_wait3A_294 = tpu.memref_slice %arg2[%while3A_95, %dma_wait3A_292, %dma_wait3A_293] : memref<4x10000x128xf32, #tpu.memory_space<hbm>> -> memref<1x10000x128xf32, #tpu.memory_space<hbm>>
        %dma_wait3A_295 = tpu.memref_squeeze %dma_wait3A_294 : memref<1x10000x128xf32, #tpu.memory_space<hbm>> -> memref<10000x128xf32, #tpu.memory_space<hbm>>
        %dma_wait3A_296 = arith.constant 0 : i32
        %dma_wait3A_297 = arith.constant 0 : i32
        %dma_wait3A_298 = tpu.memref_slice %dma_wait3A_295[%dma_wait3A_296, %dma_wait3A_297] : memref<10000x128xf32, #tpu.memory_space<hbm>> -> memref<128x128xf32, #tpu.memory_space<hbm>>
        tpu.wait_dma2 semaphore(%arg11 : memref<!tpu.dma_semaphore, #tpu.memory_space<semaphore_mem>>) src(%dma_wait3A_298 : memref<128x128xf32, #tpu.memory_space<hbm>>) dst(%arg9 : memref<128x128xf32, #tpu.memory_space<vmem>>)
        %dma_wait3A_299 = arith.constant 0 : i32
        %dma_wait3A_300 = arith.constant 0 : i32
        %dma_wait3A_301 = tpu.memref_slice %arg14[%dma_wait3A_299, %dma_wait3A_300] : memref<10000x128xf32, #tpu.memory_space<vmem_shared>> -> memref<128x128xf32, #tpu.memory_space<vmem_shared>>
        %dma_wait3A_302 = arith.constant 0 : i32
        %dma_wait3A_303 = arith.constant 0 : i32
        %dma_wait3A_304 = tpu.memref_slice %arg14[%dma_wait3A_302, %dma_wait3A_303] : memref<10000x128xf32, #tpu.memory_space<vmem_shared>> -> memref<128x128xf32, #tpu.memory_space<vmem_shared>>
        tpu.wait_dma2 semaphore(%arg12 : memref<!tpu.dma_semaphore, #tpu.memory_space<semaphore_mem>>) src(%arg8 : memref<128x128xf32, #tpu.memory_space<vmem>>) dst(%dma_wait3A_304 : memref<128x128xf32, #tpu.memory_space<vmem_shared>>)
        %add3A_305 = arith.constant 1 : i32
        %add3A_306 = arith.addi %add3A_284, %add3A_305 : i32
        %dma_start3A_307 = arith.constant 0 : i32
        %dma_start3A_308 = tpu.memref_slice %arg6[%add3A_306, %dma_start3A_307] : memref<40x128xi32, #tpu.memory_space<vmem>> -> memref<1x128xi32, #tpu.memory_space<vmem>>
        %dma_start3A_309 = tpu.memref_squeeze %dma_start3A_308 : memref<1x128xi32, #tpu.memory_space<vmem>> -> memref<128xi32, #tpu.memory_space<vmem>>
        %dma_start3A_310 = arith.constant 0 : i32
        %dma_start3A_311 = arith.constant 0 : i32
        %dma_start3A_312 = tpu.memref_slice %arg2[%while3A_95, %dma_start3A_310, %dma_start3A_311] : memref<4x10000x128xf32, #tpu.memory_space<hbm>> -> memref<1x10000x128xf32, #tpu.memory_space<hbm>>
        %dma_start3A_313 = tpu.memref_squeeze %dma_start3A_312 : memref<1x10000x128xf32, #tpu.memory_space<hbm>> -> memref<10000x128xf32, #tpu.memory_space<hbm>>
        %dma_start3A_314 = arith.constant 0 : i32
        %dma_start3A_315 = arith.constant 0 : i32
        %dma_start3A_316 = tpu.memref_slice %dma_start3A_313[%dma_start3A_314, %dma_start3A_315] : memref<10000x128xf32, #tpu.memory_space<hbm>> -> memref<10000x128xf32, #tpu.memory_space<hbm>>
        tpu.enqueue_indirect_dma source(%dma_start3A_316 : memref<10000x128xf32, #tpu.memory_space<hbm>>) target(%arg8 : memref<128x128xf32, #tpu.memory_space<vmem>>) offsets(%dma_start3A_309 : memref<128xi32, #tpu.memory_space<vmem>>) semaphore(%arg10 : memref<!tpu.dma_semaphore, #tpu.memory_space<semaphore_mem>>)
        %dma_start3A_317 = arith.constant 0 : i32
        %dma_start3A_318 = tpu.memref_slice %arg7[%add3A_284, %dma_start3A_317] : memref<40x128xi32, #tpu.memory_space<vmem>> -> memref<1x128xi32, #tpu.memory_space<vmem>>
        %dma_start3A_319 = tpu.memref_squeeze %dma_start3A_318 : memref<1x128xi32, #tpu.memory_space<vmem>> -> memref<128xi32, #tpu.memory_space<vmem>>
        %dma_start3A_320 = arith.constant 0 : i32
        %dma_start3A_321 = arith.constant 0 : i32
        %dma_start3A_322 = tpu.memref_slice %arg14[%dma_start3A_320, %dma_start3A_321] : memref<10000x128xf32, #tpu.memory_space<vmem_shared>> -> memref<10000x128xf32, #tpu.memory_space<vmem_shared>>
        tpu.enqueue_indirect_dma source(%arg9 : memref<128x128xf32, #tpu.memory_space<vmem>>) target(%dma_start3A_322 : memref<10000x128xf32, #tpu.memory_space<vmem_shared>>) offsets(%dma_start3A_319 : memref<128xi32, #tpu.memory_space<vmem>>) semaphore(%arg13 : memref<!tpu.dma_semaphore, #tpu.memory_space<semaphore_mem>>) {add = true}
        %mul3A_323 = arith.constant 2 : i32
        %mul3A_324 = arith.muli %mul3A_323, %while3A_280 : i32
        %add3A_325 = arith.constant 2 : i32
        %add3A_326 = arith.addi %mul3A_324, %add3A_325 : i32
        %dma_wait3A_327 = arith.constant 0 : i32
        %dma_wait3A_328 = arith.constant 0 : i32
        %dma_wait3A_329 = tpu.memref_slice %arg2[%while3A_95, %dma_wait3A_327, %dma_wait3A_328] : memref<4x10000x128xf32, #tpu.memory_space<hbm>> -> memref<1x10000x128xf32, #tpu.memory_space<hbm>>
        %dma_wait3A_330 = tpu.memref_squeeze %dma_wait3A_329 : memref<1x10000x128xf32, #tpu.memory_space<hbm>> -> memref<10000x128xf32, #tpu.memory_space<hbm>>
        %dma_wait3A_331 = arith.constant 0 : i32
        %dma_wait3A_332 = arith.constant 0 : i32
        %dma_wait3A_333 = tpu.memref_slice %dma_wait3A_330[%dma_wait3A_331, %dma_wait3A_332] : memref<10000x128xf32, #tpu.memory_space<hbm>> -> memref<128x128xf32, #tpu.memory_space<hbm>>
        %dma_wait3A_334 = arith.constant 0 : i32
        %dma_wait3A_335 = arith.constant 0 : i32
        %dma_wait3A_336 = tpu.memref_slice %arg2[%while3A_95, %dma_wait3A_334, %dma_wait3A_335] : memref<4x10000x128xf32, #tpu.memory_space<hbm>> -> memref<1x10000x128xf32, #tpu.memory_space<hbm>>
        %dma_wait3A_337 = tpu.memref_squeeze %dma_wait3A_336 : memref<1x10000x128xf32, #tpu.memory_space<hbm>> -> memref<10000x128xf32, #tpu.memory_space<hbm>>
        %dma_wait3A_338 = arith.constant 0 : i32
        %dma_wait3A_339 = arith.constant 0 : i32
        %dma_wait3A_340 = tpu.memref_slice %dma_wait3A_337[%dma_wait3A_338, %dma_wait3A_339] : memref<10000x128xf32, #tpu.memory_space<hbm>> -> memref<128x128xf32, #tpu.memory_space<hbm>>
        tpu.wait_dma2 semaphore(%arg10 : memref<!tpu.dma_semaphore, #tpu.memory_space<semaphore_mem>>) src(%dma_wait3A_340 : memref<128x128xf32, #tpu.memory_space<hbm>>) dst(%arg8 : memref<128x128xf32, #tpu.memory_space<vmem>>)
        %dma_wait3A_341 = arith.constant 0 : i32
        %dma_wait3A_342 = arith.constant 0 : i32
        %dma_wait3A_343 = tpu.memref_slice %arg14[%dma_wait3A_341, %dma_wait3A_342] : memref<10000x128xf32, #tpu.memory_space<vmem_shared>> -> memref<128x128xf32, #tpu.memory_space<vmem_shared>>
        %dma_wait3A_344 = arith.constant 0 : i32
        %dma_wait3A_345 = arith.constant 0 : i32
        %dma_wait3A_346 = tpu.memref_slice %arg14[%dma_wait3A_344, %dma_wait3A_345] : memref<10000x128xf32, #tpu.memory_space<vmem_shared>> -> memref<128x128xf32, #tpu.memory_space<vmem_shared>>
        tpu.wait_dma2 semaphore(%arg13 : memref<!tpu.dma_semaphore, #tpu.memory_space<semaphore_mem>>) src(%arg9 : memref<128x128xf32, #tpu.memory_space<vmem>>) dst(%dma_wait3A_346 : memref<128x128xf32, #tpu.memory_space<vmem_shared>>)
        %add3A_347 = arith.constant 1 : i32
        %add3A_348 = arith.addi %add3A_326, %add3A_347 : i32
        %dma_start3A_349 = arith.constant 0 : i32
        %dma_start3A_350 = tpu.memref_slice %arg6[%add3A_348, %dma_start3A_349] : memref<40x128xi32, #tpu.memory_space<vmem>> -> memref<1x128xi32, #tpu.memory_space<vmem>>
        %dma_start3A_351 = tpu.memref_squeeze %dma_start3A_350 : memref<1x128xi32, #tpu.memory_space<vmem>> -> memref<128xi32, #tpu.memory_space<vmem>>
        %dma_start3A_352 = arith.constant 0 : i32
        %dma_start3A_353 = arith.constant 0 : i32
        %dma_start3A_354 = tpu.memref_slice %arg2[%while3A_95, %dma_start3A_352, %dma_start3A_353] : memref<4x10000x128xf32, #tpu.memory_space<hbm>> -> memref<1x10000x128xf32, #tpu.memory_space<hbm>>
        %dma_start3A_355 = tpu.memref_squeeze %dma_start3A_354 : memref<1x10000x128xf32, #tpu.memory_space<hbm>> -> memref<10000x128xf32, #tpu.memory_space<hbm>>
        %dma_start3A_356 = arith.constant 0 : i32
        %dma_start3A_357 = arith.constant 0 : i32
        %dma_start3A_358 = tpu.memref_slice %dma_start3A_355[%dma_start3A_356, %dma_start3A_357] : memref<10000x128xf32, #tpu.memory_space<hbm>> -> memref<10000x128xf32, #tpu.memory_space<hbm>>
        tpu.enqueue_indirect_dma source(%dma_start3A_358 : memref<10000x128xf32, #tpu.memory_space<hbm>>) target(%arg9 : memref<128x128xf32, #tpu.memory_space<vmem>>) offsets(%dma_start3A_351 : memref<128xi32, #tpu.memory_space<vmem>>) semaphore(%arg11 : memref<!tpu.dma_semaphore, #tpu.memory_space<semaphore_mem>>)
        %dma_start3A_359 = arith.constant 0 : i32
        %dma_start3A_360 = tpu.memref_slice %arg7[%add3A_326, %dma_start3A_359] : memref<40x128xi32, #tpu.memory_space<vmem>> -> memref<1x128xi32, #tpu.memory_space<vmem>>
        %dma_start3A_361 = tpu.memref_squeeze %dma_start3A_360 : memref<1x128xi32, #tpu.memory_space<vmem>> -> memref<128xi32, #tpu.memory_space<vmem>>
        %dma_start3A_362 = arith.constant 0 : i32
        %dma_start3A_363 = arith.constant 0 : i32
        %dma_start3A_364 = tpu.memref_slice %arg14[%dma_start3A_362, %dma_start3A_363] : memref<10000x128xf32, #tpu.memory_space<vmem_shared>> -> memref<10000x128xf32, #tpu.memory_space<vmem_shared>>
        tpu.enqueue_indirect_dma source(%arg8 : memref<128x128xf32, #tpu.memory_space<vmem>>) target(%dma_start3A_364 : memref<10000x128xf32, #tpu.memory_space<vmem_shared>>) offsets(%dma_start3A_361 : memref<128xi32, #tpu.memory_space<vmem>>) semaphore(%arg12 : memref<!tpu.dma_semaphore, #tpu.memory_space<semaphore_mem>>) {add = true}
      }
      %while3A_104 = arith.constant 1 : i32
      scf.for %while3A_280 = %while3A_102 to %while3A_98 step %while3A_104  : i32 {
        %mul3A_281 = arith.constant 2 : i32
        %mul3A_282 = arith.muli %mul3A_281, %while3A_280 : i32
        %add3A_283 = arith.constant 1 : i32
        %add3A_284 = arith.addi %mul3A_282, %add3A_283 : i32
        %dma_wait3A_285 = arith.constant 0 : i32
        %dma_wait3A_286 = arith.constant 0 : i32
        %dma_wait3A_287 = tpu.memref_slice %arg2[%while3A_95, %dma_wait3A_285, %dma_wait3A_286] : memref<4x10000x128xf32, #tpu.memory_space<hbm>> -> memref<1x10000x128xf32, #tpu.memory_space<hbm>>
        %dma_wait3A_288 = tpu.memref_squeeze %dma_wait3A_287 : memref<1x10000x128xf32, #tpu.memory_space<hbm>> -> memref<10000x128xf32, #tpu.memory_space<hbm>>
        %dma_wait3A_289 = arith.constant 0 : i32
        %dma_wait3A_290 = arith.constant 0 : i32
        %dma_wait3A_291 = tpu.memref_slice %dma_wait3A_288[%dma_wait3A_289, %dma_wait3A_290] : memref<10000x128xf32, #tpu.memory_space<hbm>> -> memref<128x128xf32, #tpu.memory_space<hbm>>
        %dma_wait3A_292 = arith.constant 0 : i32
        %dma_wait3A_293 = arith.constant 0 : i32
        %dma_wait3A_294 = tpu.memref_slice %arg2[%while3A_95, %dma_wait3A_292, %dma_wait3A_293] : memref<4x10000x128xf32, #tpu.memory_space<hbm>> -> memref<1x10000x128xf32, #tpu.memory_space<hbm>>
        %dma_wait3A_295 = tpu.memref_squeeze %dma_wait3A_294 : memref<1x10000x128xf32, #tpu.memory_space<hbm>> -> memref<10000x128xf32, #tpu.memory_space<hbm>>
        %dma_wait3A_296 = arith.constant 0 : i32
        %dma_wait3A_297 = arith.constant 0 : i32
        %dma_wait3A_298 = tpu.memref_slice %dma_wait3A_295[%dma_wait3A_296, %dma_wait3A_297] : memref<10000x128xf32, #tpu.memory_space<hbm>> -> memref<128x128xf32, #tpu.memory_space<hbm>>
        tpu.wait_dma2 semaphore(%arg11 : memref<!tpu.dma_semaphore, #tpu.memory_space<semaphore_mem>>) src(%dma_wait3A_298 : memref<128x128xf32, #tpu.memory_space<hbm>>) dst(%arg9 : memref<128x128xf32, #tpu.memory_space<vmem>>)
        %dma_wait3A_299 = arith.constant 0 : i32
        %dma_wait3A_300 = arith.constant 0 : i32
        %dma_wait3A_301 = tpu.memref_slice %arg14[%dma_wait3A_299, %dma_wait3A_300] : memref<10000x128xf32, #tpu.memory_space<vmem_shared>> -> memref<128x128xf32, #tpu.memory_space<vmem_shared>>
        %dma_wait3A_302 = arith.constant 0 : i32
        %dma_wait3A_303 = arith.constant 0 : i32
        %dma_wait3A_304 = tpu.memref_slice %arg14[%dma_wait3A_302, %dma_wait3A_303] : memref<10000x128xf32, #tpu.memory_space<vmem_shared>> -> memref<128x128xf32, #tpu.memory_space<vmem_shared>>
        tpu.wait_dma2 semaphore(%arg12 : memref<!tpu.dma_semaphore, #tpu.memory_space<semaphore_mem>>) src(%arg8 : memref<128x128xf32, #tpu.memory_space<vmem>>) dst(%dma_wait3A_304 : memref<128x128xf32, #tpu.memory_space<vmem_shared>>)
        %add3A_305 = arith.constant 1 : i32
        %add3A_306 = arith.addi %add3A_284, %add3A_305 : i32
        %dma_start3A_307 = arith.constant 0 : i32
        %dma_start3A_308 = tpu.memref_slice %arg6[%add3A_306, %dma_start3A_307] : memref<40x128xi32, #tpu.memory_space<vmem>> -> memref<1x128xi32, #tpu.memory_space<vmem>>
        %dma_start3A_309 = tpu.memref_squeeze %dma_start3A_308 : memref<1x128xi32, #tpu.memory_space<vmem>> -> memref<128xi32, #tpu.memory_space<vmem>>
        %dma_start3A_310 = arith.constant 0 : i32
        %dma_start3A_311 = arith.constant 0 : i32
        %dma_start3A_312 = tpu.memref_slice %arg2[%while3A_95, %dma_start3A_310, %dma_start3A_311] : memref<4x10000x128xf32, #tpu.memory_space<hbm>> -> memref<1x10000x128xf32, #tpu.memory_space<hbm>>
        %dma_start3A_313 = tpu.memref_squeeze %dma_start3A_312 : memref<1x10000x128xf32, #tpu.memory_space<hbm>> -> memref<10000x128xf32, #tpu.memory_space<hbm>>
        %dma_start3A_314 = arith.constant 0 : i32
        %dma_start3A_315 = arith.constant 0 : i32
        %dma_start3A_316 = tpu.memref_slice %dma_start3A_313[%dma_start3A_314, %dma_start3A_315] : memref<10000x128xf32, #tpu.memory_space<hbm>> -> memref<10000x128xf32, #tpu.memory_space<hbm>>
        tpu.enqueue_indirect_dma source(%dma_start3A_316 : memref<10000x128xf32, #tpu.memory_space<hbm>>) target(%arg8 : memref<128x128xf32, #tpu.memory_space<vmem>>) offsets(%dma_start3A_309 : memref<128xi32, #tpu.memory_space<vmem>>) semaphore(%arg10 : memref<!tpu.dma_semaphore, #tpu.memory_space<semaphore_mem>>)
        %dma_start3A_317 = arith.constant 0 : i32
        %dma_start3A_318 = tpu.memref_slice %arg7[%add3A_284, %dma_start3A_317] : memref<40x128xi32, #tpu.memory_space<vmem>> -> memref<1x128xi32, #tpu.memory_space<vmem>>
        %dma_start3A_319 = tpu.memref_squeeze %dma_start3A_318 : memref<1x128xi32, #tpu.memory_space<vmem>> -> memref<128xi32, #tpu.memory_space<vmem>>
        %dma_start3A_320 = arith.constant 0 : i32
        %dma_start3A_321 = arith.constant 0 : i32
        %dma_start3A_322 = tpu.memref_slice %arg14[%dma_start3A_320, %dma_start3A_321] : memref<10000x128xf32, #tpu.memory_space<vmem_shared>> -> memref<10000x128xf32, #tpu.memory_space<vmem_shared>>
        tpu.enqueue_indirect_dma source(%arg9 : memref<128x128xf32, #tpu.memory_space<vmem>>) target(%dma_start3A_322 : memref<10000x128xf32, #tpu.memory_space<vmem_shared>>) offsets(%dma_start3A_319 : memref<128xi32, #tpu.memory_space<vmem>>) semaphore(%arg13 : memref<!tpu.dma_semaphore, #tpu.memory_space<semaphore_mem>>) {add = true}
        %mul3A_323 = arith.constant 2 : i32
        %mul3A_324 = arith.muli %mul3A_323, %while3A_280 : i32
        %add3A_325 = arith.constant 2 : i32
        %add3A_326 = arith.addi %mul3A_324, %add3A_325 : i32
        %dma_wait3A_327 = arith.constant 0 : i32
        %dma_wait3A_328 = arith.constant 0 : i32
        %dma_wait3A_329 = tpu.memref_slice %arg2[%while3A_95, %dma_wait3A_327, %dma_wait3A_328] : memref<4x10000x128xf32, #tpu.memory_space<hbm>> -> memref<1x10000x128xf32, #tpu.memory_space<hbm>>
        %dma_wait3A_330 = tpu.memref_squeeze %dma_wait3A_329 : memref<1x10000x128xf32, #tpu.memory_space<hbm>> -> memref<10000x128xf32, #tpu.memory_space<hbm>>
        %dma_wait3A_331 = arith.constant 0 : i32
        %dma_wait3A_332 = arith.constant 0 : i32
        %dma_wait3A_333 = tpu.memref_slice %dma_wait3A_330[%dma_wait3A_331, %dma_wait3A_332] : memref<10000x128xf32, #tpu.memory_space<hbm>> -> memref<128x128xf32, #tpu.memory_space<hbm>>
        %dma_wait3A_334 = arith.constant 0 : i32
        %dma_wait3A_335 = arith.constant 0 : i32
        %dma_wait3A_336 = tpu.memref_slice %arg2[%while3A_95, %dma_wait3A_334, %dma_wait3A_335] : memref<4x10000x128xf32, #tpu.memory_space<hbm>> -> memref<1x10000x128xf32, #tpu.memory_space<hbm>>
        %dma_wait3A_337 = tpu.memref_squeeze %dma_wait3A_336 : memref<1x10000x128xf32, #tpu.memory_space<hbm>> -> memref<10000x128xf32, #tpu.memory_space<hbm>>
        %dma_wait3A_338 = arith.constant 0 : i32
        %dma_wait3A_339 = arith.constant 0 : i32
        %dma_wait3A_340 = tpu.memref_slice %dma_wait3A_337[%dma_wait3A_338, %dma_wait3A_339] : memref<10000x128xf32, #tpu.memory_space<hbm>> -> memref<128x128xf32, #tpu.memory_space<hbm>>
        tpu.wait_dma2 semaphore(%arg10 : memref<!tpu.dma_semaphore, #tpu.memory_space<semaphore_mem>>) src(%dma_wait3A_340 : memref<128x128xf32, #tpu.memory_space<hbm>>) dst(%arg8 : memref<128x128xf32, #tpu.memory_space<vmem>>)
        %dma_wait3A_341 = arith.constant 0 : i32
        %dma_wait3A_342 = arith.constant 0 : i32
        %dma_wait3A_343 = tpu.memref_slice %arg14[%dma_wait3A_341, %dma_wait3A_342] : memref<10000x128xf32, #tpu.memory_space<vmem_shared>> -> memref<128x128xf32, #tpu.memory_space<vmem_shared>>
        %dma_wait3A_344 = arith.constant 0 : i32
        %dma_wait3A_345 = arith.constant 0 : i32
        %dma_wait3A_346 = tpu.memref_slice %arg14[%dma_wait3A_344, %dma_wait3A_345] : memref<10000x128xf32, #tpu.memory_space<vmem_shared>> -> memref<128x128xf32, #tpu.memory_space<vmem_shared>>
        tpu.wait_dma2 semaphore(%arg13 : memref<!tpu.dma_semaphore, #tpu.memory_space<semaphore_mem>>) src(%arg9 : memref<128x128xf32, #tpu.memory_space<vmem>>) dst(%dma_wait3A_346 : memref<128x128xf32, #tpu.memory_space<vmem_shared>>)
        %add3A_347 = arith.constant 1 : i32
        %add3A_348 = arith.addi %add3A_326, %add3A_347 : i32
        %dma_start3A_349 = arith.constant 0 : i32
        %dma_start3A_350 = tpu.memref_slice %arg6[%add3A_348, %dma_start3A_349] : memref<40x128xi32, #tpu.memory_space<vmem>> -> memref<1x128xi32, #tpu.memory_space<vmem>>
        %dma_start3A_351 = tpu.memref_squeeze %dma_start3A_350 : memref<1x128xi32, #tpu.memory_space<vmem>> -> memref<128xi32, #tpu.memory_space<vmem>>
        %dma_start3A_352 = arith.constant 0 : i32
        %dma_start3A_353 = arith.constant 0 : i32
        %dma_start3A_354 = tpu.memref_slice %arg2[%while3A_95, %dma_start3A_352, %dma_start3A_353] : memref<4x10000x128xf32, #tpu.memory_space<hbm>> -> memref<1x10000x128xf32, #tpu.memory_space<hbm>>
        %dma_start3A_355 = tpu.memref_squeeze %dma_start3A_354 : memref<1x10000x128xf32, #tpu.memory_space<hbm>> -> memref<10000x128xf32, #tpu.memory_space<hbm>>
        %dma_start3A_356 = arith.constant 0 : i32
        %dma_start3A_357 = arith.constant 0 : i32
        %dma_start3A_358 = tpu.memref_slice %dma_start3A_355[%dma_start3A_356, %dma_start3A_357] : memref<10000x128xf32, #tpu.memory_space<hbm>> -> memref<10000x128xf32, #tpu.memory_space<hbm>>
        tpu.enqueue_indirect_dma source(%dma_start3A_358 : memref<10000x128xf32, #tpu.memory_space<hbm>>) target(%arg9 : memref<128x128xf32, #tpu.memory_space<vmem>>) offsets(%dma_start3A_351 : memref<128xi32, #tpu.memory_space<vmem>>) semaphore(%arg11 : memref<!tpu.dma_semaphore, #tpu.memory_space<semaphore_mem>>)
        %dma_start3A_359 = arith.constant 0 : i32
        %dma_start3A_360 = tpu.memref_slice %arg7[%add3A_326, %dma_start3A_359] : memref<40x128xi32, #tpu.memory_space<vmem>> -> memref<1x128xi32, #tpu.memory_space<vmem>>
        %dma_start3A_361 = tpu.memref_squeeze %dma_start3A_360 : memref<1x128xi32, #tpu.memory_space<vmem>> -> memref<128xi32, #tpu.memory_space<vmem>>
        %dma_start3A_362 = arith.constant 0 : i32
        %dma_start3A_363 = arith.constant 0 : i32
        %dma_start3A_364 = tpu.memref_slice %arg14[%dma_start3A_362, %dma_start3A_363] : memref<10000x128xf32, #tpu.memory_space<vmem_shared>> -> memref<10000x128xf32, #tpu.memory_space<vmem_shared>>
        tpu.enqueue_indirect_dma source(%arg8 : memref<128x128xf32, #tpu.memory_space<vmem>>) target(%dma_start3A_364 : memref<10000x128xf32, #tpu.memory_space<vmem_shared>>) offsets(%dma_start3A_361 : memref<128xi32, #tpu.memory_space<vmem>>) semaphore(%arg12 : memref<!tpu.dma_semaphore, #tpu.memory_space<semaphore_mem>>) {add = true}
      }
      %dma_wait3A_105 = arith.constant 0 : i32
      %dma_wait3A_106 = arith.constant 0 : i32
      %dma_wait3A_107 = arith.constant 0 : i32
      %dma_wait3A_108 = tpu.memref_slice %arg2[%dma_wait3A_105, %dma_wait3A_106, %dma_wait3A_107] : memref<4x10000x128xf32, #tpu.memory_space<hbm>> -> memref<1x10000x128xf32, #tpu.memory_space<hbm>>
      %dma_wait3A_109 = tpu.memref_squeeze %dma_wait3A_108 : memref<1x10000x128xf32, #tpu.memory_space<hbm>> -> memref<10000x128xf32, #tpu.memory_space<hbm>>
      %dma_wait3A_110 = arith.constant 0 : i32
      %dma_wait3A_111 = arith.constant 0 : i32
      %dma_wait3A_112 = tpu.memref_slice %dma_wait3A_109[%dma_wait3A_110, %dma_wait3A_111] : memref<10000x128xf32, #tpu.memory_space<hbm>> -> memref<128x128xf32, #tpu.memory_space<hbm>>
      %dma_wait3A_113 = arith.constant 0 : i32
      %dma_wait3A_114 = arith.constant 0 : i32
      %dma_wait3A_115 = tpu.memref_slice %arg2[%dma_wait3A_105, %dma_wait3A_113, %dma_wait3A_114] : memref<4x10000x128xf32, #tpu.memory_space<hbm>> -> memref<1x10000x128xf32, #tpu.memory_space<hbm>>
      %dma_wait3A_116 = tpu.memref_squeeze %dma_wait3A_115 : memref<1x10000x128xf32, #tpu.memory_space<hbm>> -> memref<10000x128xf32, #tpu.memory_space<hbm>>
      %dma_wait3A_117 = arith.constant 0 : i32
      %dma_wait3A_118 = arith.constant 0 : i32
      %dma_wait3A_119 = tpu.memref_slice %dma_wait3A_116[%dma_wait3A_117, %dma_wait3A_118] : memref<10000x128xf32, #tpu.memory_space<hbm>> -> memref<128x128xf32, #tpu.memory_space<hbm>>
      tpu.wait_dma2 semaphore(%arg11 : memref<!tpu.dma_semaphore, #tpu.memory_space<semaphore_mem>>) src(%dma_wait3A_119 : memref<128x128xf32, #tpu.memory_space<hbm>>) dst(%arg9 : memref<128x128xf32, #tpu.memory_space<vmem>>)
      %sub3A_120 = arith.constant 1 : i32
      %sub3A_121 = arith.subi %min3A, %sub3A_120 : i32
      %dma_start3A_122 = arith.constant 0 : i32
      %dma_start3A_123 = tpu.memref_slice %arg7[%sub3A_121, %dma_start3A_122] : memref<40x128xi32, #tpu.memory_space<vmem>> -> memref<1x128xi32, #tpu.memory_space<vmem>>
      %dma_start3A_124 = tpu.memref_squeeze %dma_start3A_123 : memref<1x128xi32, #tpu.memory_space<vmem>> -> memref<128xi32, #tpu.memory_space<vmem>>
      %dma_start3A_125 = arith.constant 0 : i32
      %dma_start3A_126 = arith.constant 0 : i32
      %dma_start3A_127 = tpu.memref_slice %arg14[%dma_start3A_125, %dma_start3A_126] : memref<10000x128xf32, #tpu.memory_space<vmem_shared>> -> memref<10000x128xf32, #tpu.memory_space<vmem_shared>>
      tpu.enqueue_indirect_dma source(%arg9 : memref<128x128xf32, #tpu.memory_space<vmem>>) target(%dma_start3A_127 : memref<10000x128xf32, #tpu.memory_space<vmem_shared>>) offsets(%dma_start3A_124 : memref<128xi32, #tpu.memory_space<vmem>>) semaphore(%arg13 : memref<!tpu.dma_semaphore, #tpu.memory_space<semaphore_mem>>) {add = true}
      %dma_wait3A_128 = arith.constant 0 : i32
      %dma_wait3A_129 = arith.constant 0 : i32
      %dma_wait3A_130 = tpu.memref_slice %arg14[%dma_wait3A_128, %dma_wait3A_129] : memref<10000x128xf32, #tpu.memory_space<vmem_shared>> -> memref<128x128xf32, #tpu.memory_space<vmem_shared>>
      %dma_wait3A_131 = arith.constant 0 : i32
      %dma_wait3A_132 = arith.constant 0 : i32
      %dma_wait3A_133 = tpu.memref_slice %arg14[%dma_wait3A_131, %dma_wait3A_132] : memref<10000x128xf32, #tpu.memory_space<vmem_shared>> -> memref<128x128xf32, #tpu.memory_space<vmem_shared>>
      tpu.wait_dma2 semaphore(%arg12 : memref<!tpu.dma_semaphore, #tpu.memory_space<semaphore_mem>>) src(%arg8 : memref<128x128xf32, #tpu.memory_space<vmem>>) dst(%dma_wait3A_133 : memref<128x128xf32, #tpu.memory_space<vmem_shared>>)
      %dma_wait3A_134 = arith.constant 0 : i32
      %dma_wait3A_135 = arith.constant 0 : i32
      %dma_wait3A_136 = tpu.memref_slice %arg14[%dma_wait3A_134, %dma_wait3A_135] : memref<10000x128xf32, #tpu.memory_space<vmem_shared>> -> memref<128x128xf32, #tpu.memory_space<vmem_shared>>
      %dma_wait3A_137 = arith.constant 0 : i32
      %dma_wait3A_138 = arith.constant 0 : i32
      %dma_wait3A_139 = tpu.memref_slice %arg14[%dma_wait3A_137, %dma_wait3A_138] : memref<10000x128xf32, #tpu.memory_space<vmem_shared>> -> memref<128x128xf32, #tpu.memory_space<vmem_shared>>
      tpu.wait_dma2 semaphore(%arg13 : memref<!tpu.dma_semaphore, #tpu.memory_space<semaphore_mem>>) src(%arg9 : memref<128x128xf32, #tpu.memory_space<vmem>>) dst(%dma_wait3A_139 : memref<128x128xf32, #tpu.memory_space<vmem_shared>>)
      %mul3A_140 = arith.constant 80 : i32
      %mul3A_141 = arith.muli %arg1, %mul3A_140 : i32
      %add3A_142 = arith.constant 40 : i32
      %add3A_143 = arith.addi %mul3A_141, %add3A_142 : i32
      "tpu.region"() ({
        %run_scoped3A_280 = tpu.sem_alloc : memref<!tpu.dma_semaphore, #tpu.memory_space<semaphore_mem>>
        %dma_start3A_281 = arith.constant 0 : i32
        %dma_start3A_282 = tpu.memref_slice %arg3[%add3A_143, %dma_start3A_281] : memref<1280x128xi32, #tpu.memory_space<hbm>> -> memref<40x128xi32, #tpu.memory_space<hbm>>
        %dma_start3A_283 = arith.constant 0 : i32
        %dma_start3A_284 = tpu.memref_slice %arg3[%add3A_143, %dma_start3A_283] : memref<1280x128xi32, #tpu.memory_space<hbm>> -> memref<40x128xi32, #tpu.memory_space<hbm>>
        tpu.enqueue_dma source(%dma_start3A_284 : memref<40x128xi32, #tpu.memory_space<hbm>>) target(%arg6 : memref<40x128xi32, #tpu.memory_space<vmem>>) target_semaphore(%run_scoped3A_280 : memref<!tpu.dma_semaphore, #tpu.memory_space<semaphore_mem>>)
        %dma_wait3A_285 = arith.constant 0 : i32
        %dma_wait3A_286 = tpu.memref_slice %arg3[%add3A_143, %dma_wait3A_285] : memref<1280x128xi32, #tpu.memory_space<hbm>> -> memref<40x128xi32, #tpu.memory_space<hbm>>
        %dma_wait3A_287 = arith.constant 0 : i32
        %dma_wait3A_288 = tpu.memref_slice %arg3[%add3A_143, %dma_wait3A_287] : memref<1280x128xi32, #tpu.memory_space<hbm>> -> memref<40x128xi32, #tpu.memory_space<hbm>>
        tpu.wait_dma2 semaphore(%run_scoped3A_280 : memref<!tpu.dma_semaphore, #tpu.memory_space<semaphore_mem>>) src(%dma_wait3A_288 : memref<40x128xi32, #tpu.memory_space<hbm>>) dst(%arg6 : memref<40x128xi32, #tpu.memory_space<vmem>>)
        tpu.yield
      }) : () -> ()
      "tpu.region"() ({
        %run_scoped3A_280 = tpu.sem_alloc : memref<!tpu.dma_semaphore, #tpu.memory_space<semaphore_mem>>
        %dma_start3A_281 = arith.constant 0 : i32
        %dma_start3A_282 = tpu.memref_slice %arg4[%add3A_143, %dma_start3A_281] : memref<1280x128xi32, #tpu.memory_space<hbm>> -> memref<40x128xi32, #tpu.memory_space<hbm>>
        %dma_start3A_283 = arith.constant 0 : i32
        %dma_start3A_284 = tpu.memref_slice %arg4[%add3A_143, %dma_start3A_283] : memref<1280x128xi32, #tpu.memory_space<hbm>> -> memref<40x128xi32, #tpu.memory_space<hbm>>
        tpu.enqueue_dma source(%dma_start3A_284 : memref<40x128xi32, #tpu.memory_space<hbm>>) target(%arg7 : memref<40x128xi32, #tpu.memory_space<vmem>>) target_semaphore(%run_scoped3A_280 : memref<!tpu.dma_semaphore, #tpu.memory_space<semaphore_mem>>)
        %dma_wait3A_285 = arith.constant 0 : i32
        %dma_wait3A_286 = tpu.memref_slice %arg4[%add3A_143, %dma_wait3A_285] : memref<1280x128xi32, #tpu.memory_space<hbm>> -> memref<40x128xi32, #tpu.memory_space<hbm>>
        %dma_wait3A_287 = arith.constant 0 : i32
        %dma_wait3A_288 = tpu.memref_slice %arg4[%add3A_143, %dma_wait3A_287] : memref<1280x128xi32, #tpu.memory_space<hbm>> -> memref<40x128xi32, #tpu.memory_space<hbm>>
        tpu.wait_dma2 semaphore(%run_scoped3A_280 : memref<!tpu.dma_semaphore, #tpu.memory_space<semaphore_mem>>) src(%dma_wait3A_288 : memref<40x128xi32, #tpu.memory_space<hbm>>) dst(%arg7 : memref<40x128xi32, #tpu.memory_space<vmem>>)
        tpu.yield
      }) : () -> ()
      %sub3A_144 = arith.constant 1250 : i32
      %sub3A_145 = arith.subi %sub3A_144, %add3A_143 : i32
      %jit3A_146 = arith.constant 0 : i32
      %jit3A_147 = arith.constant 40 : i32
      %max3A_148 = arith.maxsi %jit3A_146, %sub3A_145 : i32
      %min3A_149 = arith.minsi %jit3A_147, %max3A_148 : i32
      %dma_start3A_150 = arith.constant 0 : i32
      %dma_start3A_151 = arith.constant 0 : i32
      %dma_start3A_152 = arith.constant 0 : i32
      %dma_start3A_153 = tpu.memref_slice %arg6[%dma_start3A_151, %dma_start3A_152] : memref<40x128xi32, #tpu.memory_space<vmem>> -> memref<1x128xi32, #tpu.memory_space<vmem>>
      %dma_start3A_154 = tpu.memref_squeeze %dma_start3A_153 : memref<1x128xi32, #tpu.memory_space<vmem>> -> memref<128xi32, #tpu.memory_space<vmem>>
      %dma_start3A_155 = arith.constant 0 : i32
      %dma_start3A_156 = arith.constant 0 : i32
      %dma_start3A_157 = tpu.memref_slice %arg2[%dma_start3A_150, %dma_start3A_155, %dma_start3A_156] : memref<4x10000x128xf32, #tpu.memory_space<hbm>> -> memref<1x10000x128xf32, #tpu.memory_space<hbm>>
      %dma_start3A_158 = tpu.memref_squeeze %dma_start3A_157 : memref<1x10000x128xf32, #tpu.memory_space<hbm>> -> memref<10000x128xf32, #tpu.memory_space<hbm>>
      %dma_start3A_159 = arith.constant 0 : i32
      %dma_start3A_160 = arith.constant 0 : i32
      %dma_start3A_161 = tpu.memref_slice %dma_start3A_158[%dma_start3A_159, %dma_start3A_160] : memref<10000x128xf32, #tpu.memory_space<hbm>> -> memref<10000x128xf32, #tpu.memory_space<hbm>>
      tpu.enqueue_indirect_dma source(%dma_start3A_161 : memref<10000x128xf32, #tpu.memory_space<hbm>>) target(%arg8 : memref<128x128xf32, #tpu.memory_space<vmem>>) offsets(%dma_start3A_154 : memref<128xi32, #tpu.memory_space<vmem>>) semaphore(%arg10 : memref<!tpu.dma_semaphore, #tpu.memory_space<semaphore_mem>>)
      %dma_wait3A_162 = arith.constant 0 : i32
      %dma_wait3A_163 = arith.constant 0 : i32
      %dma_wait3A_164 = arith.constant 0 : i32
      %dma_wait3A_165 = tpu.memref_slice %arg2[%dma_wait3A_162, %dma_wait3A_163, %dma_wait3A_164] : memref<4x10000x128xf32, #tpu.memory_space<hbm>> -> memref<1x10000x128xf32, #tpu.memory_space<hbm>>
      %dma_wait3A_166 = tpu.memref_squeeze %dma_wait3A_165 : memref<1x10000x128xf32, #tpu.memory_space<hbm>> -> memref<10000x128xf32, #tpu.memory_space<hbm>>
      %dma_wait3A_167 = arith.constant 0 : i32
      %dma_wait3A_168 = arith.constant 0 : i32
      %dma_wait3A_169 = tpu.memref_slice %dma_wait3A_166[%dma_wait3A_167, %dma_wait3A_168] : memref<10000x128xf32, #tpu.memory_space<hbm>> -> memref<128x128xf32, #tpu.memory_space<hbm>>
      %dma_wait3A_170 = arith.constant 0 : i32
      %dma_wait3A_171 = arith.constant 0 : i32
      %dma_wait3A_172 = tpu.memref_slice %arg2[%dma_wait3A_162, %dma_wait3A_170, %dma_wait3A_171] : memref<4x10000x128xf32, #tpu.memory_space<hbm>> -> memref<1x10000x128xf32, #tpu.memory_space<hbm>>
      %dma_wait3A_173 = tpu.memref_squeeze %dma_wait3A_172 : memref<1x10000x128xf32, #tpu.memory_space<hbm>> -> memref<10000x128xf32, #tpu.memory_space<hbm>>
      %dma_wait3A_174 = arith.constant 0 : i32
      %dma_wait3A_175 = arith.constant 0 : i32
      %dma_wait3A_176 = tpu.memref_slice %dma_wait3A_173[%dma_wait3A_174, %dma_wait3A_175] : memref<10000x128xf32, #tpu.memory_space<hbm>> -> memref<128x128xf32, #tpu.memory_space<hbm>>
      tpu.wait_dma2 semaphore(%arg10 : memref<!tpu.dma_semaphore, #tpu.memory_space<semaphore_mem>>) src(%dma_wait3A_176 : memref<128x128xf32, #tpu.memory_space<hbm>>) dst(%arg8 : memref<128x128xf32, #tpu.memory_space<vmem>>)
      %dma_start3A_177 = arith.constant 0 : i32
      %dma_start3A_178 = arith.constant 0 : i32
      %dma_start3A_179 = tpu.memref_slice %arg7[%dma_start3A_177, %dma_start3A_178] : memref<40x128xi32, #tpu.memory_space<vmem>> -> memref<1x128xi32, #tpu.memory_space<vmem>>
      %dma_start3A_180 = tpu.memref_squeeze %dma_start3A_179 : memref<1x128xi32, #tpu.memory_space<vmem>> -> memref<128xi32, #tpu.memory_space<vmem>>
      %dma_start3A_181 = arith.constant 0 : i32
      %dma_start3A_182 = arith.constant 0 : i32
      %dma_start3A_183 = tpu.memref_slice %arg14[%dma_start3A_181, %dma_start3A_182] : memref<10000x128xf32, #tpu.memory_space<vmem_shared>> -> memref<10000x128xf32, #tpu.memory_space<vmem_shared>>
      tpu.enqueue_indirect_dma source(%arg8 : memref<128x128xf32, #tpu.memory_space<vmem>>) target(%dma_start3A_183 : memref<10000x128xf32, #tpu.memory_space<vmem_shared>>) offsets(%dma_start3A_180 : memref<128xi32, #tpu.memory_space<vmem>>) semaphore(%arg12 : memref<!tpu.dma_semaphore, #tpu.memory_space<semaphore_mem>>) {add = true}
      %dma_start3A_184 = arith.constant 0 : i32
      %dma_start3A_185 = arith.constant 1 : i32
      %dma_start3A_186 = arith.constant 0 : i32
      %dma_start3A_187 = tpu.memref_slice %arg6[%dma_start3A_185, %dma_start3A_186] : memref<40x128xi32, #tpu.memory_space<vmem>> -> memref<1x128xi32, #tpu.memory_space<vmem>>
      %dma_start3A_188 = tpu.memref_squeeze %dma_start3A_187 : memref<1x128xi32, #tpu.memory_space<vmem>> -> memref<128xi32, #tpu.memory_space<vmem>>
      %dma_start3A_189 = arith.constant 0 : i32
      %dma_start3A_190 = arith.constant 0 : i32
      %dma_start3A_191 = tpu.memref_slice %arg2[%dma_start3A_184, %dma_start3A_189, %dma_start3A_190] : memref<4x10000x128xf32, #tpu.memory_space<hbm>> -> memref<1x10000x128xf32, #tpu.memory_space<hbm>>
      %dma_start3A_192 = tpu.memref_squeeze %dma_start3A_191 : memref<1x10000x128xf32, #tpu.memory_space<hbm>> -> memref<10000x128xf32, #tpu.memory_space<hbm>>
      %dma_start3A_193 = arith.constant 0 : i32
      %dma_start3A_194 = arith.constant 0 : i32
      %dma_start3A_195 = tpu.memref_slice %dma_start3A_192[%dma_start3A_193, %dma_start3A_194] : memref<10000x128xf32, #tpu.memory_space<hbm>> -> memref<10000x128xf32, #tpu.memory_space<hbm>>
      tpu.enqueue_indirect_dma source(%dma_start3A_195 : memref<10000x128xf32, #tpu.memory_space<hbm>>) target(%arg9 : memref<128x128xf32, #tpu.memory_space<vmem>>) offsets(%dma_start3A_188 : memref<128xi32, #tpu.memory_space<vmem>>) semaphore(%arg11 : memref<!tpu.dma_semaphore, #tpu.memory_space<semaphore_mem>>)
      %sub3A_196 = arith.constant 2 : i32
      %sub3A_197 = arith.subi %min3A_149, %sub3A_196 : i32
      %jit3A_198 = arith.constant 2 : i32
      %div3A_199 = arith.divsi %sub3A_197, %jit3A_198 : i32
      %sign3A_200 = arith.constant 0 : i32
      %sign3A_201 = arith.cmpi sgt, %sub3A_197, %sign3A_200 : i32
      %sign3A_202 = arith.extui %sign3A_201 : i1 to i32
      %sign3A_203 = arith.constant 0 : i32
      %sign3A_204 = arith.cmpi slt, %sub3A_197, %sign3A_203 : i32
      %sign3A_205 = arith.extui %sign3A_204 : i1 to i32
      %sign3A_206 = arith.subi %sign3A_202, %sign3A_205 : i32
      %sign3A_207 = arith.constant 0 : i32
      %sign3A_208 = arith.cmpi sgt, %jit3A_198, %sign3A_207 : i32
      %sign3A_209 = arith.extui %sign3A_208 : i1 to i32
      %sign3A_210 = arith.constant 0 : i32
      %sign3A_211 = arith.cmpi slt, %jit3A_198, %sign3A_210 : i32
      %sign3A_212 = arith.extui %sign3A_211 : i1 to i32
      %sign3A_213 = arith.subi %sign3A_209, %sign3A_212 : i32
      %ne3A_214 = arith.cmpi ne, %sign3A_206, %sign3A_213 : i32
      %rem3A_215 = arith.remsi %sub3A_197, %jit3A_198 : i32
      %ne3A_216 = arith.constant 0 : i32
      %ne3A_217 = arith.cmpi ne, %rem3A_215, %ne3A_216 : i32
      %and3A_218 = arith.andi %ne3A_214, %ne3A_217 : i1
      %sub3A_219 = arith.constant 1 : i32
      %sub3A_220 = arith.subi %div3A_199, %sub3A_219 : i32
      %select_n3A_221 = arith.select %and3A_218, %sub3A_220, %div3A_199 : i32
      %while3A_222 = arith.constant 0 : i32
      %while3A_223 = arith.constant 0 : i32
      %while3A_224 = arith.constant 0 : i32
      %while3A_225 = arith.subi %select_n3A_221, %while3A_224 : i32
      %while3A_226 = arith.addi %while3A_224, %while3A_225 : i32
      %while3A_227 = arith.constant 1 : i32
      %while3A_228 = arith.divsi %while3A_225, %while3A_227 : i32
      %while3A_229 = arith.muli %while3A_228, %while3A_227 : i32
      %while3A_230 = arith.addi %while3A_224, %while3A_229 : i32
      %while3A_231 = arith.constant 1 : i32
      scf.for %while3A_280 = %while3A_224 to %while3A_230 step %while3A_231  : i32 {
        %mul3A_281 = arith.constant 2 : i32
        %mul3A_282 = arith.muli %mul3A_281, %while3A_280 : i32
        %add3A_283 = arith.constant 1 : i32
        %add3A_284 = arith.addi %mul3A_282, %add3A_283 : i32
        %dma_wait3A_285 = arith.constant 0 : i32
        %dma_wait3A_286 = arith.constant 0 : i32
        %dma_wait3A_287 = tpu.memref_slice %arg2[%while3A_223, %dma_wait3A_285, %dma_wait3A_286] : memref<4x10000x128xf32, #tpu.memory_space<hbm>> -> memref<1x10000x128xf32, #tpu.memory_space<hbm>>
        %dma_wait3A_288 = tpu.memref_squeeze %dma_wait3A_287 : memref<1x10000x128xf32, #tpu.memory_space<hbm>> -> memref<10000x128xf32, #tpu.memory_space<hbm>>
        %dma_wait3A_289 = arith.constant 0 : i32
        %dma_wait3A_290 = arith.constant 0 : i32
        %dma_wait3A_291 = tpu.memref_slice %dma_wait3A_288[%dma_wait3A_289, %dma_wait3A_290] : memref<10000x128xf32, #tpu.memory_space<hbm>> -> memref<128x128xf32, #tpu.memory_space<hbm>>
        %dma_wait3A_292 = arith.constant 0 : i32
        %dma_wait3A_293 = arith.constant 0 : i32
        %dma_wait3A_294 = tpu.memref_slice %arg2[%while3A_223, %dma_wait3A_292, %dma_wait3A_293] : memref<4x10000x128xf32, #tpu.memory_space<hbm>> -> memref<1x10000x128xf32, #tpu.memory_space<hbm>>
        %dma_wait3A_295 = tpu.memref_squeeze %dma_wait3A_294 : memref<1x10000x128xf32, #tpu.memory_space<hbm>> -> memref<10000x128xf32, #tpu.memory_space<hbm>>
        %dma_wait3A_296 = arith.constant 0 : i32
        %dma_wait3A_297 = arith.constant 0 : i32
        %dma_wait3A_298 = tpu.memref_slice %dma_wait3A_295[%dma_wait3A_296, %dma_wait3A_297] : memref<10000x128xf32, #tpu.memory_space<hbm>> -> memref<128x128xf32, #tpu.memory_space<hbm>>
        tpu.wait_dma2 semaphore(%arg11 : memref<!tpu.dma_semaphore, #tpu.memory_space<semaphore_mem>>) src(%dma_wait3A_298 : memref<128x128xf32, #tpu.memory_space<hbm>>) dst(%arg9 : memref<128x128xf32, #tpu.memory_space<vmem>>)
        %dma_wait3A_299 = arith.constant 0 : i32
        %dma_wait3A_300 = arith.constant 0 : i32
        %dma_wait3A_301 = tpu.memref_slice %arg14[%dma_wait3A_299, %dma_wait3A_300] : memref<10000x128xf32, #tpu.memory_space<vmem_shared>> -> memref<128x128xf32, #tpu.memory_space<vmem_shared>>
        %dma_wait3A_302 = arith.constant 0 : i32
        %dma_wait3A_303 = arith.constant 0 : i32
        %dma_wait3A_304 = tpu.memref_slice %arg14[%dma_wait3A_302, %dma_wait3A_303] : memref<10000x128xf32, #tpu.memory_space<vmem_shared>> -> memref<128x128xf32, #tpu.memory_space<vmem_shared>>
        tpu.wait_dma2 semaphore(%arg12 : memref<!tpu.dma_semaphore, #tpu.memory_space<semaphore_mem>>) src(%arg8 : memref<128x128xf32, #tpu.memory_space<vmem>>) dst(%dma_wait3A_304 : memref<128x128xf32, #tpu.memory_space<vmem_shared>>)
        %add3A_305 = arith.constant 1 : i32
        %add3A_306 = arith.addi %add3A_284, %add3A_305 : i32
        %dma_start3A_307 = arith.constant 0 : i32
        %dma_start3A_308 = tpu.memref_slice %arg6[%add3A_306, %dma_start3A_307] : memref<40x128xi32, #tpu.memory_space<vmem>> -> memref<1x128xi32, #tpu.memory_space<vmem>>
        %dma_start3A_309 = tpu.memref_squeeze %dma_start3A_308 : memref<1x128xi32, #tpu.memory_space<vmem>> -> memref<128xi32, #tpu.memory_space<vmem>>
        %dma_start3A_310 = arith.constant 0 : i32
        %dma_start3A_311 = arith.constant 0 : i32
        %dma_start3A_312 = tpu.memref_slice %arg2[%while3A_223, %dma_start3A_310, %dma_start3A_311] : memref<4x10000x128xf32, #tpu.memory_space<hbm>> -> memref<1x10000x128xf32, #tpu.memory_space<hbm>>
        %dma_start3A_313 = tpu.memref_squeeze %dma_start3A_312 : memref<1x10000x128xf32, #tpu.memory_space<hbm>> -> memref<10000x128xf32, #tpu.memory_space<hbm>>
        %dma_start3A_314 = arith.constant 0 : i32
        %dma_start3A_315 = arith.constant 0 : i32
        %dma_start3A_316 = tpu.memref_slice %dma_start3A_313[%dma_start3A_314, %dma_start3A_315] : memref<10000x128xf32, #tpu.memory_space<hbm>> -> memref<10000x128xf32, #tpu.memory_space<hbm>>
        tpu.enqueue_indirect_dma source(%dma_start3A_316 : memref<10000x128xf32, #tpu.memory_space<hbm>>) target(%arg8 : memref<128x128xf32, #tpu.memory_space<vmem>>) offsets(%dma_start3A_309 : memref<128xi32, #tpu.memory_space<vmem>>) semaphore(%arg10 : memref<!tpu.dma_semaphore, #tpu.memory_space<semaphore_mem>>)
        %dma_start3A_317 = arith.constant 0 : i32
        %dma_start3A_318 = tpu.memref_slice %arg7[%add3A_284, %dma_start3A_317] : memref<40x128xi32, #tpu.memory_space<vmem>> -> memref<1x128xi32, #tpu.memory_space<vmem>>
        %dma_start3A_319 = tpu.memref_squeeze %dma_start3A_318 : memref<1x128xi32, #tpu.memory_space<vmem>> -> memref<128xi32, #tpu.memory_space<vmem>>
        %dma_start3A_320 = arith.constant 0 : i32
        %dma_start3A_321 = arith.constant 0 : i32
        %dma_start3A_322 = tpu.memref_slice %arg14[%dma_start3A_320, %dma_start3A_321] : memref<10000x128xf32, #tpu.memory_space<vmem_shared>> -> memref<10000x128xf32, #tpu.memory_space<vmem_shared>>
        tpu.enqueue_indirect_dma source(%arg9 : memref<128x128xf32, #tpu.memory_space<vmem>>) target(%dma_start3A_322 : memref<10000x128xf32, #tpu.memory_space<vmem_shared>>) offsets(%dma_start3A_319 : memref<128xi32, #tpu.memory_space<vmem>>) semaphore(%arg13 : memref<!tpu.dma_semaphore, #tpu.memory_space<semaphore_mem>>) {add = true}
        %mul3A_323 = arith.constant 2 : i32
        %mul3A_324 = arith.muli %mul3A_323, %while3A_280 : i32
        %add3A_325 = arith.constant 2 : i32
        %add3A_326 = arith.addi %mul3A_324, %add3A_325 : i32
        %dma_wait3A_327 = arith.constant 0 : i32
        %dma_wait3A_328 = arith.constant 0 : i32
        %dma_wait3A_329 = tpu.memref_slice %arg2[%while3A_223, %dma_wait3A_327, %dma_wait3A_328] : memref<4x10000x128xf32, #tpu.memory_space<hbm>> -> memref<1x10000x128xf32, #tpu.memory_space<hbm>>
        %dma_wait3A_330 = tpu.memref_squeeze %dma_wait3A_329 : memref<1x10000x128xf32, #tpu.memory_space<hbm>> -> memref<10000x128xf32, #tpu.memory_space<hbm>>
        %dma_wait3A_331 = arith.constant 0 : i32
        %dma_wait3A_332 = arith.constant 0 : i32
        %dma_wait3A_333 = tpu.memref_slice %dma_wait3A_330[%dma_wait3A_331, %dma_wait3A_332] : memref<10000x128xf32, #tpu.memory_space<hbm>> -> memref<128x128xf32, #tpu.memory_space<hbm>>
        %dma_wait3A_334 = arith.constant 0 : i32
        %dma_wait3A_335 = arith.constant 0 : i32
        %dma_wait3A_336 = tpu.memref_slice %arg2[%while3A_223, %dma_wait3A_334, %dma_wait3A_335] : memref<4x10000x128xf32, #tpu.memory_space<hbm>> -> memref<1x10000x128xf32, #tpu.memory_space<hbm>>
        %dma_wait3A_337 = tpu.memref_squeeze %dma_wait3A_336 : memref<1x10000x128xf32, #tpu.memory_space<hbm>> -> memref<10000x128xf32, #tpu.memory_space<hbm>>
        %dma_wait3A_338 = arith.constant 0 : i32
        %dma_wait3A_339 = arith.constant 0 : i32
        %dma_wait3A_340 = tpu.memref_slice %dma_wait3A_337[%dma_wait3A_338, %dma_wait3A_339] : memref<10000x128xf32, #tpu.memory_space<hbm>> -> memref<128x128xf32, #tpu.memory_space<hbm>>
        tpu.wait_dma2 semaphore(%arg10 : memref<!tpu.dma_semaphore, #tpu.memory_space<semaphore_mem>>) src(%dma_wait3A_340 : memref<128x128xf32, #tpu.memory_space<hbm>>) dst(%arg8 : memref<128x128xf32, #tpu.memory_space<vmem>>)
        %dma_wait3A_341 = arith.constant 0 : i32
        %dma_wait3A_342 = arith.constant 0 : i32
        %dma_wait3A_343 = tpu.memref_slice %arg14[%dma_wait3A_341, %dma_wait3A_342] : memref<10000x128xf32, #tpu.memory_space<vmem_shared>> -> memref<128x128xf32, #tpu.memory_space<vmem_shared>>
        %dma_wait3A_344 = arith.constant 0 : i32
        %dma_wait3A_345 = arith.constant 0 : i32
        %dma_wait3A_346 = tpu.memref_slice %arg14[%dma_wait3A_344, %dma_wait3A_345] : memref<10000x128xf32, #tpu.memory_space<vmem_shared>> -> memref<128x128xf32, #tpu.memory_space<vmem_shared>>
        tpu.wait_dma2 semaphore(%arg13 : memref<!tpu.dma_semaphore, #tpu.memory_space<semaphore_mem>>) src(%arg9 : memref<128x128xf32, #tpu.memory_space<vmem>>) dst(%dma_wait3A_346 : memref<128x128xf32, #tpu.memory_space<vmem_shared>>)
        %add3A_347 = arith.constant 1 : i32
        %add3A_348 = arith.addi %add3A_326, %add3A_347 : i32
        %dma_start3A_349 = arith.constant 0 : i32
        %dma_start3A_350 = tpu.memref_slice %arg6[%add3A_348, %dma_start3A_349] : memref<40x128xi32, #tpu.memory_space<vmem>> -> memref<1x128xi32, #tpu.memory_space<vmem>>
        %dma_start3A_351 = tpu.memref_squeeze %dma_start3A_350 : memref<1x128xi32, #tpu.memory_space<vmem>> -> memref<128xi32, #tpu.memory_space<vmem>>
        %dma_start3A_352 = arith.constant 0 : i32
        %dma_start3A_353 = arith.constant 0 : i32
        %dma_start3A_354 = tpu.memref_slice %arg2[%while3A_223, %dma_start3A_352, %dma_start3A_353] : memref<4x10000x128xf32, #tpu.memory_space<hbm>> -> memref<1x10000x128xf32, #tpu.memory_space<hbm>>
        %dma_start3A_355 = tpu.memref_squeeze %dma_start3A_354 : memref<1x10000x128xf32, #tpu.memory_space<hbm>> -> memref<10000x128xf32, #tpu.memory_space<hbm>>
        %dma_start3A_356 = arith.constant 0 : i32
        %dma_start3A_357 = arith.constant 0 : i32
        %dma_start3A_358 = tpu.memref_slice %dma_start3A_355[%dma_start3A_356, %dma_start3A_357] : memref<10000x128xf32, #tpu.memory_space<hbm>> -> memref<10000x128xf32, #tpu.memory_space<hbm>>
        tpu.enqueue_indirect_dma source(%dma_start3A_358 : memref<10000x128xf32, #tpu.memory_space<hbm>>) target(%arg9 : memref<128x128xf32, #tpu.memory_space<vmem>>) offsets(%dma_start3A_351 : memref<128xi32, #tpu.memory_space<vmem>>) semaphore(%arg11 : memref<!tpu.dma_semaphore, #tpu.memory_space<semaphore_mem>>)
        %dma_start3A_359 = arith.constant 0 : i32
        %dma_start3A_360 = tpu.memref_slice %arg7[%add3A_326, %dma_start3A_359] : memref<40x128xi32, #tpu.memory_space<vmem>> -> memref<1x128xi32, #tpu.memory_space<vmem>>
        %dma_start3A_361 = tpu.memref_squeeze %dma_start3A_360 : memref<1x128xi32, #tpu.memory_space<vmem>> -> memref<128xi32, #tpu.memory_space<vmem>>
        %dma_start3A_362 = arith.constant 0 : i32
        %dma_start3A_363 = arith.constant 0 : i32
        %dma_start3A_364 = tpu.memref_slice %arg14[%dma_start3A_362, %dma_start3A_363] : memref<10000x128xf32, #tpu.memory_space<vmem_shared>> -> memref<10000x128xf32, #tpu.memory_space<vmem_shared>>
        tpu.enqueue_indirect_dma source(%arg8 : memref<128x128xf32, #tpu.memory_space<vmem>>) target(%dma_start3A_364 : memref<10000x128xf32, #tpu.memory_space<vmem_shared>>) offsets(%dma_start3A_361 : memref<128xi32, #tpu.memory_space<vmem>>) semaphore(%arg12 : memref<!tpu.dma_semaphore, #tpu.memory_space<semaphore_mem>>) {add = true}
      }
      %while3A_232 = arith.constant 1 : i32
      scf.for %while3A_280 = %while3A_230 to %while3A_226 step %while3A_232  : i32 {
        %mul3A_281 = arith.constant 2 : i32
        %mul3A_282 = arith.muli %mul3A_281, %while3A_280 : i32
        %add3A_283 = arith.constant 1 : i32
        %add3A_284 = arith.addi %mul3A_282, %add3A_283 : i32
        %dma_wait3A_285 = arith.constant 0 : i32
        %dma_wait3A_286 = arith.constant 0 : i32
        %dma_wait3A_287 = tpu.memref_slice %arg2[%while3A_223, %dma_wait3A_285, %dma_wait3A_286] : memref<4x10000x128xf32, #tpu.memory_space<hbm>> -> memref<1x10000x128xf32, #tpu.memory_space<hbm>>
        %dma_wait3A_288 = tpu.memref_squeeze %dma_wait3A_287 : memref<1x10000x128xf32, #tpu.memory_space<hbm>> -> memref<10000x128xf32, #tpu.memory_space<hbm>>
        %dma_wait3A_289 = arith.constant 0 : i32
        %dma_wait3A_290 = arith.constant 0 : i32
        %dma_wait3A_291 = tpu.memref_slice %dma_wait3A_288[%dma_wait3A_289, %dma_wait3A_290] : memref<10000x128xf32, #tpu.memory_space<hbm>> -> memref<128x128xf32, #tpu.memory_space<hbm>>
        %dma_wait3A_292 = arith.constant 0 : i32
        %dma_wait3A_293 = arith.constant 0 : i32
        %dma_wait3A_294 = tpu.memref_slice %arg2[%while3A_223, %dma_wait3A_292, %dma_wait3A_293] : memref<4x10000x128xf32, #tpu.memory_space<hbm>> -> memref<1x10000x128xf32, #tpu.memory_space<hbm>>
        %dma_wait3A_295 = tpu.memref_squeeze %dma_wait3A_294 : memref<1x10000x128xf32, #tpu.memory_space<hbm>> -> memref<10000x128xf32, #tpu.memory_space<hbm>>
        %dma_wait3A_296 = arith.constant 0 : i32
        %dma_wait3A_297 = arith.constant 0 : i32
        %dma_wait3A_298 = tpu.memref_slice %dma_wait3A_295[%dma_wait3A_296, %dma_wait3A_297] : memref<10000x128xf32, #tpu.memory_space<hbm>> -> memref<128x128xf32, #tpu.memory_space<hbm>>
        tpu.wait_dma2 semaphore(%arg11 : memref<!tpu.dma_semaphore, #tpu.memory_space<semaphore_mem>>) src(%dma_wait3A_298 : memref<128x128xf32, #tpu.memory_space<hbm>>) dst(%arg9 : memref<128x128xf32, #tpu.memory_space<vmem>>)
        %dma_wait3A_299 = arith.constant 0 : i32
        %dma_wait3A_300 = arith.constant 0 : i32
        %dma_wait3A_301 = tpu.memref_slice %arg14[%dma_wait3A_299, %dma_wait3A_300] : memref<10000x128xf32, #tpu.memory_space<vmem_shared>> -> memref<128x128xf32, #tpu.memory_space<vmem_shared>>
        %dma_wait3A_302 = arith.constant 0 : i32
        %dma_wait3A_303 = arith.constant 0 : i32
        %dma_wait3A_304 = tpu.memref_slice %arg14[%dma_wait3A_302, %dma_wait3A_303] : memref<10000x128xf32, #tpu.memory_space<vmem_shared>> -> memref<128x128xf32, #tpu.memory_space<vmem_shared>>
        tpu.wait_dma2 semaphore(%arg12 : memref<!tpu.dma_semaphore, #tpu.memory_space<semaphore_mem>>) src(%arg8 : memref<128x128xf32, #tpu.memory_space<vmem>>) dst(%dma_wait3A_304 : memref<128x128xf32, #tpu.memory_space<vmem_shared>>)
        %add3A_305 = arith.constant 1 : i32
        %add3A_306 = arith.addi %add3A_284, %add3A_305 : i32
        %dma_start3A_307 = arith.constant 0 : i32
        %dma_start3A_308 = tpu.memref_slice %arg6[%add3A_306, %dma_start3A_307] : memref<40x128xi32, #tpu.memory_space<vmem>> -> memref<1x128xi32, #tpu.memory_space<vmem>>
        %dma_start3A_309 = tpu.memref_squeeze %dma_start3A_308 : memref<1x128xi32, #tpu.memory_space<vmem>> -> memref<128xi32, #tpu.memory_space<vmem>>
        %dma_start3A_310 = arith.constant 0 : i32
        %dma_start3A_311 = arith.constant 0 : i32
        %dma_start3A_312 = tpu.memref_slice %arg2[%while3A_223, %dma_start3A_310, %dma_start3A_311] : memref<4x10000x128xf32, #tpu.memory_space<hbm>> -> memref<1x10000x128xf32, #tpu.memory_space<hbm>>
        %dma_start3A_313 = tpu.memref_squeeze %dma_start3A_312 : memref<1x10000x128xf32, #tpu.memory_space<hbm>> -> memref<10000x128xf32, #tpu.memory_space<hbm>>
        %dma_start3A_314 = arith.constant 0 : i32
        %dma_start3A_315 = arith.constant 0 : i32
        %dma_start3A_316 = tpu.memref_slice %dma_start3A_313[%dma_start3A_314, %dma_start3A_315] : memref<10000x128xf32, #tpu.memory_space<hbm>> -> memref<10000x128xf32, #tpu.memory_space<hbm>>
        tpu.enqueue_indirect_dma source(%dma_start3A_316 : memref<10000x128xf32, #tpu.memory_space<hbm>>) target(%arg8 : memref<128x128xf32, #tpu.memory_space<vmem>>) offsets(%dma_start3A_309 : memref<128xi32, #tpu.memory_space<vmem>>) semaphore(%arg10 : memref<!tpu.dma_semaphore, #tpu.memory_space<semaphore_mem>>)
        %dma_start3A_317 = arith.constant 0 : i32
        %dma_start3A_318 = tpu.memref_slice %arg7[%add3A_284, %dma_start3A_317] : memref<40x128xi32, #tpu.memory_space<vmem>> -> memref<1x128xi32, #tpu.memory_space<vmem>>
        %dma_start3A_319 = tpu.memref_squeeze %dma_start3A_318 : memref<1x128xi32, #tpu.memory_space<vmem>> -> memref<128xi32, #tpu.memory_space<vmem>>
        %dma_start3A_320 = arith.constant 0 : i32
        %dma_start3A_321 = arith.constant 0 : i32
        %dma_start3A_322 = tpu.memref_slice %arg14[%dma_start3A_320, %dma_start3A_321] : memref<10000x128xf32, #tpu.memory_space<vmem_shared>> -> memref<10000x128xf32, #tpu.memory_space<vmem_shared>>
        tpu.enqueue_indirect_dma source(%arg9 : memref<128x128xf32, #tpu.memory_space<vmem>>) target(%dma_start3A_322 : memref<10000x128xf32, #tpu.memory_space<vmem_shared>>) offsets(%dma_start3A_319 : memref<128xi32, #tpu.memory_space<vmem>>) semaphore(%arg13 : memref<!tpu.dma_semaphore, #tpu.memory_space<semaphore_mem>>) {add = true}
        %mul3A_323 = arith.constant 2 : i32
        %mul3A_324 = arith.muli %mul3A_323, %while3A_280 : i32
        %add3A_325 = arith.constant 2 : i32
        %add3A_326 = arith.addi %mul3A_324, %add3A_325 : i32
        %dma_wait3A_327 = arith.constant 0 : i32
        %dma_wait3A_328 = arith.constant 0 : i32
        %dma_wait3A_329 = tpu.memref_slice %arg2[%while3A_223, %dma_wait3A_327, %dma_wait3A_328] : memref<4x10000x128xf32, #tpu.memory_space<hbm>> -> memref<1x10000x128xf32, #tpu.memory_space<hbm>>
        %dma_wait3A_330 = tpu.memref_squeeze %dma_wait3A_329 : memref<1x10000x128xf32, #tpu.memory_space<hbm>> -> memref<10000x128xf32, #tpu.memory_space<hbm>>
        %dma_wait3A_331 = arith.constant 0 : i32
        %dma_wait3A_332 = arith.constant 0 : i32
        %dma_wait3A_333 = tpu.memref_slice %dma_wait3A_330[%dma_wait3A_331, %dma_wait3A_332] : memref<10000x128xf32, #tpu.memory_space<hbm>> -> memref<128x128xf32, #tpu.memory_space<hbm>>
        %dma_wait3A_334 = arith.constant 0 : i32
        %dma_wait3A_335 = arith.constant 0 : i32
        %dma_wait3A_336 = tpu.memref_slice %arg2[%while3A_223, %dma_wait3A_334, %dma_wait3A_335] : memref<4x10000x128xf32, #tpu.memory_space<hbm>> -> memref<1x10000x128xf32, #tpu.memory_space<hbm>>
        %dma_wait3A_337 = tpu.memref_squeeze %dma_wait3A_336 : memref<1x10000x128xf32, #tpu.memory_space<hbm>> -> memref<10000x128xf32, #tpu.memory_space<hbm>>
        %dma_wait3A_338 = arith.constant 0 : i32
        %dma_wait3A_339 = arith.constant 0 : i32
        %dma_wait3A_340 = tpu.memref_slice %dma_wait3A_337[%dma_wait3A_338, %dma_wait3A_339] : memref<10000x128xf32, #tpu.memory_space<hbm>> -> memref<128x128xf32, #tpu.memory_space<hbm>>
        tpu.wait_dma2 semaphore(%arg10 : memref<!tpu.dma_semaphore, #tpu.memory_space<semaphore_mem>>) src(%dma_wait3A_340 : memref<128x128xf32, #tpu.memory_space<hbm>>) dst(%arg8 : memref<128x128xf32, #tpu.memory_space<vmem>>)
        %dma_wait3A_341 = arith.constant 0 : i32
        %dma_wait3A_342 = arith.constant 0 : i32
        %dma_wait3A_343 = tpu.memref_slice %arg14[%dma_wait3A_341, %dma_wait3A_342] : memref<10000x128xf32, #tpu.memory_space<vmem_shared>> -> memref<128x128xf32, #tpu.memory_space<vmem_shared>>
        %dma_wait3A_344 = arith.constant 0 : i32
        %dma_wait3A_345 = arith.constant 0 : i32
        %dma_wait3A_346 = tpu.memref_slice %arg14[%dma_wait3A_344, %dma_wait3A_345] : memref<10000x128xf32, #tpu.memory_space<vmem_shared>> -> memref<128x128xf32, #tpu.memory_space<vmem_shared>>
        tpu.wait_dma2 semaphore(%arg13 : memref<!tpu.dma_semaphore, #tpu.memory_space<semaphore_mem>>) src(%arg9 : memref<128x128xf32, #tpu.memory_space<vmem>>) dst(%dma_wait3A_346 : memref<128x128xf32, #tpu.memory_space<vmem_shared>>)
        %add3A_347 = arith.constant 1 : i32
        %add3A_348 = arith.addi %add3A_326, %add3A_347 : i32
        %dma_start3A_349 = arith.constant 0 : i32
        %dma_start3A_350 = tpu.memref_slice %arg6[%add3A_348, %dma_start3A_349] : memref<40x128xi32, #tpu.memory_space<vmem>> -> memref<1x128xi32, #tpu.memory_space<vmem>>
        %dma_start3A_351 = tpu.memref_squeeze %dma_start3A_350 : memref<1x128xi32, #tpu.memory_space<vmem>> -> memref<128xi32, #tpu.memory_space<vmem>>
        %dma_start3A_352 = arith.constant 0 : i32
        %dma_start3A_353 = arith.constant 0 : i32
        %dma_start3A_354 = tpu.memref_slice %arg2[%while3A_223, %dma_start3A_352, %dma_start3A_353] : memref<4x10000x128xf32, #tpu.memory_space<hbm>> -> memref<1x10000x128xf32, #tpu.memory_space<hbm>>
        %dma_start3A_355 = tpu.memref_squeeze %dma_start3A_354 : memref<1x10000x128xf32, #tpu.memory_space<hbm>> -> memref<10000x128xf32, #tpu.memory_space<hbm>>
        %dma_start3A_356 = arith.constant 0 : i32
        %dma_start3A_357 = arith.constant 0 : i32
        %dma_start3A_358 = tpu.memref_slice %dma_start3A_355[%dma_start3A_356, %dma_start3A_357] : memref<10000x128xf32, #tpu.memory_space<hbm>> -> memref<10000x128xf32, #tpu.memory_space<hbm>>
        tpu.enqueue_indirect_dma source(%dma_start3A_358 : memref<10000x128xf32, #tpu.memory_space<hbm>>) target(%arg9 : memref<128x128xf32, #tpu.memory_space<vmem>>) offsets(%dma_start3A_351 : memref<128xi32, #tpu.memory_space<vmem>>) semaphore(%arg11 : memref<!tpu.dma_semaphore, #tpu.memory_space<semaphore_mem>>)
        %dma_start3A_359 = arith.constant 0 : i32
        %dma_start3A_360 = tpu.memref_slice %arg7[%add3A_326, %dma_start3A_359] : memref<40x128xi32, #tpu.memory_space<vmem>> -> memref<1x128xi32, #tpu.memory_space<vmem>>
        %dma_start3A_361 = tpu.memref_squeeze %dma_start3A_360 : memref<1x128xi32, #tpu.memory_space<vmem>> -> memref<128xi32, #tpu.memory_space<vmem>>
        %dma_start3A_362 = arith.constant 0 : i32
        %dma_start3A_363 = arith.constant 0 : i32
        %dma_start3A_364 = tpu.memref_slice %arg14[%dma_start3A_362, %dma_start3A_363] : memref<10000x128xf32, #tpu.memory_space<vmem_shared>> -> memref<10000x128xf32, #tpu.memory_space<vmem_shared>>
        tpu.enqueue_indirect_dma source(%arg8 : memref<128x128xf32, #tpu.memory_space<vmem>>) target(%dma_start3A_364 : memref<10000x128xf32, #tpu.memory_space<vmem_shared>>) offsets(%dma_start3A_361 : memref<128xi32, #tpu.memory_space<vmem>>) semaphore(%arg12 : memref<!tpu.dma_semaphore, #tpu.memory_space<semaphore_mem>>) {add = true}
      }
      %dma_wait3A_233 = arith.constant 0 : i32
      %dma_wait3A_234 = arith.constant 0 : i32
      %dma_wait3A_235 = arith.constant 0 : i32
      %dma_wait3A_236 = tpu.memref_slice %arg2[%dma_wait3A_233, %dma_wait3A_234, %dma_wait3A_235] : memref<4x10000x128xf32, #tpu.memory_space<hbm>> -> memref<1x10000x128xf32, #tpu.memory_space<hbm>>
      %dma_wait3A_237 = tpu.memref_squeeze %dma_wait3A_236 : memref<1x10000x128xf32, #tpu.memory_space<hbm>> -> memref<10000x128xf32, #tpu.memory_space<hbm>>
      %dma_wait3A_238 = arith.constant 0 : i32
      %dma_wait3A_239 = arith.constant 0 : i32
      %dma_wait3A_240 = tpu.memref_slice %dma_wait3A_237[%dma_wait3A_238, %dma_wait3A_239] : memref<10000x128xf32, #tpu.memory_space<hbm>> -> memref<128x128xf32, #tpu.memory_space<hbm>>
      %dma_wait3A_241 = arith.constant 0 : i32
      %dma_wait3A_242 = arith.constant 0 : i32
      %dma_wait3A_243 = tpu.memref_slice %arg2[%dma_wait3A_233, %dma_wait3A_241, %dma_wait3A_242] : memref<4x10000x128xf32, #tpu.memory_space<hbm>> -> memref<1x10000x128xf32, #tpu.memory_space<hbm>>
      %dma_wait3A_244 = tpu.memref_squeeze %dma_wait3A_243 : memref<1x10000x128xf32, #tpu.memory_space<hbm>> -> memref<10000x128xf32, #tpu.memory_space<hbm>>
      %dma_wait3A_245 = arith.constant 0 : i32
      %dma_wait3A_246 = arith.constant 0 : i32
      %dma_wait3A_247 = tpu.memref_slice %dma_wait3A_244[%dma_wait3A_245, %dma_wait3A_246] : memref<10000x128xf32, #tpu.memory_space<hbm>> -> memref<128x128xf32, #tpu.memory_space<hbm>>
      tpu.wait_dma2 semaphore(%arg11 : memref<!tpu.dma_semaphore, #tpu.memory_space<semaphore_mem>>) src(%dma_wait3A_247 : memref<128x128xf32, #tpu.memory_space<hbm>>) dst(%arg9 : memref<128x128xf32, #tpu.memory_space<vmem>>)
      %sub3A_248 = arith.constant 1 : i32
      %sub3A_249 = arith.subi %min3A_149, %sub3A_248 : i32
      %dma_start3A_250 = arith.constant 0 : i32
      %dma_start3A_251 = tpu.memref_slice %arg7[%sub3A_249, %dma_start3A_250] : memref<40x128xi32, #tpu.memory_space<vmem>> -> memref<1x128xi32, #tpu.memory_space<vmem>>
      %dma_start3A_252 = tpu.memref_squeeze %dma_start3A_251 : memref<1x128xi32, #tpu.memory_space<vmem>> -> memref<128xi32, #tpu.memory_space<vmem>>
      %dma_start3A_253 = arith.constant 0 : i32
      %dma_start3A_254 = arith.constant 0 : i32
      %dma_start3A_255 = tpu.memref_slice %arg14[%dma_start3A_253, %dma_start3A_254] : memref<10000x128xf32, #tpu.memory_space<vmem_shared>> -> memref<10000x128xf32, #tpu.memory_space<vmem_shared>>
      tpu.enqueue_indirect_dma source(%arg9 : memref<128x128xf32, #tpu.memory_space<vmem>>) target(%dma_start3A_255 : memref<10000x128xf32, #tpu.memory_space<vmem_shared>>) offsets(%dma_start3A_252 : memref<128xi32, #tpu.memory_space<vmem>>) semaphore(%arg13 : memref<!tpu.dma_semaphore, #tpu.memory_space<semaphore_mem>>) {add = true}
      %dma_wait3A_256 = arith.constant 0 : i32
      %dma_wait3A_257 = arith.constant 0 : i32
      %dma_wait3A_258 = tpu.memref_slice %arg14[%dma_wait3A_256, %dma_wait3A_257] : memref<10000x128xf32, #tpu.memory_space<vmem_shared>> -> memref<128x128xf32, #tpu.memory_space<vmem_shared>>
      %dma_wait3A_259 = arith.constant 0 : i32
      %dma_wait3A_260 = arith.constant 0 : i32
      %dma_wait3A_261 = tpu.memref_slice %arg14[%dma_wait3A_259, %dma_wait3A_260] : memref<10000x128xf32, #tpu.memory_space<vmem_shared>> -> memref<128x128xf32, #tpu.memory_space<vmem_shared>>
      tpu.wait_dma2 semaphore(%arg12 : memref<!tpu.dma_semaphore, #tpu.memory_space<semaphore_mem>>) src(%arg8 : memref<128x128xf32, #tpu.memory_space<vmem>>) dst(%dma_wait3A_261 : memref<128x128xf32, #tpu.memory_space<vmem_shared>>)
      %dma_wait3A_262 = arith.constant 0 : i32
      %dma_wait3A_263 = arith.constant 0 : i32
      %dma_wait3A_264 = tpu.memref_slice %arg14[%dma_wait3A_262, %dma_wait3A_263] : memref<10000x128xf32, #tpu.memory_space<vmem_shared>> -> memref<128x128xf32, #tpu.memory_space<vmem_shared>>
      %dma_wait3A_265 = arith.constant 0 : i32
      %dma_wait3A_266 = arith.constant 0 : i32
      %dma_wait3A_267 = tpu.memref_slice %arg14[%dma_wait3A_265, %dma_wait3A_266] : memref<10000x128xf32, #tpu.memory_space<vmem_shared>> -> memref<128x128xf32, #tpu.memory_space<vmem_shared>>
      tpu.wait_dma2 semaphore(%arg13 : memref<!tpu.dma_semaphore, #tpu.memory_space<semaphore_mem>>) src(%arg9 : memref<128x128xf32, #tpu.memory_space<vmem>>) dst(%dma_wait3A_267 : memref<128x128xf32, #tpu.memory_space<vmem_shared>>)
      %barrier3A_268 = arith.constant 0 : index
      tpu.barrier barrier_id(%barrier3A_268)
      %mul3A_269 = arith.constant 624 : i32
      %mul3A_270 = arith.muli %arg1, %mul3A_269 : i32
      %mul3A_271 = arith.constant 624 : i32
      %mul3A_272 = arith.muli %arg1, %mul3A_271 : i32
      %run_scoped3A_273 = arith.constant 0 : i32
      "tpu.region"() ({
        %run_scoped3A_280 = tpu.sem_alloc : memref<!tpu.dma_semaphore, #tpu.memory_space<semaphore_mem>>
        %dma_start3A_281 = arith.constant 0 : i32
        %dma_start3A_282 = arith.constant 0 : i32
        %dma_start3A_283 = tpu.memref_slice %arg5[%run_scoped3A_273, %dma_start3A_281, %dma_start3A_282] : memref<4x10000x128xf32, #tpu.memory_space<hbm>> -> memref<1x10000x128xf32, #tpu.memory_space<hbm>>
        %dma_start3A_284 = tpu.memref_squeeze %dma_start3A_283 : memref<1x10000x128xf32, #tpu.memory_space<hbm>> -> memref<10000x128xf32, #tpu.memory_space<hbm>>
        %dma_start3A_285 = arith.constant 0 : i32
        %dma_start3A_286 = tpu.memref_slice %dma_start3A_284[%mul3A_272, %dma_start3A_285] : memref<10000x128xf32, #tpu.memory_space<hbm>> -> memref<624x128xf32, #tpu.memory_space<hbm>>
        %dma_start3A_287 = arith.constant 0 : i32
        %dma_start3A_288 = tpu.memref_slice %arg14[%mul3A_270, %dma_start3A_287] : memref<10000x128xf32, #tpu.memory_space<vmem_shared>> -> memref<624x128xf32, #tpu.memory_space<vmem_shared>>
        tpu.enqueue_dma source(%dma_start3A_288 : memref<624x128xf32, #tpu.memory_space<vmem_shared>>) target(%dma_start3A_286 : memref<624x128xf32, #tpu.memory_space<hbm>>) target_semaphore(%run_scoped3A_280 : memref<!tpu.dma_semaphore, #tpu.memory_space<semaphore_mem>>)
        %dma_wait3A_289 = arith.constant 0 : i32
        %dma_wait3A_290 = arith.constant 0 : i32
        %dma_wait3A_291 = tpu.memref_slice %arg5[%run_scoped3A_273, %dma_wait3A_289, %dma_wait3A_290] : memref<4x10000x128xf32, #tpu.memory_space<hbm>> -> memref<1x10000x128xf32, #tpu.memory_space<hbm>>
        %dma_wait3A_292 = tpu.memref_squeeze %dma_wait3A_291 : memref<1x10000x128xf32, #tpu.memory_space<hbm>> -> memref<10000x128xf32, #tpu.memory_space<hbm>>
        %dma_wait3A_293 = arith.constant 0 : i32
        %dma_wait3A_294 = tpu.memref_slice %dma_wait3A_292[%mul3A_272, %dma_wait3A_293] : memref<10000x128xf32, #tpu.memory_space<hbm>> -> memref<624x128xf32, #tpu.memory_space<hbm>>
        %dma_wait3A_295 = arith.constant 0 : i32
        %dma_wait3A_296 = tpu.memref_slice %arg14[%mul3A_270, %dma_wait3A_295] : memref<10000x128xf32, #tpu.memory_space<vmem_shared>> -> memref<624x128xf32, #tpu.memory_space<vmem_shared>>
        tpu.wait_dma2 semaphore(%run_scoped3A_280 : memref<!tpu.dma_semaphore, #tpu.memory_space<semaphore_mem>>) src(%dma_wait3A_296 : memref<624x128xf32, #tpu.memory_space<vmem_shared>>) dst(%dma_wait3A_294 : memref<624x128xf32, #tpu.memory_space<hbm>>)
        tpu.yield
      }) : () -> ()
      %eq3A_274 = arith.constant 15 : i32
      %eq3A_275 = arith.cmpi eq, %arg1, %eq3A_274 : i32
      %convert_element_type3A_276 = arith.extui %eq3A_275 : i1 to i32
      %cond3A_277 = arith.constant 0 : i32
      %cond3A_278 = arith.constant 0 : i32
      %cond3A_279 = arith.cmpi ne, %convert_element_type3A_276, %cond3A_278 : i32
      scf.if %cond3A_279 {
        "tpu.region"() ({
          %run_scoped3A_280 = tpu.sem_alloc : memref<!tpu.dma_semaphore, #tpu.memory_space<semaphore_mem>>
          %dma_start3A_281 = arith.constant 0 : i32
          %dma_start3A_282 = arith.constant 0 : i32
          %dma_start3A_283 = tpu.memref_slice %arg5[%cond3A_277, %dma_start3A_281, %dma_start3A_282] : memref<4x10000x128xf32, #tpu.memory_space<hbm>> -> memref<1x10000x128xf32, #tpu.memory_space<hbm>>
          %dma_start3A_284 = tpu.memref_squeeze %dma_start3A_283 : memref<1x10000x128xf32, #tpu.memory_space<hbm>> -> memref<10000x128xf32, #tpu.memory_space<hbm>>
          %dma_start3A_285 = arith.constant 9984 : i32
          %dma_start3A_286 = arith.constant 0 : i32
          %dma_start3A_287 = tpu.memref_slice %dma_start3A_284[%dma_start3A_285, %dma_start3A_286] : memref<10000x128xf32, #tpu.memory_space<hbm>> -> memref<16x128xf32, #tpu.memory_space<hbm>>
          %dma_start3A_288 = arith.constant 9984 : i32
          %dma_start3A_289 = arith.constant 0 : i32
          %dma_start3A_290 = tpu.memref_slice %arg14[%dma_start3A_288, %dma_start3A_289] : memref<10000x128xf32, #tpu.memory_space<vmem_shared>> -> memref<16x128xf32, #tpu.memory_space<vmem_shared>>
          tpu.enqueue_dma source(%dma_start3A_290 : memref<16x128xf32, #tpu.memory_space<vmem_shared>>) target(%dma_start3A_287 : memref<16x128xf32, #tpu.memory_space<hbm>>) target_semaphore(%run_scoped3A_280 : memref<!tpu.dma_semaphore, #tpu.memory_space<semaphore_mem>>)
          %dma_wait3A_291 = arith.constant 0 : i32
          %dma_wait3A_292 = arith.constant 0 : i32
          %dma_wait3A_293 = tpu.memref_slice %arg5[%cond3A_277, %dma_wait3A_291, %dma_wait3A_292] : memref<4x10000x128xf32, #tpu.memory_space<hbm>> -> memref<1x10000x128xf32, #tpu.memory_space<hbm>>
          %dma_wait3A_294 = tpu.memref_squeeze %dma_wait3A_293 : memref<1x10000x128xf32, #tpu.memory_space<hbm>> -> memref<10000x128xf32, #tpu.memory_space<hbm>>
          %dma_wait3A_295 = arith.constant 9984 : i32
          %dma_wait3A_296 = arith.constant 0 : i32
          %dma_wait3A_297 = tpu.memref_slice %dma_wait3A_294[%dma_wait3A_295, %dma_wait3A_296] : memref<10000x128xf32, #tpu.memory_space<hbm>> -> memref<16x128xf32, #tpu.memory_space<hbm>>
          %dma_wait3A_298 = arith.constant 9984 : i32
          %dma_wait3A_299 = arith.constant 0 : i32
          %dma_wait3A_300 = tpu.memref_slice %arg14[%dma_wait3A_298, %dma_wait3A_299] : memref<10000x128xf32, #tpu.memory_space<vmem_shared>> -> memref<16x128xf32, #tpu.memory_space<vmem_shared>>
          tpu.wait_dma2 semaphore(%run_scoped3A_280 : memref<!tpu.dma_semaphore, #tpu.memory_space<semaphore_mem>>) src(%dma_wait3A_300 : memref<16x128xf32, #tpu.memory_space<vmem_shared>>) dst(%dma_wait3A_297 : memref<16x128xf32, #tpu.memory_space<hbm>>)
          tpu.yield
        }) : () -> ()
      } else {
      }
    } else {
    }
    %eq3A_2 = arith.constant 1 : i32
    %eq3A_3 = arith.cmpi eq, %arg0, %eq3A_2 : i32
    %convert_element_type3A_4 = arith.extui %eq3A_3 : i1 to i32
    %cond3A_5 = arith.constant 0 : i32
    %cond3A_6 = arith.cmpi ne, %convert_element_type3A_4, %cond3A_5 : i32
    scf.if %cond3A_6 {
      %mul3A = arith.constant 624 : i32
      %mul3A_17 = arith.muli %arg1, %mul3A : i32
      %mul3A_18 = arith.constant 624 : i32
      %mul3A_19 = arith.muli %arg1, %mul3A_18 : i32
      %run_scoped3A = arith.constant 1 : i32
      "tpu.region"() ({
        %run_scoped3A_280 = tpu.sem_alloc : memref<!tpu.dma_semaphore, #tpu.memory_space<semaphore_mem>>
        %dma_start3A_281 = arith.constant 0 : i32
        %dma_start3A_282 = tpu.memref_slice %arg14[%mul3A_19, %dma_start3A_281] : memref<10000x128xf32, #tpu.memory_space<vmem_shared>> -> memref<624x128xf32, #tpu.memory_space<vmem_shared>>
        %dma_start3A_283 = arith.constant 0 : i32
        %dma_start3A_284 = arith.constant 0 : i32
        %dma_start3A_285 = tpu.memref_slice %arg2[%run_scoped3A, %dma_start3A_283, %dma_start3A_284] : memref<4x10000x128xf32, #tpu.memory_space<hbm>> -> memref<1x10000x128xf32, #tpu.memory_space<hbm>>
        %dma_start3A_286 = tpu.memref_squeeze %dma_start3A_285 : memref<1x10000x128xf32, #tpu.memory_space<hbm>> -> memref<10000x128xf32, #tpu.memory_space<hbm>>
        %dma_start3A_287 = arith.constant 0 : i32
        %dma_start3A_288 = tpu.memref_slice %dma_start3A_286[%mul3A_17, %dma_start3A_287] : memref<10000x128xf32, #tpu.memory_space<hbm>> -> memref<624x128xf32, #tpu.memory_space<hbm>>
        tpu.enqueue_dma source(%dma_start3A_288 : memref<624x128xf32, #tpu.memory_space<hbm>>) target(%dma_start3A_282 : memref<624x128xf32, #tpu.memory_space<vmem_shared>>) target_semaphore(%run_scoped3A_280 : memref<!tpu.dma_semaphore, #tpu.memory_space<semaphore_mem>>)
        %dma_wait3A_289 = arith.constant 0 : i32
        %dma_wait3A_290 = tpu.memref_slice %arg14[%mul3A_19, %dma_wait3A_289] : memref<10000x128xf32, #tpu.memory_space<vmem_shared>> -> memref<624x128xf32, #tpu.memory_space<vmem_shared>>
        %dma_wait3A_291 = arith.constant 0 : i32
        %dma_wait3A_292 = arith.constant 0 : i32
        %dma_wait3A_293 = tpu.memref_slice %arg2[%run_scoped3A, %dma_wait3A_291, %dma_wait3A_292] : memref<4x10000x128xf32, #tpu.memory_space<hbm>> -> memref<1x10000x128xf32, #tpu.memory_space<hbm>>
        %dma_wait3A_294 = tpu.memref_squeeze %dma_wait3A_293 : memref<1x10000x128xf32, #tpu.memory_space<hbm>> -> memref<10000x128xf32, #tpu.memory_space<hbm>>
        %dma_wait3A_295 = arith.constant 0 : i32
        %dma_wait3A_296 = tpu.memref_slice %dma_wait3A_294[%mul3A_17, %dma_wait3A_295] : memref<10000x128xf32, #tpu.memory_space<hbm>> -> memref<624x128xf32, #tpu.memory_space<hbm>>
        tpu.wait_dma2 semaphore(%run_scoped3A_280 : memref<!tpu.dma_semaphore, #tpu.memory_space<semaphore_mem>>) src(%dma_wait3A_296 : memref<624x128xf32, #tpu.memory_space<hbm>>) dst(%dma_wait3A_290 : memref<624x128xf32, #tpu.memory_space<vmem_shared>>)
        tpu.yield
      }) : () -> ()
      %eq3A_20 = arith.constant 15 : i32
      %eq3A_21 = arith.cmpi eq, %arg1, %eq3A_20 : i32
      %convert_element_type3A_22 = arith.extui %eq3A_21 : i1 to i32
      %cond3A_23 = arith.constant 1 : i32
      %cond3A_24 = arith.constant 0 : i32
      %cond3A_25 = arith.cmpi ne, %convert_element_type3A_22, %cond3A_24 : i32
      scf.if %cond3A_25 {
        "tpu.region"() ({
          %run_scoped3A_280 = tpu.sem_alloc : memref<!tpu.dma_semaphore, #tpu.memory_space<semaphore_mem>>
          %dma_start3A_281 = arith.constant 9984 : i32
          %dma_start3A_282 = arith.constant 0 : i32
          %dma_start3A_283 = tpu.memref_slice %arg14[%dma_start3A_281, %dma_start3A_282] : memref<10000x128xf32, #tpu.memory_space<vmem_shared>> -> memref<16x128xf32, #tpu.memory_space<vmem_shared>>
          %dma_start3A_284 = arith.constant 0 : i32
          %dma_start3A_285 = arith.constant 0 : i32
          %dma_start3A_286 = tpu.memref_slice %arg2[%cond3A_23, %dma_start3A_284, %dma_start3A_285] : memref<4x10000x128xf32, #tpu.memory_space<hbm>> -> memref<1x10000x128xf32, #tpu.memory_space<hbm>>
          %dma_start3A_287 = tpu.memref_squeeze %dma_start3A_286 : memref<1x10000x128xf32, #tpu.memory_space<hbm>> -> memref<10000x128xf32, #tpu.memory_space<hbm>>
          %dma_start3A_288 = arith.constant 9984 : i32
          %dma_start3A_289 = arith.constant 0 : i32
          %dma_start3A_290 = tpu.memref_slice %dma_start3A_287[%dma_start3A_288, %dma_start3A_289] : memref<10000x128xf32, #tpu.memory_space<hbm>> -> memref<16x128xf32, #tpu.memory_space<hbm>>
          tpu.enqueue_dma source(%dma_start3A_290 : memref<16x128xf32, #tpu.memory_space<hbm>>) target(%dma_start3A_283 : memref<16x128xf32, #tpu.memory_space<vmem_shared>>) target_semaphore(%run_scoped3A_280 : memref<!tpu.dma_semaphore, #tpu.memory_space<semaphore_mem>>)
          %dma_wait3A_291 = arith.constant 9984 : i32
          %dma_wait3A_292 = arith.constant 0 : i32
          %dma_wait3A_293 = tpu.memref_slice %arg14[%dma_wait3A_291, %dma_wait3A_292] : memref<10000x128xf32, #tpu.memory_space<vmem_shared>> -> memref<16x128xf32, #tpu.memory_space<vmem_shared>>
          %dma_wait3A_294 = arith.constant 0 : i32
          %dma_wait3A_295 = arith.constant 0 : i32
          %dma_wait3A_296 = tpu.memref_slice %arg2[%cond3A_23, %dma_wait3A_294, %dma_wait3A_295] : memref<4x10000x128xf32, #tpu.memory_space<hbm>> -> memref<1x10000x128xf32, #tpu.memory_space<hbm>>
          %dma_wait3A_297 = tpu.memref_squeeze %dma_wait3A_296 : memref<1x10000x128xf32, #tpu.memory_space<hbm>> -> memref<10000x128xf32, #tpu.memory_space<hbm>>
          %dma_wait3A_298 = arith.constant 9984 : i32
          %dma_wait3A_299 = arith.constant 0 : i32
          %dma_wait3A_300 = tpu.memref_slice %dma_wait3A_297[%dma_wait3A_298, %dma_wait3A_299] : memref<10000x128xf32, #tpu.memory_space<hbm>> -> memref<16x128xf32, #tpu.memory_space<hbm>>
          tpu.wait_dma2 semaphore(%run_scoped3A_280 : memref<!tpu.dma_semaphore, #tpu.memory_space<semaphore_mem>>) src(%dma_wait3A_300 : memref<16x128xf32, #tpu.memory_space<hbm>>) dst(%dma_wait3A_293 : memref<16x128xf32, #tpu.memory_space<vmem_shared>>)
          tpu.yield
        }) : () -> ()
      } else {
      }
      %barrier3A = arith.constant 0 : index
      tpu.barrier barrier_id(%barrier3A)
      %mul3A_26 = arith.constant 80 : i32
      %mul3A_27 = arith.muli %arg1, %mul3A_26 : i32
      %add3A = arith.constant 0 : i32
      %add3A_28 = arith.addi %mul3A_27, %add3A : i32
      "tpu.region"() ({
        %run_scoped3A_280 = tpu.sem_alloc : memref<!tpu.dma_semaphore, #tpu.memory_space<semaphore_mem>>
        %dma_start3A_281 = arith.constant 0 : i32
        %dma_start3A_282 = tpu.memref_slice %arg3[%add3A_28, %dma_start3A_281] : memref<1280x128xi32, #tpu.memory_space<hbm>> -> memref<40x128xi32, #tpu.memory_space<hbm>>
        %dma_start3A_283 = arith.constant 0 : i32
        %dma_start3A_284 = tpu.memref_slice %arg3[%add3A_28, %dma_start3A_283] : memref<1280x128xi32, #tpu.memory_space<hbm>> -> memref<40x128xi32, #tpu.memory_space<hbm>>
        tpu.enqueue_dma source(%dma_start3A_284 : memref<40x128xi32, #tpu.memory_space<hbm>>) target(%arg6 : memref<40x128xi32, #tpu.memory_space<vmem>>) target_semaphore(%run_scoped3A_280 : memref<!tpu.dma_semaphore, #tpu.memory_space<semaphore_mem>>)
        %dma_wait3A_285 = arith.constant 0 : i32
        %dma_wait3A_286 = tpu.memref_slice %arg3[%add3A_28, %dma_wait3A_285] : memref<1280x128xi32, #tpu.memory_space<hbm>> -> memref<40x128xi32, #tpu.memory_space<hbm>>
        %dma_wait3A_287 = arith.constant 0 : i32
        %dma_wait3A_288 = tpu.memref_slice %arg3[%add3A_28, %dma_wait3A_287] : memref<1280x128xi32, #tpu.memory_space<hbm>> -> memref<40x128xi32, #tpu.memory_space<hbm>>
        tpu.wait_dma2 semaphore(%run_scoped3A_280 : memref<!tpu.dma_semaphore, #tpu.memory_space<semaphore_mem>>) src(%dma_wait3A_288 : memref<40x128xi32, #tpu.memory_space<hbm>>) dst(%arg6 : memref<40x128xi32, #tpu.memory_space<vmem>>)
        tpu.yield
      }) : () -> ()
      "tpu.region"() ({
        %run_scoped3A_280 = tpu.sem_alloc : memref<!tpu.dma_semaphore, #tpu.memory_space<semaphore_mem>>
        %dma_start3A_281 = arith.constant 0 : i32
        %dma_start3A_282 = tpu.memref_slice %arg4[%add3A_28, %dma_start3A_281] : memref<1280x128xi32, #tpu.memory_space<hbm>> -> memref<40x128xi32, #tpu.memory_space<hbm>>
        %dma_start3A_283 = arith.constant 0 : i32
        %dma_start3A_284 = tpu.memref_slice %arg4[%add3A_28, %dma_start3A_283] : memref<1280x128xi32, #tpu.memory_space<hbm>> -> memref<40x128xi32, #tpu.memory_space<hbm>>
        tpu.enqueue_dma source(%dma_start3A_284 : memref<40x128xi32, #tpu.memory_space<hbm>>) target(%arg7 : memref<40x128xi32, #tpu.memory_space<vmem>>) target_semaphore(%run_scoped3A_280 : memref<!tpu.dma_semaphore, #tpu.memory_space<semaphore_mem>>)
        %dma_wait3A_285 = arith.constant 0 : i32
        %dma_wait3A_286 = tpu.memref_slice %arg4[%add3A_28, %dma_wait3A_285] : memref<1280x128xi32, #tpu.memory_space<hbm>> -> memref<40x128xi32, #tpu.memory_space<hbm>>
        %dma_wait3A_287 = arith.constant 0 : i32
        %dma_wait3A_288 = tpu.memref_slice %arg4[%add3A_28, %dma_wait3A_287] : memref<1280x128xi32, #tpu.memory_space<hbm>> -> memref<40x128xi32, #tpu.memory_space<hbm>>
        tpu.wait_dma2 semaphore(%run_scoped3A_280 : memref<!tpu.dma_semaphore, #tpu.memory_space<semaphore_mem>>) src(%dma_wait3A_288 : memref<40x128xi32, #tpu.memory_space<hbm>>) dst(%arg7 : memref<40x128xi32, #tpu.memory_space<vmem>>)
        tpu.yield
      }) : () -> ()
      %sub3A = arith.constant 1250 : i32
      %sub3A_29 = arith.subi %sub3A, %add3A_28 : i32
      %jit3A = arith.constant 0 : i32
      %jit3A_30 = arith.constant 40 : i32
      %max3A = arith.maxsi %jit3A, %sub3A_29 : i32
      %min3A = arith.minsi %jit3A_30, %max3A : i32
      %dma_start3A = arith.constant 1 : i32
      %dma_start3A_31 = arith.constant 0 : i32
      %dma_start3A_32 = arith.constant 0 : i32
      %dma_start3A_33 = tpu.memref_slice %arg6[%dma_start3A_31, %dma_start3A_32] : memref<40x128xi32, #tpu.memory_space<vmem>> -> memref<1x128xi32, #tpu.memory_space<vmem>>
      %dma_start3A_34 = tpu.memref_squeeze %dma_start3A_33 : memref<1x128xi32, #tpu.memory_space<vmem>> -> memref<128xi32, #tpu.memory_space<vmem>>
      %dma_start3A_35 = arith.constant 0 : i32
      %dma_start3A_36 = arith.constant 0 : i32
      %dma_start3A_37 = tpu.memref_slice %arg2[%dma_start3A, %dma_start3A_35, %dma_start3A_36] : memref<4x10000x128xf32, #tpu.memory_space<hbm>> -> memref<1x10000x128xf32, #tpu.memory_space<hbm>>
      %dma_start3A_38 = tpu.memref_squeeze %dma_start3A_37 : memref<1x10000x128xf32, #tpu.memory_space<hbm>> -> memref<10000x128xf32, #tpu.memory_space<hbm>>
      %dma_start3A_39 = arith.constant 0 : i32
      %dma_start3A_40 = arith.constant 0 : i32
      %dma_start3A_41 = tpu.memref_slice %dma_start3A_38[%dma_start3A_39, %dma_start3A_40] : memref<10000x128xf32, #tpu.memory_space<hbm>> -> memref<10000x128xf32, #tpu.memory_space<hbm>>
      tpu.enqueue_indirect_dma source(%dma_start3A_41 : memref<10000x128xf32, #tpu.memory_space<hbm>>) target(%arg8 : memref<128x128xf32, #tpu.memory_space<vmem>>) offsets(%dma_start3A_34 : memref<128xi32, #tpu.memory_space<vmem>>) semaphore(%arg10 : memref<!tpu.dma_semaphore, #tpu.memory_space<semaphore_mem>>)
      %dma_wait3A = arith.constant 1 : i32
      %dma_wait3A_42 = arith.constant 0 : i32
      %dma_wait3A_43 = arith.constant 0 : i32
      %dma_wait3A_44 = tpu.memref_slice %arg2[%dma_wait3A, %dma_wait3A_42, %dma_wait3A_43] : memref<4x10000x128xf32, #tpu.memory_space<hbm>> -> memref<1x10000x128xf32, #tpu.memory_space<hbm>>
      %dma_wait3A_45 = tpu.memref_squeeze %dma_wait3A_44 : memref<1x10000x128xf32, #tpu.memory_space<hbm>> -> memref<10000x128xf32, #tpu.memory_space<hbm>>
      %dma_wait3A_46 = arith.constant 0 : i32
      %dma_wait3A_47 = arith.constant 0 : i32
      %dma_wait3A_48 = tpu.memref_slice %dma_wait3A_45[%dma_wait3A_46, %dma_wait3A_47] : memref<10000x128xf32, #tpu.memory_space<hbm>> -> memref<128x128xf32, #tpu.memory_space<hbm>>
      %dma_wait3A_49 = arith.constant 0 : i32
      %dma_wait3A_50 = arith.constant 0 : i32
      %dma_wait3A_51 = tpu.memref_slice %arg2[%dma_wait3A, %dma_wait3A_49, %dma_wait3A_50] : memref<4x10000x128xf32, #tpu.memory_space<hbm>> -> memref<1x10000x128xf32, #tpu.memory_space<hbm>>
      %dma_wait3A_52 = tpu.memref_squeeze %dma_wait3A_51 : memref<1x10000x128xf32, #tpu.memory_space<hbm>> -> memref<10000x128xf32, #tpu.memory_space<hbm>>
      %dma_wait3A_53 = arith.constant 0 : i32
      %dma_wait3A_54 = arith.constant 0 : i32
      %dma_wait3A_55 = tpu.memref_slice %dma_wait3A_52[%dma_wait3A_53, %dma_wait3A_54] : memref<10000x128xf32, #tpu.memory_space<hbm>> -> memref<128x128xf32, #tpu.memory_space<hbm>>
      tpu.wait_dma2 semaphore(%arg10 : memref<!tpu.dma_semaphore, #tpu.memory_space<semaphore_mem>>) src(%dma_wait3A_55 : memref<128x128xf32, #tpu.memory_space<hbm>>) dst(%arg8 : memref<128x128xf32, #tpu.memory_space<vmem>>)
      %dma_start3A_56 = arith.constant 0 : i32
      %dma_start3A_57 = arith.constant 0 : i32
      %dma_start3A_58 = tpu.memref_slice %arg7[%dma_start3A_56, %dma_start3A_57] : memref<40x128xi32, #tpu.memory_space<vmem>> -> memref<1x128xi32, #tpu.memory_space<vmem>>
      %dma_start3A_59 = tpu.memref_squeeze %dma_start3A_58 : memref<1x128xi32, #tpu.memory_space<vmem>> -> memref<128xi32, #tpu.memory_space<vmem>>
      %dma_start3A_60 = arith.constant 0 : i32
      %dma_start3A_61 = arith.constant 0 : i32
      %dma_start3A_62 = tpu.memref_slice %arg14[%dma_start3A_60, %dma_start3A_61] : memref<10000x128xf32, #tpu.memory_space<vmem_shared>> -> memref<10000x128xf32, #tpu.memory_space<vmem_shared>>
      tpu.enqueue_indirect_dma source(%arg8 : memref<128x128xf32, #tpu.memory_space<vmem>>) target(%dma_start3A_62 : memref<10000x128xf32, #tpu.memory_space<vmem_shared>>) offsets(%dma_start3A_59 : memref<128xi32, #tpu.memory_space<vmem>>) semaphore(%arg12 : memref<!tpu.dma_semaphore, #tpu.memory_space<semaphore_mem>>) {add = true}
      %dma_start3A_63 = arith.constant 1 : i32
      %dma_start3A_64 = arith.constant 1 : i32
      %dma_start3A_65 = arith.constant 0 : i32
      %dma_start3A_66 = tpu.memref_slice %arg6[%dma_start3A_64, %dma_start3A_65] : memref<40x128xi32, #tpu.memory_space<vmem>> -> memref<1x128xi32, #tpu.memory_space<vmem>>
      %dma_start3A_67 = tpu.memref_squeeze %dma_start3A_66 : memref<1x128xi32, #tpu.memory_space<vmem>> -> memref<128xi32, #tpu.memory_space<vmem>>
      %dma_start3A_68 = arith.constant 0 : i32
      %dma_start3A_69 = arith.constant 0 : i32
      %dma_start3A_70 = tpu.memref_slice %arg2[%dma_start3A_63, %dma_start3A_68, %dma_start3A_69] : memref<4x10000x128xf32, #tpu.memory_space<hbm>> -> memref<1x10000x128xf32, #tpu.memory_space<hbm>>
      %dma_start3A_71 = tpu.memref_squeeze %dma_start3A_70 : memref<1x10000x128xf32, #tpu.memory_space<hbm>> -> memref<10000x128xf32, #tpu.memory_space<hbm>>
      %dma_start3A_72 = arith.constant 0 : i32
      %dma_start3A_73 = arith.constant 0 : i32
      %dma_start3A_74 = tpu.memref_slice %dma_start3A_71[%dma_start3A_72, %dma_start3A_73] : memref<10000x128xf32, #tpu.memory_space<hbm>> -> memref<10000x128xf32, #tpu.memory_space<hbm>>
      tpu.enqueue_indirect_dma source(%dma_start3A_74 : memref<10000x128xf32, #tpu.memory_space<hbm>>) target(%arg9 : memref<128x128xf32, #tpu.memory_space<vmem>>) offsets(%dma_start3A_67 : memref<128xi32, #tpu.memory_space<vmem>>) semaphore(%arg11 : memref<!tpu.dma_semaphore, #tpu.memory_space<semaphore_mem>>)
      %sub3A_75 = arith.constant 2 : i32
      %sub3A_76 = arith.subi %min3A, %sub3A_75 : i32
      %jit3A_77 = arith.constant 2 : i32
      %div3A = arith.divsi %sub3A_76, %jit3A_77 : i32
      %sign3A = arith.constant 0 : i32
      %sign3A_78 = arith.cmpi sgt, %sub3A_76, %sign3A : i32
      %sign3A_79 = arith.extui %sign3A_78 : i1 to i32
      %sign3A_80 = arith.constant 0 : i32
      %sign3A_81 = arith.cmpi slt, %sub3A_76, %sign3A_80 : i32
      %sign3A_82 = arith.extui %sign3A_81 : i1 to i32
      %sign3A_83 = arith.subi %sign3A_79, %sign3A_82 : i32
      %sign3A_84 = arith.constant 0 : i32
      %sign3A_85 = arith.cmpi sgt, %jit3A_77, %sign3A_84 : i32
      %sign3A_86 = arith.extui %sign3A_85 : i1 to i32
      %sign3A_87 = arith.constant 0 : i32
      %sign3A_88 = arith.cmpi slt, %jit3A_77, %sign3A_87 : i32
      %sign3A_89 = arith.extui %sign3A_88 : i1 to i32
      %sign3A_90 = arith.subi %sign3A_86, %sign3A_89 : i32
      %ne3A = arith.cmpi ne, %sign3A_83, %sign3A_90 : i32
      %rem3A = arith.remsi %sub3A_76, %jit3A_77 : i32
      %ne3A_91 = arith.constant 0 : i32
      %ne3A_92 = arith.cmpi ne, %rem3A, %ne3A_91 : i32
      %and3A = arith.andi %ne3A, %ne3A_92 : i1
      %sub3A_93 = arith.constant 1 : i32
      %sub3A_94 = arith.subi %div3A, %sub3A_93 : i32
      %select_n3A = arith.select %and3A, %sub3A_94, %div3A : i32
      %while3A = arith.constant 0 : i32
      %while3A_95 = arith.constant 1 : i32
      %while3A_96 = arith.constant 0 : i32
      %while3A_97 = arith.subi %select_n3A, %while3A_96 : i32
      %while3A_98 = arith.addi %while3A_96, %while3A_97 : i32
      %while3A_99 = arith.constant 1 : i32
      %while3A_100 = arith.divsi %while3A_97, %while3A_99 : i32
      %while3A_101 = arith.muli %while3A_100, %while3A_99 : i32
      %while3A_102 = arith.addi %while3A_96, %while3A_101 : i32
      %while3A_103 = arith.constant 1 : i32
      scf.for %while3A_280 = %while3A_96 to %while3A_102 step %while3A_103  : i32 {
        %mul3A_281 = arith.constant 2 : i32
        %mul3A_282 = arith.muli %mul3A_281, %while3A_280 : i32
        %add3A_283 = arith.constant 1 : i32
        %add3A_284 = arith.addi %mul3A_282, %add3A_283 : i32
        %dma_wait3A_285 = arith.constant 0 : i32
        %dma_wait3A_286 = arith.constant 0 : i32
        %dma_wait3A_287 = tpu.memref_slice %arg2[%while3A_95, %dma_wait3A_285, %dma_wait3A_286] : memref<4x10000x128xf32, #tpu.memory_space<hbm>> -> memref<1x10000x128xf32, #tpu.memory_space<hbm>>
        %dma_wait3A_288 = tpu.memref_squeeze %dma_wait3A_287 : memref<1x10000x128xf32, #tpu.memory_space<hbm>> -> memref<10000x128xf32, #tpu.memory_space<hbm>>
        %dma_wait3A_289 = arith.constant 0 : i32
        %dma_wait3A_290 = arith.constant 0 : i32
        %dma_wait3A_291 = tpu.memref_slice %dma_wait3A_288[%dma_wait3A_289, %dma_wait3A_290] : memref<10000x128xf32, #tpu.memory_space<hbm>> -> memref<128x128xf32, #tpu.memory_space<hbm>>
        %dma_wait3A_292 = arith.constant 0 : i32
        %dma_wait3A_293 = arith.constant 0 : i32
        %dma_wait3A_294 = tpu.memref_slice %arg2[%while3A_95, %dma_wait3A_292, %dma_wait3A_293] : memref<4x10000x128xf32, #tpu.memory_space<hbm>> -> memref<1x10000x128xf32, #tpu.memory_space<hbm>>
        %dma_wait3A_295 = tpu.memref_squeeze %dma_wait3A_294 : memref<1x10000x128xf32, #tpu.memory_space<hbm>> -> memref<10000x128xf32, #tpu.memory_space<hbm>>
        %dma_wait3A_296 = arith.constant 0 : i32
        %dma_wait3A_297 = arith.constant 0 : i32
        %dma_wait3A_298 = tpu.memref_slice %dma_wait3A_295[%dma_wait3A_296, %dma_wait3A_297] : memref<10000x128xf32, #tpu.memory_space<hbm>> -> memref<128x128xf32, #tpu.memory_space<hbm>>
        tpu.wait_dma2 semaphore(%arg11 : memref<!tpu.dma_semaphore, #tpu.memory_space<semaphore_mem>>) src(%dma_wait3A_298 : memref<128x128xf32, #tpu.memory_space<hbm>>) dst(%arg9 : memref<128x128xf32, #tpu.memory_space<vmem>>)
        %dma_wait3A_299 = arith.constant 0 : i32
        %dma_wait3A_300 = arith.constant 0 : i32
        %dma_wait3A_301 = tpu.memref_slice %arg14[%dma_wait3A_299, %dma_wait3A_300] : memref<10000x128xf32, #tpu.memory_space<vmem_shared>> -> memref<128x128xf32, #tpu.memory_space<vmem_shared>>
        %dma_wait3A_302 = arith.constant 0 : i32
        %dma_wait3A_303 = arith.constant 0 : i32
        %dma_wait3A_304 = tpu.memref_slice %arg14[%dma_wait3A_302, %dma_wait3A_303] : memref<10000x128xf32, #tpu.memory_space<vmem_shared>> -> memref<128x128xf32, #tpu.memory_space<vmem_shared>>
        tpu.wait_dma2 semaphore(%arg12 : memref<!tpu.dma_semaphore, #tpu.memory_space<semaphore_mem>>) src(%arg8 : memref<128x128xf32, #tpu.memory_space<vmem>>) dst(%dma_wait3A_304 : memref<128x128xf32, #tpu.memory_space<vmem_shared>>)
        %add3A_305 = arith.constant 1 : i32
        %add3A_306 = arith.addi %add3A_284, %add3A_305 : i32
        %dma_start3A_307 = arith.constant 0 : i32
        %dma_start3A_308 = tpu.memref_slice %arg6[%add3A_306, %dma_start3A_307] : memref<40x128xi32, #tpu.memory_space<vmem>> -> memref<1x128xi32, #tpu.memory_space<vmem>>
        %dma_start3A_309 = tpu.memref_squeeze %dma_start3A_308 : memref<1x128xi32, #tpu.memory_space<vmem>> -> memref<128xi32, #tpu.memory_space<vmem>>
        %dma_start3A_310 = arith.constant 0 : i32
        %dma_start3A_311 = arith.constant 0 : i32
        %dma_start3A_312 = tpu.memref_slice %arg2[%while3A_95, %dma_start3A_310, %dma_start3A_311] : memref<4x10000x128xf32, #tpu.memory_space<hbm>> -> memref<1x10000x128xf32, #tpu.memory_space<hbm>>
        %dma_start3A_313 = tpu.memref_squeeze %dma_start3A_312 : memref<1x10000x128xf32, #tpu.memory_space<hbm>> -> memref<10000x128xf32, #tpu.memory_space<hbm>>
        %dma_start3A_314 = arith.constant 0 : i32
        %dma_start3A_315 = arith.constant 0 : i32
        %dma_start3A_316 = tpu.memref_slice %dma_start3A_313[%dma_start3A_314, %dma_start3A_315] : memref<10000x128xf32, #tpu.memory_space<hbm>> -> memref<10000x128xf32, #tpu.memory_space<hbm>>
        tpu.enqueue_indirect_dma source(%dma_start3A_316 : memref<10000x128xf32, #tpu.memory_space<hbm>>) target(%arg8 : memref<128x128xf32, #tpu.memory_space<vmem>>) offsets(%dma_start3A_309 : memref<128xi32, #tpu.memory_space<vmem>>) semaphore(%arg10 : memref<!tpu.dma_semaphore, #tpu.memory_space<semaphore_mem>>)
        %dma_start3A_317 = arith.constant 0 : i32
        %dma_start3A_318 = tpu.memref_slice %arg7[%add3A_284, %dma_start3A_317] : memref<40x128xi32, #tpu.memory_space<vmem>> -> memref<1x128xi32, #tpu.memory_space<vmem>>
        %dma_start3A_319 = tpu.memref_squeeze %dma_start3A_318 : memref<1x128xi32, #tpu.memory_space<vmem>> -> memref<128xi32, #tpu.memory_space<vmem>>
        %dma_start3A_320 = arith.constant 0 : i32
        %dma_start3A_321 = arith.constant 0 : i32
        %dma_start3A_322 = tpu.memref_slice %arg14[%dma_start3A_320, %dma_start3A_321] : memref<10000x128xf32, #tpu.memory_space<vmem_shared>> -> memref<10000x128xf32, #tpu.memory_space<vmem_shared>>
        tpu.enqueue_indirect_dma source(%arg9 : memref<128x128xf32, #tpu.memory_space<vmem>>) target(%dma_start3A_322 : memref<10000x128xf32, #tpu.memory_space<vmem_shared>>) offsets(%dma_start3A_319 : memref<128xi32, #tpu.memory_space<vmem>>) semaphore(%arg13 : memref<!tpu.dma_semaphore, #tpu.memory_space<semaphore_mem>>) {add = true}
        %mul3A_323 = arith.constant 2 : i32
        %mul3A_324 = arith.muli %mul3A_323, %while3A_280 : i32
        %add3A_325 = arith.constant 2 : i32
        %add3A_326 = arith.addi %mul3A_324, %add3A_325 : i32
        %dma_wait3A_327 = arith.constant 0 : i32
        %dma_wait3A_328 = arith.constant 0 : i32
        %dma_wait3A_329 = tpu.memref_slice %arg2[%while3A_95, %dma_wait3A_327, %dma_wait3A_328] : memref<4x10000x128xf32, #tpu.memory_space<hbm>> -> memref<1x10000x128xf32, #tpu.memory_space<hbm>>
        %dma_wait3A_330 = tpu.memref_squeeze %dma_wait3A_329 : memref<1x10000x128xf32, #tpu.memory_space<hbm>> -> memref<10000x128xf32, #tpu.memory_space<hbm>>
        %dma_wait3A_331 = arith.constant 0 : i32
        %dma_wait3A_332 = arith.constant 0 : i32
        %dma_wait3A_333 = tpu.memref_slice %dma_wait3A_330[%dma_wait3A_331, %dma_wait3A_332] : memref<10000x128xf32, #tpu.memory_space<hbm>> -> memref<128x128xf32, #tpu.memory_space<hbm>>
        %dma_wait3A_334 = arith.constant 0 : i32
        %dma_wait3A_335 = arith.constant 0 : i32
        %dma_wait3A_336 = tpu.memref_slice %arg2[%while3A_95, %dma_wait3A_334, %dma_wait3A_335] : memref<4x10000x128xf32, #tpu.memory_space<hbm>> -> memref<1x10000x128xf32, #tpu.memory_space<hbm>>
        %dma_wait3A_337 = tpu.memref_squeeze %dma_wait3A_336 : memref<1x10000x128xf32, #tpu.memory_space<hbm>> -> memref<10000x128xf32, #tpu.memory_space<hbm>>
        %dma_wait3A_338 = arith.constant 0 : i32
        %dma_wait3A_339 = arith.constant 0 : i32
        %dma_wait3A_340 = tpu.memref_slice %dma_wait3A_337[%dma_wait3A_338, %dma_wait3A_339] : memref<10000x128xf32, #tpu.memory_space<hbm>> -> memref<128x128xf32, #tpu.memory_space<hbm>>
        tpu.wait_dma2 semaphore(%arg10 : memref<!tpu.dma_semaphore, #tpu.memory_space<semaphore_mem>>) src(%dma_wait3A_340 : memref<128x128xf32, #tpu.memory_space<hbm>>) dst(%arg8 : memref<128x128xf32, #tpu.memory_space<vmem>>)
        %dma_wait3A_341 = arith.constant 0 : i32
        %dma_wait3A_342 = arith.constant 0 : i32
        %dma_wait3A_343 = tpu.memref_slice %arg14[%dma_wait3A_341, %dma_wait3A_342] : memref<10000x128xf32, #tpu.memory_space<vmem_shared>> -> memref<128x128xf32, #tpu.memory_space<vmem_shared>>
        %dma_wait3A_344 = arith.constant 0 : i32
        %dma_wait3A_345 = arith.constant 0 : i32
        %dma_wait3A_346 = tpu.memref_slice %arg14[%dma_wait3A_344, %dma_wait3A_345] : memref<10000x128xf32, #tpu.memory_space<vmem_shared>> -> memref<128x128xf32, #tpu.memory_space<vmem_shared>>
        tpu.wait_dma2 semaphore(%arg13 : memref<!tpu.dma_semaphore, #tpu.memory_space<semaphore_mem>>) src(%arg9 : memref<128x128xf32, #tpu.memory_space<vmem>>) dst(%dma_wait3A_346 : memref<128x128xf32, #tpu.memory_space<vmem_shared>>)
        %add3A_347 = arith.constant 1 : i32
        %add3A_348 = arith.addi %add3A_326, %add3A_347 : i32
        %dma_start3A_349 = arith.constant 0 : i32
        %dma_start3A_350 = tpu.memref_slice %arg6[%add3A_348, %dma_start3A_349] : memref<40x128xi32, #tpu.memory_space<vmem>> -> memref<1x128xi32, #tpu.memory_space<vmem>>
        %dma_start3A_351 = tpu.memref_squeeze %dma_start3A_350 : memref<1x128xi32, #tpu.memory_space<vmem>> -> memref<128xi32, #tpu.memory_space<vmem>>
        %dma_start3A_352 = arith.constant 0 : i32
        %dma_start3A_353 = arith.constant 0 : i32
        %dma_start3A_354 = tpu.memref_slice %arg2[%while3A_95, %dma_start3A_352, %dma_start3A_353] : memref<4x10000x128xf32, #tpu.memory_space<hbm>> -> memref<1x10000x128xf32, #tpu.memory_space<hbm>>
        %dma_start3A_355 = tpu.memref_squeeze %dma_start3A_354 : memref<1x10000x128xf32, #tpu.memory_space<hbm>> -> memref<10000x128xf32, #tpu.memory_space<hbm>>
        %dma_start3A_356 = arith.constant 0 : i32
        %dma_start3A_357 = arith.constant 0 : i32
        %dma_start3A_358 = tpu.memref_slice %dma_start3A_355[%dma_start3A_356, %dma_start3A_357] : memref<10000x128xf32, #tpu.memory_space<hbm>> -> memref<10000x128xf32, #tpu.memory_space<hbm>>
        tpu.enqueue_indirect_dma source(%dma_start3A_358 : memref<10000x128xf32, #tpu.memory_space<hbm>>) target(%arg9 : memref<128x128xf32, #tpu.memory_space<vmem>>) offsets(%dma_start3A_351 : memref<128xi32, #tpu.memory_space<vmem>>) semaphore(%arg11 : memref<!tpu.dma_semaphore, #tpu.memory_space<semaphore_mem>>)
        %dma_start3A_359 = arith.constant 0 : i32
        %dma_start3A_360 = tpu.memref_slice %arg7[%add3A_326, %dma_start3A_359] : memref<40x128xi32, #tpu.memory_space<vmem>> -> memref<1x128xi32, #tpu.memory_space<vmem>>
        %dma_start3A_361 = tpu.memref_squeeze %dma_start3A_360 : memref<1x128xi32, #tpu.memory_space<vmem>> -> memref<128xi32, #tpu.memory_space<vmem>>
        %dma_start3A_362 = arith.constant 0 : i32
        %dma_start3A_363 = arith.constant 0 : i32
        %dma_start3A_364 = tpu.memref_slice %arg14[%dma_start3A_362, %dma_start3A_363] : memref<10000x128xf32, #tpu.memory_space<vmem_shared>> -> memref<10000x128xf32, #tpu.memory_space<vmem_shared>>
        tpu.enqueue_indirect_dma source(%arg8 : memref<128x128xf32, #tpu.memory_space<vmem>>) target(%dma_start3A_364 : memref<10000x128xf32, #tpu.memory_space<vmem_shared>>) offsets(%dma_start3A_361 : memref<128xi32, #tpu.memory_space<vmem>>) semaphore(%arg12 : memref<!tpu.dma_semaphore, #tpu.memory_space<semaphore_mem>>) {add = true}
      }
      %while3A_104 = arith.constant 1 : i32
      scf.for %while3A_280 = %while3A_102 to %while3A_98 step %while3A_104  : i32 {
        %mul3A_281 = arith.constant 2 : i32
        %mul3A_282 = arith.muli %mul3A_281, %while3A_280 : i32
        %add3A_283 = arith.constant 1 : i32
        %add3A_284 = arith.addi %mul3A_282, %add3A_283 : i32
        %dma_wait3A_285 = arith.constant 0 : i32
        %dma_wait3A_286 = arith.constant 0 : i32
        %dma_wait3A_287 = tpu.memref_slice %arg2[%while3A_95, %dma_wait3A_285, %dma_wait3A_286] : memref<4x10000x128xf32, #tpu.memory_space<hbm>> -> memref<1x10000x128xf32, #tpu.memory_space<hbm>>
        %dma_wait3A_288 = tpu.memref_squeeze %dma_wait3A_287 : memref<1x10000x128xf32, #tpu.memory_space<hbm>> -> memref<10000x128xf32, #tpu.memory_space<hbm>>
        %dma_wait3A_289 = arith.constant 0 : i32
        %dma_wait3A_290 = arith.constant 0 : i32
        %dma_wait3A_291 = tpu.memref_slice %dma_wait3A_288[%dma_wait3A_289, %dma_wait3A_290] : memref<10000x128xf32, #tpu.memory_space<hbm>> -> memref<128x128xf32, #tpu.memory_space<hbm>>
        %dma_wait3A_292 = arith.constant 0 : i32
        %dma_wait3A_293 = arith.constant 0 : i32
        %dma_wait3A_294 = tpu.memref_slice %arg2[%while3A_95, %dma_wait3A_292, %dma_wait3A_293] : memref<4x10000x128xf32, #tpu.memory_space<hbm>> -> memref<1x10000x128xf32, #tpu.memory_space<hbm>>
        %dma_wait3A_295 = tpu.memref_squeeze %dma_wait3A_294 : memref<1x10000x128xf32, #tpu.memory_space<hbm>> -> memref<10000x128xf32, #tpu.memory_space<hbm>>
        %dma_wait3A_296 = arith.constant 0 : i32
        %dma_wait3A_297 = arith.constant 0 : i32
        %dma_wait3A_298 = tpu.memref_slice %dma_wait3A_295[%dma_wait3A_296, %dma_wait3A_297] : memref<10000x128xf32, #tpu.memory_space<hbm>> -> memref<128x128xf32, #tpu.memory_space<hbm>>
        tpu.wait_dma2 semaphore(%arg11 : memref<!tpu.dma_semaphore, #tpu.memory_space<semaphore_mem>>) src(%dma_wait3A_298 : memref<128x128xf32, #tpu.memory_space<hbm>>) dst(%arg9 : memref<128x128xf32, #tpu.memory_space<vmem>>)
        %dma_wait3A_299 = arith.constant 0 : i32
        %dma_wait3A_300 = arith.constant 0 : i32
        %dma_wait3A_301 = tpu.memref_slice %arg14[%dma_wait3A_299, %dma_wait3A_300] : memref<10000x128xf32, #tpu.memory_space<vmem_shared>> -> memref<128x128xf32, #tpu.memory_space<vmem_shared>>
        %dma_wait3A_302 = arith.constant 0 : i32
        %dma_wait3A_303 = arith.constant 0 : i32
        %dma_wait3A_304 = tpu.memref_slice %arg14[%dma_wait3A_302, %dma_wait3A_303] : memref<10000x128xf32, #tpu.memory_space<vmem_shared>> -> memref<128x128xf32, #tpu.memory_space<vmem_shared>>
        tpu.wait_dma2 semaphore(%arg12 : memref<!tpu.dma_semaphore, #tpu.memory_space<semaphore_mem>>) src(%arg8 : memref<128x128xf32, #tpu.memory_space<vmem>>) dst(%dma_wait3A_304 : memref<128x128xf32, #tpu.memory_space<vmem_shared>>)
        %add3A_305 = arith.constant 1 : i32
        %add3A_306 = arith.addi %add3A_284, %add3A_305 : i32
        %dma_start3A_307 = arith.constant 0 : i32
        %dma_start3A_308 = tpu.memref_slice %arg6[%add3A_306, %dma_start3A_307] : memref<40x128xi32, #tpu.memory_space<vmem>> -> memref<1x128xi32, #tpu.memory_space<vmem>>
        %dma_start3A_309 = tpu.memref_squeeze %dma_start3A_308 : memref<1x128xi32, #tpu.memory_space<vmem>> -> memref<128xi32, #tpu.memory_space<vmem>>
        %dma_start3A_310 = arith.constant 0 : i32
        %dma_start3A_311 = arith.constant 0 : i32
        %dma_start3A_312 = tpu.memref_slice %arg2[%while3A_95, %dma_start3A_310, %dma_start3A_311] : memref<4x10000x128xf32, #tpu.memory_space<hbm>> -> memref<1x10000x128xf32, #tpu.memory_space<hbm>>
        %dma_start3A_313 = tpu.memref_squeeze %dma_start3A_312 : memref<1x10000x128xf32, #tpu.memory_space<hbm>> -> memref<10000x128xf32, #tpu.memory_space<hbm>>
        %dma_start3A_314 = arith.constant 0 : i32
        %dma_start3A_315 = arith.constant 0 : i32
        %dma_start3A_316 = tpu.memref_slice %dma_start3A_313[%dma_start3A_314, %dma_start3A_315] : memref<10000x128xf32, #tpu.memory_space<hbm>> -> memref<10000x128xf32, #tpu.memory_space<hbm>>
        tpu.enqueue_indirect_dma source(%dma_start3A_316 : memref<10000x128xf32, #tpu.memory_space<hbm>>) target(%arg8 : memref<128x128xf32, #tpu.memory_space<vmem>>) offsets(%dma_start3A_309 : memref<128xi32, #tpu.memory_space<vmem>>) semaphore(%arg10 : memref<!tpu.dma_semaphore, #tpu.memory_space<semaphore_mem>>)
        %dma_start3A_317 = arith.constant 0 : i32
        %dma_start3A_318 = tpu.memref_slice %arg7[%add3A_284, %dma_start3A_317] : memref<40x128xi32, #tpu.memory_space<vmem>> -> memref<1x128xi32, #tpu.memory_space<vmem>>
        %dma_start3A_319 = tpu.memref_squeeze %dma_start3A_318 : memref<1x128xi32, #tpu.memory_space<vmem>> -> memref<128xi32, #tpu.memory_space<vmem>>
        %dma_start3A_320 = arith.constant 0 : i32
        %dma_start3A_321 = arith.constant 0 : i32
        %dma_start3A_322 = tpu.memref_slice %arg14[%dma_start3A_320, %dma_start3A_321] : memref<10000x128xf32, #tpu.memory_space<vmem_shared>> -> memref<10000x128xf32, #tpu.memory_space<vmem_shared>>
        tpu.enqueue_indirect_dma source(%arg9 : memref<128x128xf32, #tpu.memory_space<vmem>>) target(%dma_start3A_322 : memref<10000x128xf32, #tpu.memory_space<vmem_shared>>) offsets(%dma_start3A_319 : memref<128xi32, #tpu.memory_space<vmem>>) semaphore(%arg13 : memref<!tpu.dma_semaphore, #tpu.memory_space<semaphore_mem>>) {add = true}
        %mul3A_323 = arith.constant 2 : i32
        %mul3A_324 = arith.muli %mul3A_323, %while3A_280 : i32
        %add3A_325 = arith.constant 2 : i32
        %add3A_326 = arith.addi %mul3A_324, %add3A_325 : i32
        %dma_wait3A_327 = arith.constant 0 : i32
        %dma_wait3A_328 = arith.constant 0 : i32
        %dma_wait3A_329 = tpu.memref_slice %arg2[%while3A_95, %dma_wait3A_327, %dma_wait3A_328] : memref<4x10000x128xf32, #tpu.memory_space<hbm>> -> memref<1x10000x128xf32, #tpu.memory_space<hbm>>
        %dma_wait3A_330 = tpu.memref_squeeze %dma_wait3A_329 : memref<1x10000x128xf32, #tpu.memory_space<hbm>> -> memref<10000x128xf32, #tpu.memory_space<hbm>>
        %dma_wait3A_331 = arith.constant 0 : i32
        %dma_wait3A_332 = arith.constant 0 : i32
        %dma_wait3A_333 = tpu.memref_slice %dma_wait3A_330[%dma_wait3A_331, %dma_wait3A_332] : memref<10000x128xf32, #tpu.memory_space<hbm>> -> memref<128x128xf32, #tpu.memory_space<hbm>>
        %dma_wait3A_334 = arith.constant 0 : i32
        %dma_wait3A_335 = arith.constant 0 : i32
        %dma_wait3A_336 = tpu.memref_slice %arg2[%while3A_95, %dma_wait3A_334, %dma_wait3A_335] : memref<4x10000x128xf32, #tpu.memory_space<hbm>> -> memref<1x10000x128xf32, #tpu.memory_space<hbm>>
        %dma_wait3A_337 = tpu.memref_squeeze %dma_wait3A_336 : memref<1x10000x128xf32, #tpu.memory_space<hbm>> -> memref<10000x128xf32, #tpu.memory_space<hbm>>
        %dma_wait3A_338 = arith.constant 0 : i32
        %dma_wait3A_339 = arith.constant 0 : i32
        %dma_wait3A_340 = tpu.memref_slice %dma_wait3A_337[%dma_wait3A_338, %dma_wait3A_339] : memref<10000x128xf32, #tpu.memory_space<hbm>> -> memref<128x128xf32, #tpu.memory_space<hbm>>
        tpu.wait_dma2 semaphore(%arg10 : memref<!tpu.dma_semaphore, #tpu.memory_space<semaphore_mem>>) src(%dma_wait3A_340 : memref<128x128xf32, #tpu.memory_space<hbm>>) dst(%arg8 : memref<128x128xf32, #tpu.memory_space<vmem>>)
        %dma_wait3A_341 = arith.constant 0 : i32
        %dma_wait3A_342 = arith.constant 0 : i32
        %dma_wait3A_343 = tpu.memref_slice %arg14[%dma_wait3A_341, %dma_wait3A_342] : memref<10000x128xf32, #tpu.memory_space<vmem_shared>> -> memref<128x128xf32, #tpu.memory_space<vmem_shared>>
        %dma_wait3A_344 = arith.constant 0 : i32
        %dma_wait3A_345 = arith.constant 0 : i32
        %dma_wait3A_346 = tpu.memref_slice %arg14[%dma_wait3A_344, %dma_wait3A_345] : memref<10000x128xf32, #tpu.memory_space<vmem_shared>> -> memref<128x128xf32, #tpu.memory_space<vmem_shared>>
        tpu.wait_dma2 semaphore(%arg13 : memref<!tpu.dma_semaphore, #tpu.memory_space<semaphore_mem>>) src(%arg9 : memref<128x128xf32, #tpu.memory_space<vmem>>) dst(%dma_wait3A_346 : memref<128x128xf32, #tpu.memory_space<vmem_shared>>)
        %add3A_347 = arith.constant 1 : i32
        %add3A_348 = arith.addi %add3A_326, %add3A_347 : i32
        %dma_start3A_349 = arith.constant 0 : i32
        %dma_start3A_350 = tpu.memref_slice %arg6[%add3A_348, %dma_start3A_349] : memref<40x128xi32, #tpu.memory_space<vmem>> -> memref<1x128xi32, #tpu.memory_space<vmem>>
        %dma_start3A_351 = tpu.memref_squeeze %dma_start3A_350 : memref<1x128xi32, #tpu.memory_space<vmem>> -> memref<128xi32, #tpu.memory_space<vmem>>
        %dma_start3A_352 = arith.constant 0 : i32
        %dma_start3A_353 = arith.constant 0 : i32
        %dma_start3A_354 = tpu.memref_slice %arg2[%while3A_95, %dma_start3A_352, %dma_start3A_353] : memref<4x10000x128xf32, #tpu.memory_space<hbm>> -> memref<1x10000x128xf32, #tpu.memory_space<hbm>>
        %dma_start3A_355 = tpu.memref_squeeze %dma_start3A_354 : memref<1x10000x128xf32, #tpu.memory_space<hbm>> -> memref<10000x128xf32, #tpu.memory_space<hbm>>
        %dma_start3A_356 = arith.constant 0 : i32
        %dma_start3A_357 = arith.constant 0 : i32
        %dma_start3A_358 = tpu.memref_slice %dma_start3A_355[%dma_start3A_356, %dma_start3A_357] : memref<10000x128xf32, #tpu.memory_space<hbm>> -> memref<10000x128xf32, #tpu.memory_space<hbm>>
        tpu.enqueue_indirect_dma source(%dma_start3A_358 : memref<10000x128xf32, #tpu.memory_space<hbm>>) target(%arg9 : memref<128x128xf32, #tpu.memory_space<vmem>>) offsets(%dma_start3A_351 : memref<128xi32, #tpu.memory_space<vmem>>) semaphore(%arg11 : memref<!tpu.dma_semaphore, #tpu.memory_space<semaphore_mem>>)
        %dma_start3A_359 = arith.constant 0 : i32
        %dma_start3A_360 = tpu.memref_slice %arg7[%add3A_326, %dma_start3A_359] : memref<40x128xi32, #tpu.memory_space<vmem>> -> memref<1x128xi32, #tpu.memory_space<vmem>>
        %dma_start3A_361 = tpu.memref_squeeze %dma_start3A_360 : memref<1x128xi32, #tpu.memory_space<vmem>> -> memref<128xi32, #tpu.memory_space<vmem>>
        %dma_start3A_362 = arith.constant 0 : i32
        %dma_start3A_363 = arith.constant 0 : i32
        %dma_start3A_364 = tpu.memref_slice %arg14[%dma_start3A_362, %dma_start3A_363] : memref<10000x128xf32, #tpu.memory_space<vmem_shared>> -> memref<10000x128xf32, #tpu.memory_space<vmem_shared>>
        tpu.enqueue_indirect_dma source(%arg8 : memref<128x128xf32, #tpu.memory_space<vmem>>) target(%dma_start3A_364 : memref<10000x128xf32, #tpu.memory_space<vmem_shared>>) offsets(%dma_start3A_361 : memref<128xi32, #tpu.memory_space<vmem>>) semaphore(%arg12 : memref<!tpu.dma_semaphore, #tpu.memory_space<semaphore_mem>>) {add = true}
      }
      %dma_wait3A_105 = arith.constant 1 : i32
      %dma_wait3A_106 = arith.constant 0 : i32
      %dma_wait3A_107 = arith.constant 0 : i32
      %dma_wait3A_108 = tpu.memref_slice %arg2[%dma_wait3A_105, %dma_wait3A_106, %dma_wait3A_107] : memref<4x10000x128xf32, #tpu.memory_space<hbm>> -> memref<1x10000x128xf32, #tpu.memory_space<hbm>>
      %dma_wait3A_109 = tpu.memref_squeeze %dma_wait3A_108 : memref<1x10000x128xf32, #tpu.memory_space<hbm>> -> memref<10000x128xf32, #tpu.memory_space<hbm>>
      %dma_wait3A_110 = arith.constant 0 : i32
      %dma_wait3A_111 = arith.constant 0 : i32
      %dma_wait3A_112 = tpu.memref_slice %dma_wait3A_109[%dma_wait3A_110, %dma_wait3A_111] : memref<10000x128xf32, #tpu.memory_space<hbm>> -> memref<128x128xf32, #tpu.memory_space<hbm>>
      %dma_wait3A_113 = arith.constant 0 : i32
      %dma_wait3A_114 = arith.constant 0 : i32
      %dma_wait3A_115 = tpu.memref_slice %arg2[%dma_wait3A_105, %dma_wait3A_113, %dma_wait3A_114] : memref<4x10000x128xf32, #tpu.memory_space<hbm>> -> memref<1x10000x128xf32, #tpu.memory_space<hbm>>
      %dma_wait3A_116 = tpu.memref_squeeze %dma_wait3A_115 : memref<1x10000x128xf32, #tpu.memory_space<hbm>> -> memref<10000x128xf32, #tpu.memory_space<hbm>>
      %dma_wait3A_117 = arith.constant 0 : i32
      %dma_wait3A_118 = arith.constant 0 : i32
      %dma_wait3A_119 = tpu.memref_slice %dma_wait3A_116[%dma_wait3A_117, %dma_wait3A_118] : memref<10000x128xf32, #tpu.memory_space<hbm>> -> memref<128x128xf32, #tpu.memory_space<hbm>>
      tpu.wait_dma2 semaphore(%arg11 : memref<!tpu.dma_semaphore, #tpu.memory_space<semaphore_mem>>) src(%dma_wait3A_119 : memref<128x128xf32, #tpu.memory_space<hbm>>) dst(%arg9 : memref<128x128xf32, #tpu.memory_space<vmem>>)
      %sub3A_120 = arith.constant 1 : i32
      %sub3A_121 = arith.subi %min3A, %sub3A_120 : i32
      %dma_start3A_122 = arith.constant 0 : i32
      %dma_start3A_123 = tpu.memref_slice %arg7[%sub3A_121, %dma_start3A_122] : memref<40x128xi32, #tpu.memory_space<vmem>> -> memref<1x128xi32, #tpu.memory_space<vmem>>
      %dma_start3A_124 = tpu.memref_squeeze %dma_start3A_123 : memref<1x128xi32, #tpu.memory_space<vmem>> -> memref<128xi32, #tpu.memory_space<vmem>>
      %dma_start3A_125 = arith.constant 0 : i32
      %dma_start3A_126 = arith.constant 0 : i32
      %dma_start3A_127 = tpu.memref_slice %arg14[%dma_start3A_125, %dma_start3A_126] : memref<10000x128xf32, #tpu.memory_space<vmem_shared>> -> memref<10000x128xf32, #tpu.memory_space<vmem_shared>>
      tpu.enqueue_indirect_dma source(%arg9 : memref<128x128xf32, #tpu.memory_space<vmem>>) target(%dma_start3A_127 : memref<10000x128xf32, #tpu.memory_space<vmem_shared>>) offsets(%dma_start3A_124 : memref<128xi32, #tpu.memory_space<vmem>>) semaphore(%arg13 : memref<!tpu.dma_semaphore, #tpu.memory_space<semaphore_mem>>) {add = true}
      %dma_wait3A_128 = arith.constant 0 : i32
      %dma_wait3A_129 = arith.constant 0 : i32
      %dma_wait3A_130 = tpu.memref_slice %arg14[%dma_wait3A_128, %dma_wait3A_129] : memref<10000x128xf32, #tpu.memory_space<vmem_shared>> -> memref<128x128xf32, #tpu.memory_space<vmem_shared>>
      %dma_wait3A_131 = arith.constant 0 : i32
      %dma_wait3A_132 = arith.constant 0 : i32
      %dma_wait3A_133 = tpu.memref_slice %arg14[%dma_wait3A_131, %dma_wait3A_132] : memref<10000x128xf32, #tpu.memory_space<vmem_shared>> -> memref<128x128xf32, #tpu.memory_space<vmem_shared>>
      tpu.wait_dma2 semaphore(%arg12 : memref<!tpu.dma_semaphore, #tpu.memory_space<semaphore_mem>>) src(%arg8 : memref<128x128xf32, #tpu.memory_space<vmem>>) dst(%dma_wait3A_133 : memref<128x128xf32, #tpu.memory_space<vmem_shared>>)
      %dma_wait3A_134 = arith.constant 0 : i32
      %dma_wait3A_135 = arith.constant 0 : i32
      %dma_wait3A_136 = tpu.memref_slice %arg14[%dma_wait3A_134, %dma_wait3A_135] : memref<10000x128xf32, #tpu.memory_space<vmem_shared>> -> memref<128x128xf32, #tpu.memory_space<vmem_shared>>
      %dma_wait3A_137 = arith.constant 0 : i32
      %dma_wait3A_138 = arith.constant 0 : i32
      %dma_wait3A_139 = tpu.memref_slice %arg14[%dma_wait3A_137, %dma_wait3A_138] : memref<10000x128xf32, #tpu.memory_space<vmem_shared>> -> memref<128x128xf32, #tpu.memory_space<vmem_shared>>
      tpu.wait_dma2 semaphore(%arg13 : memref<!tpu.dma_semaphore, #tpu.memory_space<semaphore_mem>>) src(%arg9 : memref<128x128xf32, #tpu.memory_space<vmem>>) dst(%dma_wait3A_139 : memref<128x128xf32, #tpu.memory_space<vmem_shared>>)
      %mul3A_140 = arith.constant 80 : i32
      %mul3A_141 = arith.muli %arg1, %mul3A_140 : i32
      %add3A_142 = arith.constant 40 : i32
      %add3A_143 = arith.addi %mul3A_141, %add3A_142 : i32
      "tpu.region"() ({
        %run_scoped3A_280 = tpu.sem_alloc : memref<!tpu.dma_semaphore, #tpu.memory_space<semaphore_mem>>
        %dma_start3A_281 = arith.constant 0 : i32
        %dma_start3A_282 = tpu.memref_slice %arg3[%add3A_143, %dma_start3A_281] : memref<1280x128xi32, #tpu.memory_space<hbm>> -> memref<40x128xi32, #tpu.memory_space<hbm>>
        %dma_start3A_283 = arith.constant 0 : i32
        %dma_start3A_284 = tpu.memref_slice %arg3[%add3A_143, %dma_start3A_283] : memref<1280x128xi32, #tpu.memory_space<hbm>> -> memref<40x128xi32, #tpu.memory_space<hbm>>
        tpu.enqueue_dma source(%dma_start3A_284 : memref<40x128xi32, #tpu.memory_space<hbm>>) target(%arg6 : memref<40x128xi32, #tpu.memory_space<vmem>>) target_semaphore(%run_scoped3A_280 : memref<!tpu.dma_semaphore, #tpu.memory_space<semaphore_mem>>)
        %dma_wait3A_285 = arith.constant 0 : i32
        %dma_wait3A_286 = tpu.memref_slice %arg3[%add3A_143, %dma_wait3A_285] : memref<1280x128xi32, #tpu.memory_space<hbm>> -> memref<40x128xi32, #tpu.memory_space<hbm>>
        %dma_wait3A_287 = arith.constant 0 : i32
        %dma_wait3A_288 = tpu.memref_slice %arg3[%add3A_143, %dma_wait3A_287] : memref<1280x128xi32, #tpu.memory_space<hbm>> -> memref<40x128xi32, #tpu.memory_space<hbm>>
        tpu.wait_dma2 semaphore(%run_scoped3A_280 : memref<!tpu.dma_semaphore, #tpu.memory_space<semaphore_mem>>) src(%dma_wait3A_288 : memref<40x128xi32, #tpu.memory_space<hbm>>) dst(%arg6 : memref<40x128xi32, #tpu.memory_space<vmem>>)
        tpu.yield
      }) : () -> ()
      "tpu.region"() ({
        %run_scoped3A_280 = tpu.sem_alloc : memref<!tpu.dma_semaphore, #tpu.memory_space<semaphore_mem>>
        %dma_start3A_281 = arith.constant 0 : i32
        %dma_start3A_282 = tpu.memref_slice %arg4[%add3A_143, %dma_start3A_281] : memref<1280x128xi32, #tpu.memory_space<hbm>> -> memref<40x128xi32, #tpu.memory_space<hbm>>
        %dma_start3A_283 = arith.constant 0 : i32
        %dma_start3A_284 = tpu.memref_slice %arg4[%add3A_143, %dma_start3A_283] : memref<1280x128xi32, #tpu.memory_space<hbm>> -> memref<40x128xi32, #tpu.memory_space<hbm>>
        tpu.enqueue_dma source(%dma_start3A_284 : memref<40x128xi32, #tpu.memory_space<hbm>>) target(%arg7 : memref<40x128xi32, #tpu.memory_space<vmem>>) target_semaphore(%run_scoped3A_280 : memref<!tpu.dma_semaphore, #tpu.memory_space<semaphore_mem>>)
        %dma_wait3A_285 = arith.constant 0 : i32
        %dma_wait3A_286 = tpu.memref_slice %arg4[%add3A_143, %dma_wait3A_285] : memref<1280x128xi32, #tpu.memory_space<hbm>> -> memref<40x128xi32, #tpu.memory_space<hbm>>
        %dma_wait3A_287 = arith.constant 0 : i32
        %dma_wait3A_288 = tpu.memref_slice %arg4[%add3A_143, %dma_wait3A_287] : memref<1280x128xi32, #tpu.memory_space<hbm>> -> memref<40x128xi32, #tpu.memory_space<hbm>>
        tpu.wait_dma2 semaphore(%run_scoped3A_280 : memref<!tpu.dma_semaphore, #tpu.memory_space<semaphore_mem>>) src(%dma_wait3A_288 : memref<40x128xi32, #tpu.memory_space<hbm>>) dst(%arg7 : memref<40x128xi32, #tpu.memory_space<vmem>>)
        tpu.yield
      }) : () -> ()
      %sub3A_144 = arith.constant 1250 : i32
      %sub3A_145 = arith.subi %sub3A_144, %add3A_143 : i32
      %jit3A_146 = arith.constant 0 : i32
      %jit3A_147 = arith.constant 40 : i32
      %max3A_148 = arith.maxsi %jit3A_146, %sub3A_145 : i32
      %min3A_149 = arith.minsi %jit3A_147, %max3A_148 : i32
      %dma_start3A_150 = arith.constant 1 : i32
      %dma_start3A_151 = arith.constant 0 : i32
      %dma_start3A_152 = arith.constant 0 : i32
      %dma_start3A_153 = tpu.memref_slice %arg6[%dma_start3A_151, %dma_start3A_152] : memref<40x128xi32, #tpu.memory_space<vmem>> -> memref<1x128xi32, #tpu.memory_space<vmem>>
      %dma_start3A_154 = tpu.memref_squeeze %dma_start3A_153 : memref<1x128xi32, #tpu.memory_space<vmem>> -> memref<128xi32, #tpu.memory_space<vmem>>
      %dma_start3A_155 = arith.constant 0 : i32
      %dma_start3A_156 = arith.constant 0 : i32
      %dma_start3A_157 = tpu.memref_slice %arg2[%dma_start3A_150, %dma_start3A_155, %dma_start3A_156] : memref<4x10000x128xf32, #tpu.memory_space<hbm>> -> memref<1x10000x128xf32, #tpu.memory_space<hbm>>
      %dma_start3A_158 = tpu.memref_squeeze %dma_start3A_157 : memref<1x10000x128xf32, #tpu.memory_space<hbm>> -> memref<10000x128xf32, #tpu.memory_space<hbm>>
      %dma_start3A_159 = arith.constant 0 : i32
      %dma_start3A_160 = arith.constant 0 : i32
      %dma_start3A_161 = tpu.memref_slice %dma_start3A_158[%dma_start3A_159, %dma_start3A_160] : memref<10000x128xf32, #tpu.memory_space<hbm>> -> memref<10000x128xf32, #tpu.memory_space<hbm>>
      tpu.enqueue_indirect_dma source(%dma_start3A_161 : memref<10000x128xf32, #tpu.memory_space<hbm>>) target(%arg8 : memref<128x128xf32, #tpu.memory_space<vmem>>) offsets(%dma_start3A_154 : memref<128xi32, #tpu.memory_space<vmem>>) semaphore(%arg10 : memref<!tpu.dma_semaphore, #tpu.memory_space<semaphore_mem>>)
      %dma_wait3A_162 = arith.constant 1 : i32
      %dma_wait3A_163 = arith.constant 0 : i32
      %dma_wait3A_164 = arith.constant 0 : i32
      %dma_wait3A_165 = tpu.memref_slice %arg2[%dma_wait3A_162, %dma_wait3A_163, %dma_wait3A_164] : memref<4x10000x128xf32, #tpu.memory_space<hbm>> -> memref<1x10000x128xf32, #tpu.memory_space<hbm>>
      %dma_wait3A_166 = tpu.memref_squeeze %dma_wait3A_165 : memref<1x10000x128xf32, #tpu.memory_space<hbm>> -> memref<10000x128xf32, #tpu.memory_space<hbm>>
      %dma_wait3A_167 = arith.constant 0 : i32
      %dma_wait3A_168 = arith.constant 0 : i32
      %dma_wait3A_169 = tpu.memref_slice %dma_wait3A_166[%dma_wait3A_167, %dma_wait3A_168] : memref<10000x128xf32, #tpu.memory_space<hbm>> -> memref<128x128xf32, #tpu.memory_space<hbm>>
      %dma_wait3A_170 = arith.constant 0 : i32
      %dma_wait3A_171 = arith.constant 0 : i32
      %dma_wait3A_172 = tpu.memref_slice %arg2[%dma_wait3A_162, %dma_wait3A_170, %dma_wait3A_171] : memref<4x10000x128xf32, #tpu.memory_space<hbm>> -> memref<1x10000x128xf32, #tpu.memory_space<hbm>>
      %dma_wait3A_173 = tpu.memref_squeeze %dma_wait3A_172 : memref<1x10000x128xf32, #tpu.memory_space<hbm>> -> memref<10000x128xf32, #tpu.memory_space<hbm>>
      %dma_wait3A_174 = arith.constant 0 : i32
      %dma_wait3A_175 = arith.constant 0 : i32
      %dma_wait3A_176 = tpu.memref_slice %dma_wait3A_173[%dma_wait3A_174, %dma_wait3A_175] : memref<10000x128xf32, #tpu.memory_space<hbm>> -> memref<128x128xf32, #tpu.memory_space<hbm>>
      tpu.wait_dma2 semaphore(%arg10 : memref<!tpu.dma_semaphore, #tpu.memory_space<semaphore_mem>>) src(%dma_wait3A_176 : memref<128x128xf32, #tpu.memory_space<hbm>>) dst(%arg8 : memref<128x128xf32, #tpu.memory_space<vmem>>)
      %dma_start3A_177 = arith.constant 0 : i32
      %dma_start3A_178 = arith.constant 0 : i32
      %dma_start3A_179 = tpu.memref_slice %arg7[%dma_start3A_177, %dma_start3A_178] : memref<40x128xi32, #tpu.memory_space<vmem>> -> memref<1x128xi32, #tpu.memory_space<vmem>>
      %dma_start3A_180 = tpu.memref_squeeze %dma_start3A_179 : memref<1x128xi32, #tpu.memory_space<vmem>> -> memref<128xi32, #tpu.memory_space<vmem>>
      %dma_start3A_181 = arith.constant 0 : i32
      %dma_start3A_182 = arith.constant 0 : i32
      %dma_start3A_183 = tpu.memref_slice %arg14[%dma_start3A_181, %dma_start3A_182] : memref<10000x128xf32, #tpu.memory_space<vmem_shared>> -> memref<10000x128xf32, #tpu.memory_space<vmem_shared>>
      tpu.enqueue_indirect_dma source(%arg8 : memref<128x128xf32, #tpu.memory_space<vmem>>) target(%dma_start3A_183 : memref<10000x128xf32, #tpu.memory_space<vmem_shared>>) offsets(%dma_start3A_180 : memref<128xi32, #tpu.memory_space<vmem>>) semaphore(%arg12 : memref<!tpu.dma_semaphore, #tpu.memory_space<semaphore_mem>>) {add = true}
      %dma_start3A_184 = arith.constant 1 : i32
      %dma_start3A_185 = arith.constant 1 : i32
      %dma_start3A_186 = arith.constant 0 : i32
      %dma_start3A_187 = tpu.memref_slice %arg6[%dma_start3A_185, %dma_start3A_186] : memref<40x128xi32, #tpu.memory_space<vmem>> -> memref<1x128xi32, #tpu.memory_space<vmem>>
      %dma_start3A_188 = tpu.memref_squeeze %dma_start3A_187 : memref<1x128xi32, #tpu.memory_space<vmem>> -> memref<128xi32, #tpu.memory_space<vmem>>
      %dma_start3A_189 = arith.constant 0 : i32
      %dma_start3A_190 = arith.constant 0 : i32
      %dma_start3A_191 = tpu.memref_slice %arg2[%dma_start3A_184, %dma_start3A_189, %dma_start3A_190] : memref<4x10000x128xf32, #tpu.memory_space<hbm>> -> memref<1x10000x128xf32, #tpu.memory_space<hbm>>
      %dma_start3A_192 = tpu.memref_squeeze %dma_start3A_191 : memref<1x10000x128xf32, #tpu.memory_space<hbm>> -> memref<10000x128xf32, #tpu.memory_space<hbm>>
      %dma_start3A_193 = arith.constant 0 : i32
      %dma_start3A_194 = arith.constant 0 : i32
      %dma_start3A_195 = tpu.memref_slice %dma_start3A_192[%dma_start3A_193, %dma_start3A_194] : memref<10000x128xf32, #tpu.memory_space<hbm>> -> memref<10000x128xf32, #tpu.memory_space<hbm>>
      tpu.enqueue_indirect_dma source(%dma_start3A_195 : memref<10000x128xf32, #tpu.memory_space<hbm>>) target(%arg9 : memref<128x128xf32, #tpu.memory_space<vmem>>) offsets(%dma_start3A_188 : memref<128xi32, #tpu.memory_space<vmem>>) semaphore(%arg11 : memref<!tpu.dma_semaphore, #tpu.memory_space<semaphore_mem>>)
      %sub3A_196 = arith.constant 2 : i32
      %sub3A_197 = arith.subi %min3A_149, %sub3A_196 : i32
      %jit3A_198 = arith.constant 2 : i32
      %div3A_199 = arith.divsi %sub3A_197, %jit3A_198 : i32
      %sign3A_200 = arith.constant 0 : i32
      %sign3A_201 = arith.cmpi sgt, %sub3A_197, %sign3A_200 : i32
      %sign3A_202 = arith.extui %sign3A_201 : i1 to i32
      %sign3A_203 = arith.constant 0 : i32
      %sign3A_204 = arith.cmpi slt, %sub3A_197, %sign3A_203 : i32
      %sign3A_205 = arith.extui %sign3A_204 : i1 to i32
      %sign3A_206 = arith.subi %sign3A_202, %sign3A_205 : i32
      %sign3A_207 = arith.constant 0 : i32
      %sign3A_208 = arith.cmpi sgt, %jit3A_198, %sign3A_207 : i32
      %sign3A_209 = arith.extui %sign3A_208 : i1 to i32
      %sign3A_210 = arith.constant 0 : i32
      %sign3A_211 = arith.cmpi slt, %jit3A_198, %sign3A_210 : i32
      %sign3A_212 = arith.extui %sign3A_211 : i1 to i32
      %sign3A_213 = arith.subi %sign3A_209, %sign3A_212 : i32
      %ne3A_214 = arith.cmpi ne, %sign3A_206, %sign3A_213 : i32
      %rem3A_215 = arith.remsi %sub3A_197, %jit3A_198 : i32
      %ne3A_216 = arith.constant 0 : i32
      %ne3A_217 = arith.cmpi ne, %rem3A_215, %ne3A_216 : i32
      %and3A_218 = arith.andi %ne3A_214, %ne3A_217 : i1
      %sub3A_219 = arith.constant 1 : i32
      %sub3A_220 = arith.subi %div3A_199, %sub3A_219 : i32
      %select_n3A_221 = arith.select %and3A_218, %sub3A_220, %div3A_199 : i32
      %while3A_222 = arith.constant 0 : i32
      %while3A_223 = arith.constant 1 : i32
      %while3A_224 = arith.constant 0 : i32
      %while3A_225 = arith.subi %select_n3A_221, %while3A_224 : i32
      %while3A_226 = arith.addi %while3A_224, %while3A_225 : i32
      %while3A_227 = arith.constant 1 : i32
      %while3A_228 = arith.divsi %while3A_225, %while3A_227 : i32
      %while3A_229 = arith.muli %while3A_228, %while3A_227 : i32
      %while3A_230 = arith.addi %while3A_224, %while3A_229 : i32
      %while3A_231 = arith.constant 1 : i32
      scf.for %while3A_280 = %while3A_224 to %while3A_230 step %while3A_231  : i32 {
        %mul3A_281 = arith.constant 2 : i32
        %mul3A_282 = arith.muli %mul3A_281, %while3A_280 : i32
        %add3A_283 = arith.constant 1 : i32
        %add3A_284 = arith.addi %mul3A_282, %add3A_283 : i32
        %dma_wait3A_285 = arith.constant 0 : i32
        %dma_wait3A_286 = arith.constant 0 : i32
        %dma_wait3A_287 = tpu.memref_slice %arg2[%while3A_223, %dma_wait3A_285, %dma_wait3A_286] : memref<4x10000x128xf32, #tpu.memory_space<hbm>> -> memref<1x10000x128xf32, #tpu.memory_space<hbm>>
        %dma_wait3A_288 = tpu.memref_squeeze %dma_wait3A_287 : memref<1x10000x128xf32, #tpu.memory_space<hbm>> -> memref<10000x128xf32, #tpu.memory_space<hbm>>
        %dma_wait3A_289 = arith.constant 0 : i32
        %dma_wait3A_290 = arith.constant 0 : i32
        %dma_wait3A_291 = tpu.memref_slice %dma_wait3A_288[%dma_wait3A_289, %dma_wait3A_290] : memref<10000x128xf32, #tpu.memory_space<hbm>> -> memref<128x128xf32, #tpu.memory_space<hbm>>
        %dma_wait3A_292 = arith.constant 0 : i32
        %dma_wait3A_293 = arith.constant 0 : i32
        %dma_wait3A_294 = tpu.memref_slice %arg2[%while3A_223, %dma_wait3A_292, %dma_wait3A_293] : memref<4x10000x128xf32, #tpu.memory_space<hbm>> -> memref<1x10000x128xf32, #tpu.memory_space<hbm>>
        %dma_wait3A_295 = tpu.memref_squeeze %dma_wait3A_294 : memref<1x10000x128xf32, #tpu.memory_space<hbm>> -> memref<10000x128xf32, #tpu.memory_space<hbm>>
        %dma_wait3A_296 = arith.constant 0 : i32
        %dma_wait3A_297 = arith.constant 0 : i32
        %dma_wait3A_298 = tpu.memref_slice %dma_wait3A_295[%dma_wait3A_296, %dma_wait3A_297] : memref<10000x128xf32, #tpu.memory_space<hbm>> -> memref<128x128xf32, #tpu.memory_space<hbm>>
        tpu.wait_dma2 semaphore(%arg11 : memref<!tpu.dma_semaphore, #tpu.memory_space<semaphore_mem>>) src(%dma_wait3A_298 : memref<128x128xf32, #tpu.memory_space<hbm>>) dst(%arg9 : memref<128x128xf32, #tpu.memory_space<vmem>>)
        %dma_wait3A_299 = arith.constant 0 : i32
        %dma_wait3A_300 = arith.constant 0 : i32
        %dma_wait3A_301 = tpu.memref_slice %arg14[%dma_wait3A_299, %dma_wait3A_300] : memref<10000x128xf32, #tpu.memory_space<vmem_shared>> -> memref<128x128xf32, #tpu.memory_space<vmem_shared>>
        %dma_wait3A_302 = arith.constant 0 : i32
        %dma_wait3A_303 = arith.constant 0 : i32
        %dma_wait3A_304 = tpu.memref_slice %arg14[%dma_wait3A_302, %dma_wait3A_303] : memref<10000x128xf32, #tpu.memory_space<vmem_shared>> -> memref<128x128xf32, #tpu.memory_space<vmem_shared>>
        tpu.wait_dma2 semaphore(%arg12 : memref<!tpu.dma_semaphore, #tpu.memory_space<semaphore_mem>>) src(%arg8 : memref<128x128xf32, #tpu.memory_space<vmem>>) dst(%dma_wait3A_304 : memref<128x128xf32, #tpu.memory_space<vmem_shared>>)
        %add3A_305 = arith.constant 1 : i32
        %add3A_306 = arith.addi %add3A_284, %add3A_305 : i32
        %dma_start3A_307 = arith.constant 0 : i32
        %dma_start3A_308 = tpu.memref_slice %arg6[%add3A_306, %dma_start3A_307] : memref<40x128xi32, #tpu.memory_space<vmem>> -> memref<1x128xi32, #tpu.memory_space<vmem>>
        %dma_start3A_309 = tpu.memref_squeeze %dma_start3A_308 : memref<1x128xi32, #tpu.memory_space<vmem>> -> memref<128xi32, #tpu.memory_space<vmem>>
        %dma_start3A_310 = arith.constant 0 : i32
        %dma_start3A_311 = arith.constant 0 : i32
        %dma_start3A_312 = tpu.memref_slice %arg2[%while3A_223, %dma_start3A_310, %dma_start3A_311] : memref<4x10000x128xf32, #tpu.memory_space<hbm>> -> memref<1x10000x128xf32, #tpu.memory_space<hbm>>
        %dma_start3A_313 = tpu.memref_squeeze %dma_start3A_312 : memref<1x10000x128xf32, #tpu.memory_space<hbm>> -> memref<10000x128xf32, #tpu.memory_space<hbm>>
        %dma_start3A_314 = arith.constant 0 : i32
        %dma_start3A_315 = arith.constant 0 : i32
        %dma_start3A_316 = tpu.memref_slice %dma_start3A_313[%dma_start3A_314, %dma_start3A_315] : memref<10000x128xf32, #tpu.memory_space<hbm>> -> memref<10000x128xf32, #tpu.memory_space<hbm>>
        tpu.enqueue_indirect_dma source(%dma_start3A_316 : memref<10000x128xf32, #tpu.memory_space<hbm>>) target(%arg8 : memref<128x128xf32, #tpu.memory_space<vmem>>) offsets(%dma_start3A_309 : memref<128xi32, #tpu.memory_space<vmem>>) semaphore(%arg10 : memref<!tpu.dma_semaphore, #tpu.memory_space<semaphore_mem>>)
        %dma_start3A_317 = arith.constant 0 : i32
        %dma_start3A_318 = tpu.memref_slice %arg7[%add3A_284, %dma_start3A_317] : memref<40x128xi32, #tpu.memory_space<vmem>> -> memref<1x128xi32, #tpu.memory_space<vmem>>
        %dma_start3A_319 = tpu.memref_squeeze %dma_start3A_318 : memref<1x128xi32, #tpu.memory_space<vmem>> -> memref<128xi32, #tpu.memory_space<vmem>>
        %dma_start3A_320 = arith.constant 0 : i32
        %dma_start3A_321 = arith.constant 0 : i32
        %dma_start3A_322 = tpu.memref_slice %arg14[%dma_start3A_320, %dma_start3A_321] : memref<10000x128xf32, #tpu.memory_space<vmem_shared>> -> memref<10000x128xf32, #tpu.memory_space<vmem_shared>>
        tpu.enqueue_indirect_dma source(%arg9 : memref<128x128xf32, #tpu.memory_space<vmem>>) target(%dma_start3A_322 : memref<10000x128xf32, #tpu.memory_space<vmem_shared>>) offsets(%dma_start3A_319 : memref<128xi32, #tpu.memory_space<vmem>>) semaphore(%arg13 : memref<!tpu.dma_semaphore, #tpu.memory_space<semaphore_mem>>) {add = true}
        %mul3A_323 = arith.constant 2 : i32
        %mul3A_324 = arith.muli %mul3A_323, %while3A_280 : i32
        %add3A_325 = arith.constant 2 : i32
        %add3A_326 = arith.addi %mul3A_324, %add3A_325 : i32
        %dma_wait3A_327 = arith.constant 0 : i32
        %dma_wait3A_328 = arith.constant 0 : i32
        %dma_wait3A_329 = tpu.memref_slice %arg2[%while3A_223, %dma_wait3A_327, %dma_wait3A_328] : memref<4x10000x128xf32, #tpu.memory_space<hbm>> -> memref<1x10000x128xf32, #tpu.memory_space<hbm>>
        %dma_wait3A_330 = tpu.memref_squeeze %dma_wait3A_329 : memref<1x10000x128xf32, #tpu.memory_space<hbm>> -> memref<10000x128xf32, #tpu.memory_space<hbm>>
        %dma_wait3A_331 = arith.constant 0 : i32
        %dma_wait3A_332 = arith.constant 0 : i32
        %dma_wait3A_333 = tpu.memref_slice %dma_wait3A_330[%dma_wait3A_331, %dma_wait3A_332] : memref<10000x128xf32, #tpu.memory_space<hbm>> -> memref<128x128xf32, #tpu.memory_space<hbm>>
        %dma_wait3A_334 = arith.constant 0 : i32
        %dma_wait3A_335 = arith.constant 0 : i32
        %dma_wait3A_336 = tpu.memref_slice %arg2[%while3A_223, %dma_wait3A_334, %dma_wait3A_335] : memref<4x10000x128xf32, #tpu.memory_space<hbm>> -> memref<1x10000x128xf32, #tpu.memory_space<hbm>>
        %dma_wait3A_337 = tpu.memref_squeeze %dma_wait3A_336 : memref<1x10000x128xf32, #tpu.memory_space<hbm>> -> memref<10000x128xf32, #tpu.memory_space<hbm>>
        %dma_wait3A_338 = arith.constant 0 : i32
        %dma_wait3A_339 = arith.constant 0 : i32
        %dma_wait3A_340 = tpu.memref_slice %dma_wait3A_337[%dma_wait3A_338, %dma_wait3A_339] : memref<10000x128xf32, #tpu.memory_space<hbm>> -> memref<128x128xf32, #tpu.memory_space<hbm>>
        tpu.wait_dma2 semaphore(%arg10 : memref<!tpu.dma_semaphore, #tpu.memory_space<semaphore_mem>>) src(%dma_wait3A_340 : memref<128x128xf32, #tpu.memory_space<hbm>>) dst(%arg8 : memref<128x128xf32, #tpu.memory_space<vmem>>)
        %dma_wait3A_341 = arith.constant 0 : i32
        %dma_wait3A_342 = arith.constant 0 : i32
        %dma_wait3A_343 = tpu.memref_slice %arg14[%dma_wait3A_341, %dma_wait3A_342] : memref<10000x128xf32, #tpu.memory_space<vmem_shared>> -> memref<128x128xf32, #tpu.memory_space<vmem_shared>>
        %dma_wait3A_344 = arith.constant 0 : i32
        %dma_wait3A_345 = arith.constant 0 : i32
        %dma_wait3A_346 = tpu.memref_slice %arg14[%dma_wait3A_344, %dma_wait3A_345] : memref<10000x128xf32, #tpu.memory_space<vmem_shared>> -> memref<128x128xf32, #tpu.memory_space<vmem_shared>>
        tpu.wait_dma2 semaphore(%arg13 : memref<!tpu.dma_semaphore, #tpu.memory_space<semaphore_mem>>) src(%arg9 : memref<128x128xf32, #tpu.memory_space<vmem>>) dst(%dma_wait3A_346 : memref<128x128xf32, #tpu.memory_space<vmem_shared>>)
        %add3A_347 = arith.constant 1 : i32
        %add3A_348 = arith.addi %add3A_326, %add3A_347 : i32
        %dma_start3A_349 = arith.constant 0 : i32
        %dma_start3A_350 = tpu.memref_slice %arg6[%add3A_348, %dma_start3A_349] : memref<40x128xi32, #tpu.memory_space<vmem>> -> memref<1x128xi32, #tpu.memory_space<vmem>>
        %dma_start3A_351 = tpu.memref_squeeze %dma_start3A_350 : memref<1x128xi32, #tpu.memory_space<vmem>> -> memref<128xi32, #tpu.memory_space<vmem>>
        %dma_start3A_352 = arith.constant 0 : i32
        %dma_start3A_353 = arith.constant 0 : i32
        %dma_start3A_354 = tpu.memref_slice %arg2[%while3A_223, %dma_start3A_352, %dma_start3A_353] : memref<4x10000x128xf32, #tpu.memory_space<hbm>> -> memref<1x10000x128xf32, #tpu.memory_space<hbm>>
        %dma_start3A_355 = tpu.memref_squeeze %dma_start3A_354 : memref<1x10000x128xf32, #tpu.memory_space<hbm>> -> memref<10000x128xf32, #tpu.memory_space<hbm>>
        %dma_start3A_356 = arith.constant 0 : i32
        %dma_start3A_357 = arith.constant 0 : i32
        %dma_start3A_358 = tpu.memref_slice %dma_start3A_355[%dma_start3A_356, %dma_start3A_357] : memref<10000x128xf32, #tpu.memory_space<hbm>> -> memref<10000x128xf32, #tpu.memory_space<hbm>>
        tpu.enqueue_indirect_dma source(%dma_start3A_358 : memref<10000x128xf32, #tpu.memory_space<hbm>>) target(%arg9 : memref<128x128xf32, #tpu.memory_space<vmem>>) offsets(%dma_start3A_351 : memref<128xi32, #tpu.memory_space<vmem>>) semaphore(%arg11 : memref<!tpu.dma_semaphore, #tpu.memory_space<semaphore_mem>>)
        %dma_start3A_359 = arith.constant 0 : i32
        %dma_start3A_360 = tpu.memref_slice %arg7[%add3A_326, %dma_start3A_359] : memref<40x128xi32, #tpu.memory_space<vmem>> -> memref<1x128xi32, #tpu.memory_space<vmem>>
        %dma_start3A_361 = tpu.memref_squeeze %dma_start3A_360 : memref<1x128xi32, #tpu.memory_space<vmem>> -> memref<128xi32, #tpu.memory_space<vmem>>
        %dma_start3A_362 = arith.constant 0 : i32
        %dma_start3A_363 = arith.constant 0 : i32
        %dma_start3A_364 = tpu.memref_slice %arg14[%dma_start3A_362, %dma_start3A_363] : memref<10000x128xf32, #tpu.memory_space<vmem_shared>> -> memref<10000x128xf32, #tpu.memory_space<vmem_shared>>
        tpu.enqueue_indirect_dma source(%arg8 : memref<128x128xf32, #tpu.memory_space<vmem>>) target(%dma_start3A_364 : memref<10000x128xf32, #tpu.memory_space<vmem_shared>>) offsets(%dma_start3A_361 : memref<128xi32, #tpu.memory_space<vmem>>) semaphore(%arg12 : memref<!tpu.dma_semaphore, #tpu.memory_space<semaphore_mem>>) {add = true}
      }
      %while3A_232 = arith.constant 1 : i32
      scf.for %while3A_280 = %while3A_230 to %while3A_226 step %while3A_232  : i32 {
        %mul3A_281 = arith.constant 2 : i32
        %mul3A_282 = arith.muli %mul3A_281, %while3A_280 : i32
        %add3A_283 = arith.constant 1 : i32
        %add3A_284 = arith.addi %mul3A_282, %add3A_283 : i32
        %dma_wait3A_285 = arith.constant 0 : i32
        %dma_wait3A_286 = arith.constant 0 : i32
        %dma_wait3A_287 = tpu.memref_slice %arg2[%while3A_223, %dma_wait3A_285, %dma_wait3A_286] : memref<4x10000x128xf32, #tpu.memory_space<hbm>> -> memref<1x10000x128xf32, #tpu.memory_space<hbm>>
        %dma_wait3A_288 = tpu.memref_squeeze %dma_wait3A_287 : memref<1x10000x128xf32, #tpu.memory_space<hbm>> -> memref<10000x128xf32, #tpu.memory_space<hbm>>
        %dma_wait3A_289 = arith.constant 0 : i32
        %dma_wait3A_290 = arith.constant 0 : i32
        %dma_wait3A_291 = tpu.memref_slice %dma_wait3A_288[%dma_wait3A_289, %dma_wait3A_290] : memref<10000x128xf32, #tpu.memory_space<hbm>> -> memref<128x128xf32, #tpu.memory_space<hbm>>
        %dma_wait3A_292 = arith.constant 0 : i32
        %dma_wait3A_293 = arith.constant 0 : i32
        %dma_wait3A_294 = tpu.memref_slice %arg2[%while3A_223, %dma_wait3A_292, %dma_wait3A_293] : memref<4x10000x128xf32, #tpu.memory_space<hbm>> -> memref<1x10000x128xf32, #tpu.memory_space<hbm>>
        %dma_wait3A_295 = tpu.memref_squeeze %dma_wait3A_294 : memref<1x10000x128xf32, #tpu.memory_space<hbm>> -> memref<10000x128xf32, #tpu.memory_space<hbm>>
        %dma_wait3A_296 = arith.constant 0 : i32
        %dma_wait3A_297 = arith.constant 0 : i32
        %dma_wait3A_298 = tpu.memref_slice %dma_wait3A_295[%dma_wait3A_296, %dma_wait3A_297] : memref<10000x128xf32, #tpu.memory_space<hbm>> -> memref<128x128xf32, #tpu.memory_space<hbm>>
        tpu.wait_dma2 semaphore(%arg11 : memref<!tpu.dma_semaphore, #tpu.memory_space<semaphore_mem>>) src(%dma_wait3A_298 : memref<128x128xf32, #tpu.memory_space<hbm>>) dst(%arg9 : memref<128x128xf32, #tpu.memory_space<vmem>>)
        %dma_wait3A_299 = arith.constant 0 : i32
        %dma_wait3A_300 = arith.constant 0 : i32
        %dma_wait3A_301 = tpu.memref_slice %arg14[%dma_wait3A_299, %dma_wait3A_300] : memref<10000x128xf32, #tpu.memory_space<vmem_shared>> -> memref<128x128xf32, #tpu.memory_space<vmem_shared>>
        %dma_wait3A_302 = arith.constant 0 : i32
        %dma_wait3A_303 = arith.constant 0 : i32
        %dma_wait3A_304 = tpu.memref_slice %arg14[%dma_wait3A_302, %dma_wait3A_303] : memref<10000x128xf32, #tpu.memory_space<vmem_shared>> -> memref<128x128xf32, #tpu.memory_space<vmem_shared>>
        tpu.wait_dma2 semaphore(%arg12 : memref<!tpu.dma_semaphore, #tpu.memory_space<semaphore_mem>>) src(%arg8 : memref<128x128xf32, #tpu.memory_space<vmem>>) dst(%dma_wait3A_304 : memref<128x128xf32, #tpu.memory_space<vmem_shared>>)
        %add3A_305 = arith.constant 1 : i32
        %add3A_306 = arith.addi %add3A_284, %add3A_305 : i32
        %dma_start3A_307 = arith.constant 0 : i32
        %dma_start3A_308 = tpu.memref_slice %arg6[%add3A_306, %dma_start3A_307] : memref<40x128xi32, #tpu.memory_space<vmem>> -> memref<1x128xi32, #tpu.memory_space<vmem>>
        %dma_start3A_309 = tpu.memref_squeeze %dma_start3A_308 : memref<1x128xi32, #tpu.memory_space<vmem>> -> memref<128xi32, #tpu.memory_space<vmem>>
        %dma_start3A_310 = arith.constant 0 : i32
        %dma_start3A_311 = arith.constant 0 : i32
        %dma_start3A_312 = tpu.memref_slice %arg2[%while3A_223, %dma_start3A_310, %dma_start3A_311] : memref<4x10000x128xf32, #tpu.memory_space<hbm>> -> memref<1x10000x128xf32, #tpu.memory_space<hbm>>
        %dma_start3A_313 = tpu.memref_squeeze %dma_start3A_312 : memref<1x10000x128xf32, #tpu.memory_space<hbm>> -> memref<10000x128xf32, #tpu.memory_space<hbm>>
        %dma_start3A_314 = arith.constant 0 : i32
        %dma_start3A_315 = arith.constant 0 : i32
        %dma_start3A_316 = tpu.memref_slice %dma_start3A_313[%dma_start3A_314, %dma_start3A_315] : memref<10000x128xf32, #tpu.memory_space<hbm>> -> memref<10000x128xf32, #tpu.memory_space<hbm>>
        tpu.enqueue_indirect_dma source(%dma_start3A_316 : memref<10000x128xf32, #tpu.memory_space<hbm>>) target(%arg8 : memref<128x128xf32, #tpu.memory_space<vmem>>) offsets(%dma_start3A_309 : memref<128xi32, #tpu.memory_space<vmem>>) semaphore(%arg10 : memref<!tpu.dma_semaphore, #tpu.memory_space<semaphore_mem>>)
        %dma_start3A_317 = arith.constant 0 : i32
        %dma_start3A_318 = tpu.memref_slice %arg7[%add3A_284, %dma_start3A_317] : memref<40x128xi32, #tpu.memory_space<vmem>> -> memref<1x128xi32, #tpu.memory_space<vmem>>
        %dma_start3A_319 = tpu.memref_squeeze %dma_start3A_318 : memref<1x128xi32, #tpu.memory_space<vmem>> -> memref<128xi32, #tpu.memory_space<vmem>>
        %dma_start3A_320 = arith.constant 0 : i32
        %dma_start3A_321 = arith.constant 0 : i32
        %dma_start3A_322 = tpu.memref_slice %arg14[%dma_start3A_320, %dma_start3A_321] : memref<10000x128xf32, #tpu.memory_space<vmem_shared>> -> memref<10000x128xf32, #tpu.memory_space<vmem_shared>>
        tpu.enqueue_indirect_dma source(%arg9 : memref<128x128xf32, #tpu.memory_space<vmem>>) target(%dma_start3A_322 : memref<10000x128xf32, #tpu.memory_space<vmem_shared>>) offsets(%dma_start3A_319 : memref<128xi32, #tpu.memory_space<vmem>>) semaphore(%arg13 : memref<!tpu.dma_semaphore, #tpu.memory_space<semaphore_mem>>) {add = true}
        %mul3A_323 = arith.constant 2 : i32
        %mul3A_324 = arith.muli %mul3A_323, %while3A_280 : i32
        %add3A_325 = arith.constant 2 : i32
        %add3A_326 = arith.addi %mul3A_324, %add3A_325 : i32
        %dma_wait3A_327 = arith.constant 0 : i32
        %dma_wait3A_328 = arith.constant 0 : i32
        %dma_wait3A_329 = tpu.memref_slice %arg2[%while3A_223, %dma_wait3A_327, %dma_wait3A_328] : memref<4x10000x128xf32, #tpu.memory_space<hbm>> -> memref<1x10000x128xf32, #tpu.memory_space<hbm>>
        %dma_wait3A_330 = tpu.memref_squeeze %dma_wait3A_329 : memref<1x10000x128xf32, #tpu.memory_space<hbm>> -> memref<10000x128xf32, #tpu.memory_space<hbm>>
        %dma_wait3A_331 = arith.constant 0 : i32
        %dma_wait3A_332 = arith.constant 0 : i32
        %dma_wait3A_333 = tpu.memref_slice %dma_wait3A_330[%dma_wait3A_331, %dma_wait3A_332] : memref<10000x128xf32, #tpu.memory_space<hbm>> -> memref<128x128xf32, #tpu.memory_space<hbm>>
        %dma_wait3A_334 = arith.constant 0 : i32
        %dma_wait3A_335 = arith.constant 0 : i32
        %dma_wait3A_336 = tpu.memref_slice %arg2[%while3A_223, %dma_wait3A_334, %dma_wait3A_335] : memref<4x10000x128xf32, #tpu.memory_space<hbm>> -> memref<1x10000x128xf32, #tpu.memory_space<hbm>>
        %dma_wait3A_337 = tpu.memref_squeeze %dma_wait3A_336 : memref<1x10000x128xf32, #tpu.memory_space<hbm>> -> memref<10000x128xf32, #tpu.memory_space<hbm>>
        %dma_wait3A_338 = arith.constant 0 : i32
        %dma_wait3A_339 = arith.constant 0 : i32
        %dma_wait3A_340 = tpu.memref_slice %dma_wait3A_337[%dma_wait3A_338, %dma_wait3A_339] : memref<10000x128xf32, #tpu.memory_space<hbm>> -> memref<128x128xf32, #tpu.memory_space<hbm>>
        tpu.wait_dma2 semaphore(%arg10 : memref<!tpu.dma_semaphore, #tpu.memory_space<semaphore_mem>>) src(%dma_wait3A_340 : memref<128x128xf32, #tpu.memory_space<hbm>>) dst(%arg8 : memref<128x128xf32, #tpu.memory_space<vmem>>)
        %dma_wait3A_341 = arith.constant 0 : i32
        %dma_wait3A_342 = arith.constant 0 : i32
        %dma_wait3A_343 = tpu.memref_slice %arg14[%dma_wait3A_341, %dma_wait3A_342] : memref<10000x128xf32, #tpu.memory_space<vmem_shared>> -> memref<128x128xf32, #tpu.memory_space<vmem_shared>>
        %dma_wait3A_344 = arith.constant 0 : i32
        %dma_wait3A_345 = arith.constant 0 : i32
        %dma_wait3A_346 = tpu.memref_slice %arg14[%dma_wait3A_344, %dma_wait3A_345] : memref<10000x128xf32, #tpu.memory_space<vmem_shared>> -> memref<128x128xf32, #tpu.memory_space<vmem_shared>>
        tpu.wait_dma2 semaphore(%arg13 : memref<!tpu.dma_semaphore, #tpu.memory_space<semaphore_mem>>) src(%arg9 : memref<128x128xf32, #tpu.memory_space<vmem>>) dst(%dma_wait3A_346 : memref<128x128xf32, #tpu.memory_space<vmem_shared>>)
        %add3A_347 = arith.constant 1 : i32
        %add3A_348 = arith.addi %add3A_326, %add3A_347 : i32
        %dma_start3A_349 = arith.constant 0 : i32
        %dma_start3A_350 = tpu.memref_slice %arg6[%add3A_348, %dma_start3A_349] : memref<40x128xi32, #tpu.memory_space<vmem>> -> memref<1x128xi32, #tpu.memory_space<vmem>>
        %dma_start3A_351 = tpu.memref_squeeze %dma_start3A_350 : memref<1x128xi32, #tpu.memory_space<vmem>> -> memref<128xi32, #tpu.memory_space<vmem>>
        %dma_start3A_352 = arith.constant 0 : i32
        %dma_start3A_353 = arith.constant 0 : i32
        %dma_start3A_354 = tpu.memref_slice %arg2[%while3A_223, %dma_start3A_352, %dma_start3A_353] : memref<4x10000x128xf32, #tpu.memory_space<hbm>> -> memref<1x10000x128xf32, #tpu.memory_space<hbm>>
        %dma_start3A_355 = tpu.memref_squeeze %dma_start3A_354 : memref<1x10000x128xf32, #tpu.memory_space<hbm>> -> memref<10000x128xf32, #tpu.memory_space<hbm>>
        %dma_start3A_356 = arith.constant 0 : i32
        %dma_start3A_357 = arith.constant 0 : i32
        %dma_start3A_358 = tpu.memref_slice %dma_start3A_355[%dma_start3A_356, %dma_start3A_357] : memref<10000x128xf32, #tpu.memory_space<hbm>> -> memref<10000x128xf32, #tpu.memory_space<hbm>>
        tpu.enqueue_indirect_dma source(%dma_start3A_358 : memref<10000x128xf32, #tpu.memory_space<hbm>>) target(%arg9 : memref<128x128xf32, #tpu.memory_space<vmem>>) offsets(%dma_start3A_351 : memref<128xi32, #tpu.memory_space<vmem>>) semaphore(%arg11 : memref<!tpu.dma_semaphore, #tpu.memory_space<semaphore_mem>>)
        %dma_start3A_359 = arith.constant 0 : i32
        %dma_start3A_360 = tpu.memref_slice %arg7[%add3A_326, %dma_start3A_359] : memref<40x128xi32, #tpu.memory_space<vmem>> -> memref<1x128xi32, #tpu.memory_space<vmem>>
        %dma_start3A_361 = tpu.memref_squeeze %dma_start3A_360 : memref<1x128xi32, #tpu.memory_space<vmem>> -> memref<128xi32, #tpu.memory_space<vmem>>
        %dma_start3A_362 = arith.constant 0 : i32
        %dma_start3A_363 = arith.constant 0 : i32
        %dma_start3A_364 = tpu.memref_slice %arg14[%dma_start3A_362, %dma_start3A_363] : memref<10000x128xf32, #tpu.memory_space<vmem_shared>> -> memref<10000x128xf32, #tpu.memory_space<vmem_shared>>
        tpu.enqueue_indirect_dma source(%arg8 : memref<128x128xf32, #tpu.memory_space<vmem>>) target(%dma_start3A_364 : memref<10000x128xf32, #tpu.memory_space<vmem_shared>>) offsets(%dma_start3A_361 : memref<128xi32, #tpu.memory_space<vmem>>) semaphore(%arg12 : memref<!tpu.dma_semaphore, #tpu.memory_space<semaphore_mem>>) {add = true}
      }
      %dma_wait3A_233 = arith.constant 1 : i32
      %dma_wait3A_234 = arith.constant 0 : i32
      %dma_wait3A_235 = arith.constant 0 : i32
      %dma_wait3A_236 = tpu.memref_slice %arg2[%dma_wait3A_233, %dma_wait3A_234, %dma_wait3A_235] : memref<4x10000x128xf32, #tpu.memory_space<hbm>> -> memref<1x10000x128xf32, #tpu.memory_space<hbm>>
      %dma_wait3A_237 = tpu.memref_squeeze %dma_wait3A_236 : memref<1x10000x128xf32, #tpu.memory_space<hbm>> -> memref<10000x128xf32, #tpu.memory_space<hbm>>
      %dma_wait3A_238 = arith.constant 0 : i32
      %dma_wait3A_239 = arith.constant 0 : i32
      %dma_wait3A_240 = tpu.memref_slice %dma_wait3A_237[%dma_wait3A_238, %dma_wait3A_239] : memref<10000x128xf32, #tpu.memory_space<hbm>> -> memref<128x128xf32, #tpu.memory_space<hbm>>
      %dma_wait3A_241 = arith.constant 0 : i32
      %dma_wait3A_242 = arith.constant 0 : i32
      %dma_wait3A_243 = tpu.memref_slice %arg2[%dma_wait3A_233, %dma_wait3A_241, %dma_wait3A_242] : memref<4x10000x128xf32, #tpu.memory_space<hbm>> -> memref<1x10000x128xf32, #tpu.memory_space<hbm>>
      %dma_wait3A_244 = tpu.memref_squeeze %dma_wait3A_243 : memref<1x10000x128xf32, #tpu.memory_space<hbm>> -> memref<10000x128xf32, #tpu.memory_space<hbm>>
      %dma_wait3A_245 = arith.constant 0 : i32
      %dma_wait3A_246 = arith.constant 0 : i32
      %dma_wait3A_247 = tpu.memref_slice %dma_wait3A_244[%dma_wait3A_245, %dma_wait3A_246] : memref<10000x128xf32, #tpu.memory_space<hbm>> -> memref<128x128xf32, #tpu.memory_space<hbm>>
      tpu.wait_dma2 semaphore(%arg11 : memref<!tpu.dma_semaphore, #tpu.memory_space<semaphore_mem>>) src(%dma_wait3A_247 : memref<128x128xf32, #tpu.memory_space<hbm>>) dst(%arg9 : memref<128x128xf32, #tpu.memory_space<vmem>>)
      %sub3A_248 = arith.constant 1 : i32
      %sub3A_249 = arith.subi %min3A_149, %sub3A_248 : i32
      %dma_start3A_250 = arith.constant 0 : i32
      %dma_start3A_251 = tpu.memref_slice %arg7[%sub3A_249, %dma_start3A_250] : memref<40x128xi32, #tpu.memory_space<vmem>> -> memref<1x128xi32, #tpu.memory_space<vmem>>
      %dma_start3A_252 = tpu.memref_squeeze %dma_start3A_251 : memref<1x128xi32, #tpu.memory_space<vmem>> -> memref<128xi32, #tpu.memory_space<vmem>>
      %dma_start3A_253 = arith.constant 0 : i32
      %dma_start3A_254 = arith.constant 0 : i32
      %dma_start3A_255 = tpu.memref_slice %arg14[%dma_start3A_253, %dma_start3A_254] : memref<10000x128xf32, #tpu.memory_space<vmem_shared>> -> memref<10000x128xf32, #tpu.memory_space<vmem_shared>>
      tpu.enqueue_indirect_dma source(%arg9 : memref<128x128xf32, #tpu.memory_space<vmem>>) target(%dma_start3A_255 : memref<10000x128xf32, #tpu.memory_space<vmem_shared>>) offsets(%dma_start3A_252 : memref<128xi32, #tpu.memory_space<vmem>>) semaphore(%arg13 : memref<!tpu.dma_semaphore, #tpu.memory_space<semaphore_mem>>) {add = true}
      %dma_wait3A_256 = arith.constant 0 : i32
      %dma_wait3A_257 = arith.constant 0 : i32
      %dma_wait3A_258 = tpu.memref_slice %arg14[%dma_wait3A_256, %dma_wait3A_257] : memref<10000x128xf32, #tpu.memory_space<vmem_shared>> -> memref<128x128xf32, #tpu.memory_space<vmem_shared>>
      %dma_wait3A_259 = arith.constant 0 : i32
      %dma_wait3A_260 = arith.constant 0 : i32
      %dma_wait3A_261 = tpu.memref_slice %arg14[%dma_wait3A_259, %dma_wait3A_260] : memref<10000x128xf32, #tpu.memory_space<vmem_shared>> -> memref<128x128xf32, #tpu.memory_space<vmem_shared>>
      tpu.wait_dma2 semaphore(%arg12 : memref<!tpu.dma_semaphore, #tpu.memory_space<semaphore_mem>>) src(%arg8 : memref<128x128xf32, #tpu.memory_space<vmem>>) dst(%dma_wait3A_261 : memref<128x128xf32, #tpu.memory_space<vmem_shared>>)
      %dma_wait3A_262 = arith.constant 0 : i32
      %dma_wait3A_263 = arith.constant 0 : i32
      %dma_wait3A_264 = tpu.memref_slice %arg14[%dma_wait3A_262, %dma_wait3A_263] : memref<10000x128xf32, #tpu.memory_space<vmem_shared>> -> memref<128x128xf32, #tpu.memory_space<vmem_shared>>
      %dma_wait3A_265 = arith.constant 0 : i32
      %dma_wait3A_266 = arith.constant 0 : i32
      %dma_wait3A_267 = tpu.memref_slice %arg14[%dma_wait3A_265, %dma_wait3A_266] : memref<10000x128xf32, #tpu.memory_space<vmem_shared>> -> memref<128x128xf32, #tpu.memory_space<vmem_shared>>
      tpu.wait_dma2 semaphore(%arg13 : memref<!tpu.dma_semaphore, #tpu.memory_space<semaphore_mem>>) src(%arg9 : memref<128x128xf32, #tpu.memory_space<vmem>>) dst(%dma_wait3A_267 : memref<128x128xf32, #tpu.memory_space<vmem_shared>>)
      %barrier3A_268 = arith.constant 0 : index
      tpu.barrier barrier_id(%barrier3A_268)
      %mul3A_269 = arith.constant 624 : i32
      %mul3A_270 = arith.muli %arg1, %mul3A_269 : i32
      %mul3A_271 = arith.constant 624 : i32
      %mul3A_272 = arith.muli %arg1, %mul3A_271 : i32
      %run_scoped3A_273 = arith.constant 1 : i32
      "tpu.region"() ({
        %run_scoped3A_280 = tpu.sem_alloc : memref<!tpu.dma_semaphore, #tpu.memory_space<semaphore_mem>>
        %dma_start3A_281 = arith.constant 0 : i32
        %dma_start3A_282 = arith.constant 0 : i32
        %dma_start3A_283 = tpu.memref_slice %arg5[%run_scoped3A_273, %dma_start3A_281, %dma_start3A_282] : memref<4x10000x128xf32, #tpu.memory_space<hbm>> -> memref<1x10000x128xf32, #tpu.memory_space<hbm>>
        %dma_start3A_284 = tpu.memref_squeeze %dma_start3A_283 : memref<1x10000x128xf32, #tpu.memory_space<hbm>> -> memref<10000x128xf32, #tpu.memory_space<hbm>>
        %dma_start3A_285 = arith.constant 0 : i32
        %dma_start3A_286 = tpu.memref_slice %dma_start3A_284[%mul3A_272, %dma_start3A_285] : memref<10000x128xf32, #tpu.memory_space<hbm>> -> memref<624x128xf32, #tpu.memory_space<hbm>>
        %dma_start3A_287 = arith.constant 0 : i32
        %dma_start3A_288 = tpu.memref_slice %arg14[%mul3A_270, %dma_start3A_287] : memref<10000x128xf32, #tpu.memory_space<vmem_shared>> -> memref<624x128xf32, #tpu.memory_space<vmem_shared>>
        tpu.enqueue_dma source(%dma_start3A_288 : memref<624x128xf32, #tpu.memory_space<vmem_shared>>) target(%dma_start3A_286 : memref<624x128xf32, #tpu.memory_space<hbm>>) target_semaphore(%run_scoped3A_280 : memref<!tpu.dma_semaphore, #tpu.memory_space<semaphore_mem>>)
        %dma_wait3A_289 = arith.constant 0 : i32
        %dma_wait3A_290 = arith.constant 0 : i32
        %dma_wait3A_291 = tpu.memref_slice %arg5[%run_scoped3A_273, %dma_wait3A_289, %dma_wait3A_290] : memref<4x10000x128xf32, #tpu.memory_space<hbm>> -> memref<1x10000x128xf32, #tpu.memory_space<hbm>>
        %dma_wait3A_292 = tpu.memref_squeeze %dma_wait3A_291 : memref<1x10000x128xf32, #tpu.memory_space<hbm>> -> memref<10000x128xf32, #tpu.memory_space<hbm>>
        %dma_wait3A_293 = arith.constant 0 : i32
        %dma_wait3A_294 = tpu.memref_slice %dma_wait3A_292[%mul3A_272, %dma_wait3A_293] : memref<10000x128xf32, #tpu.memory_space<hbm>> -> memref<624x128xf32, #tpu.memory_space<hbm>>
        %dma_wait3A_295 = arith.constant 0 : i32
        %dma_wait3A_296 = tpu.memref_slice %arg14[%mul3A_270, %dma_wait3A_295] : memref<10000x128xf32, #tpu.memory_space<vmem_shared>> -> memref<624x128xf32, #tpu.memory_space<vmem_shared>>
        tpu.wait_dma2 semaphore(%run_scoped3A_280 : memref<!tpu.dma_semaphore, #tpu.memory_space<semaphore_mem>>) src(%dma_wait3A_296 : memref<624x128xf32, #tpu.memory_space<vmem_shared>>) dst(%dma_wait3A_294 : memref<624x128xf32, #tpu.memory_space<hbm>>)
        tpu.yield
      }) : () -> ()
      %eq3A_274 = arith.constant 15 : i32
      %eq3A_275 = arith.cmpi eq, %arg1, %eq3A_274 : i32
      %convert_element_type3A_276 = arith.extui %eq3A_275 : i1 to i32
      %cond3A_277 = arith.constant 1 : i32
      %cond3A_278 = arith.constant 0 : i32
      %cond3A_279 = arith.cmpi ne, %convert_element_type3A_276, %cond3A_278 : i32
      scf.if %cond3A_279 {
        "tpu.region"() ({
          %run_scoped3A_280 = tpu.sem_alloc : memref<!tpu.dma_semaphore, #tpu.memory_space<semaphore_mem>>
          %dma_start3A_281 = arith.constant 0 : i32
          %dma_start3A_282 = arith.constant 0 : i32
          %dma_start3A_283 = tpu.memref_slice %arg5[%cond3A_277, %dma_start3A_281, %dma_start3A_282] : memref<4x10000x128xf32, #tpu.memory_space<hbm>> -> memref<1x10000x128xf32, #tpu.memory_space<hbm>>
          %dma_start3A_284 = tpu.memref_squeeze %dma_start3A_283 : memref<1x10000x128xf32, #tpu.memory_space<hbm>> -> memref<10000x128xf32, #tpu.memory_space<hbm>>
          %dma_start3A_285 = arith.constant 9984 : i32
          %dma_start3A_286 = arith.constant 0 : i32
          %dma_start3A_287 = tpu.memref_slice %dma_start3A_284[%dma_start3A_285, %dma_start3A_286] : memref<10000x128xf32, #tpu.memory_space<hbm>> -> memref<16x128xf32, #tpu.memory_space<hbm>>
          %dma_start3A_288 = arith.constant 9984 : i32
          %dma_start3A_289 = arith.constant 0 : i32
          %dma_start3A_290 = tpu.memref_slice %arg14[%dma_start3A_288, %dma_start3A_289] : memref<10000x128xf32, #tpu.memory_space<vmem_shared>> -> memref<16x128xf32, #tpu.memory_space<vmem_shared>>
          tpu.enqueue_dma source(%dma_start3A_290 : memref<16x128xf32, #tpu.memory_space<vmem_shared>>) target(%dma_start3A_287 : memref<16x128xf32, #tpu.memory_space<hbm>>) target_semaphore(%run_scoped3A_280 : memref<!tpu.dma_semaphore, #tpu.memory_space<semaphore_mem>>)
          %dma_wait3A_291 = arith.constant 0 : i32
          %dma_wait3A_292 = arith.constant 0 : i32
          %dma_wait3A_293 = tpu.memref_slice %arg5[%cond3A_277, %dma_wait3A_291, %dma_wait3A_292] : memref<4x10000x128xf32, #tpu.memory_space<hbm>> -> memref<1x10000x128xf32, #tpu.memory_space<hbm>>
          %dma_wait3A_294 = tpu.memref_squeeze %dma_wait3A_293 : memref<1x10000x128xf32, #tpu.memory_space<hbm>> -> memref<10000x128xf32, #tpu.memory_space<hbm>>
          %dma_wait3A_295 = arith.constant 9984 : i32
          %dma_wait3A_296 = arith.constant 0 : i32
          %dma_wait3A_297 = tpu.memref_slice %dma_wait3A_294[%dma_wait3A_295, %dma_wait3A_296] : memref<10000x128xf32, #tpu.memory_space<hbm>> -> memref<16x128xf32, #tpu.memory_space<hbm>>
          %dma_wait3A_298 = arith.constant 9984 : i32
          %dma_wait3A_299 = arith.constant 0 : i32
          %dma_wait3A_300 = tpu.memref_slice %arg14[%dma_wait3A_298, %dma_wait3A_299] : memref<10000x128xf32, #tpu.memory_space<vmem_shared>> -> memref<16x128xf32, #tpu.memory_space<vmem_shared>>
          tpu.wait_dma2 semaphore(%run_scoped3A_280 : memref<!tpu.dma_semaphore, #tpu.memory_space<semaphore_mem>>) src(%dma_wait3A_300 : memref<16x128xf32, #tpu.memory_space<vmem_shared>>) dst(%dma_wait3A_297 : memref<16x128xf32, #tpu.memory_space<hbm>>)
          tpu.yield
        }) : () -> ()
      } else {
      }
    } else {
    }
    %eq3A_7 = arith.constant 0 : i32
    %eq3A_8 = arith.cmpi eq, %arg0, %eq3A_7 : i32
    %convert_element_type3A_9 = arith.extui %eq3A_8 : i1 to i32
    %cond3A_10 = arith.constant 0 : i32
    %cond3A_11 = arith.cmpi ne, %convert_element_type3A_9, %cond3A_10 : i32
    scf.if %cond3A_11 {
      %mul3A = arith.constant 624 : i32
      %mul3A_17 = arith.muli %arg1, %mul3A : i32
      %mul3A_18 = arith.constant 624 : i32
      %mul3A_19 = arith.muli %arg1, %mul3A_18 : i32
      %run_scoped3A = arith.constant 2 : i32
      "tpu.region"() ({
        %run_scoped3A_280 = tpu.sem_alloc : memref<!tpu.dma_semaphore, #tpu.memory_space<semaphore_mem>>
        %dma_start3A_281 = arith.constant 0 : i32
        %dma_start3A_282 = tpu.memref_slice %arg14[%mul3A_19, %dma_start3A_281] : memref<10000x128xf32, #tpu.memory_space<vmem_shared>> -> memref<624x128xf32, #tpu.memory_space<vmem_shared>>
        %dma_start3A_283 = arith.constant 0 : i32
        %dma_start3A_284 = arith.constant 0 : i32
        %dma_start3A_285 = tpu.memref_slice %arg2[%run_scoped3A, %dma_start3A_283, %dma_start3A_284] : memref<4x10000x128xf32, #tpu.memory_space<hbm>> -> memref<1x10000x128xf32, #tpu.memory_space<hbm>>
        %dma_start3A_286 = tpu.memref_squeeze %dma_start3A_285 : memref<1x10000x128xf32, #tpu.memory_space<hbm>> -> memref<10000x128xf32, #tpu.memory_space<hbm>>
        %dma_start3A_287 = arith.constant 0 : i32
        %dma_start3A_288 = tpu.memref_slice %dma_start3A_286[%mul3A_17, %dma_start3A_287] : memref<10000x128xf32, #tpu.memory_space<hbm>> -> memref<624x128xf32, #tpu.memory_space<hbm>>
        tpu.enqueue_dma source(%dma_start3A_288 : memref<624x128xf32, #tpu.memory_space<hbm>>) target(%dma_start3A_282 : memref<624x128xf32, #tpu.memory_space<vmem_shared>>) target_semaphore(%run_scoped3A_280 : memref<!tpu.dma_semaphore, #tpu.memory_space<semaphore_mem>>)
        %dma_wait3A_289 = arith.constant 0 : i32
        %dma_wait3A_290 = tpu.memref_slice %arg14[%mul3A_19, %dma_wait3A_289] : memref<10000x128xf32, #tpu.memory_space<vmem_shared>> -> memref<624x128xf32, #tpu.memory_space<vmem_shared>>
        %dma_wait3A_291 = arith.constant 0 : i32
        %dma_wait3A_292 = arith.constant 0 : i32
        %dma_wait3A_293 = tpu.memref_slice %arg2[%run_scoped3A, %dma_wait3A_291, %dma_wait3A_292] : memref<4x10000x128xf32, #tpu.memory_space<hbm>> -> memref<1x10000x128xf32, #tpu.memory_space<hbm>>
        %dma_wait3A_294 = tpu.memref_squeeze %dma_wait3A_293 : memref<1x10000x128xf32, #tpu.memory_space<hbm>> -> memref<10000x128xf32, #tpu.memory_space<hbm>>
        %dma_wait3A_295 = arith.constant 0 : i32
        %dma_wait3A_296 = tpu.memref_slice %dma_wait3A_294[%mul3A_17, %dma_wait3A_295] : memref<10000x128xf32, #tpu.memory_space<hbm>> -> memref<624x128xf32, #tpu.memory_space<hbm>>
        tpu.wait_dma2 semaphore(%run_scoped3A_280 : memref<!tpu.dma_semaphore, #tpu.memory_space<semaphore_mem>>) src(%dma_wait3A_296 : memref<624x128xf32, #tpu.memory_space<hbm>>) dst(%dma_wait3A_290 : memref<624x128xf32, #tpu.memory_space<vmem_shared>>)
        tpu.yield
      }) : () -> ()
      %eq3A_20 = arith.constant 15 : i32
      %eq3A_21 = arith.cmpi eq, %arg1, %eq3A_20 : i32
      %convert_element_type3A_22 = arith.extui %eq3A_21 : i1 to i32
      %cond3A_23 = arith.constant 2 : i32
      %cond3A_24 = arith.constant 0 : i32
      %cond3A_25 = arith.cmpi ne, %convert_element_type3A_22, %cond3A_24 : i32
      scf.if %cond3A_25 {
        "tpu.region"() ({
          %run_scoped3A_280 = tpu.sem_alloc : memref<!tpu.dma_semaphore, #tpu.memory_space<semaphore_mem>>
          %dma_start3A_281 = arith.constant 9984 : i32
          %dma_start3A_282 = arith.constant 0 : i32
          %dma_start3A_283 = tpu.memref_slice %arg14[%dma_start3A_281, %dma_start3A_282] : memref<10000x128xf32, #tpu.memory_space<vmem_shared>> -> memref<16x128xf32, #tpu.memory_space<vmem_shared>>
          %dma_start3A_284 = arith.constant 0 : i32
          %dma_start3A_285 = arith.constant 0 : i32
          %dma_start3A_286 = tpu.memref_slice %arg2[%cond3A_23, %dma_start3A_284, %dma_start3A_285] : memref<4x10000x128xf32, #tpu.memory_space<hbm>> -> memref<1x10000x128xf32, #tpu.memory_space<hbm>>
          %dma_start3A_287 = tpu.memref_squeeze %dma_start3A_286 : memref<1x10000x128xf32, #tpu.memory_space<hbm>> -> memref<10000x128xf32, #tpu.memory_space<hbm>>
          %dma_start3A_288 = arith.constant 9984 : i32
          %dma_start3A_289 = arith.constant 0 : i32
          %dma_start3A_290 = tpu.memref_slice %dma_start3A_287[%dma_start3A_288, %dma_start3A_289] : memref<10000x128xf32, #tpu.memory_space<hbm>> -> memref<16x128xf32, #tpu.memory_space<hbm>>
          tpu.enqueue_dma source(%dma_start3A_290 : memref<16x128xf32, #tpu.memory_space<hbm>>) target(%dma_start3A_283 : memref<16x128xf32, #tpu.memory_space<vmem_shared>>) target_semaphore(%run_scoped3A_280 : memref<!tpu.dma_semaphore, #tpu.memory_space<semaphore_mem>>)
          %dma_wait3A_291 = arith.constant 9984 : i32
          %dma_wait3A_292 = arith.constant 0 : i32
          %dma_wait3A_293 = tpu.memref_slice %arg14[%dma_wait3A_291, %dma_wait3A_292] : memref<10000x128xf32, #tpu.memory_space<vmem_shared>> -> memref<16x128xf32, #tpu.memory_space<vmem_shared>>
          %dma_wait3A_294 = arith.constant 0 : i32
          %dma_wait3A_295 = arith.constant 0 : i32
          %dma_wait3A_296 = tpu.memref_slice %arg2[%cond3A_23, %dma_wait3A_294, %dma_wait3A_295] : memref<4x10000x128xf32, #tpu.memory_space<hbm>> -> memref<1x10000x128xf32, #tpu.memory_space<hbm>>
          %dma_wait3A_297 = tpu.memref_squeeze %dma_wait3A_296 : memref<1x10000x128xf32, #tpu.memory_space<hbm>> -> memref<10000x128xf32, #tpu.memory_space<hbm>>
          %dma_wait3A_298 = arith.constant 9984 : i32
          %dma_wait3A_299 = arith.constant 0 : i32
          %dma_wait3A_300 = tpu.memref_slice %dma_wait3A_297[%dma_wait3A_298, %dma_wait3A_299] : memref<10000x128xf32, #tpu.memory_space<hbm>> -> memref<16x128xf32, #tpu.memory_space<hbm>>
          tpu.wait_dma2 semaphore(%run_scoped3A_280 : memref<!tpu.dma_semaphore, #tpu.memory_space<semaphore_mem>>) src(%dma_wait3A_300 : memref<16x128xf32, #tpu.memory_space<hbm>>) dst(%dma_wait3A_293 : memref<16x128xf32, #tpu.memory_space<vmem_shared>>)
          tpu.yield
        }) : () -> ()
      } else {
      }
      %barrier3A = arith.constant 0 : index
      tpu.barrier barrier_id(%barrier3A)
      %mul3A_26 = arith.constant 80 : i32
      %mul3A_27 = arith.muli %arg1, %mul3A_26 : i32
      %add3A = arith.constant 0 : i32
      %add3A_28 = arith.addi %mul3A_27, %add3A : i32
      "tpu.region"() ({
        %run_scoped3A_280 = tpu.sem_alloc : memref<!tpu.dma_semaphore, #tpu.memory_space<semaphore_mem>>
        %dma_start3A_281 = arith.constant 0 : i32
        %dma_start3A_282 = tpu.memref_slice %arg3[%add3A_28, %dma_start3A_281] : memref<1280x128xi32, #tpu.memory_space<hbm>> -> memref<40x128xi32, #tpu.memory_space<hbm>>
        %dma_start3A_283 = arith.constant 0 : i32
        %dma_start3A_284 = tpu.memref_slice %arg3[%add3A_28, %dma_start3A_283] : memref<1280x128xi32, #tpu.memory_space<hbm>> -> memref<40x128xi32, #tpu.memory_space<hbm>>
        tpu.enqueue_dma source(%dma_start3A_284 : memref<40x128xi32, #tpu.memory_space<hbm>>) target(%arg6 : memref<40x128xi32, #tpu.memory_space<vmem>>) target_semaphore(%run_scoped3A_280 : memref<!tpu.dma_semaphore, #tpu.memory_space<semaphore_mem>>)
        %dma_wait3A_285 = arith.constant 0 : i32
        %dma_wait3A_286 = tpu.memref_slice %arg3[%add3A_28, %dma_wait3A_285] : memref<1280x128xi32, #tpu.memory_space<hbm>> -> memref<40x128xi32, #tpu.memory_space<hbm>>
        %dma_wait3A_287 = arith.constant 0 : i32
        %dma_wait3A_288 = tpu.memref_slice %arg3[%add3A_28, %dma_wait3A_287] : memref<1280x128xi32, #tpu.memory_space<hbm>> -> memref<40x128xi32, #tpu.memory_space<hbm>>
        tpu.wait_dma2 semaphore(%run_scoped3A_280 : memref<!tpu.dma_semaphore, #tpu.memory_space<semaphore_mem>>) src(%dma_wait3A_288 : memref<40x128xi32, #tpu.memory_space<hbm>>) dst(%arg6 : memref<40x128xi32, #tpu.memory_space<vmem>>)
        tpu.yield
      }) : () -> ()
      "tpu.region"() ({
        %run_scoped3A_280 = tpu.sem_alloc : memref<!tpu.dma_semaphore, #tpu.memory_space<semaphore_mem>>
        %dma_start3A_281 = arith.constant 0 : i32
        %dma_start3A_282 = tpu.memref_slice %arg4[%add3A_28, %dma_start3A_281] : memref<1280x128xi32, #tpu.memory_space<hbm>> -> memref<40x128xi32, #tpu.memory_space<hbm>>
        %dma_start3A_283 = arith.constant 0 : i32
        %dma_start3A_284 = tpu.memref_slice %arg4[%add3A_28, %dma_start3A_283] : memref<1280x128xi32, #tpu.memory_space<hbm>> -> memref<40x128xi32, #tpu.memory_space<hbm>>
        tpu.enqueue_dma source(%dma_start3A_284 : memref<40x128xi32, #tpu.memory_space<hbm>>) target(%arg7 : memref<40x128xi32, #tpu.memory_space<vmem>>) target_semaphore(%run_scoped3A_280 : memref<!tpu.dma_semaphore, #tpu.memory_space<semaphore_mem>>)
        %dma_wait3A_285 = arith.constant 0 : i32
        %dma_wait3A_286 = tpu.memref_slice %arg4[%add3A_28, %dma_wait3A_285] : memref<1280x128xi32, #tpu.memory_space<hbm>> -> memref<40x128xi32, #tpu.memory_space<hbm>>
        %dma_wait3A_287 = arith.constant 0 : i32
        %dma_wait3A_288 = tpu.memref_slice %arg4[%add3A_28, %dma_wait3A_287] : memref<1280x128xi32, #tpu.memory_space<hbm>> -> memref<40x128xi32, #tpu.memory_space<hbm>>
        tpu.wait_dma2 semaphore(%run_scoped3A_280 : memref<!tpu.dma_semaphore, #tpu.memory_space<semaphore_mem>>) src(%dma_wait3A_288 : memref<40x128xi32, #tpu.memory_space<hbm>>) dst(%arg7 : memref<40x128xi32, #tpu.memory_space<vmem>>)
        tpu.yield
      }) : () -> ()
      %sub3A = arith.constant 1250 : i32
      %sub3A_29 = arith.subi %sub3A, %add3A_28 : i32
      %jit3A = arith.constant 0 : i32
      %jit3A_30 = arith.constant 40 : i32
      %max3A = arith.maxsi %jit3A, %sub3A_29 : i32
      %min3A = arith.minsi %jit3A_30, %max3A : i32
      %dma_start3A = arith.constant 2 : i32
      %dma_start3A_31 = arith.constant 0 : i32
      %dma_start3A_32 = arith.constant 0 : i32
      %dma_start3A_33 = tpu.memref_slice %arg6[%dma_start3A_31, %dma_start3A_32] : memref<40x128xi32, #tpu.memory_space<vmem>> -> memref<1x128xi32, #tpu.memory_space<vmem>>
      %dma_start3A_34 = tpu.memref_squeeze %dma_start3A_33 : memref<1x128xi32, #tpu.memory_space<vmem>> -> memref<128xi32, #tpu.memory_space<vmem>>
      %dma_start3A_35 = arith.constant 0 : i32
      %dma_start3A_36 = arith.constant 0 : i32
      %dma_start3A_37 = tpu.memref_slice %arg2[%dma_start3A, %dma_start3A_35, %dma_start3A_36] : memref<4x10000x128xf32, #tpu.memory_space<hbm>> -> memref<1x10000x128xf32, #tpu.memory_space<hbm>>
      %dma_start3A_38 = tpu.memref_squeeze %dma_start3A_37 : memref<1x10000x128xf32, #tpu.memory_space<hbm>> -> memref<10000x128xf32, #tpu.memory_space<hbm>>
      %dma_start3A_39 = arith.constant 0 : i32
      %dma_start3A_40 = arith.constant 0 : i32
      %dma_start3A_41 = tpu.memref_slice %dma_start3A_38[%dma_start3A_39, %dma_start3A_40] : memref<10000x128xf32, #tpu.memory_space<hbm>> -> memref<10000x128xf32, #tpu.memory_space<hbm>>
      tpu.enqueue_indirect_dma source(%dma_start3A_41 : memref<10000x128xf32, #tpu.memory_space<hbm>>) target(%arg8 : memref<128x128xf32, #tpu.memory_space<vmem>>) offsets(%dma_start3A_34 : memref<128xi32, #tpu.memory_space<vmem>>) semaphore(%arg10 : memref<!tpu.dma_semaphore, #tpu.memory_space<semaphore_mem>>)
      %dma_wait3A = arith.constant 2 : i32
      %dma_wait3A_42 = arith.constant 0 : i32
      %dma_wait3A_43 = arith.constant 0 : i32
      %dma_wait3A_44 = tpu.memref_slice %arg2[%dma_wait3A, %dma_wait3A_42, %dma_wait3A_43] : memref<4x10000x128xf32, #tpu.memory_space<hbm>> -> memref<1x10000x128xf32, #tpu.memory_space<hbm>>
      %dma_wait3A_45 = tpu.memref_squeeze %dma_wait3A_44 : memref<1x10000x128xf32, #tpu.memory_space<hbm>> -> memref<10000x128xf32, #tpu.memory_space<hbm>>
      %dma_wait3A_46 = arith.constant 0 : i32
      %dma_wait3A_47 = arith.constant 0 : i32
      %dma_wait3A_48 = tpu.memref_slice %dma_wait3A_45[%dma_wait3A_46, %dma_wait3A_47] : memref<10000x128xf32, #tpu.memory_space<hbm>> -> memref<128x128xf32, #tpu.memory_space<hbm>>
      %dma_wait3A_49 = arith.constant 0 : i32
      %dma_wait3A_50 = arith.constant 0 : i32
      %dma_wait3A_51 = tpu.memref_slice %arg2[%dma_wait3A, %dma_wait3A_49, %dma_wait3A_50] : memref<4x10000x128xf32, #tpu.memory_space<hbm>> -> memref<1x10000x128xf32, #tpu.memory_space<hbm>>
      %dma_wait3A_52 = tpu.memref_squeeze %dma_wait3A_51 : memref<1x10000x128xf32, #tpu.memory_space<hbm>> -> memref<10000x128xf32, #tpu.memory_space<hbm>>
      %dma_wait3A_53 = arith.constant 0 : i32
      %dma_wait3A_54 = arith.constant 0 : i32
      %dma_wait3A_55 = tpu.memref_slice %dma_wait3A_52[%dma_wait3A_53, %dma_wait3A_54] : memref<10000x128xf32, #tpu.memory_space<hbm>> -> memref<128x128xf32, #tpu.memory_space<hbm>>
      tpu.wait_dma2 semaphore(%arg10 : memref<!tpu.dma_semaphore, #tpu.memory_space<semaphore_mem>>) src(%dma_wait3A_55 : memref<128x128xf32, #tpu.memory_space<hbm>>) dst(%arg8 : memref<128x128xf32, #tpu.memory_space<vmem>>)
      %dma_start3A_56 = arith.constant 0 : i32
      %dma_start3A_57 = arith.constant 0 : i32
      %dma_start3A_58 = tpu.memref_slice %arg7[%dma_start3A_56, %dma_start3A_57] : memref<40x128xi32, #tpu.memory_space<vmem>> -> memref<1x128xi32, #tpu.memory_space<vmem>>
      %dma_start3A_59 = tpu.memref_squeeze %dma_start3A_58 : memref<1x128xi32, #tpu.memory_space<vmem>> -> memref<128xi32, #tpu.memory_space<vmem>>
      %dma_start3A_60 = arith.constant 0 : i32
      %dma_start3A_61 = arith.constant 0 : i32
      %dma_start3A_62 = tpu.memref_slice %arg14[%dma_start3A_60, %dma_start3A_61] : memref<10000x128xf32, #tpu.memory_space<vmem_shared>> -> memref<10000x128xf32, #tpu.memory_space<vmem_shared>>
      tpu.enqueue_indirect_dma source(%arg8 : memref<128x128xf32, #tpu.memory_space<vmem>>) target(%dma_start3A_62 : memref<10000x128xf32, #tpu.memory_space<vmem_shared>>) offsets(%dma_start3A_59 : memref<128xi32, #tpu.memory_space<vmem>>) semaphore(%arg12 : memref<!tpu.dma_semaphore, #tpu.memory_space<semaphore_mem>>) {add = true}
      %dma_start3A_63 = arith.constant 2 : i32
      %dma_start3A_64 = arith.constant 1 : i32
      %dma_start3A_65 = arith.constant 0 : i32
      %dma_start3A_66 = tpu.memref_slice %arg6[%dma_start3A_64, %dma_start3A_65] : memref<40x128xi32, #tpu.memory_space<vmem>> -> memref<1x128xi32, #tpu.memory_space<vmem>>
      %dma_start3A_67 = tpu.memref_squeeze %dma_start3A_66 : memref<1x128xi32, #tpu.memory_space<vmem>> -> memref<128xi32, #tpu.memory_space<vmem>>
      %dma_start3A_68 = arith.constant 0 : i32
      %dma_start3A_69 = arith.constant 0 : i32
      %dma_start3A_70 = tpu.memref_slice %arg2[%dma_start3A_63, %dma_start3A_68, %dma_start3A_69] : memref<4x10000x128xf32, #tpu.memory_space<hbm>> -> memref<1x10000x128xf32, #tpu.memory_space<hbm>>
      %dma_start3A_71 = tpu.memref_squeeze %dma_start3A_70 : memref<1x10000x128xf32, #tpu.memory_space<hbm>> -> memref<10000x128xf32, #tpu.memory_space<hbm>>
      %dma_start3A_72 = arith.constant 0 : i32
      %dma_start3A_73 = arith.constant 0 : i32
      %dma_start3A_74 = tpu.memref_slice %dma_start3A_71[%dma_start3A_72, %dma_start3A_73] : memref<10000x128xf32, #tpu.memory_space<hbm>> -> memref<10000x128xf32, #tpu.memory_space<hbm>>
      tpu.enqueue_indirect_dma source(%dma_start3A_74 : memref<10000x128xf32, #tpu.memory_space<hbm>>) target(%arg9 : memref<128x128xf32, #tpu.memory_space<vmem>>) offsets(%dma_start3A_67 : memref<128xi32, #tpu.memory_space<vmem>>) semaphore(%arg11 : memref<!tpu.dma_semaphore, #tpu.memory_space<semaphore_mem>>)
      %sub3A_75 = arith.constant 2 : i32
      %sub3A_76 = arith.subi %min3A, %sub3A_75 : i32
      %jit3A_77 = arith.constant 2 : i32
      %div3A = arith.divsi %sub3A_76, %jit3A_77 : i32
      %sign3A = arith.constant 0 : i32
      %sign3A_78 = arith.cmpi sgt, %sub3A_76, %sign3A : i32
      %sign3A_79 = arith.extui %sign3A_78 : i1 to i32
      %sign3A_80 = arith.constant 0 : i32
      %sign3A_81 = arith.cmpi slt, %sub3A_76, %sign3A_80 : i32
      %sign3A_82 = arith.extui %sign3A_81 : i1 to i32
      %sign3A_83 = arith.subi %sign3A_79, %sign3A_82 : i32
      %sign3A_84 = arith.constant 0 : i32
      %sign3A_85 = arith.cmpi sgt, %jit3A_77, %sign3A_84 : i32
      %sign3A_86 = arith.extui %sign3A_85 : i1 to i32
      %sign3A_87 = arith.constant 0 : i32
      %sign3A_88 = arith.cmpi slt, %jit3A_77, %sign3A_87 : i32
      %sign3A_89 = arith.extui %sign3A_88 : i1 to i32
      %sign3A_90 = arith.subi %sign3A_86, %sign3A_89 : i32
      %ne3A = arith.cmpi ne, %sign3A_83, %sign3A_90 : i32
      %rem3A = arith.remsi %sub3A_76, %jit3A_77 : i32
      %ne3A_91 = arith.constant 0 : i32
      %ne3A_92 = arith.cmpi ne, %rem3A, %ne3A_91 : i32
      %and3A = arith.andi %ne3A, %ne3A_92 : i1
      %sub3A_93 = arith.constant 1 : i32
      %sub3A_94 = arith.subi %div3A, %sub3A_93 : i32
      %select_n3A = arith.select %and3A, %sub3A_94, %div3A : i32
      %while3A = arith.constant 0 : i32
      %while3A_95 = arith.constant 2 : i32
      %while3A_96 = arith.constant 0 : i32
      %while3A_97 = arith.subi %select_n3A, %while3A_96 : i32
      %while3A_98 = arith.addi %while3A_96, %while3A_97 : i32
      %while3A_99 = arith.constant 1 : i32
      %while3A_100 = arith.divsi %while3A_97, %while3A_99 : i32
      %while3A_101 = arith.muli %while3A_100, %while3A_99 : i32
      %while3A_102 = arith.addi %while3A_96, %while3A_101 : i32
      %while3A_103 = arith.constant 1 : i32
      scf.for %while3A_280 = %while3A_96 to %while3A_102 step %while3A_103  : i32 {
        %mul3A_281 = arith.constant 2 : i32
        %mul3A_282 = arith.muli %mul3A_281, %while3A_280 : i32
        %add3A_283 = arith.constant 1 : i32
        %add3A_284 = arith.addi %mul3A_282, %add3A_283 : i32
        %dma_wait3A_285 = arith.constant 0 : i32
        %dma_wait3A_286 = arith.constant 0 : i32
        %dma_wait3A_287 = tpu.memref_slice %arg2[%while3A_95, %dma_wait3A_285, %dma_wait3A_286] : memref<4x10000x128xf32, #tpu.memory_space<hbm>> -> memref<1x10000x128xf32, #tpu.memory_space<hbm>>
        %dma_wait3A_288 = tpu.memref_squeeze %dma_wait3A_287 : memref<1x10000x128xf32, #tpu.memory_space<hbm>> -> memref<10000x128xf32, #tpu.memory_space<hbm>>
        %dma_wait3A_289 = arith.constant 0 : i32
        %dma_wait3A_290 = arith.constant 0 : i32
        %dma_wait3A_291 = tpu.memref_slice %dma_wait3A_288[%dma_wait3A_289, %dma_wait3A_290] : memref<10000x128xf32, #tpu.memory_space<hbm>> -> memref<128x128xf32, #tpu.memory_space<hbm>>
        %dma_wait3A_292 = arith.constant 0 : i32
        %dma_wait3A_293 = arith.constant 0 : i32
        %dma_wait3A_294 = tpu.memref_slice %arg2[%while3A_95, %dma_wait3A_292, %dma_wait3A_293] : memref<4x10000x128xf32, #tpu.memory_space<hbm>> -> memref<1x10000x128xf32, #tpu.memory_space<hbm>>
        %dma_wait3A_295 = tpu.memref_squeeze %dma_wait3A_294 : memref<1x10000x128xf32, #tpu.memory_space<hbm>> -> memref<10000x128xf32, #tpu.memory_space<hbm>>
        %dma_wait3A_296 = arith.constant 0 : i32
        %dma_wait3A_297 = arith.constant 0 : i32
        %dma_wait3A_298 = tpu.memref_slice %dma_wait3A_295[%dma_wait3A_296, %dma_wait3A_297] : memref<10000x128xf32, #tpu.memory_space<hbm>> -> memref<128x128xf32, #tpu.memory_space<hbm>>
        tpu.wait_dma2 semaphore(%arg11 : memref<!tpu.dma_semaphore, #tpu.memory_space<semaphore_mem>>) src(%dma_wait3A_298 : memref<128x128xf32, #tpu.memory_space<hbm>>) dst(%arg9 : memref<128x128xf32, #tpu.memory_space<vmem>>)
        %dma_wait3A_299 = arith.constant 0 : i32
        %dma_wait3A_300 = arith.constant 0 : i32
        %dma_wait3A_301 = tpu.memref_slice %arg14[%dma_wait3A_299, %dma_wait3A_300] : memref<10000x128xf32, #tpu.memory_space<vmem_shared>> -> memref<128x128xf32, #tpu.memory_space<vmem_shared>>
        %dma_wait3A_302 = arith.constant 0 : i32
        %dma_wait3A_303 = arith.constant 0 : i32
        %dma_wait3A_304 = tpu.memref_slice %arg14[%dma_wait3A_302, %dma_wait3A_303] : memref<10000x128xf32, #tpu.memory_space<vmem_shared>> -> memref<128x128xf32, #tpu.memory_space<vmem_shared>>
        tpu.wait_dma2 semaphore(%arg12 : memref<!tpu.dma_semaphore, #tpu.memory_space<semaphore_mem>>) src(%arg8 : memref<128x128xf32, #tpu.memory_space<vmem>>) dst(%dma_wait3A_304 : memref<128x128xf32, #tpu.memory_space<vmem_shared>>)
        %add3A_305 = arith.constant 1 : i32
        %add3A_306 = arith.addi %add3A_284, %add3A_305 : i32
        %dma_start3A_307 = arith.constant 0 : i32
        %dma_start3A_308 = tpu.memref_slice %arg6[%add3A_306, %dma_start3A_307] : memref<40x128xi32, #tpu.memory_space<vmem>> -> memref<1x128xi32, #tpu.memory_space<vmem>>
        %dma_start3A_309 = tpu.memref_squeeze %dma_start3A_308 : memref<1x128xi32, #tpu.memory_space<vmem>> -> memref<128xi32, #tpu.memory_space<vmem>>
        %dma_start3A_310 = arith.constant 0 : i32
        %dma_start3A_311 = arith.constant 0 : i32
        %dma_start3A_312 = tpu.memref_slice %arg2[%while3A_95, %dma_start3A_310, %dma_start3A_311] : memref<4x10000x128xf32, #tpu.memory_space<hbm>> -> memref<1x10000x128xf32, #tpu.memory_space<hbm>>
        %dma_start3A_313 = tpu.memref_squeeze %dma_start3A_312 : memref<1x10000x128xf32, #tpu.memory_space<hbm>> -> memref<10000x128xf32, #tpu.memory_space<hbm>>
        %dma_start3A_314 = arith.constant 0 : i32
        %dma_start3A_315 = arith.constant 0 : i32
        %dma_start3A_316 = tpu.memref_slice %dma_start3A_313[%dma_start3A_314, %dma_start3A_315] : memref<10000x128xf32, #tpu.memory_space<hbm>> -> memref<10000x128xf32, #tpu.memory_space<hbm>>
        tpu.enqueue_indirect_dma source(%dma_start3A_316 : memref<10000x128xf32, #tpu.memory_space<hbm>>) target(%arg8 : memref<128x128xf32, #tpu.memory_space<vmem>>) offsets(%dma_start3A_309 : memref<128xi32, #tpu.memory_space<vmem>>) semaphore(%arg10 : memref<!tpu.dma_semaphore, #tpu.memory_space<semaphore_mem>>)
        %dma_start3A_317 = arith.constant 0 : i32
        %dma_start3A_318 = tpu.memref_slice %arg7[%add3A_284, %dma_start3A_317] : memref<40x128xi32, #tpu.memory_space<vmem>> -> memref<1x128xi32, #tpu.memory_space<vmem>>
        %dma_start3A_319 = tpu.memref_squeeze %dma_start3A_318 : memref<1x128xi32, #tpu.memory_space<vmem>> -> memref<128xi32, #tpu.memory_space<vmem>>
        %dma_start3A_320 = arith.constant 0 : i32
        %dma_start3A_321 = arith.constant 0 : i32
        %dma_start3A_322 = tpu.memref_slice %arg14[%dma_start3A_320, %dma_start3A_321] : memref<10000x128xf32, #tpu.memory_space<vmem_shared>> -> memref<10000x128xf32, #tpu.memory_space<vmem_shared>>
        tpu.enqueue_indirect_dma source(%arg9 : memref<128x128xf32, #tpu.memory_space<vmem>>) target(%dma_start3A_322 : memref<10000x128xf32, #tpu.memory_space<vmem_shared>>) offsets(%dma_start3A_319 : memref<128xi32, #tpu.memory_space<vmem>>) semaphore(%arg13 : memref<!tpu.dma_semaphore, #tpu.memory_space<semaphore_mem>>) {add = true}
        %mul3A_323 = arith.constant 2 : i32
        %mul3A_324 = arith.muli %mul3A_323, %while3A_280 : i32
        %add3A_325 = arith.constant 2 : i32
        %add3A_326 = arith.addi %mul3A_324, %add3A_325 : i32
        %dma_wait3A_327 = arith.constant 0 : i32
        %dma_wait3A_328 = arith.constant 0 : i32
        %dma_wait3A_329 = tpu.memref_slice %arg2[%while3A_95, %dma_wait3A_327, %dma_wait3A_328] : memref<4x10000x128xf32, #tpu.memory_space<hbm>> -> memref<1x10000x128xf32, #tpu.memory_space<hbm>>
        %dma_wait3A_330 = tpu.memref_squeeze %dma_wait3A_329 : memref<1x10000x128xf32, #tpu.memory_space<hbm>> -> memref<10000x128xf32, #tpu.memory_space<hbm>>
        %dma_wait3A_331 = arith.constant 0 : i32
        %dma_wait3A_332 = arith.constant 0 : i32
        %dma_wait3A_333 = tpu.memref_slice %dma_wait3A_330[%dma_wait3A_331, %dma_wait3A_332] : memref<10000x128xf32, #tpu.memory_space<hbm>> -> memref<128x128xf32, #tpu.memory_space<hbm>>
        %dma_wait3A_334 = arith.constant 0 : i32
        %dma_wait3A_335 = arith.constant 0 : i32
        %dma_wait3A_336 = tpu.memref_slice %arg2[%while3A_95, %dma_wait3A_334, %dma_wait3A_335] : memref<4x10000x128xf32, #tpu.memory_space<hbm>> -> memref<1x10000x128xf32, #tpu.memory_space<hbm>>
        %dma_wait3A_337 = tpu.memref_squeeze %dma_wait3A_336 : memref<1x10000x128xf32, #tpu.memory_space<hbm>> -> memref<10000x128xf32, #tpu.memory_space<hbm>>
        %dma_wait3A_338 = arith.constant 0 : i32
        %dma_wait3A_339 = arith.constant 0 : i32
        %dma_wait3A_340 = tpu.memref_slice %dma_wait3A_337[%dma_wait3A_338, %dma_wait3A_339] : memref<10000x128xf32, #tpu.memory_space<hbm>> -> memref<128x128xf32, #tpu.memory_space<hbm>>
        tpu.wait_dma2 semaphore(%arg10 : memref<!tpu.dma_semaphore, #tpu.memory_space<semaphore_mem>>) src(%dma_wait3A_340 : memref<128x128xf32, #tpu.memory_space<hbm>>) dst(%arg8 : memref<128x128xf32, #tpu.memory_space<vmem>>)
        %dma_wait3A_341 = arith.constant 0 : i32
        %dma_wait3A_342 = arith.constant 0 : i32
        %dma_wait3A_343 = tpu.memref_slice %arg14[%dma_wait3A_341, %dma_wait3A_342] : memref<10000x128xf32, #tpu.memory_space<vmem_shared>> -> memref<128x128xf32, #tpu.memory_space<vmem_shared>>
        %dma_wait3A_344 = arith.constant 0 : i32
        %dma_wait3A_345 = arith.constant 0 : i32
        %dma_wait3A_346 = tpu.memref_slice %arg14[%dma_wait3A_344, %dma_wait3A_345] : memref<10000x128xf32, #tpu.memory_space<vmem_shared>> -> memref<128x128xf32, #tpu.memory_space<vmem_shared>>
        tpu.wait_dma2 semaphore(%arg13 : memref<!tpu.dma_semaphore, #tpu.memory_space<semaphore_mem>>) src(%arg9 : memref<128x128xf32, #tpu.memory_space<vmem>>) dst(%dma_wait3A_346 : memref<128x128xf32, #tpu.memory_space<vmem_shared>>)
        %add3A_347 = arith.constant 1 : i32
        %add3A_348 = arith.addi %add3A_326, %add3A_347 : i32
        %dma_start3A_349 = arith.constant 0 : i32
        %dma_start3A_350 = tpu.memref_slice %arg6[%add3A_348, %dma_start3A_349] : memref<40x128xi32, #tpu.memory_space<vmem>> -> memref<1x128xi32, #tpu.memory_space<vmem>>
        %dma_start3A_351 = tpu.memref_squeeze %dma_start3A_350 : memref<1x128xi32, #tpu.memory_space<vmem>> -> memref<128xi32, #tpu.memory_space<vmem>>
        %dma_start3A_352 = arith.constant 0 : i32
        %dma_start3A_353 = arith.constant 0 : i32
        %dma_start3A_354 = tpu.memref_slice %arg2[%while3A_95, %dma_start3A_352, %dma_start3A_353] : memref<4x10000x128xf32, #tpu.memory_space<hbm>> -> memref<1x10000x128xf32, #tpu.memory_space<hbm>>
        %dma_start3A_355 = tpu.memref_squeeze %dma_start3A_354 : memref<1x10000x128xf32, #tpu.memory_space<hbm>> -> memref<10000x128xf32, #tpu.memory_space<hbm>>
        %dma_start3A_356 = arith.constant 0 : i32
        %dma_start3A_357 = arith.constant 0 : i32
        %dma_start3A_358 = tpu.memref_slice %dma_start3A_355[%dma_start3A_356, %dma_start3A_357] : memref<10000x128xf32, #tpu.memory_space<hbm>> -> memref<10000x128xf32, #tpu.memory_space<hbm>>
        tpu.enqueue_indirect_dma source(%dma_start3A_358 : memref<10000x128xf32, #tpu.memory_space<hbm>>) target(%arg9 : memref<128x128xf32, #tpu.memory_space<vmem>>) offsets(%dma_start3A_351 : memref<128xi32, #tpu.memory_space<vmem>>) semaphore(%arg11 : memref<!tpu.dma_semaphore, #tpu.memory_space<semaphore_mem>>)
        %dma_start3A_359 = arith.constant 0 : i32
        %dma_start3A_360 = tpu.memref_slice %arg7[%add3A_326, %dma_start3A_359] : memref<40x128xi32, #tpu.memory_space<vmem>> -> memref<1x128xi32, #tpu.memory_space<vmem>>
        %dma_start3A_361 = tpu.memref_squeeze %dma_start3A_360 : memref<1x128xi32, #tpu.memory_space<vmem>> -> memref<128xi32, #tpu.memory_space<vmem>>
        %dma_start3A_362 = arith.constant 0 : i32
        %dma_start3A_363 = arith.constant 0 : i32
        %dma_start3A_364 = tpu.memref_slice %arg14[%dma_start3A_362, %dma_start3A_363] : memref<10000x128xf32, #tpu.memory_space<vmem_shared>> -> memref<10000x128xf32, #tpu.memory_space<vmem_shared>>
        tpu.enqueue_indirect_dma source(%arg8 : memref<128x128xf32, #tpu.memory_space<vmem>>) target(%dma_start3A_364 : memref<10000x128xf32, #tpu.memory_space<vmem_shared>>) offsets(%dma_start3A_361 : memref<128xi32, #tpu.memory_space<vmem>>) semaphore(%arg12 : memref<!tpu.dma_semaphore, #tpu.memory_space<semaphore_mem>>) {add = true}
      }
      %while3A_104 = arith.constant 1 : i32
      scf.for %while3A_280 = %while3A_102 to %while3A_98 step %while3A_104  : i32 {
        %mul3A_281 = arith.constant 2 : i32
        %mul3A_282 = arith.muli %mul3A_281, %while3A_280 : i32
        %add3A_283 = arith.constant 1 : i32
        %add3A_284 = arith.addi %mul3A_282, %add3A_283 : i32
        %dma_wait3A_285 = arith.constant 0 : i32
        %dma_wait3A_286 = arith.constant 0 : i32
        %dma_wait3A_287 = tpu.memref_slice %arg2[%while3A_95, %dma_wait3A_285, %dma_wait3A_286] : memref<4x10000x128xf32, #tpu.memory_space<hbm>> -> memref<1x10000x128xf32, #tpu.memory_space<hbm>>
        %dma_wait3A_288 = tpu.memref_squeeze %dma_wait3A_287 : memref<1x10000x128xf32, #tpu.memory_space<hbm>> -> memref<10000x128xf32, #tpu.memory_space<hbm>>
        %dma_wait3A_289 = arith.constant 0 : i32
        %dma_wait3A_290 = arith.constant 0 : i32
        %dma_wait3A_291 = tpu.memref_slice %dma_wait3A_288[%dma_wait3A_289, %dma_wait3A_290] : memref<10000x128xf32, #tpu.memory_space<hbm>> -> memref<128x128xf32, #tpu.memory_space<hbm>>
        %dma_wait3A_292 = arith.constant 0 : i32
        %dma_wait3A_293 = arith.constant 0 : i32
        %dma_wait3A_294 = tpu.memref_slice %arg2[%while3A_95, %dma_wait3A_292, %dma_wait3A_293] : memref<4x10000x128xf32, #tpu.memory_space<hbm>> -> memref<1x10000x128xf32, #tpu.memory_space<hbm>>
        %dma_wait3A_295 = tpu.memref_squeeze %dma_wait3A_294 : memref<1x10000x128xf32, #tpu.memory_space<hbm>> -> memref<10000x128xf32, #tpu.memory_space<hbm>>
        %dma_wait3A_296 = arith.constant 0 : i32
        %dma_wait3A_297 = arith.constant 0 : i32
        %dma_wait3A_298 = tpu.memref_slice %dma_wait3A_295[%dma_wait3A_296, %dma_wait3A_297] : memref<10000x128xf32, #tpu.memory_space<hbm>> -> memref<128x128xf32, #tpu.memory_space<hbm>>
        tpu.wait_dma2 semaphore(%arg11 : memref<!tpu.dma_semaphore, #tpu.memory_space<semaphore_mem>>) src(%dma_wait3A_298 : memref<128x128xf32, #tpu.memory_space<hbm>>) dst(%arg9 : memref<128x128xf32, #tpu.memory_space<vmem>>)
        %dma_wait3A_299 = arith.constant 0 : i32
        %dma_wait3A_300 = arith.constant 0 : i32
        %dma_wait3A_301 = tpu.memref_slice %arg14[%dma_wait3A_299, %dma_wait3A_300] : memref<10000x128xf32, #tpu.memory_space<vmem_shared>> -> memref<128x128xf32, #tpu.memory_space<vmem_shared>>
        %dma_wait3A_302 = arith.constant 0 : i32
        %dma_wait3A_303 = arith.constant 0 : i32
        %dma_wait3A_304 = tpu.memref_slice %arg14[%dma_wait3A_302, %dma_wait3A_303] : memref<10000x128xf32, #tpu.memory_space<vmem_shared>> -> memref<128x128xf32, #tpu.memory_space<vmem_shared>>
        tpu.wait_dma2 semaphore(%arg12 : memref<!tpu.dma_semaphore, #tpu.memory_space<semaphore_mem>>) src(%arg8 : memref<128x128xf32, #tpu.memory_space<vmem>>) dst(%dma_wait3A_304 : memref<128x128xf32, #tpu.memory_space<vmem_shared>>)
        %add3A_305 = arith.constant 1 : i32
        %add3A_306 = arith.addi %add3A_284, %add3A_305 : i32
        %dma_start3A_307 = arith.constant 0 : i32
        %dma_start3A_308 = tpu.memref_slice %arg6[%add3A_306, %dma_start3A_307] : memref<40x128xi32, #tpu.memory_space<vmem>> -> memref<1x128xi32, #tpu.memory_space<vmem>>
        %dma_start3A_309 = tpu.memref_squeeze %dma_start3A_308 : memref<1x128xi32, #tpu.memory_space<vmem>> -> memref<128xi32, #tpu.memory_space<vmem>>
        %dma_start3A_310 = arith.constant 0 : i32
        %dma_start3A_311 = arith.constant 0 : i32
        %dma_start3A_312 = tpu.memref_slice %arg2[%while3A_95, %dma_start3A_310, %dma_start3A_311] : memref<4x10000x128xf32, #tpu.memory_space<hbm>> -> memref<1x10000x128xf32, #tpu.memory_space<hbm>>
        %dma_start3A_313 = tpu.memref_squeeze %dma_start3A_312 : memref<1x10000x128xf32, #tpu.memory_space<hbm>> -> memref<10000x128xf32, #tpu.memory_space<hbm>>
        %dma_start3A_314 = arith.constant 0 : i32
        %dma_start3A_315 = arith.constant 0 : i32
        %dma_start3A_316 = tpu.memref_slice %dma_start3A_313[%dma_start3A_314, %dma_start3A_315] : memref<10000x128xf32, #tpu.memory_space<hbm>> -> memref<10000x128xf32, #tpu.memory_space<hbm>>
        tpu.enqueue_indirect_dma source(%dma_start3A_316 : memref<10000x128xf32, #tpu.memory_space<hbm>>) target(%arg8 : memref<128x128xf32, #tpu.memory_space<vmem>>) offsets(%dma_start3A_309 : memref<128xi32, #tpu.memory_space<vmem>>) semaphore(%arg10 : memref<!tpu.dma_semaphore, #tpu.memory_space<semaphore_mem>>)
        %dma_start3A_317 = arith.constant 0 : i32
        %dma_start3A_318 = tpu.memref_slice %arg7[%add3A_284, %dma_start3A_317] : memref<40x128xi32, #tpu.memory_space<vmem>> -> memref<1x128xi32, #tpu.memory_space<vmem>>
        %dma_start3A_319 = tpu.memref_squeeze %dma_start3A_318 : memref<1x128xi32, #tpu.memory_space<vmem>> -> memref<128xi32, #tpu.memory_space<vmem>>
        %dma_start3A_320 = arith.constant 0 : i32
        %dma_start3A_321 = arith.constant 0 : i32
        %dma_start3A_322 = tpu.memref_slice %arg14[%dma_start3A_320, %dma_start3A_321] : memref<10000x128xf32, #tpu.memory_space<vmem_shared>> -> memref<10000x128xf32, #tpu.memory_space<vmem_shared>>
        tpu.enqueue_indirect_dma source(%arg9 : memref<128x128xf32, #tpu.memory_space<vmem>>) target(%dma_start3A_322 : memref<10000x128xf32, #tpu.memory_space<vmem_shared>>) offsets(%dma_start3A_319 : memref<128xi32, #tpu.memory_space<vmem>>) semaphore(%arg13 : memref<!tpu.dma_semaphore, #tpu.memory_space<semaphore_mem>>) {add = true}
        %mul3A_323 = arith.constant 2 : i32
        %mul3A_324 = arith.muli %mul3A_323, %while3A_280 : i32
        %add3A_325 = arith.constant 2 : i32
        %add3A_326 = arith.addi %mul3A_324, %add3A_325 : i32
        %dma_wait3A_327 = arith.constant 0 : i32
        %dma_wait3A_328 = arith.constant 0 : i32
        %dma_wait3A_329 = tpu.memref_slice %arg2[%while3A_95, %dma_wait3A_327, %dma_wait3A_328] : memref<4x10000x128xf32, #tpu.memory_space<hbm>> -> memref<1x10000x128xf32, #tpu.memory_space<hbm>>
        %dma_wait3A_330 = tpu.memref_squeeze %dma_wait3A_329 : memref<1x10000x128xf32, #tpu.memory_space<hbm>> -> memref<10000x128xf32, #tpu.memory_space<hbm>>
        %dma_wait3A_331 = arith.constant 0 : i32
        %dma_wait3A_332 = arith.constant 0 : i32
        %dma_wait3A_333 = tpu.memref_slice %dma_wait3A_330[%dma_wait3A_331, %dma_wait3A_332] : memref<10000x128xf32, #tpu.memory_space<hbm>> -> memref<128x128xf32, #tpu.memory_space<hbm>>
        %dma_wait3A_334 = arith.constant 0 : i32
        %dma_wait3A_335 = arith.constant 0 : i32
        %dma_wait3A_336 = tpu.memref_slice %arg2[%while3A_95, %dma_wait3A_334, %dma_wait3A_335] : memref<4x10000x128xf32, #tpu.memory_space<hbm>> -> memref<1x10000x128xf32, #tpu.memory_space<hbm>>
        %dma_wait3A_337 = tpu.memref_squeeze %dma_wait3A_336 : memref<1x10000x128xf32, #tpu.memory_space<hbm>> -> memref<10000x128xf32, #tpu.memory_space<hbm>>
        %dma_wait3A_338 = arith.constant 0 : i32
        %dma_wait3A_339 = arith.constant 0 : i32
        %dma_wait3A_340 = tpu.memref_slice %dma_wait3A_337[%dma_wait3A_338, %dma_wait3A_339] : memref<10000x128xf32, #tpu.memory_space<hbm>> -> memref<128x128xf32, #tpu.memory_space<hbm>>
        tpu.wait_dma2 semaphore(%arg10 : memref<!tpu.dma_semaphore, #tpu.memory_space<semaphore_mem>>) src(%dma_wait3A_340 : memref<128x128xf32, #tpu.memory_space<hbm>>) dst(%arg8 : memref<128x128xf32, #tpu.memory_space<vmem>>)
        %dma_wait3A_341 = arith.constant 0 : i32
        %dma_wait3A_342 = arith.constant 0 : i32
        %dma_wait3A_343 = tpu.memref_slice %arg14[%dma_wait3A_341, %dma_wait3A_342] : memref<10000x128xf32, #tpu.memory_space<vmem_shared>> -> memref<128x128xf32, #tpu.memory_space<vmem_shared>>
        %dma_wait3A_344 = arith.constant 0 : i32
        %dma_wait3A_345 = arith.constant 0 : i32
        %dma_wait3A_346 = tpu.memref_slice %arg14[%dma_wait3A_344, %dma_wait3A_345] : memref<10000x128xf32, #tpu.memory_space<vmem_shared>> -> memref<128x128xf32, #tpu.memory_space<vmem_shared>>
        tpu.wait_dma2 semaphore(%arg13 : memref<!tpu.dma_semaphore, #tpu.memory_space<semaphore_mem>>) src(%arg9 : memref<128x128xf32, #tpu.memory_space<vmem>>) dst(%dma_wait3A_346 : memref<128x128xf32, #tpu.memory_space<vmem_shared>>)
        %add3A_347 = arith.constant 1 : i32
        %add3A_348 = arith.addi %add3A_326, %add3A_347 : i32
        %dma_start3A_349 = arith.constant 0 : i32
        %dma_start3A_350 = tpu.memref_slice %arg6[%add3A_348, %dma_start3A_349] : memref<40x128xi32, #tpu.memory_space<vmem>> -> memref<1x128xi32, #tpu.memory_space<vmem>>
        %dma_start3A_351 = tpu.memref_squeeze %dma_start3A_350 : memref<1x128xi32, #tpu.memory_space<vmem>> -> memref<128xi32, #tpu.memory_space<vmem>>
        %dma_start3A_352 = arith.constant 0 : i32
        %dma_start3A_353 = arith.constant 0 : i32
        %dma_start3A_354 = tpu.memref_slice %arg2[%while3A_95, %dma_start3A_352, %dma_start3A_353] : memref<4x10000x128xf32, #tpu.memory_space<hbm>> -> memref<1x10000x128xf32, #tpu.memory_space<hbm>>
        %dma_start3A_355 = tpu.memref_squeeze %dma_start3A_354 : memref<1x10000x128xf32, #tpu.memory_space<hbm>> -> memref<10000x128xf32, #tpu.memory_space<hbm>>
        %dma_start3A_356 = arith.constant 0 : i32
        %dma_start3A_357 = arith.constant 0 : i32
        %dma_start3A_358 = tpu.memref_slice %dma_start3A_355[%dma_start3A_356, %dma_start3A_357] : memref<10000x128xf32, #tpu.memory_space<hbm>> -> memref<10000x128xf32, #tpu.memory_space<hbm>>
        tpu.enqueue_indirect_dma source(%dma_start3A_358 : memref<10000x128xf32, #tpu.memory_space<hbm>>) target(%arg9 : memref<128x128xf32, #tpu.memory_space<vmem>>) offsets(%dma_start3A_351 : memref<128xi32, #tpu.memory_space<vmem>>) semaphore(%arg11 : memref<!tpu.dma_semaphore, #tpu.memory_space<semaphore_mem>>)
        %dma_start3A_359 = arith.constant 0 : i32
        %dma_start3A_360 = tpu.memref_slice %arg7[%add3A_326, %dma_start3A_359] : memref<40x128xi32, #tpu.memory_space<vmem>> -> memref<1x128xi32, #tpu.memory_space<vmem>>
        %dma_start3A_361 = tpu.memref_squeeze %dma_start3A_360 : memref<1x128xi32, #tpu.memory_space<vmem>> -> memref<128xi32, #tpu.memory_space<vmem>>
        %dma_start3A_362 = arith.constant 0 : i32
        %dma_start3A_363 = arith.constant 0 : i32
        %dma_start3A_364 = tpu.memref_slice %arg14[%dma_start3A_362, %dma_start3A_363] : memref<10000x128xf32, #tpu.memory_space<vmem_shared>> -> memref<10000x128xf32, #tpu.memory_space<vmem_shared>>
        tpu.enqueue_indirect_dma source(%arg8 : memref<128x128xf32, #tpu.memory_space<vmem>>) target(%dma_start3A_364 : memref<10000x128xf32, #tpu.memory_space<vmem_shared>>) offsets(%dma_start3A_361 : memref<128xi32, #tpu.memory_space<vmem>>) semaphore(%arg12 : memref<!tpu.dma_semaphore, #tpu.memory_space<semaphore_mem>>) {add = true}
      }
      %dma_wait3A_105 = arith.constant 2 : i32
      %dma_wait3A_106 = arith.constant 0 : i32
      %dma_wait3A_107 = arith.constant 0 : i32
      %dma_wait3A_108 = tpu.memref_slice %arg2[%dma_wait3A_105, %dma_wait3A_106, %dma_wait3A_107] : memref<4x10000x128xf32, #tpu.memory_space<hbm>> -> memref<1x10000x128xf32, #tpu.memory_space<hbm>>
      %dma_wait3A_109 = tpu.memref_squeeze %dma_wait3A_108 : memref<1x10000x128xf32, #tpu.memory_space<hbm>> -> memref<10000x128xf32, #tpu.memory_space<hbm>>
      %dma_wait3A_110 = arith.constant 0 : i32
      %dma_wait3A_111 = arith.constant 0 : i32
      %dma_wait3A_112 = tpu.memref_slice %dma_wait3A_109[%dma_wait3A_110, %dma_wait3A_111] : memref<10000x128xf32, #tpu.memory_space<hbm>> -> memref<128x128xf32, #tpu.memory_space<hbm>>
      %dma_wait3A_113 = arith.constant 0 : i32
      %dma_wait3A_114 = arith.constant 0 : i32
      %dma_wait3A_115 = tpu.memref_slice %arg2[%dma_wait3A_105, %dma_wait3A_113, %dma_wait3A_114] : memref<4x10000x128xf32, #tpu.memory_space<hbm>> -> memref<1x10000x128xf32, #tpu.memory_space<hbm>>
      %dma_wait3A_116 = tpu.memref_squeeze %dma_wait3A_115 : memref<1x10000x128xf32, #tpu.memory_space<hbm>> -> memref<10000x128xf32, #tpu.memory_space<hbm>>
      %dma_wait3A_117 = arith.constant 0 : i32
      %dma_wait3A_118 = arith.constant 0 : i32
      %dma_wait3A_119 = tpu.memref_slice %dma_wait3A_116[%dma_wait3A_117, %dma_wait3A_118] : memref<10000x128xf32, #tpu.memory_space<hbm>> -> memref<128x128xf32, #tpu.memory_space<hbm>>
      tpu.wait_dma2 semaphore(%arg11 : memref<!tpu.dma_semaphore, #tpu.memory_space<semaphore_mem>>) src(%dma_wait3A_119 : memref<128x128xf32, #tpu.memory_space<hbm>>) dst(%arg9 : memref<128x128xf32, #tpu.memory_space<vmem>>)
      %sub3A_120 = arith.constant 1 : i32
      %sub3A_121 = arith.subi %min3A, %sub3A_120 : i32
      %dma_start3A_122 = arith.constant 0 : i32
      %dma_start3A_123 = tpu.memref_slice %arg7[%sub3A_121, %dma_start3A_122] : memref<40x128xi32, #tpu.memory_space<vmem>> -> memref<1x128xi32, #tpu.memory_space<vmem>>
      %dma_start3A_124 = tpu.memref_squeeze %dma_start3A_123 : memref<1x128xi32, #tpu.memory_space<vmem>> -> memref<128xi32, #tpu.memory_space<vmem>>
      %dma_start3A_125 = arith.constant 0 : i32
      %dma_start3A_126 = arith.constant 0 : i32
      %dma_start3A_127 = tpu.memref_slice %arg14[%dma_start3A_125, %dma_start3A_126] : memref<10000x128xf32, #tpu.memory_space<vmem_shared>> -> memref<10000x128xf32, #tpu.memory_space<vmem_shared>>
      tpu.enqueue_indirect_dma source(%arg9 : memref<128x128xf32, #tpu.memory_space<vmem>>) target(%dma_start3A_127 : memref<10000x128xf32, #tpu.memory_space<vmem_shared>>) offsets(%dma_start3A_124 : memref<128xi32, #tpu.memory_space<vmem>>) semaphore(%arg13 : memref<!tpu.dma_semaphore, #tpu.memory_space<semaphore_mem>>) {add = true}
      %dma_wait3A_128 = arith.constant 0 : i32
      %dma_wait3A_129 = arith.constant 0 : i32
      %dma_wait3A_130 = tpu.memref_slice %arg14[%dma_wait3A_128, %dma_wait3A_129] : memref<10000x128xf32, #tpu.memory_space<vmem_shared>> -> memref<128x128xf32, #tpu.memory_space<vmem_shared>>
      %dma_wait3A_131 = arith.constant 0 : i32
      %dma_wait3A_132 = arith.constant 0 : i32
      %dma_wait3A_133 = tpu.memref_slice %arg14[%dma_wait3A_131, %dma_wait3A_132] : memref<10000x128xf32, #tpu.memory_space<vmem_shared>> -> memref<128x128xf32, #tpu.memory_space<vmem_shared>>
      tpu.wait_dma2 semaphore(%arg12 : memref<!tpu.dma_semaphore, #tpu.memory_space<semaphore_mem>>) src(%arg8 : memref<128x128xf32, #tpu.memory_space<vmem>>) dst(%dma_wait3A_133 : memref<128x128xf32, #tpu.memory_space<vmem_shared>>)
      %dma_wait3A_134 = arith.constant 0 : i32
      %dma_wait3A_135 = arith.constant 0 : i32
      %dma_wait3A_136 = tpu.memref_slice %arg14[%dma_wait3A_134, %dma_wait3A_135] : memref<10000x128xf32, #tpu.memory_space<vmem_shared>> -> memref<128x128xf32, #tpu.memory_space<vmem_shared>>
      %dma_wait3A_137 = arith.constant 0 : i32
      %dma_wait3A_138 = arith.constant 0 : i32
      %dma_wait3A_139 = tpu.memref_slice %arg14[%dma_wait3A_137, %dma_wait3A_138] : memref<10000x128xf32, #tpu.memory_space<vmem_shared>> -> memref<128x128xf32, #tpu.memory_space<vmem_shared>>
      tpu.wait_dma2 semaphore(%arg13 : memref<!tpu.dma_semaphore, #tpu.memory_space<semaphore_mem>>) src(%arg9 : memref<128x128xf32, #tpu.memory_space<vmem>>) dst(%dma_wait3A_139 : memref<128x128xf32, #tpu.memory_space<vmem_shared>>)
      %mul3A_140 = arith.constant 80 : i32
      %mul3A_141 = arith.muli %arg1, %mul3A_140 : i32
      %add3A_142 = arith.constant 40 : i32
      %add3A_143 = arith.addi %mul3A_141, %add3A_142 : i32
      "tpu.region"() ({
        %run_scoped3A_280 = tpu.sem_alloc : memref<!tpu.dma_semaphore, #tpu.memory_space<semaphore_mem>>
        %dma_start3A_281 = arith.constant 0 : i32
        %dma_start3A_282 = tpu.memref_slice %arg3[%add3A_143, %dma_start3A_281] : memref<1280x128xi32, #tpu.memory_space<hbm>> -> memref<40x128xi32, #tpu.memory_space<hbm>>
        %dma_start3A_283 = arith.constant 0 : i32
        %dma_start3A_284 = tpu.memref_slice %arg3[%add3A_143, %dma_start3A_283] : memref<1280x128xi32, #tpu.memory_space<hbm>> -> memref<40x128xi32, #tpu.memory_space<hbm>>
        tpu.enqueue_dma source(%dma_start3A_284 : memref<40x128xi32, #tpu.memory_space<hbm>>) target(%arg6 : memref<40x128xi32, #tpu.memory_space<vmem>>) target_semaphore(%run_scoped3A_280 : memref<!tpu.dma_semaphore, #tpu.memory_space<semaphore_mem>>)
        %dma_wait3A_285 = arith.constant 0 : i32
        %dma_wait3A_286 = tpu.memref_slice %arg3[%add3A_143, %dma_wait3A_285] : memref<1280x128xi32, #tpu.memory_space<hbm>> -> memref<40x128xi32, #tpu.memory_space<hbm>>
        %dma_wait3A_287 = arith.constant 0 : i32
        %dma_wait3A_288 = tpu.memref_slice %arg3[%add3A_143, %dma_wait3A_287] : memref<1280x128xi32, #tpu.memory_space<hbm>> -> memref<40x128xi32, #tpu.memory_space<hbm>>
        tpu.wait_dma2 semaphore(%run_scoped3A_280 : memref<!tpu.dma_semaphore, #tpu.memory_space<semaphore_mem>>) src(%dma_wait3A_288 : memref<40x128xi32, #tpu.memory_space<hbm>>) dst(%arg6 : memref<40x128xi32, #tpu.memory_space<vmem>>)
        tpu.yield
      }) : () -> ()
      "tpu.region"() ({
        %run_scoped3A_280 = tpu.sem_alloc : memref<!tpu.dma_semaphore, #tpu.memory_space<semaphore_mem>>
        %dma_start3A_281 = arith.constant 0 : i32
        %dma_start3A_282 = tpu.memref_slice %arg4[%add3A_143, %dma_start3A_281] : memref<1280x128xi32, #tpu.memory_space<hbm>> -> memref<40x128xi32, #tpu.memory_space<hbm>>
        %dma_start3A_283 = arith.constant 0 : i32
        %dma_start3A_284 = tpu.memref_slice %arg4[%add3A_143, %dma_start3A_283] : memref<1280x128xi32, #tpu.memory_space<hbm>> -> memref<40x128xi32, #tpu.memory_space<hbm>>
        tpu.enqueue_dma source(%dma_start3A_284 : memref<40x128xi32, #tpu.memory_space<hbm>>) target(%arg7 : memref<40x128xi32, #tpu.memory_space<vmem>>) target_semaphore(%run_scoped3A_280 : memref<!tpu.dma_semaphore, #tpu.memory_space<semaphore_mem>>)
        %dma_wait3A_285 = arith.constant 0 : i32
        %dma_wait3A_286 = tpu.memref_slice %arg4[%add3A_143, %dma_wait3A_285] : memref<1280x128xi32, #tpu.memory_space<hbm>> -> memref<40x128xi32, #tpu.memory_space<hbm>>
        %dma_wait3A_287 = arith.constant 0 : i32
        %dma_wait3A_288 = tpu.memref_slice %arg4[%add3A_143, %dma_wait3A_287] : memref<1280x128xi32, #tpu.memory_space<hbm>> -> memref<40x128xi32, #tpu.memory_space<hbm>>
        tpu.wait_dma2 semaphore(%run_scoped3A_280 : memref<!tpu.dma_semaphore, #tpu.memory_space<semaphore_mem>>) src(%dma_wait3A_288 : memref<40x128xi32, #tpu.memory_space<hbm>>) dst(%arg7 : memref<40x128xi32, #tpu.memory_space<vmem>>)
        tpu.yield
      }) : () -> ()
      %sub3A_144 = arith.constant 1250 : i32
      %sub3A_145 = arith.subi %sub3A_144, %add3A_143 : i32
      %jit3A_146 = arith.constant 0 : i32
      %jit3A_147 = arith.constant 40 : i32
      %max3A_148 = arith.maxsi %jit3A_146, %sub3A_145 : i32
      %min3A_149 = arith.minsi %jit3A_147, %max3A_148 : i32
      %dma_start3A_150 = arith.constant 2 : i32
      %dma_start3A_151 = arith.constant 0 : i32
      %dma_start3A_152 = arith.constant 0 : i32
      %dma_start3A_153 = tpu.memref_slice %arg6[%dma_start3A_151, %dma_start3A_152] : memref<40x128xi32, #tpu.memory_space<vmem>> -> memref<1x128xi32, #tpu.memory_space<vmem>>
      %dma_start3A_154 = tpu.memref_squeeze %dma_start3A_153 : memref<1x128xi32, #tpu.memory_space<vmem>> -> memref<128xi32, #tpu.memory_space<vmem>>
      %dma_start3A_155 = arith.constant 0 : i32
      %dma_start3A_156 = arith.constant 0 : i32
      %dma_start3A_157 = tpu.memref_slice %arg2[%dma_start3A_150, %dma_start3A_155, %dma_start3A_156] : memref<4x10000x128xf32, #tpu.memory_space<hbm>> -> memref<1x10000x128xf32, #tpu.memory_space<hbm>>
      %dma_start3A_158 = tpu.memref_squeeze %dma_start3A_157 : memref<1x10000x128xf32, #tpu.memory_space<hbm>> -> memref<10000x128xf32, #tpu.memory_space<hbm>>
      %dma_start3A_159 = arith.constant 0 : i32
      %dma_start3A_160 = arith.constant 0 : i32
      %dma_start3A_161 = tpu.memref_slice %dma_start3A_158[%dma_start3A_159, %dma_start3A_160] : memref<10000x128xf32, #tpu.memory_space<hbm>> -> memref<10000x128xf32, #tpu.memory_space<hbm>>
      tpu.enqueue_indirect_dma source(%dma_start3A_161 : memref<10000x128xf32, #tpu.memory_space<hbm>>) target(%arg8 : memref<128x128xf32, #tpu.memory_space<vmem>>) offsets(%dma_start3A_154 : memref<128xi32, #tpu.memory_space<vmem>>) semaphore(%arg10 : memref<!tpu.dma_semaphore, #tpu.memory_space<semaphore_mem>>)
      %dma_wait3A_162 = arith.constant 2 : i32
      %dma_wait3A_163 = arith.constant 0 : i32
      %dma_wait3A_164 = arith.constant 0 : i32
      %dma_wait3A_165 = tpu.memref_slice %arg2[%dma_wait3A_162, %dma_wait3A_163, %dma_wait3A_164] : memref<4x10000x128xf32, #tpu.memory_space<hbm>> -> memref<1x10000x128xf32, #tpu.memory_space<hbm>>
      %dma_wait3A_166 = tpu.memref_squeeze %dma_wait3A_165 : memref<1x10000x128xf32, #tpu.memory_space<hbm>> -> memref<10000x128xf32, #tpu.memory_space<hbm>>
      %dma_wait3A_167 = arith.constant 0 : i32
      %dma_wait3A_168 = arith.constant 0 : i32
      %dma_wait3A_169 = tpu.memref_slice %dma_wait3A_166[%dma_wait3A_167, %dma_wait3A_168] : memref<10000x128xf32, #tpu.memory_space<hbm>> -> memref<128x128xf32, #tpu.memory_space<hbm>>
      %dma_wait3A_170 = arith.constant 0 : i32
      %dma_wait3A_171 = arith.constant 0 : i32
      %dma_wait3A_172 = tpu.memref_slice %arg2[%dma_wait3A_162, %dma_wait3A_170, %dma_wait3A_171] : memref<4x10000x128xf32, #tpu.memory_space<hbm>> -> memref<1x10000x128xf32, #tpu.memory_space<hbm>>
      %dma_wait3A_173 = tpu.memref_squeeze %dma_wait3A_172 : memref<1x10000x128xf32, #tpu.memory_space<hbm>> -> memref<10000x128xf32, #tpu.memory_space<hbm>>
      %dma_wait3A_174 = arith.constant 0 : i32
      %dma_wait3A_175 = arith.constant 0 : i32
      %dma_wait3A_176 = tpu.memref_slice %dma_wait3A_173[%dma_wait3A_174, %dma_wait3A_175] : memref<10000x128xf32, #tpu.memory_space<hbm>> -> memref<128x128xf32, #tpu.memory_space<hbm>>
      tpu.wait_dma2 semaphore(%arg10 : memref<!tpu.dma_semaphore, #tpu.memory_space<semaphore_mem>>) src(%dma_wait3A_176 : memref<128x128xf32, #tpu.memory_space<hbm>>) dst(%arg8 : memref<128x128xf32, #tpu.memory_space<vmem>>)
      %dma_start3A_177 = arith.constant 0 : i32
      %dma_start3A_178 = arith.constant 0 : i32
      %dma_start3A_179 = tpu.memref_slice %arg7[%dma_start3A_177, %dma_start3A_178] : memref<40x128xi32, #tpu.memory_space<vmem>> -> memref<1x128xi32, #tpu.memory_space<vmem>>
      %dma_start3A_180 = tpu.memref_squeeze %dma_start3A_179 : memref<1x128xi32, #tpu.memory_space<vmem>> -> memref<128xi32, #tpu.memory_space<vmem>>
      %dma_start3A_181 = arith.constant 0 : i32
      %dma_start3A_182 = arith.constant 0 : i32
      %dma_start3A_183 = tpu.memref_slice %arg14[%dma_start3A_181, %dma_start3A_182] : memref<10000x128xf32, #tpu.memory_space<vmem_shared>> -> memref<10000x128xf32, #tpu.memory_space<vmem_shared>>
      tpu.enqueue_indirect_dma source(%arg8 : memref<128x128xf32, #tpu.memory_space<vmem>>) target(%dma_start3A_183 : memref<10000x128xf32, #tpu.memory_space<vmem_shared>>) offsets(%dma_start3A_180 : memref<128xi32, #tpu.memory_space<vmem>>) semaphore(%arg12 : memref<!tpu.dma_semaphore, #tpu.memory_space<semaphore_mem>>) {add = true}
      %dma_start3A_184 = arith.constant 2 : i32
      %dma_start3A_185 = arith.constant 1 : i32
      %dma_start3A_186 = arith.constant 0 : i32
      %dma_start3A_187 = tpu.memref_slice %arg6[%dma_start3A_185, %dma_start3A_186] : memref<40x128xi32, #tpu.memory_space<vmem>> -> memref<1x128xi32, #tpu.memory_space<vmem>>
      %dma_start3A_188 = tpu.memref_squeeze %dma_start3A_187 : memref<1x128xi32, #tpu.memory_space<vmem>> -> memref<128xi32, #tpu.memory_space<vmem>>
      %dma_start3A_189 = arith.constant 0 : i32
      %dma_start3A_190 = arith.constant 0 : i32
      %dma_start3A_191 = tpu.memref_slice %arg2[%dma_start3A_184, %dma_start3A_189, %dma_start3A_190] : memref<4x10000x128xf32, #tpu.memory_space<hbm>> -> memref<1x10000x128xf32, #tpu.memory_space<hbm>>
      %dma_start3A_192 = tpu.memref_squeeze %dma_start3A_191 : memref<1x10000x128xf32, #tpu.memory_space<hbm>> -> memref<10000x128xf32, #tpu.memory_space<hbm>>
      %dma_start3A_193 = arith.constant 0 : i32
      %dma_start3A_194 = arith.constant 0 : i32
      %dma_start3A_195 = tpu.memref_slice %dma_start3A_192[%dma_start3A_193, %dma_start3A_194] : memref<10000x128xf32, #tpu.memory_space<hbm>> -> memref<10000x128xf32, #tpu.memory_space<hbm>>
      tpu.enqueue_indirect_dma source(%dma_start3A_195 : memref<10000x128xf32, #tpu.memory_space<hbm>>) target(%arg9 : memref<128x128xf32, #tpu.memory_space<vmem>>) offsets(%dma_start3A_188 : memref<128xi32, #tpu.memory_space<vmem>>) semaphore(%arg11 : memref<!tpu.dma_semaphore, #tpu.memory_space<semaphore_mem>>)
      %sub3A_196 = arith.constant 2 : i32
      %sub3A_197 = arith.subi %min3A_149, %sub3A_196 : i32
      %jit3A_198 = arith.constant 2 : i32
      %div3A_199 = arith.divsi %sub3A_197, %jit3A_198 : i32
      %sign3A_200 = arith.constant 0 : i32
      %sign3A_201 = arith.cmpi sgt, %sub3A_197, %sign3A_200 : i32
      %sign3A_202 = arith.extui %sign3A_201 : i1 to i32
      %sign3A_203 = arith.constant 0 : i32
      %sign3A_204 = arith.cmpi slt, %sub3A_197, %sign3A_203 : i32
      %sign3A_205 = arith.extui %sign3A_204 : i1 to i32
      %sign3A_206 = arith.subi %sign3A_202, %sign3A_205 : i32
      %sign3A_207 = arith.constant 0 : i32
      %sign3A_208 = arith.cmpi sgt, %jit3A_198, %sign3A_207 : i32
      %sign3A_209 = arith.extui %sign3A_208 : i1 to i32
      %sign3A_210 = arith.constant 0 : i32
      %sign3A_211 = arith.cmpi slt, %jit3A_198, %sign3A_210 : i32
      %sign3A_212 = arith.extui %sign3A_211 : i1 to i32
      %sign3A_213 = arith.subi %sign3A_209, %sign3A_212 : i32
      %ne3A_214 = arith.cmpi ne, %sign3A_206, %sign3A_213 : i32
      %rem3A_215 = arith.remsi %sub3A_197, %jit3A_198 : i32
      %ne3A_216 = arith.constant 0 : i32
      %ne3A_217 = arith.cmpi ne, %rem3A_215, %ne3A_216 : i32
      %and3A_218 = arith.andi %ne3A_214, %ne3A_217 : i1
      %sub3A_219 = arith.constant 1 : i32
      %sub3A_220 = arith.subi %div3A_199, %sub3A_219 : i32
      %select_n3A_221 = arith.select %and3A_218, %sub3A_220, %div3A_199 : i32
      %while3A_222 = arith.constant 0 : i32
      %while3A_223 = arith.constant 2 : i32
      %while3A_224 = arith.constant 0 : i32
      %while3A_225 = arith.subi %select_n3A_221, %while3A_224 : i32
      %while3A_226 = arith.addi %while3A_224, %while3A_225 : i32
      %while3A_227 = arith.constant 1 : i32
      %while3A_228 = arith.divsi %while3A_225, %while3A_227 : i32
      %while3A_229 = arith.muli %while3A_228, %while3A_227 : i32
      %while3A_230 = arith.addi %while3A_224, %while3A_229 : i32
      %while3A_231 = arith.constant 1 : i32
      scf.for %while3A_280 = %while3A_224 to %while3A_230 step %while3A_231  : i32 {
        %mul3A_281 = arith.constant 2 : i32
        %mul3A_282 = arith.muli %mul3A_281, %while3A_280 : i32
        %add3A_283 = arith.constant 1 : i32
        %add3A_284 = arith.addi %mul3A_282, %add3A_283 : i32
        %dma_wait3A_285 = arith.constant 0 : i32
        %dma_wait3A_286 = arith.constant 0 : i32
        %dma_wait3A_287 = tpu.memref_slice %arg2[%while3A_223, %dma_wait3A_285, %dma_wait3A_286] : memref<4x10000x128xf32, #tpu.memory_space<hbm>> -> memref<1x10000x128xf32, #tpu.memory_space<hbm>>
        %dma_wait3A_288 = tpu.memref_squeeze %dma_wait3A_287 : memref<1x10000x128xf32, #tpu.memory_space<hbm>> -> memref<10000x128xf32, #tpu.memory_space<hbm>>
        %dma_wait3A_289 = arith.constant 0 : i32
        %dma_wait3A_290 = arith.constant 0 : i32
        %dma_wait3A_291 = tpu.memref_slice %dma_wait3A_288[%dma_wait3A_289, %dma_wait3A_290] : memref<10000x128xf32, #tpu.memory_space<hbm>> -> memref<128x128xf32, #tpu.memory_space<hbm>>
        %dma_wait3A_292 = arith.constant 0 : i32
        %dma_wait3A_293 = arith.constant 0 : i32
        %dma_wait3A_294 = tpu.memref_slice %arg2[%while3A_223, %dma_wait3A_292, %dma_wait3A_293] : memref<4x10000x128xf32, #tpu.memory_space<hbm>> -> memref<1x10000x128xf32, #tpu.memory_space<hbm>>
        %dma_wait3A_295 = tpu.memref_squeeze %dma_wait3A_294 : memref<1x10000x128xf32, #tpu.memory_space<hbm>> -> memref<10000x128xf32, #tpu.memory_space<hbm>>
        %dma_wait3A_296 = arith.constant 0 : i32
        %dma_wait3A_297 = arith.constant 0 : i32
        %dma_wait3A_298 = tpu.memref_slice %dma_wait3A_295[%dma_wait3A_296, %dma_wait3A_297] : memref<10000x128xf32, #tpu.memory_space<hbm>> -> memref<128x128xf32, #tpu.memory_space<hbm>>
        tpu.wait_dma2 semaphore(%arg11 : memref<!tpu.dma_semaphore, #tpu.memory_space<semaphore_mem>>) src(%dma_wait3A_298 : memref<128x128xf32, #tpu.memory_space<hbm>>) dst(%arg9 : memref<128x128xf32, #tpu.memory_space<vmem>>)
        %dma_wait3A_299 = arith.constant 0 : i32
        %dma_wait3A_300 = arith.constant 0 : i32
        %dma_wait3A_301 = tpu.memref_slice %arg14[%dma_wait3A_299, %dma_wait3A_300] : memref<10000x128xf32, #tpu.memory_space<vmem_shared>> -> memref<128x128xf32, #tpu.memory_space<vmem_shared>>
        %dma_wait3A_302 = arith.constant 0 : i32
        %dma_wait3A_303 = arith.constant 0 : i32
        %dma_wait3A_304 = tpu.memref_slice %arg14[%dma_wait3A_302, %dma_wait3A_303] : memref<10000x128xf32, #tpu.memory_space<vmem_shared>> -> memref<128x128xf32, #tpu.memory_space<vmem_shared>>
        tpu.wait_dma2 semaphore(%arg12 : memref<!tpu.dma_semaphore, #tpu.memory_space<semaphore_mem>>) src(%arg8 : memref<128x128xf32, #tpu.memory_space<vmem>>) dst(%dma_wait3A_304 : memref<128x128xf32, #tpu.memory_space<vmem_shared>>)
        %add3A_305 = arith.constant 1 : i32
        %add3A_306 = arith.addi %add3A_284, %add3A_305 : i32
        %dma_start3A_307 = arith.constant 0 : i32
        %dma_start3A_308 = tpu.memref_slice %arg6[%add3A_306, %dma_start3A_307] : memref<40x128xi32, #tpu.memory_space<vmem>> -> memref<1x128xi32, #tpu.memory_space<vmem>>
        %dma_start3A_309 = tpu.memref_squeeze %dma_start3A_308 : memref<1x128xi32, #tpu.memory_space<vmem>> -> memref<128xi32, #tpu.memory_space<vmem>>
        %dma_start3A_310 = arith.constant 0 : i32
        %dma_start3A_311 = arith.constant 0 : i32
        %dma_start3A_312 = tpu.memref_slice %arg2[%while3A_223, %dma_start3A_310, %dma_start3A_311] : memref<4x10000x128xf32, #tpu.memory_space<hbm>> -> memref<1x10000x128xf32, #tpu.memory_space<hbm>>
        %dma_start3A_313 = tpu.memref_squeeze %dma_start3A_312 : memref<1x10000x128xf32, #tpu.memory_space<hbm>> -> memref<10000x128xf32, #tpu.memory_space<hbm>>
        %dma_start3A_314 = arith.constant 0 : i32
        %dma_start3A_315 = arith.constant 0 : i32
        %dma_start3A_316 = tpu.memref_slice %dma_start3A_313[%dma_start3A_314, %dma_start3A_315] : memref<10000x128xf32, #tpu.memory_space<hbm>> -> memref<10000x128xf32, #tpu.memory_space<hbm>>
        tpu.enqueue_indirect_dma source(%dma_start3A_316 : memref<10000x128xf32, #tpu.memory_space<hbm>>) target(%arg8 : memref<128x128xf32, #tpu.memory_space<vmem>>) offsets(%dma_start3A_309 : memref<128xi32, #tpu.memory_space<vmem>>) semaphore(%arg10 : memref<!tpu.dma_semaphore, #tpu.memory_space<semaphore_mem>>)
        %dma_start3A_317 = arith.constant 0 : i32
        %dma_start3A_318 = tpu.memref_slice %arg7[%add3A_284, %dma_start3A_317] : memref<40x128xi32, #tpu.memory_space<vmem>> -> memref<1x128xi32, #tpu.memory_space<vmem>>
        %dma_start3A_319 = tpu.memref_squeeze %dma_start3A_318 : memref<1x128xi32, #tpu.memory_space<vmem>> -> memref<128xi32, #tpu.memory_space<vmem>>
        %dma_start3A_320 = arith.constant 0 : i32
        %dma_start3A_321 = arith.constant 0 : i32
        %dma_start3A_322 = tpu.memref_slice %arg14[%dma_start3A_320, %dma_start3A_321] : memref<10000x128xf32, #tpu.memory_space<vmem_shared>> -> memref<10000x128xf32, #tpu.memory_space<vmem_shared>>
        tpu.enqueue_indirect_dma source(%arg9 : memref<128x128xf32, #tpu.memory_space<vmem>>) target(%dma_start3A_322 : memref<10000x128xf32, #tpu.memory_space<vmem_shared>>) offsets(%dma_start3A_319 : memref<128xi32, #tpu.memory_space<vmem>>) semaphore(%arg13 : memref<!tpu.dma_semaphore, #tpu.memory_space<semaphore_mem>>) {add = true}
        %mul3A_323 = arith.constant 2 : i32
        %mul3A_324 = arith.muli %mul3A_323, %while3A_280 : i32
        %add3A_325 = arith.constant 2 : i32
        %add3A_326 = arith.addi %mul3A_324, %add3A_325 : i32
        %dma_wait3A_327 = arith.constant 0 : i32
        %dma_wait3A_328 = arith.constant 0 : i32
        %dma_wait3A_329 = tpu.memref_slice %arg2[%while3A_223, %dma_wait3A_327, %dma_wait3A_328] : memref<4x10000x128xf32, #tpu.memory_space<hbm>> -> memref<1x10000x128xf32, #tpu.memory_space<hbm>>
        %dma_wait3A_330 = tpu.memref_squeeze %dma_wait3A_329 : memref<1x10000x128xf32, #tpu.memory_space<hbm>> -> memref<10000x128xf32, #tpu.memory_space<hbm>>
        %dma_wait3A_331 = arith.constant 0 : i32
        %dma_wait3A_332 = arith.constant 0 : i32
        %dma_wait3A_333 = tpu.memref_slice %dma_wait3A_330[%dma_wait3A_331, %dma_wait3A_332] : memref<10000x128xf32, #tpu.memory_space<hbm>> -> memref<128x128xf32, #tpu.memory_space<hbm>>
        %dma_wait3A_334 = arith.constant 0 : i32
        %dma_wait3A_335 = arith.constant 0 : i32
        %dma_wait3A_336 = tpu.memref_slice %arg2[%while3A_223, %dma_wait3A_334, %dma_wait3A_335] : memref<4x10000x128xf32, #tpu.memory_space<hbm>> -> memref<1x10000x128xf32, #tpu.memory_space<hbm>>
        %dma_wait3A_337 = tpu.memref_squeeze %dma_wait3A_336 : memref<1x10000x128xf32, #tpu.memory_space<hbm>> -> memref<10000x128xf32, #tpu.memory_space<hbm>>
        %dma_wait3A_338 = arith.constant 0 : i32
        %dma_wait3A_339 = arith.constant 0 : i32
        %dma_wait3A_340 = tpu.memref_slice %dma_wait3A_337[%dma_wait3A_338, %dma_wait3A_339] : memref<10000x128xf32, #tpu.memory_space<hbm>> -> memref<128x128xf32, #tpu.memory_space<hbm>>
        tpu.wait_dma2 semaphore(%arg10 : memref<!tpu.dma_semaphore, #tpu.memory_space<semaphore_mem>>) src(%dma_wait3A_340 : memref<128x128xf32, #tpu.memory_space<hbm>>) dst(%arg8 : memref<128x128xf32, #tpu.memory_space<vmem>>)
        %dma_wait3A_341 = arith.constant 0 : i32
        %dma_wait3A_342 = arith.constant 0 : i32
        %dma_wait3A_343 = tpu.memref_slice %arg14[%dma_wait3A_341, %dma_wait3A_342] : memref<10000x128xf32, #tpu.memory_space<vmem_shared>> -> memref<128x128xf32, #tpu.memory_space<vmem_shared>>
        %dma_wait3A_344 = arith.constant 0 : i32
        %dma_wait3A_345 = arith.constant 0 : i32
        %dma_wait3A_346 = tpu.memref_slice %arg14[%dma_wait3A_344, %dma_wait3A_345] : memref<10000x128xf32, #tpu.memory_space<vmem_shared>> -> memref<128x128xf32, #tpu.memory_space<vmem_shared>>
        tpu.wait_dma2 semaphore(%arg13 : memref<!tpu.dma_semaphore, #tpu.memory_space<semaphore_mem>>) src(%arg9 : memref<128x128xf32, #tpu.memory_space<vmem>>) dst(%dma_wait3A_346 : memref<128x128xf32, #tpu.memory_space<vmem_shared>>)
        %add3A_347 = arith.constant 1 : i32
        %add3A_348 = arith.addi %add3A_326, %add3A_347 : i32
        %dma_start3A_349 = arith.constant 0 : i32
        %dma_start3A_350 = tpu.memref_slice %arg6[%add3A_348, %dma_start3A_349] : memref<40x128xi32, #tpu.memory_space<vmem>> -> memref<1x128xi32, #tpu.memory_space<vmem>>
        %dma_start3A_351 = tpu.memref_squeeze %dma_start3A_350 : memref<1x128xi32, #tpu.memory_space<vmem>> -> memref<128xi32, #tpu.memory_space<vmem>>
        %dma_start3A_352 = arith.constant 0 : i32
        %dma_start3A_353 = arith.constant 0 : i32
        %dma_start3A_354 = tpu.memref_slice %arg2[%while3A_223, %dma_start3A_352, %dma_start3A_353] : memref<4x10000x128xf32, #tpu.memory_space<hbm>> -> memref<1x10000x128xf32, #tpu.memory_space<hbm>>
        %dma_start3A_355 = tpu.memref_squeeze %dma_start3A_354 : memref<1x10000x128xf32, #tpu.memory_space<hbm>> -> memref<10000x128xf32, #tpu.memory_space<hbm>>
        %dma_start3A_356 = arith.constant 0 : i32
        %dma_start3A_357 = arith.constant 0 : i32
        %dma_start3A_358 = tpu.memref_slice %dma_start3A_355[%dma_start3A_356, %dma_start3A_357] : memref<10000x128xf32, #tpu.memory_space<hbm>> -> memref<10000x128xf32, #tpu.memory_space<hbm>>
        tpu.enqueue_indirect_dma source(%dma_start3A_358 : memref<10000x128xf32, #tpu.memory_space<hbm>>) target(%arg9 : memref<128x128xf32, #tpu.memory_space<vmem>>) offsets(%dma_start3A_351 : memref<128xi32, #tpu.memory_space<vmem>>) semaphore(%arg11 : memref<!tpu.dma_semaphore, #tpu.memory_space<semaphore_mem>>)
        %dma_start3A_359 = arith.constant 0 : i32
        %dma_start3A_360 = tpu.memref_slice %arg7[%add3A_326, %dma_start3A_359] : memref<40x128xi32, #tpu.memory_space<vmem>> -> memref<1x128xi32, #tpu.memory_space<vmem>>
        %dma_start3A_361 = tpu.memref_squeeze %dma_start3A_360 : memref<1x128xi32, #tpu.memory_space<vmem>> -> memref<128xi32, #tpu.memory_space<vmem>>
        %dma_start3A_362 = arith.constant 0 : i32
        %dma_start3A_363 = arith.constant 0 : i32
        %dma_start3A_364 = tpu.memref_slice %arg14[%dma_start3A_362, %dma_start3A_363] : memref<10000x128xf32, #tpu.memory_space<vmem_shared>> -> memref<10000x128xf32, #tpu.memory_space<vmem_shared>>
        tpu.enqueue_indirect_dma source(%arg8 : memref<128x128xf32, #tpu.memory_space<vmem>>) target(%dma_start3A_364 : memref<10000x128xf32, #tpu.memory_space<vmem_shared>>) offsets(%dma_start3A_361 : memref<128xi32, #tpu.memory_space<vmem>>) semaphore(%arg12 : memref<!tpu.dma_semaphore, #tpu.memory_space<semaphore_mem>>) {add = true}
      }
      %while3A_232 = arith.constant 1 : i32
      scf.for %while3A_280 = %while3A_230 to %while3A_226 step %while3A_232  : i32 {
        %mul3A_281 = arith.constant 2 : i32
        %mul3A_282 = arith.muli %mul3A_281, %while3A_280 : i32
        %add3A_283 = arith.constant 1 : i32
        %add3A_284 = arith.addi %mul3A_282, %add3A_283 : i32
        %dma_wait3A_285 = arith.constant 0 : i32
        %dma_wait3A_286 = arith.constant 0 : i32
        %dma_wait3A_287 = tpu.memref_slice %arg2[%while3A_223, %dma_wait3A_285, %dma_wait3A_286] : memref<4x10000x128xf32, #tpu.memory_space<hbm>> -> memref<1x10000x128xf32, #tpu.memory_space<hbm>>
        %dma_wait3A_288 = tpu.memref_squeeze %dma_wait3A_287 : memref<1x10000x128xf32, #tpu.memory_space<hbm>> -> memref<10000x128xf32, #tpu.memory_space<hbm>>
        %dma_wait3A_289 = arith.constant 0 : i32
        %dma_wait3A_290 = arith.constant 0 : i32
        %dma_wait3A_291 = tpu.memref_slice %dma_wait3A_288[%dma_wait3A_289, %dma_wait3A_290] : memref<10000x128xf32, #tpu.memory_space<hbm>> -> memref<128x128xf32, #tpu.memory_space<hbm>>
        %dma_wait3A_292 = arith.constant 0 : i32
        %dma_wait3A_293 = arith.constant 0 : i32
        %dma_wait3A_294 = tpu.memref_slice %arg2[%while3A_223, %dma_wait3A_292, %dma_wait3A_293] : memref<4x10000x128xf32, #tpu.memory_space<hbm>> -> memref<1x10000x128xf32, #tpu.memory_space<hbm>>
        %dma_wait3A_295 = tpu.memref_squeeze %dma_wait3A_294 : memref<1x10000x128xf32, #tpu.memory_space<hbm>> -> memref<10000x128xf32, #tpu.memory_space<hbm>>
        %dma_wait3A_296 = arith.constant 0 : i32
        %dma_wait3A_297 = arith.constant 0 : i32
        %dma_wait3A_298 = tpu.memref_slice %dma_wait3A_295[%dma_wait3A_296, %dma_wait3A_297] : memref<10000x128xf32, #tpu.memory_space<hbm>> -> memref<128x128xf32, #tpu.memory_space<hbm>>
        tpu.wait_dma2 semaphore(%arg11 : memref<!tpu.dma_semaphore, #tpu.memory_space<semaphore_mem>>) src(%dma_wait3A_298 : memref<128x128xf32, #tpu.memory_space<hbm>>) dst(%arg9 : memref<128x128xf32, #tpu.memory_space<vmem>>)
        %dma_wait3A_299 = arith.constant 0 : i32
        %dma_wait3A_300 = arith.constant 0 : i32
        %dma_wait3A_301 = tpu.memref_slice %arg14[%dma_wait3A_299, %dma_wait3A_300] : memref<10000x128xf32, #tpu.memory_space<vmem_shared>> -> memref<128x128xf32, #tpu.memory_space<vmem_shared>>
        %dma_wait3A_302 = arith.constant 0 : i32
        %dma_wait3A_303 = arith.constant 0 : i32
        %dma_wait3A_304 = tpu.memref_slice %arg14[%dma_wait3A_302, %dma_wait3A_303] : memref<10000x128xf32, #tpu.memory_space<vmem_shared>> -> memref<128x128xf32, #tpu.memory_space<vmem_shared>>
        tpu.wait_dma2 semaphore(%arg12 : memref<!tpu.dma_semaphore, #tpu.memory_space<semaphore_mem>>) src(%arg8 : memref<128x128xf32, #tpu.memory_space<vmem>>) dst(%dma_wait3A_304 : memref<128x128xf32, #tpu.memory_space<vmem_shared>>)
        %add3A_305 = arith.constant 1 : i32
        %add3A_306 = arith.addi %add3A_284, %add3A_305 : i32
        %dma_start3A_307 = arith.constant 0 : i32
        %dma_start3A_308 = tpu.memref_slice %arg6[%add3A_306, %dma_start3A_307] : memref<40x128xi32, #tpu.memory_space<vmem>> -> memref<1x128xi32, #tpu.memory_space<vmem>>
        %dma_start3A_309 = tpu.memref_squeeze %dma_start3A_308 : memref<1x128xi32, #tpu.memory_space<vmem>> -> memref<128xi32, #tpu.memory_space<vmem>>
        %dma_start3A_310 = arith.constant 0 : i32
        %dma_start3A_311 = arith.constant 0 : i32
        %dma_start3A_312 = tpu.memref_slice %arg2[%while3A_223, %dma_start3A_310, %dma_start3A_311] : memref<4x10000x128xf32, #tpu.memory_space<hbm>> -> memref<1x10000x128xf32, #tpu.memory_space<hbm>>
        %dma_start3A_313 = tpu.memref_squeeze %dma_start3A_312 : memref<1x10000x128xf32, #tpu.memory_space<hbm>> -> memref<10000x128xf32, #tpu.memory_space<hbm>>
        %dma_start3A_314 = arith.constant 0 : i32
        %dma_start3A_315 = arith.constant 0 : i32
        %dma_start3A_316 = tpu.memref_slice %dma_start3A_313[%dma_start3A_314, %dma_start3A_315] : memref<10000x128xf32, #tpu.memory_space<hbm>> -> memref<10000x128xf32, #tpu.memory_space<hbm>>
        tpu.enqueue_indirect_dma source(%dma_start3A_316 : memref<10000x128xf32, #tpu.memory_space<hbm>>) target(%arg8 : memref<128x128xf32, #tpu.memory_space<vmem>>) offsets(%dma_start3A_309 : memref<128xi32, #tpu.memory_space<vmem>>) semaphore(%arg10 : memref<!tpu.dma_semaphore, #tpu.memory_space<semaphore_mem>>)
        %dma_start3A_317 = arith.constant 0 : i32
        %dma_start3A_318 = tpu.memref_slice %arg7[%add3A_284, %dma_start3A_317] : memref<40x128xi32, #tpu.memory_space<vmem>> -> memref<1x128xi32, #tpu.memory_space<vmem>>
        %dma_start3A_319 = tpu.memref_squeeze %dma_start3A_318 : memref<1x128xi32, #tpu.memory_space<vmem>> -> memref<128xi32, #tpu.memory_space<vmem>>
        %dma_start3A_320 = arith.constant 0 : i32
        %dma_start3A_321 = arith.constant 0 : i32
        %dma_start3A_322 = tpu.memref_slice %arg14[%dma_start3A_320, %dma_start3A_321] : memref<10000x128xf32, #tpu.memory_space<vmem_shared>> -> memref<10000x128xf32, #tpu.memory_space<vmem_shared>>
        tpu.enqueue_indirect_dma source(%arg9 : memref<128x128xf32, #tpu.memory_space<vmem>>) target(%dma_start3A_322 : memref<10000x128xf32, #tpu.memory_space<vmem_shared>>) offsets(%dma_start3A_319 : memref<128xi32, #tpu.memory_space<vmem>>) semaphore(%arg13 : memref<!tpu.dma_semaphore, #tpu.memory_space<semaphore_mem>>) {add = true}
        %mul3A_323 = arith.constant 2 : i32
        %mul3A_324 = arith.muli %mul3A_323, %while3A_280 : i32
        %add3A_325 = arith.constant 2 : i32
        %add3A_326 = arith.addi %mul3A_324, %add3A_325 : i32
        %dma_wait3A_327 = arith.constant 0 : i32
        %dma_wait3A_328 = arith.constant 0 : i32
        %dma_wait3A_329 = tpu.memref_slice %arg2[%while3A_223, %dma_wait3A_327, %dma_wait3A_328] : memref<4x10000x128xf32, #tpu.memory_space<hbm>> -> memref<1x10000x128xf32, #tpu.memory_space<hbm>>
        %dma_wait3A_330 = tpu.memref_squeeze %dma_wait3A_329 : memref<1x10000x128xf32, #tpu.memory_space<hbm>> -> memref<10000x128xf32, #tpu.memory_space<hbm>>
        %dma_wait3A_331 = arith.constant 0 : i32
        %dma_wait3A_332 = arith.constant 0 : i32
        %dma_wait3A_333 = tpu.memref_slice %dma_wait3A_330[%dma_wait3A_331, %dma_wait3A_332] : memref<10000x128xf32, #tpu.memory_space<hbm>> -> memref<128x128xf32, #tpu.memory_space<hbm>>
        %dma_wait3A_334 = arith.constant 0 : i32
        %dma_wait3A_335 = arith.constant 0 : i32
        %dma_wait3A_336 = tpu.memref_slice %arg2[%while3A_223, %dma_wait3A_334, %dma_wait3A_335] : memref<4x10000x128xf32, #tpu.memory_space<hbm>> -> memref<1x10000x128xf32, #tpu.memory_space<hbm>>
        %dma_wait3A_337 = tpu.memref_squeeze %dma_wait3A_336 : memref<1x10000x128xf32, #tpu.memory_space<hbm>> -> memref<10000x128xf32, #tpu.memory_space<hbm>>
        %dma_wait3A_338 = arith.constant 0 : i32
        %dma_wait3A_339 = arith.constant 0 : i32
        %dma_wait3A_340 = tpu.memref_slice %dma_wait3A_337[%dma_wait3A_338, %dma_wait3A_339] : memref<10000x128xf32, #tpu.memory_space<hbm>> -> memref<128x128xf32, #tpu.memory_space<hbm>>
        tpu.wait_dma2 semaphore(%arg10 : memref<!tpu.dma_semaphore, #tpu.memory_space<semaphore_mem>>) src(%dma_wait3A_340 : memref<128x128xf32, #tpu.memory_space<hbm>>) dst(%arg8 : memref<128x128xf32, #tpu.memory_space<vmem>>)
        %dma_wait3A_341 = arith.constant 0 : i32
        %dma_wait3A_342 = arith.constant 0 : i32
        %dma_wait3A_343 = tpu.memref_slice %arg14[%dma_wait3A_341, %dma_wait3A_342] : memref<10000x128xf32, #tpu.memory_space<vmem_shared>> -> memref<128x128xf32, #tpu.memory_space<vmem_shared>>
        %dma_wait3A_344 = arith.constant 0 : i32
        %dma_wait3A_345 = arith.constant 0 : i32
        %dma_wait3A_346 = tpu.memref_slice %arg14[%dma_wait3A_344, %dma_wait3A_345] : memref<10000x128xf32, #tpu.memory_space<vmem_shared>> -> memref<128x128xf32, #tpu.memory_space<vmem_shared>>
        tpu.wait_dma2 semaphore(%arg13 : memref<!tpu.dma_semaphore, #tpu.memory_space<semaphore_mem>>) src(%arg9 : memref<128x128xf32, #tpu.memory_space<vmem>>) dst(%dma_wait3A_346 : memref<128x128xf32, #tpu.memory_space<vmem_shared>>)
        %add3A_347 = arith.constant 1 : i32
        %add3A_348 = arith.addi %add3A_326, %add3A_347 : i32
        %dma_start3A_349 = arith.constant 0 : i32
        %dma_start3A_350 = tpu.memref_slice %arg6[%add3A_348, %dma_start3A_349] : memref<40x128xi32, #tpu.memory_space<vmem>> -> memref<1x128xi32, #tpu.memory_space<vmem>>
        %dma_start3A_351 = tpu.memref_squeeze %dma_start3A_350 : memref<1x128xi32, #tpu.memory_space<vmem>> -> memref<128xi32, #tpu.memory_space<vmem>>
        %dma_start3A_352 = arith.constant 0 : i32
        %dma_start3A_353 = arith.constant 0 : i32
        %dma_start3A_354 = tpu.memref_slice %arg2[%while3A_223, %dma_start3A_352, %dma_start3A_353] : memref<4x10000x128xf32, #tpu.memory_space<hbm>> -> memref<1x10000x128xf32, #tpu.memory_space<hbm>>
        %dma_start3A_355 = tpu.memref_squeeze %dma_start3A_354 : memref<1x10000x128xf32, #tpu.memory_space<hbm>> -> memref<10000x128xf32, #tpu.memory_space<hbm>>
        %dma_start3A_356 = arith.constant 0 : i32
        %dma_start3A_357 = arith.constant 0 : i32
        %dma_start3A_358 = tpu.memref_slice %dma_start3A_355[%dma_start3A_356, %dma_start3A_357] : memref<10000x128xf32, #tpu.memory_space<hbm>> -> memref<10000x128xf32, #tpu.memory_space<hbm>>
        tpu.enqueue_indirect_dma source(%dma_start3A_358 : memref<10000x128xf32, #tpu.memory_space<hbm>>) target(%arg9 : memref<128x128xf32, #tpu.memory_space<vmem>>) offsets(%dma_start3A_351 : memref<128xi32, #tpu.memory_space<vmem>>) semaphore(%arg11 : memref<!tpu.dma_semaphore, #tpu.memory_space<semaphore_mem>>)
        %dma_start3A_359 = arith.constant 0 : i32
        %dma_start3A_360 = tpu.memref_slice %arg7[%add3A_326, %dma_start3A_359] : memref<40x128xi32, #tpu.memory_space<vmem>> -> memref<1x128xi32, #tpu.memory_space<vmem>>
        %dma_start3A_361 = tpu.memref_squeeze %dma_start3A_360 : memref<1x128xi32, #tpu.memory_space<vmem>> -> memref<128xi32, #tpu.memory_space<vmem>>
        %dma_start3A_362 = arith.constant 0 : i32
        %dma_start3A_363 = arith.constant 0 : i32
        %dma_start3A_364 = tpu.memref_slice %arg14[%dma_start3A_362, %dma_start3A_363] : memref<10000x128xf32, #tpu.memory_space<vmem_shared>> -> memref<10000x128xf32, #tpu.memory_space<vmem_shared>>
        tpu.enqueue_indirect_dma source(%arg8 : memref<128x128xf32, #tpu.memory_space<vmem>>) target(%dma_start3A_364 : memref<10000x128xf32, #tpu.memory_space<vmem_shared>>) offsets(%dma_start3A_361 : memref<128xi32, #tpu.memory_space<vmem>>) semaphore(%arg12 : memref<!tpu.dma_semaphore, #tpu.memory_space<semaphore_mem>>) {add = true}
      }
      %dma_wait3A_233 = arith.constant 2 : i32
      %dma_wait3A_234 = arith.constant 0 : i32
      %dma_wait3A_235 = arith.constant 0 : i32
      %dma_wait3A_236 = tpu.memref_slice %arg2[%dma_wait3A_233, %dma_wait3A_234, %dma_wait3A_235] : memref<4x10000x128xf32, #tpu.memory_space<hbm>> -> memref<1x10000x128xf32, #tpu.memory_space<hbm>>
      %dma_wait3A_237 = tpu.memref_squeeze %dma_wait3A_236 : memref<1x10000x128xf32, #tpu.memory_space<hbm>> -> memref<10000x128xf32, #tpu.memory_space<hbm>>
      %dma_wait3A_238 = arith.constant 0 : i32
      %dma_wait3A_239 = arith.constant 0 : i32
      %dma_wait3A_240 = tpu.memref_slice %dma_wait3A_237[%dma_wait3A_238, %dma_wait3A_239] : memref<10000x128xf32, #tpu.memory_space<hbm>> -> memref<128x128xf32, #tpu.memory_space<hbm>>
      %dma_wait3A_241 = arith.constant 0 : i32
      %dma_wait3A_242 = arith.constant 0 : i32
      %dma_wait3A_243 = tpu.memref_slice %arg2[%dma_wait3A_233, %dma_wait3A_241, %dma_wait3A_242] : memref<4x10000x128xf32, #tpu.memory_space<hbm>> -> memref<1x10000x128xf32, #tpu.memory_space<hbm>>
      %dma_wait3A_244 = tpu.memref_squeeze %dma_wait3A_243 : memref<1x10000x128xf32, #tpu.memory_space<hbm>> -> memref<10000x128xf32, #tpu.memory_space<hbm>>
      %dma_wait3A_245 = arith.constant 0 : i32
      %dma_wait3A_246 = arith.constant 0 : i32
      %dma_wait3A_247 = tpu.memref_slice %dma_wait3A_244[%dma_wait3A_245, %dma_wait3A_246] : memref<10000x128xf32, #tpu.memory_space<hbm>> -> memref<128x128xf32, #tpu.memory_space<hbm>>
      tpu.wait_dma2 semaphore(%arg11 : memref<!tpu.dma_semaphore, #tpu.memory_space<semaphore_mem>>) src(%dma_wait3A_247 : memref<128x128xf32, #tpu.memory_space<hbm>>) dst(%arg9 : memref<128x128xf32, #tpu.memory_space<vmem>>)
      %sub3A_248 = arith.constant 1 : i32
      %sub3A_249 = arith.subi %min3A_149, %sub3A_248 : i32
      %dma_start3A_250 = arith.constant 0 : i32
      %dma_start3A_251 = tpu.memref_slice %arg7[%sub3A_249, %dma_start3A_250] : memref<40x128xi32, #tpu.memory_space<vmem>> -> memref<1x128xi32, #tpu.memory_space<vmem>>
      %dma_start3A_252 = tpu.memref_squeeze %dma_start3A_251 : memref<1x128xi32, #tpu.memory_space<vmem>> -> memref<128xi32, #tpu.memory_space<vmem>>
      %dma_start3A_253 = arith.constant 0 : i32
      %dma_start3A_254 = arith.constant 0 : i32
      %dma_start3A_255 = tpu.memref_slice %arg14[%dma_start3A_253, %dma_start3A_254] : memref<10000x128xf32, #tpu.memory_space<vmem_shared>> -> memref<10000x128xf32, #tpu.memory_space<vmem_shared>>
      tpu.enqueue_indirect_dma source(%arg9 : memref<128x128xf32, #tpu.memory_space<vmem>>) target(%dma_start3A_255 : memref<10000x128xf32, #tpu.memory_space<vmem_shared>>) offsets(%dma_start3A_252 : memref<128xi32, #tpu.memory_space<vmem>>) semaphore(%arg13 : memref<!tpu.dma_semaphore, #tpu.memory_space<semaphore_mem>>) {add = true}
      %dma_wait3A_256 = arith.constant 0 : i32
      %dma_wait3A_257 = arith.constant 0 : i32
      %dma_wait3A_258 = tpu.memref_slice %arg14[%dma_wait3A_256, %dma_wait3A_257] : memref<10000x128xf32, #tpu.memory_space<vmem_shared>> -> memref<128x128xf32, #tpu.memory_space<vmem_shared>>
      %dma_wait3A_259 = arith.constant 0 : i32
      %dma_wait3A_260 = arith.constant 0 : i32
      %dma_wait3A_261 = tpu.memref_slice %arg14[%dma_wait3A_259, %dma_wait3A_260] : memref<10000x128xf32, #tpu.memory_space<vmem_shared>> -> memref<128x128xf32, #tpu.memory_space<vmem_shared>>
      tpu.wait_dma2 semaphore(%arg12 : memref<!tpu.dma_semaphore, #tpu.memory_space<semaphore_mem>>) src(%arg8 : memref<128x128xf32, #tpu.memory_space<vmem>>) dst(%dma_wait3A_261 : memref<128x128xf32, #tpu.memory_space<vmem_shared>>)
      %dma_wait3A_262 = arith.constant 0 : i32
      %dma_wait3A_263 = arith.constant 0 : i32
      %dma_wait3A_264 = tpu.memref_slice %arg14[%dma_wait3A_262, %dma_wait3A_263] : memref<10000x128xf32, #tpu.memory_space<vmem_shared>> -> memref<128x128xf32, #tpu.memory_space<vmem_shared>>
      %dma_wait3A_265 = arith.constant 0 : i32
      %dma_wait3A_266 = arith.constant 0 : i32
      %dma_wait3A_267 = tpu.memref_slice %arg14[%dma_wait3A_265, %dma_wait3A_266] : memref<10000x128xf32, #tpu.memory_space<vmem_shared>> -> memref<128x128xf32, #tpu.memory_space<vmem_shared>>
      tpu.wait_dma2 semaphore(%arg13 : memref<!tpu.dma_semaphore, #tpu.memory_space<semaphore_mem>>) src(%arg9 : memref<128x128xf32, #tpu.memory_space<vmem>>) dst(%dma_wait3A_267 : memref<128x128xf32, #tpu.memory_space<vmem_shared>>)
      %barrier3A_268 = arith.constant 0 : index
      tpu.barrier barrier_id(%barrier3A_268)
      %mul3A_269 = arith.constant 624 : i32
      %mul3A_270 = arith.muli %arg1, %mul3A_269 : i32
      %mul3A_271 = arith.constant 624 : i32
      %mul3A_272 = arith.muli %arg1, %mul3A_271 : i32
      %run_scoped3A_273 = arith.constant 2 : i32
      "tpu.region"() ({
        %run_scoped3A_280 = tpu.sem_alloc : memref<!tpu.dma_semaphore, #tpu.memory_space<semaphore_mem>>
        %dma_start3A_281 = arith.constant 0 : i32
        %dma_start3A_282 = arith.constant 0 : i32
        %dma_start3A_283 = tpu.memref_slice %arg5[%run_scoped3A_273, %dma_start3A_281, %dma_start3A_282] : memref<4x10000x128xf32, #tpu.memory_space<hbm>> -> memref<1x10000x128xf32, #tpu.memory_space<hbm>>
        %dma_start3A_284 = tpu.memref_squeeze %dma_start3A_283 : memref<1x10000x128xf32, #tpu.memory_space<hbm>> -> memref<10000x128xf32, #tpu.memory_space<hbm>>
        %dma_start3A_285 = arith.constant 0 : i32
        %dma_start3A_286 = tpu.memref_slice %dma_start3A_284[%mul3A_272, %dma_start3A_285] : memref<10000x128xf32, #tpu.memory_space<hbm>> -> memref<624x128xf32, #tpu.memory_space<hbm>>
        %dma_start3A_287 = arith.constant 0 : i32
        %dma_start3A_288 = tpu.memref_slice %arg14[%mul3A_270, %dma_start3A_287] : memref<10000x128xf32, #tpu.memory_space<vmem_shared>> -> memref<624x128xf32, #tpu.memory_space<vmem_shared>>
        tpu.enqueue_dma source(%dma_start3A_288 : memref<624x128xf32, #tpu.memory_space<vmem_shared>>) target(%dma_start3A_286 : memref<624x128xf32, #tpu.memory_space<hbm>>) target_semaphore(%run_scoped3A_280 : memref<!tpu.dma_semaphore, #tpu.memory_space<semaphore_mem>>)
        %dma_wait3A_289 = arith.constant 0 : i32
        %dma_wait3A_290 = arith.constant 0 : i32
        %dma_wait3A_291 = tpu.memref_slice %arg5[%run_scoped3A_273, %dma_wait3A_289, %dma_wait3A_290] : memref<4x10000x128xf32, #tpu.memory_space<hbm>> -> memref<1x10000x128xf32, #tpu.memory_space<hbm>>
        %dma_wait3A_292 = tpu.memref_squeeze %dma_wait3A_291 : memref<1x10000x128xf32, #tpu.memory_space<hbm>> -> memref<10000x128xf32, #tpu.memory_space<hbm>>
        %dma_wait3A_293 = arith.constant 0 : i32
        %dma_wait3A_294 = tpu.memref_slice %dma_wait3A_292[%mul3A_272, %dma_wait3A_293] : memref<10000x128xf32, #tpu.memory_space<hbm>> -> memref<624x128xf32, #tpu.memory_space<hbm>>
        %dma_wait3A_295 = arith.constant 0 : i32
        %dma_wait3A_296 = tpu.memref_slice %arg14[%mul3A_270, %dma_wait3A_295] : memref<10000x128xf32, #tpu.memory_space<vmem_shared>> -> memref<624x128xf32, #tpu.memory_space<vmem_shared>>
        tpu.wait_dma2 semaphore(%run_scoped3A_280 : memref<!tpu.dma_semaphore, #tpu.memory_space<semaphore_mem>>) src(%dma_wait3A_296 : memref<624x128xf32, #tpu.memory_space<vmem_shared>>) dst(%dma_wait3A_294 : memref<624x128xf32, #tpu.memory_space<hbm>>)
        tpu.yield
      }) : () -> ()
      %eq3A_274 = arith.constant 15 : i32
      %eq3A_275 = arith.cmpi eq, %arg1, %eq3A_274 : i32
      %convert_element_type3A_276 = arith.extui %eq3A_275 : i1 to i32
      %cond3A_277 = arith.constant 2 : i32
      %cond3A_278 = arith.constant 0 : i32
      %cond3A_279 = arith.cmpi ne, %convert_element_type3A_276, %cond3A_278 : i32
      scf.if %cond3A_279 {
        "tpu.region"() ({
          %run_scoped3A_280 = tpu.sem_alloc : memref<!tpu.dma_semaphore, #tpu.memory_space<semaphore_mem>>
          %dma_start3A_281 = arith.constant 0 : i32
          %dma_start3A_282 = arith.constant 0 : i32
          %dma_start3A_283 = tpu.memref_slice %arg5[%cond3A_277, %dma_start3A_281, %dma_start3A_282] : memref<4x10000x128xf32, #tpu.memory_space<hbm>> -> memref<1x10000x128xf32, #tpu.memory_space<hbm>>
          %dma_start3A_284 = tpu.memref_squeeze %dma_start3A_283 : memref<1x10000x128xf32, #tpu.memory_space<hbm>> -> memref<10000x128xf32, #tpu.memory_space<hbm>>
          %dma_start3A_285 = arith.constant 9984 : i32
          %dma_start3A_286 = arith.constant 0 : i32
          %dma_start3A_287 = tpu.memref_slice %dma_start3A_284[%dma_start3A_285, %dma_start3A_286] : memref<10000x128xf32, #tpu.memory_space<hbm>> -> memref<16x128xf32, #tpu.memory_space<hbm>>
          %dma_start3A_288 = arith.constant 9984 : i32
          %dma_start3A_289 = arith.constant 0 : i32
          %dma_start3A_290 = tpu.memref_slice %arg14[%dma_start3A_288, %dma_start3A_289] : memref<10000x128xf32, #tpu.memory_space<vmem_shared>> -> memref<16x128xf32, #tpu.memory_space<vmem_shared>>
          tpu.enqueue_dma source(%dma_start3A_290 : memref<16x128xf32, #tpu.memory_space<vmem_shared>>) target(%dma_start3A_287 : memref<16x128xf32, #tpu.memory_space<hbm>>) target_semaphore(%run_scoped3A_280 : memref<!tpu.dma_semaphore, #tpu.memory_space<semaphore_mem>>)
          %dma_wait3A_291 = arith.constant 0 : i32
          %dma_wait3A_292 = arith.constant 0 : i32
          %dma_wait3A_293 = tpu.memref_slice %arg5[%cond3A_277, %dma_wait3A_291, %dma_wait3A_292] : memref<4x10000x128xf32, #tpu.memory_space<hbm>> -> memref<1x10000x128xf32, #tpu.memory_space<hbm>>
          %dma_wait3A_294 = tpu.memref_squeeze %dma_wait3A_293 : memref<1x10000x128xf32, #tpu.memory_space<hbm>> -> memref<10000x128xf32, #tpu.memory_space<hbm>>
          %dma_wait3A_295 = arith.constant 9984 : i32
          %dma_wait3A_296 = arith.constant 0 : i32
          %dma_wait3A_297 = tpu.memref_slice %dma_wait3A_294[%dma_wait3A_295, %dma_wait3A_296] : memref<10000x128xf32, #tpu.memory_space<hbm>> -> memref<16x128xf32, #tpu.memory_space<hbm>>
          %dma_wait3A_298 = arith.constant 9984 : i32
          %dma_wait3A_299 = arith.constant 0 : i32
          %dma_wait3A_300 = tpu.memref_slice %arg14[%dma_wait3A_298, %dma_wait3A_299] : memref<10000x128xf32, #tpu.memory_space<vmem_shared>> -> memref<16x128xf32, #tpu.memory_space<vmem_shared>>
          tpu.wait_dma2 semaphore(%run_scoped3A_280 : memref<!tpu.dma_semaphore, #tpu.memory_space<semaphore_mem>>) src(%dma_wait3A_300 : memref<16x128xf32, #tpu.memory_space<vmem_shared>>) dst(%dma_wait3A_297 : memref<16x128xf32, #tpu.memory_space<hbm>>)
          tpu.yield
        }) : () -> ()
      } else {
      }
    } else {
    }
    %eq3A_12 = arith.constant 1 : i32
    %eq3A_13 = arith.cmpi eq, %arg0, %eq3A_12 : i32
    %convert_element_type3A_14 = arith.extui %eq3A_13 : i1 to i32
    %cond3A_15 = arith.constant 0 : i32
    %cond3A_16 = arith.cmpi ne, %convert_element_type3A_14, %cond3A_15 : i32
    scf.if %cond3A_16 {
      %mul3A = arith.constant 624 : i32
      %mul3A_17 = arith.muli %arg1, %mul3A : i32
      %mul3A_18 = arith.constant 624 : i32
      %mul3A_19 = arith.muli %arg1, %mul3A_18 : i32
      %run_scoped3A = arith.constant 3 : i32
      "tpu.region"() ({
        %run_scoped3A_280 = tpu.sem_alloc : memref<!tpu.dma_semaphore, #tpu.memory_space<semaphore_mem>>
        %dma_start3A_281 = arith.constant 0 : i32
        %dma_start3A_282 = tpu.memref_slice %arg14[%mul3A_19, %dma_start3A_281] : memref<10000x128xf32, #tpu.memory_space<vmem_shared>> -> memref<624x128xf32, #tpu.memory_space<vmem_shared>>
        %dma_start3A_283 = arith.constant 0 : i32
        %dma_start3A_284 = arith.constant 0 : i32
        %dma_start3A_285 = tpu.memref_slice %arg2[%run_scoped3A, %dma_start3A_283, %dma_start3A_284] : memref<4x10000x128xf32, #tpu.memory_space<hbm>> -> memref<1x10000x128xf32, #tpu.memory_space<hbm>>
        %dma_start3A_286 = tpu.memref_squeeze %dma_start3A_285 : memref<1x10000x128xf32, #tpu.memory_space<hbm>> -> memref<10000x128xf32, #tpu.memory_space<hbm>>
        %dma_start3A_287 = arith.constant 0 : i32
        %dma_start3A_288 = tpu.memref_slice %dma_start3A_286[%mul3A_17, %dma_start3A_287] : memref<10000x128xf32, #tpu.memory_space<hbm>> -> memref<624x128xf32, #tpu.memory_space<hbm>>
        tpu.enqueue_dma source(%dma_start3A_288 : memref<624x128xf32, #tpu.memory_space<hbm>>) target(%dma_start3A_282 : memref<624x128xf32, #tpu.memory_space<vmem_shared>>) target_semaphore(%run_scoped3A_280 : memref<!tpu.dma_semaphore, #tpu.memory_space<semaphore_mem>>)
        %dma_wait3A_289 = arith.constant 0 : i32
        %dma_wait3A_290 = tpu.memref_slice %arg14[%mul3A_19, %dma_wait3A_289] : memref<10000x128xf32, #tpu.memory_space<vmem_shared>> -> memref<624x128xf32, #tpu.memory_space<vmem_shared>>
        %dma_wait3A_291 = arith.constant 0 : i32
        %dma_wait3A_292 = arith.constant 0 : i32
        %dma_wait3A_293 = tpu.memref_slice %arg2[%run_scoped3A, %dma_wait3A_291, %dma_wait3A_292] : memref<4x10000x128xf32, #tpu.memory_space<hbm>> -> memref<1x10000x128xf32, #tpu.memory_space<hbm>>
        %dma_wait3A_294 = tpu.memref_squeeze %dma_wait3A_293 : memref<1x10000x128xf32, #tpu.memory_space<hbm>> -> memref<10000x128xf32, #tpu.memory_space<hbm>>
        %dma_wait3A_295 = arith.constant 0 : i32
        %dma_wait3A_296 = tpu.memref_slice %dma_wait3A_294[%mul3A_17, %dma_wait3A_295] : memref<10000x128xf32, #tpu.memory_space<hbm>> -> memref<624x128xf32, #tpu.memory_space<hbm>>
        tpu.wait_dma2 semaphore(%run_scoped3A_280 : memref<!tpu.dma_semaphore, #tpu.memory_space<semaphore_mem>>) src(%dma_wait3A_296 : memref<624x128xf32, #tpu.memory_space<hbm>>) dst(%dma_wait3A_290 : memref<624x128xf32, #tpu.memory_space<vmem_shared>>)
        tpu.yield
      }) : () -> ()
      %eq3A_20 = arith.constant 15 : i32
      %eq3A_21 = arith.cmpi eq, %arg1, %eq3A_20 : i32
      %convert_element_type3A_22 = arith.extui %eq3A_21 : i1 to i32
      %cond3A_23 = arith.constant 3 : i32
      %cond3A_24 = arith.constant 0 : i32
      %cond3A_25 = arith.cmpi ne, %convert_element_type3A_22, %cond3A_24 : i32
      scf.if %cond3A_25 {
        "tpu.region"() ({
          %run_scoped3A_280 = tpu.sem_alloc : memref<!tpu.dma_semaphore, #tpu.memory_space<semaphore_mem>>
          %dma_start3A_281 = arith.constant 9984 : i32
          %dma_start3A_282 = arith.constant 0 : i32
          %dma_start3A_283 = tpu.memref_slice %arg14[%dma_start3A_281, %dma_start3A_282] : memref<10000x128xf32, #tpu.memory_space<vmem_shared>> -> memref<16x128xf32, #tpu.memory_space<vmem_shared>>
          %dma_start3A_284 = arith.constant 0 : i32
          %dma_start3A_285 = arith.constant 0 : i32
          %dma_start3A_286 = tpu.memref_slice %arg2[%cond3A_23, %dma_start3A_284, %dma_start3A_285] : memref<4x10000x128xf32, #tpu.memory_space<hbm>> -> memref<1x10000x128xf32, #tpu.memory_space<hbm>>
          %dma_start3A_287 = tpu.memref_squeeze %dma_start3A_286 : memref<1x10000x128xf32, #tpu.memory_space<hbm>> -> memref<10000x128xf32, #tpu.memory_space<hbm>>
          %dma_start3A_288 = arith.constant 9984 : i32
          %dma_start3A_289 = arith.constant 0 : i32
          %dma_start3A_290 = tpu.memref_slice %dma_start3A_287[%dma_start3A_288, %dma_start3A_289] : memref<10000x128xf32, #tpu.memory_space<hbm>> -> memref<16x128xf32, #tpu.memory_space<hbm>>
          tpu.enqueue_dma source(%dma_start3A_290 : memref<16x128xf32, #tpu.memory_space<hbm>>) target(%dma_start3A_283 : memref<16x128xf32, #tpu.memory_space<vmem_shared>>) target_semaphore(%run_scoped3A_280 : memref<!tpu.dma_semaphore, #tpu.memory_space<semaphore_mem>>)
          %dma_wait3A_291 = arith.constant 9984 : i32
          %dma_wait3A_292 = arith.constant 0 : i32
          %dma_wait3A_293 = tpu.memref_slice %arg14[%dma_wait3A_291, %dma_wait3A_292] : memref<10000x128xf32, #tpu.memory_space<vmem_shared>> -> memref<16x128xf32, #tpu.memory_space<vmem_shared>>
          %dma_wait3A_294 = arith.constant 0 : i32
          %dma_wait3A_295 = arith.constant 0 : i32
          %dma_wait3A_296 = tpu.memref_slice %arg2[%cond3A_23, %dma_wait3A_294, %dma_wait3A_295] : memref<4x10000x128xf32, #tpu.memory_space<hbm>> -> memref<1x10000x128xf32, #tpu.memory_space<hbm>>
          %dma_wait3A_297 = tpu.memref_squeeze %dma_wait3A_296 : memref<1x10000x128xf32, #tpu.memory_space<hbm>> -> memref<10000x128xf32, #tpu.memory_space<hbm>>
          %dma_wait3A_298 = arith.constant 9984 : i32
          %dma_wait3A_299 = arith.constant 0 : i32
          %dma_wait3A_300 = tpu.memref_slice %dma_wait3A_297[%dma_wait3A_298, %dma_wait3A_299] : memref<10000x128xf32, #tpu.memory_space<hbm>> -> memref<16x128xf32, #tpu.memory_space<hbm>>
          tpu.wait_dma2 semaphore(%run_scoped3A_280 : memref<!tpu.dma_semaphore, #tpu.memory_space<semaphore_mem>>) src(%dma_wait3A_300 : memref<16x128xf32, #tpu.memory_space<hbm>>) dst(%dma_wait3A_293 : memref<16x128xf32, #tpu.memory_space<vmem_shared>>)
          tpu.yield
        }) : () -> ()
      } else {
      }
      %barrier3A = arith.constant 0 : index
      tpu.barrier barrier_id(%barrier3A)
      %mul3A_26 = arith.constant 80 : i32
      %mul3A_27 = arith.muli %arg1, %mul3A_26 : i32
      %add3A = arith.constant 0 : i32
      %add3A_28 = arith.addi %mul3A_27, %add3A : i32
      "tpu.region"() ({
        %run_scoped3A_280 = tpu.sem_alloc : memref<!tpu.dma_semaphore, #tpu.memory_space<semaphore_mem>>
        %dma_start3A_281 = arith.constant 0 : i32
        %dma_start3A_282 = tpu.memref_slice %arg3[%add3A_28, %dma_start3A_281] : memref<1280x128xi32, #tpu.memory_space<hbm>> -> memref<40x128xi32, #tpu.memory_space<hbm>>
        %dma_start3A_283 = arith.constant 0 : i32
        %dma_start3A_284 = tpu.memref_slice %arg3[%add3A_28, %dma_start3A_283] : memref<1280x128xi32, #tpu.memory_space<hbm>> -> memref<40x128xi32, #tpu.memory_space<hbm>>
        tpu.enqueue_dma source(%dma_start3A_284 : memref<40x128xi32, #tpu.memory_space<hbm>>) target(%arg6 : memref<40x128xi32, #tpu.memory_space<vmem>>) target_semaphore(%run_scoped3A_280 : memref<!tpu.dma_semaphore, #tpu.memory_space<semaphore_mem>>)
        %dma_wait3A_285 = arith.constant 0 : i32
        %dma_wait3A_286 = tpu.memref_slice %arg3[%add3A_28, %dma_wait3A_285] : memref<1280x128xi32, #tpu.memory_space<hbm>> -> memref<40x128xi32, #tpu.memory_space<hbm>>
        %dma_wait3A_287 = arith.constant 0 : i32
        %dma_wait3A_288 = tpu.memref_slice %arg3[%add3A_28, %dma_wait3A_287] : memref<1280x128xi32, #tpu.memory_space<hbm>> -> memref<40x128xi32, #tpu.memory_space<hbm>>
        tpu.wait_dma2 semaphore(%run_scoped3A_280 : memref<!tpu.dma_semaphore, #tpu.memory_space<semaphore_mem>>) src(%dma_wait3A_288 : memref<40x128xi32, #tpu.memory_space<hbm>>) dst(%arg6 : memref<40x128xi32, #tpu.memory_space<vmem>>)
        tpu.yield
      }) : () -> ()
      "tpu.region"() ({
        %run_scoped3A_280 = tpu.sem_alloc : memref<!tpu.dma_semaphore, #tpu.memory_space<semaphore_mem>>
        %dma_start3A_281 = arith.constant 0 : i32
        %dma_start3A_282 = tpu.memref_slice %arg4[%add3A_28, %dma_start3A_281] : memref<1280x128xi32, #tpu.memory_space<hbm>> -> memref<40x128xi32, #tpu.memory_space<hbm>>
        %dma_start3A_283 = arith.constant 0 : i32
        %dma_start3A_284 = tpu.memref_slice %arg4[%add3A_28, %dma_start3A_283] : memref<1280x128xi32, #tpu.memory_space<hbm>> -> memref<40x128xi32, #tpu.memory_space<hbm>>
        tpu.enqueue_dma source(%dma_start3A_284 : memref<40x128xi32, #tpu.memory_space<hbm>>) target(%arg7 : memref<40x128xi32, #tpu.memory_space<vmem>>) target_semaphore(%run_scoped3A_280 : memref<!tpu.dma_semaphore, #tpu.memory_space<semaphore_mem>>)
        %dma_wait3A_285 = arith.constant 0 : i32
        %dma_wait3A_286 = tpu.memref_slice %arg4[%add3A_28, %dma_wait3A_285] : memref<1280x128xi32, #tpu.memory_space<hbm>> -> memref<40x128xi32, #tpu.memory_space<hbm>>
        %dma_wait3A_287 = arith.constant 0 : i32
        %dma_wait3A_288 = tpu.memref_slice %arg4[%add3A_28, %dma_wait3A_287] : memref<1280x128xi32, #tpu.memory_space<hbm>> -> memref<40x128xi32, #tpu.memory_space<hbm>>
        tpu.wait_dma2 semaphore(%run_scoped3A_280 : memref<!tpu.dma_semaphore, #tpu.memory_space<semaphore_mem>>) src(%dma_wait3A_288 : memref<40x128xi32, #tpu.memory_space<hbm>>) dst(%arg7 : memref<40x128xi32, #tpu.memory_space<vmem>>)
        tpu.yield
      }) : () -> ()
      %sub3A = arith.constant 1250 : i32
      %sub3A_29 = arith.subi %sub3A, %add3A_28 : i32
      %jit3A = arith.constant 0 : i32
      %jit3A_30 = arith.constant 40 : i32
      %max3A = arith.maxsi %jit3A, %sub3A_29 : i32
      %min3A = arith.minsi %jit3A_30, %max3A : i32
      %dma_start3A = arith.constant 3 : i32
      %dma_start3A_31 = arith.constant 0 : i32
      %dma_start3A_32 = arith.constant 0 : i32
      %dma_start3A_33 = tpu.memref_slice %arg6[%dma_start3A_31, %dma_start3A_32] : memref<40x128xi32, #tpu.memory_space<vmem>> -> memref<1x128xi32, #tpu.memory_space<vmem>>
      %dma_start3A_34 = tpu.memref_squeeze %dma_start3A_33 : memref<1x128xi32, #tpu.memory_space<vmem>> -> memref<128xi32, #tpu.memory_space<vmem>>
      %dma_start3A_35 = arith.constant 0 : i32
      %dma_start3A_36 = arith.constant 0 : i32
      %dma_start3A_37 = tpu.memref_slice %arg2[%dma_start3A, %dma_start3A_35, %dma_start3A_36] : memref<4x10000x128xf32, #tpu.memory_space<hbm>> -> memref<1x10000x128xf32, #tpu.memory_space<hbm>>
      %dma_start3A_38 = tpu.memref_squeeze %dma_start3A_37 : memref<1x10000x128xf32, #tpu.memory_space<hbm>> -> memref<10000x128xf32, #tpu.memory_space<hbm>>
      %dma_start3A_39 = arith.constant 0 : i32
      %dma_start3A_40 = arith.constant 0 : i32
      %dma_start3A_41 = tpu.memref_slice %dma_start3A_38[%dma_start3A_39, %dma_start3A_40] : memref<10000x128xf32, #tpu.memory_space<hbm>> -> memref<10000x128xf32, #tpu.memory_space<hbm>>
      tpu.enqueue_indirect_dma source(%dma_start3A_41 : memref<10000x128xf32, #tpu.memory_space<hbm>>) target(%arg8 : memref<128x128xf32, #tpu.memory_space<vmem>>) offsets(%dma_start3A_34 : memref<128xi32, #tpu.memory_space<vmem>>) semaphore(%arg10 : memref<!tpu.dma_semaphore, #tpu.memory_space<semaphore_mem>>)
      %dma_wait3A = arith.constant 3 : i32
      %dma_wait3A_42 = arith.constant 0 : i32
      %dma_wait3A_43 = arith.constant 0 : i32
      %dma_wait3A_44 = tpu.memref_slice %arg2[%dma_wait3A, %dma_wait3A_42, %dma_wait3A_43] : memref<4x10000x128xf32, #tpu.memory_space<hbm>> -> memref<1x10000x128xf32, #tpu.memory_space<hbm>>
      %dma_wait3A_45 = tpu.memref_squeeze %dma_wait3A_44 : memref<1x10000x128xf32, #tpu.memory_space<hbm>> -> memref<10000x128xf32, #tpu.memory_space<hbm>>
      %dma_wait3A_46 = arith.constant 0 : i32
      %dma_wait3A_47 = arith.constant 0 : i32
      %dma_wait3A_48 = tpu.memref_slice %dma_wait3A_45[%dma_wait3A_46, %dma_wait3A_47] : memref<10000x128xf32, #tpu.memory_space<hbm>> -> memref<128x128xf32, #tpu.memory_space<hbm>>
      %dma_wait3A_49 = arith.constant 0 : i32
      %dma_wait3A_50 = arith.constant 0 : i32
      %dma_wait3A_51 = tpu.memref_slice %arg2[%dma_wait3A, %dma_wait3A_49, %dma_wait3A_50] : memref<4x10000x128xf32, #tpu.memory_space<hbm>> -> memref<1x10000x128xf32, #tpu.memory_space<hbm>>
      %dma_wait3A_52 = tpu.memref_squeeze %dma_wait3A_51 : memref<1x10000x128xf32, #tpu.memory_space<hbm>> -> memref<10000x128xf32, #tpu.memory_space<hbm>>
      %dma_wait3A_53 = arith.constant 0 : i32
      %dma_wait3A_54 = arith.constant 0 : i32
      %dma_wait3A_55 = tpu.memref_slice %dma_wait3A_52[%dma_wait3A_53, %dma_wait3A_54] : memref<10000x128xf32, #tpu.memory_space<hbm>> -> memref<128x128xf32, #tpu.memory_space<hbm>>
      tpu.wait_dma2 semaphore(%arg10 : memref<!tpu.dma_semaphore, #tpu.memory_space<semaphore_mem>>) src(%dma_wait3A_55 : memref<128x128xf32, #tpu.memory_space<hbm>>) dst(%arg8 : memref<128x128xf32, #tpu.memory_space<vmem>>)
      %dma_start3A_56 = arith.constant 0 : i32
      %dma_start3A_57 = arith.constant 0 : i32
      %dma_start3A_58 = tpu.memref_slice %arg7[%dma_start3A_56, %dma_start3A_57] : memref<40x128xi32, #tpu.memory_space<vmem>> -> memref<1x128xi32, #tpu.memory_space<vmem>>
      %dma_start3A_59 = tpu.memref_squeeze %dma_start3A_58 : memref<1x128xi32, #tpu.memory_space<vmem>> -> memref<128xi32, #tpu.memory_space<vmem>>
      %dma_start3A_60 = arith.constant 0 : i32
      %dma_start3A_61 = arith.constant 0 : i32
      %dma_start3A_62 = tpu.memref_slice %arg14[%dma_start3A_60, %dma_start3A_61] : memref<10000x128xf32, #tpu.memory_space<vmem_shared>> -> memref<10000x128xf32, #tpu.memory_space<vmem_shared>>
      tpu.enqueue_indirect_dma source(%arg8 : memref<128x128xf32, #tpu.memory_space<vmem>>) target(%dma_start3A_62 : memref<10000x128xf32, #tpu.memory_space<vmem_shared>>) offsets(%dma_start3A_59 : memref<128xi32, #tpu.memory_space<vmem>>) semaphore(%arg12 : memref<!tpu.dma_semaphore, #tpu.memory_space<semaphore_mem>>) {add = true}
      %dma_start3A_63 = arith.constant 3 : i32
      %dma_start3A_64 = arith.constant 1 : i32
      %dma_start3A_65 = arith.constant 0 : i32
      %dma_start3A_66 = tpu.memref_slice %arg6[%dma_start3A_64, %dma_start3A_65] : memref<40x128xi32, #tpu.memory_space<vmem>> -> memref<1x128xi32, #tpu.memory_space<vmem>>
      %dma_start3A_67 = tpu.memref_squeeze %dma_start3A_66 : memref<1x128xi32, #tpu.memory_space<vmem>> -> memref<128xi32, #tpu.memory_space<vmem>>
      %dma_start3A_68 = arith.constant 0 : i32
      %dma_start3A_69 = arith.constant 0 : i32
      %dma_start3A_70 = tpu.memref_slice %arg2[%dma_start3A_63, %dma_start3A_68, %dma_start3A_69] : memref<4x10000x128xf32, #tpu.memory_space<hbm>> -> memref<1x10000x128xf32, #tpu.memory_space<hbm>>
      %dma_start3A_71 = tpu.memref_squeeze %dma_start3A_70 : memref<1x10000x128xf32, #tpu.memory_space<hbm>> -> memref<10000x128xf32, #tpu.memory_space<hbm>>
      %dma_start3A_72 = arith.constant 0 : i32
      %dma_start3A_73 = arith.constant 0 : i32
      %dma_start3A_74 = tpu.memref_slice %dma_start3A_71[%dma_start3A_72, %dma_start3A_73] : memref<10000x128xf32, #tpu.memory_space<hbm>> -> memref<10000x128xf32, #tpu.memory_space<hbm>>
      tpu.enqueue_indirect_dma source(%dma_start3A_74 : memref<10000x128xf32, #tpu.memory_space<hbm>>) target(%arg9 : memref<128x128xf32, #tpu.memory_space<vmem>>) offsets(%dma_start3A_67 : memref<128xi32, #tpu.memory_space<vmem>>) semaphore(%arg11 : memref<!tpu.dma_semaphore, #tpu.memory_space<semaphore_mem>>)
      %sub3A_75 = arith.constant 2 : i32
      %sub3A_76 = arith.subi %min3A, %sub3A_75 : i32
      %jit3A_77 = arith.constant 2 : i32
      %div3A = arith.divsi %sub3A_76, %jit3A_77 : i32
      %sign3A = arith.constant 0 : i32
      %sign3A_78 = arith.cmpi sgt, %sub3A_76, %sign3A : i32
      %sign3A_79 = arith.extui %sign3A_78 : i1 to i32
      %sign3A_80 = arith.constant 0 : i32
      %sign3A_81 = arith.cmpi slt, %sub3A_76, %sign3A_80 : i32
      %sign3A_82 = arith.extui %sign3A_81 : i1 to i32
      %sign3A_83 = arith.subi %sign3A_79, %sign3A_82 : i32
      %sign3A_84 = arith.constant 0 : i32
      %sign3A_85 = arith.cmpi sgt, %jit3A_77, %sign3A_84 : i32
      %sign3A_86 = arith.extui %sign3A_85 : i1 to i32
      %sign3A_87 = arith.constant 0 : i32
      %sign3A_88 = arith.cmpi slt, %jit3A_77, %sign3A_87 : i32
      %sign3A_89 = arith.extui %sign3A_88 : i1 to i32
      %sign3A_90 = arith.subi %sign3A_86, %sign3A_89 : i32
      %ne3A = arith.cmpi ne, %sign3A_83, %sign3A_90 : i32
      %rem3A = arith.remsi %sub3A_76, %jit3A_77 : i32
      %ne3A_91 = arith.constant 0 : i32
      %ne3A_92 = arith.cmpi ne, %rem3A, %ne3A_91 : i32
      %and3A = arith.andi %ne3A, %ne3A_92 : i1
      %sub3A_93 = arith.constant 1 : i32
      %sub3A_94 = arith.subi %div3A, %sub3A_93 : i32
      %select_n3A = arith.select %and3A, %sub3A_94, %div3A : i32
      %while3A = arith.constant 0 : i32
      %while3A_95 = arith.constant 3 : i32
      %while3A_96 = arith.constant 0 : i32
      %while3A_97 = arith.subi %select_n3A, %while3A_96 : i32
      %while3A_98 = arith.addi %while3A_96, %while3A_97 : i32
      %while3A_99 = arith.constant 1 : i32
      %while3A_100 = arith.divsi %while3A_97, %while3A_99 : i32
      %while3A_101 = arith.muli %while3A_100, %while3A_99 : i32
      %while3A_102 = arith.addi %while3A_96, %while3A_101 : i32
      %while3A_103 = arith.constant 1 : i32
      scf.for %while3A_280 = %while3A_96 to %while3A_102 step %while3A_103  : i32 {
        %mul3A_281 = arith.constant 2 : i32
        %mul3A_282 = arith.muli %mul3A_281, %while3A_280 : i32
        %add3A_283 = arith.constant 1 : i32
        %add3A_284 = arith.addi %mul3A_282, %add3A_283 : i32
        %dma_wait3A_285 = arith.constant 0 : i32
        %dma_wait3A_286 = arith.constant 0 : i32
        %dma_wait3A_287 = tpu.memref_slice %arg2[%while3A_95, %dma_wait3A_285, %dma_wait3A_286] : memref<4x10000x128xf32, #tpu.memory_space<hbm>> -> memref<1x10000x128xf32, #tpu.memory_space<hbm>>
        %dma_wait3A_288 = tpu.memref_squeeze %dma_wait3A_287 : memref<1x10000x128xf32, #tpu.memory_space<hbm>> -> memref<10000x128xf32, #tpu.memory_space<hbm>>
        %dma_wait3A_289 = arith.constant 0 : i32
        %dma_wait3A_290 = arith.constant 0 : i32
        %dma_wait3A_291 = tpu.memref_slice %dma_wait3A_288[%dma_wait3A_289, %dma_wait3A_290] : memref<10000x128xf32, #tpu.memory_space<hbm>> -> memref<128x128xf32, #tpu.memory_space<hbm>>
        %dma_wait3A_292 = arith.constant 0 : i32
        %dma_wait3A_293 = arith.constant 0 : i32
        %dma_wait3A_294 = tpu.memref_slice %arg2[%while3A_95, %dma_wait3A_292, %dma_wait3A_293] : memref<4x10000x128xf32, #tpu.memory_space<hbm>> -> memref<1x10000x128xf32, #tpu.memory_space<hbm>>
        %dma_wait3A_295 = tpu.memref_squeeze %dma_wait3A_294 : memref<1x10000x128xf32, #tpu.memory_space<hbm>> -> memref<10000x128xf32, #tpu.memory_space<hbm>>
        %dma_wait3A_296 = arith.constant 0 : i32
        %dma_wait3A_297 = arith.constant 0 : i32
        %dma_wait3A_298 = tpu.memref_slice %dma_wait3A_295[%dma_wait3A_296, %dma_wait3A_297] : memref<10000x128xf32, #tpu.memory_space<hbm>> -> memref<128x128xf32, #tpu.memory_space<hbm>>
        tpu.wait_dma2 semaphore(%arg11 : memref<!tpu.dma_semaphore, #tpu.memory_space<semaphore_mem>>) src(%dma_wait3A_298 : memref<128x128xf32, #tpu.memory_space<hbm>>) dst(%arg9 : memref<128x128xf32, #tpu.memory_space<vmem>>)
        %dma_wait3A_299 = arith.constant 0 : i32
        %dma_wait3A_300 = arith.constant 0 : i32
        %dma_wait3A_301 = tpu.memref_slice %arg14[%dma_wait3A_299, %dma_wait3A_300] : memref<10000x128xf32, #tpu.memory_space<vmem_shared>> -> memref<128x128xf32, #tpu.memory_space<vmem_shared>>
        %dma_wait3A_302 = arith.constant 0 : i32
        %dma_wait3A_303 = arith.constant 0 : i32
        %dma_wait3A_304 = tpu.memref_slice %arg14[%dma_wait3A_302, %dma_wait3A_303] : memref<10000x128xf32, #tpu.memory_space<vmem_shared>> -> memref<128x128xf32, #tpu.memory_space<vmem_shared>>
        tpu.wait_dma2 semaphore(%arg12 : memref<!tpu.dma_semaphore, #tpu.memory_space<semaphore_mem>>) src(%arg8 : memref<128x128xf32, #tpu.memory_space<vmem>>) dst(%dma_wait3A_304 : memref<128x128xf32, #tpu.memory_space<vmem_shared>>)
        %add3A_305 = arith.constant 1 : i32
        %add3A_306 = arith.addi %add3A_284, %add3A_305 : i32
        %dma_start3A_307 = arith.constant 0 : i32
        %dma_start3A_308 = tpu.memref_slice %arg6[%add3A_306, %dma_start3A_307] : memref<40x128xi32, #tpu.memory_space<vmem>> -> memref<1x128xi32, #tpu.memory_space<vmem>>
        %dma_start3A_309 = tpu.memref_squeeze %dma_start3A_308 : memref<1x128xi32, #tpu.memory_space<vmem>> -> memref<128xi32, #tpu.memory_space<vmem>>
        %dma_start3A_310 = arith.constant 0 : i32
        %dma_start3A_311 = arith.constant 0 : i32
        %dma_start3A_312 = tpu.memref_slice %arg2[%while3A_95, %dma_start3A_310, %dma_start3A_311] : memref<4x10000x128xf32, #tpu.memory_space<hbm>> -> memref<1x10000x128xf32, #tpu.memory_space<hbm>>
        %dma_start3A_313 = tpu.memref_squeeze %dma_start3A_312 : memref<1x10000x128xf32, #tpu.memory_space<hbm>> -> memref<10000x128xf32, #tpu.memory_space<hbm>>
        %dma_start3A_314 = arith.constant 0 : i32
        %dma_start3A_315 = arith.constant 0 : i32
        %dma_start3A_316 = tpu.memref_slice %dma_start3A_313[%dma_start3A_314, %dma_start3A_315] : memref<10000x128xf32, #tpu.memory_space<hbm>> -> memref<10000x128xf32, #tpu.memory_space<hbm>>
        tpu.enqueue_indirect_dma source(%dma_start3A_316 : memref<10000x128xf32, #tpu.memory_space<hbm>>) target(%arg8 : memref<128x128xf32, #tpu.memory_space<vmem>>) offsets(%dma_start3A_309 : memref<128xi32, #tpu.memory_space<vmem>>) semaphore(%arg10 : memref<!tpu.dma_semaphore, #tpu.memory_space<semaphore_mem>>)
        %dma_start3A_317 = arith.constant 0 : i32
        %dma_start3A_318 = tpu.memref_slice %arg7[%add3A_284, %dma_start3A_317] : memref<40x128xi32, #tpu.memory_space<vmem>> -> memref<1x128xi32, #tpu.memory_space<vmem>>
        %dma_start3A_319 = tpu.memref_squeeze %dma_start3A_318 : memref<1x128xi32, #tpu.memory_space<vmem>> -> memref<128xi32, #tpu.memory_space<vmem>>
        %dma_start3A_320 = arith.constant 0 : i32
        %dma_start3A_321 = arith.constant 0 : i32
        %dma_start3A_322 = tpu.memref_slice %arg14[%dma_start3A_320, %dma_start3A_321] : memref<10000x128xf32, #tpu.memory_space<vmem_shared>> -> memref<10000x128xf32, #tpu.memory_space<vmem_shared>>
        tpu.enqueue_indirect_dma source(%arg9 : memref<128x128xf32, #tpu.memory_space<vmem>>) target(%dma_start3A_322 : memref<10000x128xf32, #tpu.memory_space<vmem_shared>>) offsets(%dma_start3A_319 : memref<128xi32, #tpu.memory_space<vmem>>) semaphore(%arg13 : memref<!tpu.dma_semaphore, #tpu.memory_space<semaphore_mem>>) {add = true}
        %mul3A_323 = arith.constant 2 : i32
        %mul3A_324 = arith.muli %mul3A_323, %while3A_280 : i32
        %add3A_325 = arith.constant 2 : i32
        %add3A_326 = arith.addi %mul3A_324, %add3A_325 : i32
        %dma_wait3A_327 = arith.constant 0 : i32
        %dma_wait3A_328 = arith.constant 0 : i32
        %dma_wait3A_329 = tpu.memref_slice %arg2[%while3A_95, %dma_wait3A_327, %dma_wait3A_328] : memref<4x10000x128xf32, #tpu.memory_space<hbm>> -> memref<1x10000x128xf32, #tpu.memory_space<hbm>>
        %dma_wait3A_330 = tpu.memref_squeeze %dma_wait3A_329 : memref<1x10000x128xf32, #tpu.memory_space<hbm>> -> memref<10000x128xf32, #tpu.memory_space<hbm>>
        %dma_wait3A_331 = arith.constant 0 : i32
        %dma_wait3A_332 = arith.constant 0 : i32
        %dma_wait3A_333 = tpu.memref_slice %dma_wait3A_330[%dma_wait3A_331, %dma_wait3A_332] : memref<10000x128xf32, #tpu.memory_space<hbm>> -> memref<128x128xf32, #tpu.memory_space<hbm>>
        %dma_wait3A_334 = arith.constant 0 : i32
        %dma_wait3A_335 = arith.constant 0 : i32
        %dma_wait3A_336 = tpu.memref_slice %arg2[%while3A_95, %dma_wait3A_334, %dma_wait3A_335] : memref<4x10000x128xf32, #tpu.memory_space<hbm>> -> memref<1x10000x128xf32, #tpu.memory_space<hbm>>
        %dma_wait3A_337 = tpu.memref_squeeze %dma_wait3A_336 : memref<1x10000x128xf32, #tpu.memory_space<hbm>> -> memref<10000x128xf32, #tpu.memory_space<hbm>>
        %dma_wait3A_338 = arith.constant 0 : i32
        %dma_wait3A_339 = arith.constant 0 : i32
        %dma_wait3A_340 = tpu.memref_slice %dma_wait3A_337[%dma_wait3A_338, %dma_wait3A_339] : memref<10000x128xf32, #tpu.memory_space<hbm>> -> memref<128x128xf32, #tpu.memory_space<hbm>>
        tpu.wait_dma2 semaphore(%arg10 : memref<!tpu.dma_semaphore, #tpu.memory_space<semaphore_mem>>) src(%dma_wait3A_340 : memref<128x128xf32, #tpu.memory_space<hbm>>) dst(%arg8 : memref<128x128xf32, #tpu.memory_space<vmem>>)
        %dma_wait3A_341 = arith.constant 0 : i32
        %dma_wait3A_342 = arith.constant 0 : i32
        %dma_wait3A_343 = tpu.memref_slice %arg14[%dma_wait3A_341, %dma_wait3A_342] : memref<10000x128xf32, #tpu.memory_space<vmem_shared>> -> memref<128x128xf32, #tpu.memory_space<vmem_shared>>
        %dma_wait3A_344 = arith.constant 0 : i32
        %dma_wait3A_345 = arith.constant 0 : i32
        %dma_wait3A_346 = tpu.memref_slice %arg14[%dma_wait3A_344, %dma_wait3A_345] : memref<10000x128xf32, #tpu.memory_space<vmem_shared>> -> memref<128x128xf32, #tpu.memory_space<vmem_shared>>
        tpu.wait_dma2 semaphore(%arg13 : memref<!tpu.dma_semaphore, #tpu.memory_space<semaphore_mem>>) src(%arg9 : memref<128x128xf32, #tpu.memory_space<vmem>>) dst(%dma_wait3A_346 : memref<128x128xf32, #tpu.memory_space<vmem_shared>>)
        %add3A_347 = arith.constant 1 : i32
        %add3A_348 = arith.addi %add3A_326, %add3A_347 : i32
        %dma_start3A_349 = arith.constant 0 : i32
        %dma_start3A_350 = tpu.memref_slice %arg6[%add3A_348, %dma_start3A_349] : memref<40x128xi32, #tpu.memory_space<vmem>> -> memref<1x128xi32, #tpu.memory_space<vmem>>
        %dma_start3A_351 = tpu.memref_squeeze %dma_start3A_350 : memref<1x128xi32, #tpu.memory_space<vmem>> -> memref<128xi32, #tpu.memory_space<vmem>>
        %dma_start3A_352 = arith.constant 0 : i32
        %dma_start3A_353 = arith.constant 0 : i32
        %dma_start3A_354 = tpu.memref_slice %arg2[%while3A_95, %dma_start3A_352, %dma_start3A_353] : memref<4x10000x128xf32, #tpu.memory_space<hbm>> -> memref<1x10000x128xf32, #tpu.memory_space<hbm>>
        %dma_start3A_355 = tpu.memref_squeeze %dma_start3A_354 : memref<1x10000x128xf32, #tpu.memory_space<hbm>> -> memref<10000x128xf32, #tpu.memory_space<hbm>>
        %dma_start3A_356 = arith.constant 0 : i32
        %dma_start3A_357 = arith.constant 0 : i32
        %dma_start3A_358 = tpu.memref_slice %dma_start3A_355[%dma_start3A_356, %dma_start3A_357] : memref<10000x128xf32, #tpu.memory_space<hbm>> -> memref<10000x128xf32, #tpu.memory_space<hbm>>
        tpu.enqueue_indirect_dma source(%dma_start3A_358 : memref<10000x128xf32, #tpu.memory_space<hbm>>) target(%arg9 : memref<128x128xf32, #tpu.memory_space<vmem>>) offsets(%dma_start3A_351 : memref<128xi32, #tpu.memory_space<vmem>>) semaphore(%arg11 : memref<!tpu.dma_semaphore, #tpu.memory_space<semaphore_mem>>)
        %dma_start3A_359 = arith.constant 0 : i32
        %dma_start3A_360 = tpu.memref_slice %arg7[%add3A_326, %dma_start3A_359] : memref<40x128xi32, #tpu.memory_space<vmem>> -> memref<1x128xi32, #tpu.memory_space<vmem>>
        %dma_start3A_361 = tpu.memref_squeeze %dma_start3A_360 : memref<1x128xi32, #tpu.memory_space<vmem>> -> memref<128xi32, #tpu.memory_space<vmem>>
        %dma_start3A_362 = arith.constant 0 : i32
        %dma_start3A_363 = arith.constant 0 : i32
        %dma_start3A_364 = tpu.memref_slice %arg14[%dma_start3A_362, %dma_start3A_363] : memref<10000x128xf32, #tpu.memory_space<vmem_shared>> -> memref<10000x128xf32, #tpu.memory_space<vmem_shared>>
        tpu.enqueue_indirect_dma source(%arg8 : memref<128x128xf32, #tpu.memory_space<vmem>>) target(%dma_start3A_364 : memref<10000x128xf32, #tpu.memory_space<vmem_shared>>) offsets(%dma_start3A_361 : memref<128xi32, #tpu.memory_space<vmem>>) semaphore(%arg12 : memref<!tpu.dma_semaphore, #tpu.memory_space<semaphore_mem>>) {add = true}
      }
      %while3A_104 = arith.constant 1 : i32
      scf.for %while3A_280 = %while3A_102 to %while3A_98 step %while3A_104  : i32 {
        %mul3A_281 = arith.constant 2 : i32
        %mul3A_282 = arith.muli %mul3A_281, %while3A_280 : i32
        %add3A_283 = arith.constant 1 : i32
        %add3A_284 = arith.addi %mul3A_282, %add3A_283 : i32
        %dma_wait3A_285 = arith.constant 0 : i32
        %dma_wait3A_286 = arith.constant 0 : i32
        %dma_wait3A_287 = tpu.memref_slice %arg2[%while3A_95, %dma_wait3A_285, %dma_wait3A_286] : memref<4x10000x128xf32, #tpu.memory_space<hbm>> -> memref<1x10000x128xf32, #tpu.memory_space<hbm>>
        %dma_wait3A_288 = tpu.memref_squeeze %dma_wait3A_287 : memref<1x10000x128xf32, #tpu.memory_space<hbm>> -> memref<10000x128xf32, #tpu.memory_space<hbm>>
        %dma_wait3A_289 = arith.constant 0 : i32
        %dma_wait3A_290 = arith.constant 0 : i32
        %dma_wait3A_291 = tpu.memref_slice %dma_wait3A_288[%dma_wait3A_289, %dma_wait3A_290] : memref<10000x128xf32, #tpu.memory_space<hbm>> -> memref<128x128xf32, #tpu.memory_space<hbm>>
        %dma_wait3A_292 = arith.constant 0 : i32
        %dma_wait3A_293 = arith.constant 0 : i32
        %dma_wait3A_294 = tpu.memref_slice %arg2[%while3A_95, %dma_wait3A_292, %dma_wait3A_293] : memref<4x10000x128xf32, #tpu.memory_space<hbm>> -> memref<1x10000x128xf32, #tpu.memory_space<hbm>>
        %dma_wait3A_295 = tpu.memref_squeeze %dma_wait3A_294 : memref<1x10000x128xf32, #tpu.memory_space<hbm>> -> memref<10000x128xf32, #tpu.memory_space<hbm>>
        %dma_wait3A_296 = arith.constant 0 : i32
        %dma_wait3A_297 = arith.constant 0 : i32
        %dma_wait3A_298 = tpu.memref_slice %dma_wait3A_295[%dma_wait3A_296, %dma_wait3A_297] : memref<10000x128xf32, #tpu.memory_space<hbm>> -> memref<128x128xf32, #tpu.memory_space<hbm>>
        tpu.wait_dma2 semaphore(%arg11 : memref<!tpu.dma_semaphore, #tpu.memory_space<semaphore_mem>>) src(%dma_wait3A_298 : memref<128x128xf32, #tpu.memory_space<hbm>>) dst(%arg9 : memref<128x128xf32, #tpu.memory_space<vmem>>)
        %dma_wait3A_299 = arith.constant 0 : i32
        %dma_wait3A_300 = arith.constant 0 : i32
        %dma_wait3A_301 = tpu.memref_slice %arg14[%dma_wait3A_299, %dma_wait3A_300] : memref<10000x128xf32, #tpu.memory_space<vmem_shared>> -> memref<128x128xf32, #tpu.memory_space<vmem_shared>>
        %dma_wait3A_302 = arith.constant 0 : i32
        %dma_wait3A_303 = arith.constant 0 : i32
        %dma_wait3A_304 = tpu.memref_slice %arg14[%dma_wait3A_302, %dma_wait3A_303] : memref<10000x128xf32, #tpu.memory_space<vmem_shared>> -> memref<128x128xf32, #tpu.memory_space<vmem_shared>>
        tpu.wait_dma2 semaphore(%arg12 : memref<!tpu.dma_semaphore, #tpu.memory_space<semaphore_mem>>) src(%arg8 : memref<128x128xf32, #tpu.memory_space<vmem>>) dst(%dma_wait3A_304 : memref<128x128xf32, #tpu.memory_space<vmem_shared>>)
        %add3A_305 = arith.constant 1 : i32
        %add3A_306 = arith.addi %add3A_284, %add3A_305 : i32
        %dma_start3A_307 = arith.constant 0 : i32
        %dma_start3A_308 = tpu.memref_slice %arg6[%add3A_306, %dma_start3A_307] : memref<40x128xi32, #tpu.memory_space<vmem>> -> memref<1x128xi32, #tpu.memory_space<vmem>>
        %dma_start3A_309 = tpu.memref_squeeze %dma_start3A_308 : memref<1x128xi32, #tpu.memory_space<vmem>> -> memref<128xi32, #tpu.memory_space<vmem>>
        %dma_start3A_310 = arith.constant 0 : i32
        %dma_start3A_311 = arith.constant 0 : i32
        %dma_start3A_312 = tpu.memref_slice %arg2[%while3A_95, %dma_start3A_310, %dma_start3A_311] : memref<4x10000x128xf32, #tpu.memory_space<hbm>> -> memref<1x10000x128xf32, #tpu.memory_space<hbm>>
        %dma_start3A_313 = tpu.memref_squeeze %dma_start3A_312 : memref<1x10000x128xf32, #tpu.memory_space<hbm>> -> memref<10000x128xf32, #tpu.memory_space<hbm>>
        %dma_start3A_314 = arith.constant 0 : i32
        %dma_start3A_315 = arith.constant 0 : i32
        %dma_start3A_316 = tpu.memref_slice %dma_start3A_313[%dma_start3A_314, %dma_start3A_315] : memref<10000x128xf32, #tpu.memory_space<hbm>> -> memref<10000x128xf32, #tpu.memory_space<hbm>>
        tpu.enqueue_indirect_dma source(%dma_start3A_316 : memref<10000x128xf32, #tpu.memory_space<hbm>>) target(%arg8 : memref<128x128xf32, #tpu.memory_space<vmem>>) offsets(%dma_start3A_309 : memref<128xi32, #tpu.memory_space<vmem>>) semaphore(%arg10 : memref<!tpu.dma_semaphore, #tpu.memory_space<semaphore_mem>>)
        %dma_start3A_317 = arith.constant 0 : i32
        %dma_start3A_318 = tpu.memref_slice %arg7[%add3A_284, %dma_start3A_317] : memref<40x128xi32, #tpu.memory_space<vmem>> -> memref<1x128xi32, #tpu.memory_space<vmem>>
        %dma_start3A_319 = tpu.memref_squeeze %dma_start3A_318 : memref<1x128xi32, #tpu.memory_space<vmem>> -> memref<128xi32, #tpu.memory_space<vmem>>
        %dma_start3A_320 = arith.constant 0 : i32
        %dma_start3A_321 = arith.constant 0 : i32
        %dma_start3A_322 = tpu.memref_slice %arg14[%dma_start3A_320, %dma_start3A_321] : memref<10000x128xf32, #tpu.memory_space<vmem_shared>> -> memref<10000x128xf32, #tpu.memory_space<vmem_shared>>
        tpu.enqueue_indirect_dma source(%arg9 : memref<128x128xf32, #tpu.memory_space<vmem>>) target(%dma_start3A_322 : memref<10000x128xf32, #tpu.memory_space<vmem_shared>>) offsets(%dma_start3A_319 : memref<128xi32, #tpu.memory_space<vmem>>) semaphore(%arg13 : memref<!tpu.dma_semaphore, #tpu.memory_space<semaphore_mem>>) {add = true}
        %mul3A_323 = arith.constant 2 : i32
        %mul3A_324 = arith.muli %mul3A_323, %while3A_280 : i32
        %add3A_325 = arith.constant 2 : i32
        %add3A_326 = arith.addi %mul3A_324, %add3A_325 : i32
        %dma_wait3A_327 = arith.constant 0 : i32
        %dma_wait3A_328 = arith.constant 0 : i32
        %dma_wait3A_329 = tpu.memref_slice %arg2[%while3A_95, %dma_wait3A_327, %dma_wait3A_328] : memref<4x10000x128xf32, #tpu.memory_space<hbm>> -> memref<1x10000x128xf32, #tpu.memory_space<hbm>>
        %dma_wait3A_330 = tpu.memref_squeeze %dma_wait3A_329 : memref<1x10000x128xf32, #tpu.memory_space<hbm>> -> memref<10000x128xf32, #tpu.memory_space<hbm>>
        %dma_wait3A_331 = arith.constant 0 : i32
        %dma_wait3A_332 = arith.constant 0 : i32
        %dma_wait3A_333 = tpu.memref_slice %dma_wait3A_330[%dma_wait3A_331, %dma_wait3A_332] : memref<10000x128xf32, #tpu.memory_space<hbm>> -> memref<128x128xf32, #tpu.memory_space<hbm>>
        %dma_wait3A_334 = arith.constant 0 : i32
        %dma_wait3A_335 = arith.constant 0 : i32
        %dma_wait3A_336 = tpu.memref_slice %arg2[%while3A_95, %dma_wait3A_334, %dma_wait3A_335] : memref<4x10000x128xf32, #tpu.memory_space<hbm>> -> memref<1x10000x128xf32, #tpu.memory_space<hbm>>
        %dma_wait3A_337 = tpu.memref_squeeze %dma_wait3A_336 : memref<1x10000x128xf32, #tpu.memory_space<hbm>> -> memref<10000x128xf32, #tpu.memory_space<hbm>>
        %dma_wait3A_338 = arith.constant 0 : i32
        %dma_wait3A_339 = arith.constant 0 : i32
        %dma_wait3A_340 = tpu.memref_slice %dma_wait3A_337[%dma_wait3A_338, %dma_wait3A_339] : memref<10000x128xf32, #tpu.memory_space<hbm>> -> memref<128x128xf32, #tpu.memory_space<hbm>>
        tpu.wait_dma2 semaphore(%arg10 : memref<!tpu.dma_semaphore, #tpu.memory_space<semaphore_mem>>) src(%dma_wait3A_340 : memref<128x128xf32, #tpu.memory_space<hbm>>) dst(%arg8 : memref<128x128xf32, #tpu.memory_space<vmem>>)
        %dma_wait3A_341 = arith.constant 0 : i32
        %dma_wait3A_342 = arith.constant 0 : i32
        %dma_wait3A_343 = tpu.memref_slice %arg14[%dma_wait3A_341, %dma_wait3A_342] : memref<10000x128xf32, #tpu.memory_space<vmem_shared>> -> memref<128x128xf32, #tpu.memory_space<vmem_shared>>
        %dma_wait3A_344 = arith.constant 0 : i32
        %dma_wait3A_345 = arith.constant 0 : i32
        %dma_wait3A_346 = tpu.memref_slice %arg14[%dma_wait3A_344, %dma_wait3A_345] : memref<10000x128xf32, #tpu.memory_space<vmem_shared>> -> memref<128x128xf32, #tpu.memory_space<vmem_shared>>
        tpu.wait_dma2 semaphore(%arg13 : memref<!tpu.dma_semaphore, #tpu.memory_space<semaphore_mem>>) src(%arg9 : memref<128x128xf32, #tpu.memory_space<vmem>>) dst(%dma_wait3A_346 : memref<128x128xf32, #tpu.memory_space<vmem_shared>>)
        %add3A_347 = arith.constant 1 : i32
        %add3A_348 = arith.addi %add3A_326, %add3A_347 : i32
        %dma_start3A_349 = arith.constant 0 : i32
        %dma_start3A_350 = tpu.memref_slice %arg6[%add3A_348, %dma_start3A_349] : memref<40x128xi32, #tpu.memory_space<vmem>> -> memref<1x128xi32, #tpu.memory_space<vmem>>
        %dma_start3A_351 = tpu.memref_squeeze %dma_start3A_350 : memref<1x128xi32, #tpu.memory_space<vmem>> -> memref<128xi32, #tpu.memory_space<vmem>>
        %dma_start3A_352 = arith.constant 0 : i32
        %dma_start3A_353 = arith.constant 0 : i32
        %dma_start3A_354 = tpu.memref_slice %arg2[%while3A_95, %dma_start3A_352, %dma_start3A_353] : memref<4x10000x128xf32, #tpu.memory_space<hbm>> -> memref<1x10000x128xf32, #tpu.memory_space<hbm>>
        %dma_start3A_355 = tpu.memref_squeeze %dma_start3A_354 : memref<1x10000x128xf32, #tpu.memory_space<hbm>> -> memref<10000x128xf32, #tpu.memory_space<hbm>>
        %dma_start3A_356 = arith.constant 0 : i32
        %dma_start3A_357 = arith.constant 0 : i32
        %dma_start3A_358 = tpu.memref_slice %dma_start3A_355[%dma_start3A_356, %dma_start3A_357] : memref<10000x128xf32, #tpu.memory_space<hbm>> -> memref<10000x128xf32, #tpu.memory_space<hbm>>
        tpu.enqueue_indirect_dma source(%dma_start3A_358 : memref<10000x128xf32, #tpu.memory_space<hbm>>) target(%arg9 : memref<128x128xf32, #tpu.memory_space<vmem>>) offsets(%dma_start3A_351 : memref<128xi32, #tpu.memory_space<vmem>>) semaphore(%arg11 : memref<!tpu.dma_semaphore, #tpu.memory_space<semaphore_mem>>)
        %dma_start3A_359 = arith.constant 0 : i32
        %dma_start3A_360 = tpu.memref_slice %arg7[%add3A_326, %dma_start3A_359] : memref<40x128xi32, #tpu.memory_space<vmem>> -> memref<1x128xi32, #tpu.memory_space<vmem>>
        %dma_start3A_361 = tpu.memref_squeeze %dma_start3A_360 : memref<1x128xi32, #tpu.memory_space<vmem>> -> memref<128xi32, #tpu.memory_space<vmem>>
        %dma_start3A_362 = arith.constant 0 : i32
        %dma_start3A_363 = arith.constant 0 : i32
        %dma_start3A_364 = tpu.memref_slice %arg14[%dma_start3A_362, %dma_start3A_363] : memref<10000x128xf32, #tpu.memory_space<vmem_shared>> -> memref<10000x128xf32, #tpu.memory_space<vmem_shared>>
        tpu.enqueue_indirect_dma source(%arg8 : memref<128x128xf32, #tpu.memory_space<vmem>>) target(%dma_start3A_364 : memref<10000x128xf32, #tpu.memory_space<vmem_shared>>) offsets(%dma_start3A_361 : memref<128xi32, #tpu.memory_space<vmem>>) semaphore(%arg12 : memref<!tpu.dma_semaphore, #tpu.memory_space<semaphore_mem>>) {add = true}
      }
      %dma_wait3A_105 = arith.constant 3 : i32
      %dma_wait3A_106 = arith.constant 0 : i32
      %dma_wait3A_107 = arith.constant 0 : i32
      %dma_wait3A_108 = tpu.memref_slice %arg2[%dma_wait3A_105, %dma_wait3A_106, %dma_wait3A_107] : memref<4x10000x128xf32, #tpu.memory_space<hbm>> -> memref<1x10000x128xf32, #tpu.memory_space<hbm>>
      %dma_wait3A_109 = tpu.memref_squeeze %dma_wait3A_108 : memref<1x10000x128xf32, #tpu.memory_space<hbm>> -> memref<10000x128xf32, #tpu.memory_space<hbm>>
      %dma_wait3A_110 = arith.constant 0 : i32
      %dma_wait3A_111 = arith.constant 0 : i32
      %dma_wait3A_112 = tpu.memref_slice %dma_wait3A_109[%dma_wait3A_110, %dma_wait3A_111] : memref<10000x128xf32, #tpu.memory_space<hbm>> -> memref<128x128xf32, #tpu.memory_space<hbm>>
      %dma_wait3A_113 = arith.constant 0 : i32
      %dma_wait3A_114 = arith.constant 0 : i32
      %dma_wait3A_115 = tpu.memref_slice %arg2[%dma_wait3A_105, %dma_wait3A_113, %dma_wait3A_114] : memref<4x10000x128xf32, #tpu.memory_space<hbm>> -> memref<1x10000x128xf32, #tpu.memory_space<hbm>>
      %dma_wait3A_116 = tpu.memref_squeeze %dma_wait3A_115 : memref<1x10000x128xf32, #tpu.memory_space<hbm>> -> memref<10000x128xf32, #tpu.memory_space<hbm>>
      %dma_wait3A_117 = arith.constant 0 : i32
      %dma_wait3A_118 = arith.constant 0 : i32
      %dma_wait3A_119 = tpu.memref_slice %dma_wait3A_116[%dma_wait3A_117, %dma_wait3A_118] : memref<10000x128xf32, #tpu.memory_space<hbm>> -> memref<128x128xf32, #tpu.memory_space<hbm>>
      tpu.wait_dma2 semaphore(%arg11 : memref<!tpu.dma_semaphore, #tpu.memory_space<semaphore_mem>>) src(%dma_wait3A_119 : memref<128x128xf32, #tpu.memory_space<hbm>>) dst(%arg9 : memref<128x128xf32, #tpu.memory_space<vmem>>)
      %sub3A_120 = arith.constant 1 : i32
      %sub3A_121 = arith.subi %min3A, %sub3A_120 : i32
      %dma_start3A_122 = arith.constant 0 : i32
      %dma_start3A_123 = tpu.memref_slice %arg7[%sub3A_121, %dma_start3A_122] : memref<40x128xi32, #tpu.memory_space<vmem>> -> memref<1x128xi32, #tpu.memory_space<vmem>>
      %dma_start3A_124 = tpu.memref_squeeze %dma_start3A_123 : memref<1x128xi32, #tpu.memory_space<vmem>> -> memref<128xi32, #tpu.memory_space<vmem>>
      %dma_start3A_125 = arith.constant 0 : i32
      %dma_start3A_126 = arith.constant 0 : i32
      %dma_start3A_127 = tpu.memref_slice %arg14[%dma_start3A_125, %dma_start3A_126] : memref<10000x128xf32, #tpu.memory_space<vmem_shared>> -> memref<10000x128xf32, #tpu.memory_space<vmem_shared>>
      tpu.enqueue_indirect_dma source(%arg9 : memref<128x128xf32, #tpu.memory_space<vmem>>) target(%dma_start3A_127 : memref<10000x128xf32, #tpu.memory_space<vmem_shared>>) offsets(%dma_start3A_124 : memref<128xi32, #tpu.memory_space<vmem>>) semaphore(%arg13 : memref<!tpu.dma_semaphore, #tpu.memory_space<semaphore_mem>>) {add = true}
      %dma_wait3A_128 = arith.constant 0 : i32
      %dma_wait3A_129 = arith.constant 0 : i32
      %dma_wait3A_130 = tpu.memref_slice %arg14[%dma_wait3A_128, %dma_wait3A_129] : memref<10000x128xf32, #tpu.memory_space<vmem_shared>> -> memref<128x128xf32, #tpu.memory_space<vmem_shared>>
      %dma_wait3A_131 = arith.constant 0 : i32
      %dma_wait3A_132 = arith.constant 0 : i32
      %dma_wait3A_133 = tpu.memref_slice %arg14[%dma_wait3A_131, %dma_wait3A_132] : memref<10000x128xf32, #tpu.memory_space<vmem_shared>> -> memref<128x128xf32, #tpu.memory_space<vmem_shared>>
      tpu.wait_dma2 semaphore(%arg12 : memref<!tpu.dma_semaphore, #tpu.memory_space<semaphore_mem>>) src(%arg8 : memref<128x128xf32, #tpu.memory_space<vmem>>) dst(%dma_wait3A_133 : memref<128x128xf32, #tpu.memory_space<vmem_shared>>)
      %dma_wait3A_134 = arith.constant 0 : i32
      %dma_wait3A_135 = arith.constant 0 : i32
      %dma_wait3A_136 = tpu.memref_slice %arg14[%dma_wait3A_134, %dma_wait3A_135] : memref<10000x128xf32, #tpu.memory_space<vmem_shared>> -> memref<128x128xf32, #tpu.memory_space<vmem_shared>>
      %dma_wait3A_137 = arith.constant 0 : i32
      %dma_wait3A_138 = arith.constant 0 : i32
      %dma_wait3A_139 = tpu.memref_slice %arg14[%dma_wait3A_137, %dma_wait3A_138] : memref<10000x128xf32, #tpu.memory_space<vmem_shared>> -> memref<128x128xf32, #tpu.memory_space<vmem_shared>>
      tpu.wait_dma2 semaphore(%arg13 : memref<!tpu.dma_semaphore, #tpu.memory_space<semaphore_mem>>) src(%arg9 : memref<128x128xf32, #tpu.memory_space<vmem>>) dst(%dma_wait3A_139 : memref<128x128xf32, #tpu.memory_space<vmem_shared>>)
      %mul3A_140 = arith.constant 80 : i32
      %mul3A_141 = arith.muli %arg1, %mul3A_140 : i32
      %add3A_142 = arith.constant 40 : i32
      %add3A_143 = arith.addi %mul3A_141, %add3A_142 : i32
      "tpu.region"() ({
        %run_scoped3A_280 = tpu.sem_alloc : memref<!tpu.dma_semaphore, #tpu.memory_space<semaphore_mem>>
        %dma_start3A_281 = arith.constant 0 : i32
        %dma_start3A_282 = tpu.memref_slice %arg3[%add3A_143, %dma_start3A_281] : memref<1280x128xi32, #tpu.memory_space<hbm>> -> memref<40x128xi32, #tpu.memory_space<hbm>>
        %dma_start3A_283 = arith.constant 0 : i32
        %dma_start3A_284 = tpu.memref_slice %arg3[%add3A_143, %dma_start3A_283] : memref<1280x128xi32, #tpu.memory_space<hbm>> -> memref<40x128xi32, #tpu.memory_space<hbm>>
        tpu.enqueue_dma source(%dma_start3A_284 : memref<40x128xi32, #tpu.memory_space<hbm>>) target(%arg6 : memref<40x128xi32, #tpu.memory_space<vmem>>) target_semaphore(%run_scoped3A_280 : memref<!tpu.dma_semaphore, #tpu.memory_space<semaphore_mem>>)
        %dma_wait3A_285 = arith.constant 0 : i32
        %dma_wait3A_286 = tpu.memref_slice %arg3[%add3A_143, %dma_wait3A_285] : memref<1280x128xi32, #tpu.memory_space<hbm>> -> memref<40x128xi32, #tpu.memory_space<hbm>>
        %dma_wait3A_287 = arith.constant 0 : i32
        %dma_wait3A_288 = tpu.memref_slice %arg3[%add3A_143, %dma_wait3A_287] : memref<1280x128xi32, #tpu.memory_space<hbm>> -> memref<40x128xi32, #tpu.memory_space<hbm>>
        tpu.wait_dma2 semaphore(%run_scoped3A_280 : memref<!tpu.dma_semaphore, #tpu.memory_space<semaphore_mem>>) src(%dma_wait3A_288 : memref<40x128xi32, #tpu.memory_space<hbm>>) dst(%arg6 : memref<40x128xi32, #tpu.memory_space<vmem>>)
        tpu.yield
      }) : () -> ()
      "tpu.region"() ({
        %run_scoped3A_280 = tpu.sem_alloc : memref<!tpu.dma_semaphore, #tpu.memory_space<semaphore_mem>>
        %dma_start3A_281 = arith.constant 0 : i32
        %dma_start3A_282 = tpu.memref_slice %arg4[%add3A_143, %dma_start3A_281] : memref<1280x128xi32, #tpu.memory_space<hbm>> -> memref<40x128xi32, #tpu.memory_space<hbm>>
        %dma_start3A_283 = arith.constant 0 : i32
        %dma_start3A_284 = tpu.memref_slice %arg4[%add3A_143, %dma_start3A_283] : memref<1280x128xi32, #tpu.memory_space<hbm>> -> memref<40x128xi32, #tpu.memory_space<hbm>>
        tpu.enqueue_dma source(%dma_start3A_284 : memref<40x128xi32, #tpu.memory_space<hbm>>) target(%arg7 : memref<40x128xi32, #tpu.memory_space<vmem>>) target_semaphore(%run_scoped3A_280 : memref<!tpu.dma_semaphore, #tpu.memory_space<semaphore_mem>>)
        %dma_wait3A_285 = arith.constant 0 : i32
        %dma_wait3A_286 = tpu.memref_slice %arg4[%add3A_143, %dma_wait3A_285] : memref<1280x128xi32, #tpu.memory_space<hbm>> -> memref<40x128xi32, #tpu.memory_space<hbm>>
        %dma_wait3A_287 = arith.constant 0 : i32
        %dma_wait3A_288 = tpu.memref_slice %arg4[%add3A_143, %dma_wait3A_287] : memref<1280x128xi32, #tpu.memory_space<hbm>> -> memref<40x128xi32, #tpu.memory_space<hbm>>
        tpu.wait_dma2 semaphore(%run_scoped3A_280 : memref<!tpu.dma_semaphore, #tpu.memory_space<semaphore_mem>>) src(%dma_wait3A_288 : memref<40x128xi32, #tpu.memory_space<hbm>>) dst(%arg7 : memref<40x128xi32, #tpu.memory_space<vmem>>)
        tpu.yield
      }) : () -> ()
      %sub3A_144 = arith.constant 1250 : i32
      %sub3A_145 = arith.subi %sub3A_144, %add3A_143 : i32
      %jit3A_146 = arith.constant 0 : i32
      %jit3A_147 = arith.constant 40 : i32
      %max3A_148 = arith.maxsi %jit3A_146, %sub3A_145 : i32
      %min3A_149 = arith.minsi %jit3A_147, %max3A_148 : i32
      %dma_start3A_150 = arith.constant 3 : i32
      %dma_start3A_151 = arith.constant 0 : i32
      %dma_start3A_152 = arith.constant 0 : i32
      %dma_start3A_153 = tpu.memref_slice %arg6[%dma_start3A_151, %dma_start3A_152] : memref<40x128xi32, #tpu.memory_space<vmem>> -> memref<1x128xi32, #tpu.memory_space<vmem>>
      %dma_start3A_154 = tpu.memref_squeeze %dma_start3A_153 : memref<1x128xi32, #tpu.memory_space<vmem>> -> memref<128xi32, #tpu.memory_space<vmem>>
      %dma_start3A_155 = arith.constant 0 : i32
      %dma_start3A_156 = arith.constant 0 : i32
      %dma_start3A_157 = tpu.memref_slice %arg2[%dma_start3A_150, %dma_start3A_155, %dma_start3A_156] : memref<4x10000x128xf32, #tpu.memory_space<hbm>> -> memref<1x10000x128xf32, #tpu.memory_space<hbm>>
      %dma_start3A_158 = tpu.memref_squeeze %dma_start3A_157 : memref<1x10000x128xf32, #tpu.memory_space<hbm>> -> memref<10000x128xf32, #tpu.memory_space<hbm>>
      %dma_start3A_159 = arith.constant 0 : i32
      %dma_start3A_160 = arith.constant 0 : i32
      %dma_start3A_161 = tpu.memref_slice %dma_start3A_158[%dma_start3A_159, %dma_start3A_160] : memref<10000x128xf32, #tpu.memory_space<hbm>> -> memref<10000x128xf32, #tpu.memory_space<hbm>>
      tpu.enqueue_indirect_dma source(%dma_start3A_161 : memref<10000x128xf32, #tpu.memory_space<hbm>>) target(%arg8 : memref<128x128xf32, #tpu.memory_space<vmem>>) offsets(%dma_start3A_154 : memref<128xi32, #tpu.memory_space<vmem>>) semaphore(%arg10 : memref<!tpu.dma_semaphore, #tpu.memory_space<semaphore_mem>>)
      %dma_wait3A_162 = arith.constant 3 : i32
      %dma_wait3A_163 = arith.constant 0 : i32
      %dma_wait3A_164 = arith.constant 0 : i32
      %dma_wait3A_165 = tpu.memref_slice %arg2[%dma_wait3A_162, %dma_wait3A_163, %dma_wait3A_164] : memref<4x10000x128xf32, #tpu.memory_space<hbm>> -> memref<1x10000x128xf32, #tpu.memory_space<hbm>>
      %dma_wait3A_166 = tpu.memref_squeeze %dma_wait3A_165 : memref<1x10000x128xf32, #tpu.memory_space<hbm>> -> memref<10000x128xf32, #tpu.memory_space<hbm>>
      %dma_wait3A_167 = arith.constant 0 : i32
      %dma_wait3A_168 = arith.constant 0 : i32
      %dma_wait3A_169 = tpu.memref_slice %dma_wait3A_166[%dma_wait3A_167, %dma_wait3A_168] : memref<10000x128xf32, #tpu.memory_space<hbm>> -> memref<128x128xf32, #tpu.memory_space<hbm>>
      %dma_wait3A_170 = arith.constant 0 : i32
      %dma_wait3A_171 = arith.constant 0 : i32
      %dma_wait3A_172 = tpu.memref_slice %arg2[%dma_wait3A_162, %dma_wait3A_170, %dma_wait3A_171] : memref<4x10000x128xf32, #tpu.memory_space<hbm>> -> memref<1x10000x128xf32, #tpu.memory_space<hbm>>
      %dma_wait3A_173 = tpu.memref_squeeze %dma_wait3A_172 : memref<1x10000x128xf32, #tpu.memory_space<hbm>> -> memref<10000x128xf32, #tpu.memory_space<hbm>>
      %dma_wait3A_174 = arith.constant 0 : i32
      %dma_wait3A_175 = arith.constant 0 : i32
      %dma_wait3A_176 = tpu.memref_slice %dma_wait3A_173[%dma_wait3A_174, %dma_wait3A_175] : memref<10000x128xf32, #tpu.memory_space<hbm>> -> memref<128x128xf32, #tpu.memory_space<hbm>>
      tpu.wait_dma2 semaphore(%arg10 : memref<!tpu.dma_semaphore, #tpu.memory_space<semaphore_mem>>) src(%dma_wait3A_176 : memref<128x128xf32, #tpu.memory_space<hbm>>) dst(%arg8 : memref<128x128xf32, #tpu.memory_space<vmem>>)
      %dma_start3A_177 = arith.constant 0 : i32
      %dma_start3A_178 = arith.constant 0 : i32
      %dma_start3A_179 = tpu.memref_slice %arg7[%dma_start3A_177, %dma_start3A_178] : memref<40x128xi32, #tpu.memory_space<vmem>> -> memref<1x128xi32, #tpu.memory_space<vmem>>
      %dma_start3A_180 = tpu.memref_squeeze %dma_start3A_179 : memref<1x128xi32, #tpu.memory_space<vmem>> -> memref<128xi32, #tpu.memory_space<vmem>>
      %dma_start3A_181 = arith.constant 0 : i32
      %dma_start3A_182 = arith.constant 0 : i32
      %dma_start3A_183 = tpu.memref_slice %arg14[%dma_start3A_181, %dma_start3A_182] : memref<10000x128xf32, #tpu.memory_space<vmem_shared>> -> memref<10000x128xf32, #tpu.memory_space<vmem_shared>>
      tpu.enqueue_indirect_dma source(%arg8 : memref<128x128xf32, #tpu.memory_space<vmem>>) target(%dma_start3A_183 : memref<10000x128xf32, #tpu.memory_space<vmem_shared>>) offsets(%dma_start3A_180 : memref<128xi32, #tpu.memory_space<vmem>>) semaphore(%arg12 : memref<!tpu.dma_semaphore, #tpu.memory_space<semaphore_mem>>) {add = true}
      %dma_start3A_184 = arith.constant 3 : i32
      %dma_start3A_185 = arith.constant 1 : i32
      %dma_start3A_186 = arith.constant 0 : i32
      %dma_start3A_187 = tpu.memref_slice %arg6[%dma_start3A_185, %dma_start3A_186] : memref<40x128xi32, #tpu.memory_space<vmem>> -> memref<1x128xi32, #tpu.memory_space<vmem>>
      %dma_start3A_188 = tpu.memref_squeeze %dma_start3A_187 : memref<1x128xi32, #tpu.memory_space<vmem>> -> memref<128xi32, #tpu.memory_space<vmem>>
      %dma_start3A_189 = arith.constant 0 : i32
      %dma_start3A_190 = arith.constant 0 : i32
      %dma_start3A_191 = tpu.memref_slice %arg2[%dma_start3A_184, %dma_start3A_189, %dma_start3A_190] : memref<4x10000x128xf32, #tpu.memory_space<hbm>> -> memref<1x10000x128xf32, #tpu.memory_space<hbm>>
      %dma_start3A_192 = tpu.memref_squeeze %dma_start3A_191 : memref<1x10000x128xf32, #tpu.memory_space<hbm>> -> memref<10000x128xf32, #tpu.memory_space<hbm>>
      %dma_start3A_193 = arith.constant 0 : i32
      %dma_start3A_194 = arith.constant 0 : i32
      %dma_start3A_195 = tpu.memref_slice %dma_start3A_192[%dma_start3A_193, %dma_start3A_194] : memref<10000x128xf32, #tpu.memory_space<hbm>> -> memref<10000x128xf32, #tpu.memory_space<hbm>>
      tpu.enqueue_indirect_dma source(%dma_start3A_195 : memref<10000x128xf32, #tpu.memory_space<hbm>>) target(%arg9 : memref<128x128xf32, #tpu.memory_space<vmem>>) offsets(%dma_start3A_188 : memref<128xi32, #tpu.memory_space<vmem>>) semaphore(%arg11 : memref<!tpu.dma_semaphore, #tpu.memory_space<semaphore_mem>>)
      %sub3A_196 = arith.constant 2 : i32
      %sub3A_197 = arith.subi %min3A_149, %sub3A_196 : i32
      %jit3A_198 = arith.constant 2 : i32
      %div3A_199 = arith.divsi %sub3A_197, %jit3A_198 : i32
      %sign3A_200 = arith.constant 0 : i32
      %sign3A_201 = arith.cmpi sgt, %sub3A_197, %sign3A_200 : i32
      %sign3A_202 = arith.extui %sign3A_201 : i1 to i32
      %sign3A_203 = arith.constant 0 : i32
      %sign3A_204 = arith.cmpi slt, %sub3A_197, %sign3A_203 : i32
      %sign3A_205 = arith.extui %sign3A_204 : i1 to i32
      %sign3A_206 = arith.subi %sign3A_202, %sign3A_205 : i32
      %sign3A_207 = arith.constant 0 : i32
      %sign3A_208 = arith.cmpi sgt, %jit3A_198, %sign3A_207 : i32
      %sign3A_209 = arith.extui %sign3A_208 : i1 to i32
      %sign3A_210 = arith.constant 0 : i32
      %sign3A_211 = arith.cmpi slt, %jit3A_198, %sign3A_210 : i32
      %sign3A_212 = arith.extui %sign3A_211 : i1 to i32
      %sign3A_213 = arith.subi %sign3A_209, %sign3A_212 : i32
      %ne3A_214 = arith.cmpi ne, %sign3A_206, %sign3A_213 : i32
      %rem3A_215 = arith.remsi %sub3A_197, %jit3A_198 : i32
      %ne3A_216 = arith.constant 0 : i32
      %ne3A_217 = arith.cmpi ne, %rem3A_215, %ne3A_216 : i32
      %and3A_218 = arith.andi %ne3A_214, %ne3A_217 : i1
      %sub3A_219 = arith.constant 1 : i32
      %sub3A_220 = arith.subi %div3A_199, %sub3A_219 : i32
      %select_n3A_221 = arith.select %and3A_218, %sub3A_220, %div3A_199 : i32
      %while3A_222 = arith.constant 0 : i32
      %while3A_223 = arith.constant 3 : i32
      %while3A_224 = arith.constant 0 : i32
      %while3A_225 = arith.subi %select_n3A_221, %while3A_224 : i32
      %while3A_226 = arith.addi %while3A_224, %while3A_225 : i32
      %while3A_227 = arith.constant 1 : i32
      %while3A_228 = arith.divsi %while3A_225, %while3A_227 : i32
      %while3A_229 = arith.muli %while3A_228, %while3A_227 : i32
      %while3A_230 = arith.addi %while3A_224, %while3A_229 : i32
      %while3A_231 = arith.constant 1 : i32
      scf.for %while3A_280 = %while3A_224 to %while3A_230 step %while3A_231  : i32 {
        %mul3A_281 = arith.constant 2 : i32
        %mul3A_282 = arith.muli %mul3A_281, %while3A_280 : i32
        %add3A_283 = arith.constant 1 : i32
        %add3A_284 = arith.addi %mul3A_282, %add3A_283 : i32
        %dma_wait3A_285 = arith.constant 0 : i32
        %dma_wait3A_286 = arith.constant 0 : i32
        %dma_wait3A_287 = tpu.memref_slice %arg2[%while3A_223, %dma_wait3A_285, %dma_wait3A_286] : memref<4x10000x128xf32, #tpu.memory_space<hbm>> -> memref<1x10000x128xf32, #tpu.memory_space<hbm>>
        %dma_wait3A_288 = tpu.memref_squeeze %dma_wait3A_287 : memref<1x10000x128xf32, #tpu.memory_space<hbm>> -> memref<10000x128xf32, #tpu.memory_space<hbm>>
        %dma_wait3A_289 = arith.constant 0 : i32
        %dma_wait3A_290 = arith.constant 0 : i32
        %dma_wait3A_291 = tpu.memref_slice %dma_wait3A_288[%dma_wait3A_289, %dma_wait3A_290] : memref<10000x128xf32, #tpu.memory_space<hbm>> -> memref<128x128xf32, #tpu.memory_space<hbm>>
        %dma_wait3A_292 = arith.constant 0 : i32
        %dma_wait3A_293 = arith.constant 0 : i32
        %dma_wait3A_294 = tpu.memref_slice %arg2[%while3A_223, %dma_wait3A_292, %dma_wait3A_293] : memref<4x10000x128xf32, #tpu.memory_space<hbm>> -> memref<1x10000x128xf32, #tpu.memory_space<hbm>>
        %dma_wait3A_295 = tpu.memref_squeeze %dma_wait3A_294 : memref<1x10000x128xf32, #tpu.memory_space<hbm>> -> memref<10000x128xf32, #tpu.memory_space<hbm>>
        %dma_wait3A_296 = arith.constant 0 : i32
        %dma_wait3A_297 = arith.constant 0 : i32
        %dma_wait3A_298 = tpu.memref_slice %dma_wait3A_295[%dma_wait3A_296, %dma_wait3A_297] : memref<10000x128xf32, #tpu.memory_space<hbm>> -> memref<128x128xf32, #tpu.memory_space<hbm>>
        tpu.wait_dma2 semaphore(%arg11 : memref<!tpu.dma_semaphore, #tpu.memory_space<semaphore_mem>>) src(%dma_wait3A_298 : memref<128x128xf32, #tpu.memory_space<hbm>>) dst(%arg9 : memref<128x128xf32, #tpu.memory_space<vmem>>)
        %dma_wait3A_299 = arith.constant 0 : i32
        %dma_wait3A_300 = arith.constant 0 : i32
        %dma_wait3A_301 = tpu.memref_slice %arg14[%dma_wait3A_299, %dma_wait3A_300] : memref<10000x128xf32, #tpu.memory_space<vmem_shared>> -> memref<128x128xf32, #tpu.memory_space<vmem_shared>>
        %dma_wait3A_302 = arith.constant 0 : i32
        %dma_wait3A_303 = arith.constant 0 : i32
        %dma_wait3A_304 = tpu.memref_slice %arg14[%dma_wait3A_302, %dma_wait3A_303] : memref<10000x128xf32, #tpu.memory_space<vmem_shared>> -> memref<128x128xf32, #tpu.memory_space<vmem_shared>>
        tpu.wait_dma2 semaphore(%arg12 : memref<!tpu.dma_semaphore, #tpu.memory_space<semaphore_mem>>) src(%arg8 : memref<128x128xf32, #tpu.memory_space<vmem>>) dst(%dma_wait3A_304 : memref<128x128xf32, #tpu.memory_space<vmem_shared>>)
        %add3A_305 = arith.constant 1 : i32
        %add3A_306 = arith.addi %add3A_284, %add3A_305 : i32
        %dma_start3A_307 = arith.constant 0 : i32
        %dma_start3A_308 = tpu.memref_slice %arg6[%add3A_306, %dma_start3A_307] : memref<40x128xi32, #tpu.memory_space<vmem>> -> memref<1x128xi32, #tpu.memory_space<vmem>>
        %dma_start3A_309 = tpu.memref_squeeze %dma_start3A_308 : memref<1x128xi32, #tpu.memory_space<vmem>> -> memref<128xi32, #tpu.memory_space<vmem>>
        %dma_start3A_310 = arith.constant 0 : i32
        %dma_start3A_311 = arith.constant 0 : i32
        %dma_start3A_312 = tpu.memref_slice %arg2[%while3A_223, %dma_start3A_310, %dma_start3A_311] : memref<4x10000x128xf32, #tpu.memory_space<hbm>> -> memref<1x10000x128xf32, #tpu.memory_space<hbm>>
        %dma_start3A_313 = tpu.memref_squeeze %dma_start3A_312 : memref<1x10000x128xf32, #tpu.memory_space<hbm>> -> memref<10000x128xf32, #tpu.memory_space<hbm>>
        %dma_start3A_314 = arith.constant 0 : i32
        %dma_start3A_315 = arith.constant 0 : i32
        %dma_start3A_316 = tpu.memref_slice %dma_start3A_313[%dma_start3A_314, %dma_start3A_315] : memref<10000x128xf32, #tpu.memory_space<hbm>> -> memref<10000x128xf32, #tpu.memory_space<hbm>>
        tpu.enqueue_indirect_dma source(%dma_start3A_316 : memref<10000x128xf32, #tpu.memory_space<hbm>>) target(%arg8 : memref<128x128xf32, #tpu.memory_space<vmem>>) offsets(%dma_start3A_309 : memref<128xi32, #tpu.memory_space<vmem>>) semaphore(%arg10 : memref<!tpu.dma_semaphore, #tpu.memory_space<semaphore_mem>>)
        %dma_start3A_317 = arith.constant 0 : i32
        %dma_start3A_318 = tpu.memref_slice %arg7[%add3A_284, %dma_start3A_317] : memref<40x128xi32, #tpu.memory_space<vmem>> -> memref<1x128xi32, #tpu.memory_space<vmem>>
        %dma_start3A_319 = tpu.memref_squeeze %dma_start3A_318 : memref<1x128xi32, #tpu.memory_space<vmem>> -> memref<128xi32, #tpu.memory_space<vmem>>
        %dma_start3A_320 = arith.constant 0 : i32
        %dma_start3A_321 = arith.constant 0 : i32
        %dma_start3A_322 = tpu.memref_slice %arg14[%dma_start3A_320, %dma_start3A_321] : memref<10000x128xf32, #tpu.memory_space<vmem_shared>> -> memref<10000x128xf32, #tpu.memory_space<vmem_shared>>
        tpu.enqueue_indirect_dma source(%arg9 : memref<128x128xf32, #tpu.memory_space<vmem>>) target(%dma_start3A_322 : memref<10000x128xf32, #tpu.memory_space<vmem_shared>>) offsets(%dma_start3A_319 : memref<128xi32, #tpu.memory_space<vmem>>) semaphore(%arg13 : memref<!tpu.dma_semaphore, #tpu.memory_space<semaphore_mem>>) {add = true}
        %mul3A_323 = arith.constant 2 : i32
        %mul3A_324 = arith.muli %mul3A_323, %while3A_280 : i32
        %add3A_325 = arith.constant 2 : i32
        %add3A_326 = arith.addi %mul3A_324, %add3A_325 : i32
        %dma_wait3A_327 = arith.constant 0 : i32
        %dma_wait3A_328 = arith.constant 0 : i32
        %dma_wait3A_329 = tpu.memref_slice %arg2[%while3A_223, %dma_wait3A_327, %dma_wait3A_328] : memref<4x10000x128xf32, #tpu.memory_space<hbm>> -> memref<1x10000x128xf32, #tpu.memory_space<hbm>>
        %dma_wait3A_330 = tpu.memref_squeeze %dma_wait3A_329 : memref<1x10000x128xf32, #tpu.memory_space<hbm>> -> memref<10000x128xf32, #tpu.memory_space<hbm>>
        %dma_wait3A_331 = arith.constant 0 : i32
        %dma_wait3A_332 = arith.constant 0 : i32
        %dma_wait3A_333 = tpu.memref_slice %dma_wait3A_330[%dma_wait3A_331, %dma_wait3A_332] : memref<10000x128xf32, #tpu.memory_space<hbm>> -> memref<128x128xf32, #tpu.memory_space<hbm>>
        %dma_wait3A_334 = arith.constant 0 : i32
        %dma_wait3A_335 = arith.constant 0 : i32
        %dma_wait3A_336 = tpu.memref_slice %arg2[%while3A_223, %dma_wait3A_334, %dma_wait3A_335] : memref<4x10000x128xf32, #tpu.memory_space<hbm>> -> memref<1x10000x128xf32, #tpu.memory_space<hbm>>
        %dma_wait3A_337 = tpu.memref_squeeze %dma_wait3A_336 : memref<1x10000x128xf32, #tpu.memory_space<hbm>> -> memref<10000x128xf32, #tpu.memory_space<hbm>>
        %dma_wait3A_338 = arith.constant 0 : i32
        %dma_wait3A_339 = arith.constant 0 : i32
        %dma_wait3A_340 = tpu.memref_slice %dma_wait3A_337[%dma_wait3A_338, %dma_wait3A_339] : memref<10000x128xf32, #tpu.memory_space<hbm>> -> memref<128x128xf32, #tpu.memory_space<hbm>>
        tpu.wait_dma2 semaphore(%arg10 : memref<!tpu.dma_semaphore, #tpu.memory_space<semaphore_mem>>) src(%dma_wait3A_340 : memref<128x128xf32, #tpu.memory_space<hbm>>) dst(%arg8 : memref<128x128xf32, #tpu.memory_space<vmem>>)
        %dma_wait3A_341 = arith.constant 0 : i32
        %dma_wait3A_342 = arith.constant 0 : i32
        %dma_wait3A_343 = tpu.memref_slice %arg14[%dma_wait3A_341, %dma_wait3A_342] : memref<10000x128xf32, #tpu.memory_space<vmem_shared>> -> memref<128x128xf32, #tpu.memory_space<vmem_shared>>
        %dma_wait3A_344 = arith.constant 0 : i32
        %dma_wait3A_345 = arith.constant 0 : i32
        %dma_wait3A_346 = tpu.memref_slice %arg14[%dma_wait3A_344, %dma_wait3A_345] : memref<10000x128xf32, #tpu.memory_space<vmem_shared>> -> memref<128x128xf32, #tpu.memory_space<vmem_shared>>
        tpu.wait_dma2 semaphore(%arg13 : memref<!tpu.dma_semaphore, #tpu.memory_space<semaphore_mem>>) src(%arg9 : memref<128x128xf32, #tpu.memory_space<vmem>>) dst(%dma_wait3A_346 : memref<128x128xf32, #tpu.memory_space<vmem_shared>>)
        %add3A_347 = arith.constant 1 : i32
        %add3A_348 = arith.addi %add3A_326, %add3A_347 : i32
        %dma_start3A_349 = arith.constant 0 : i32
        %dma_start3A_350 = tpu.memref_slice %arg6[%add3A_348, %dma_start3A_349] : memref<40x128xi32, #tpu.memory_space<vmem>> -> memref<1x128xi32, #tpu.memory_space<vmem>>
        %dma_start3A_351 = tpu.memref_squeeze %dma_start3A_350 : memref<1x128xi32, #tpu.memory_space<vmem>> -> memref<128xi32, #tpu.memory_space<vmem>>
        %dma_start3A_352 = arith.constant 0 : i32
        %dma_start3A_353 = arith.constant 0 : i32
        %dma_start3A_354 = tpu.memref_slice %arg2[%while3A_223, %dma_start3A_352, %dma_start3A_353] : memref<4x10000x128xf32, #tpu.memory_space<hbm>> -> memref<1x10000x128xf32, #tpu.memory_space<hbm>>
        %dma_start3A_355 = tpu.memref_squeeze %dma_start3A_354 : memref<1x10000x128xf32, #tpu.memory_space<hbm>> -> memref<10000x128xf32, #tpu.memory_space<hbm>>
        %dma_start3A_356 = arith.constant 0 : i32
        %dma_start3A_357 = arith.constant 0 : i32
        %dma_start3A_358 = tpu.memref_slice %dma_start3A_355[%dma_start3A_356, %dma_start3A_357] : memref<10000x128xf32, #tpu.memory_space<hbm>> -> memref<10000x128xf32, #tpu.memory_space<hbm>>
        tpu.enqueue_indirect_dma source(%dma_start3A_358 : memref<10000x128xf32, #tpu.memory_space<hbm>>) target(%arg9 : memref<128x128xf32, #tpu.memory_space<vmem>>) offsets(%dma_start3A_351 : memref<128xi32, #tpu.memory_space<vmem>>) semaphore(%arg11 : memref<!tpu.dma_semaphore, #tpu.memory_space<semaphore_mem>>)
        %dma_start3A_359 = arith.constant 0 : i32
        %dma_start3A_360 = tpu.memref_slice %arg7[%add3A_326, %dma_start3A_359] : memref<40x128xi32, #tpu.memory_space<vmem>> -> memref<1x128xi32, #tpu.memory_space<vmem>>
        %dma_start3A_361 = tpu.memref_squeeze %dma_start3A_360 : memref<1x128xi32, #tpu.memory_space<vmem>> -> memref<128xi32, #tpu.memory_space<vmem>>
        %dma_start3A_362 = arith.constant 0 : i32
        %dma_start3A_363 = arith.constant 0 : i32
        %dma_start3A_364 = tpu.memref_slice %arg14[%dma_start3A_362, %dma_start3A_363] : memref<10000x128xf32, #tpu.memory_space<vmem_shared>> -> memref<10000x128xf32, #tpu.memory_space<vmem_shared>>
        tpu.enqueue_indirect_dma source(%arg8 : memref<128x128xf32, #tpu.memory_space<vmem>>) target(%dma_start3A_364 : memref<10000x128xf32, #tpu.memory_space<vmem_shared>>) offsets(%dma_start3A_361 : memref<128xi32, #tpu.memory_space<vmem>>) semaphore(%arg12 : memref<!tpu.dma_semaphore, #tpu.memory_space<semaphore_mem>>) {add = true}
      }
      %while3A_232 = arith.constant 1 : i32
      scf.for %while3A_280 = %while3A_230 to %while3A_226 step %while3A_232  : i32 {
        %mul3A_281 = arith.constant 2 : i32
        %mul3A_282 = arith.muli %mul3A_281, %while3A_280 : i32
        %add3A_283 = arith.constant 1 : i32
        %add3A_284 = arith.addi %mul3A_282, %add3A_283 : i32
        %dma_wait3A_285 = arith.constant 0 : i32
        %dma_wait3A_286 = arith.constant 0 : i32
        %dma_wait3A_287 = tpu.memref_slice %arg2[%while3A_223, %dma_wait3A_285, %dma_wait3A_286] : memref<4x10000x128xf32, #tpu.memory_space<hbm>> -> memref<1x10000x128xf32, #tpu.memory_space<hbm>>
        %dma_wait3A_288 = tpu.memref_squeeze %dma_wait3A_287 : memref<1x10000x128xf32, #tpu.memory_space<hbm>> -> memref<10000x128xf32, #tpu.memory_space<hbm>>
        %dma_wait3A_289 = arith.constant 0 : i32
        %dma_wait3A_290 = arith.constant 0 : i32
        %dma_wait3A_291 = tpu.memref_slice %dma_wait3A_288[%dma_wait3A_289, %dma_wait3A_290] : memref<10000x128xf32, #tpu.memory_space<hbm>> -> memref<128x128xf32, #tpu.memory_space<hbm>>
        %dma_wait3A_292 = arith.constant 0 : i32
        %dma_wait3A_293 = arith.constant 0 : i32
        %dma_wait3A_294 = tpu.memref_slice %arg2[%while3A_223, %dma_wait3A_292, %dma_wait3A_293] : memref<4x10000x128xf32, #tpu.memory_space<hbm>> -> memref<1x10000x128xf32, #tpu.memory_space<hbm>>
        %dma_wait3A_295 = tpu.memref_squeeze %dma_wait3A_294 : memref<1x10000x128xf32, #tpu.memory_space<hbm>> -> memref<10000x128xf32, #tpu.memory_space<hbm>>
        %dma_wait3A_296 = arith.constant 0 : i32
        %dma_wait3A_297 = arith.constant 0 : i32
        %dma_wait3A_298 = tpu.memref_slice %dma_wait3A_295[%dma_wait3A_296, %dma_wait3A_297] : memref<10000x128xf32, #tpu.memory_space<hbm>> -> memref<128x128xf32, #tpu.memory_space<hbm>>
        tpu.wait_dma2 semaphore(%arg11 : memref<!tpu.dma_semaphore, #tpu.memory_space<semaphore_mem>>) src(%dma_wait3A_298 : memref<128x128xf32, #tpu.memory_space<hbm>>) dst(%arg9 : memref<128x128xf32, #tpu.memory_space<vmem>>)
        %dma_wait3A_299 = arith.constant 0 : i32
        %dma_wait3A_300 = arith.constant 0 : i32
        %dma_wait3A_301 = tpu.memref_slice %arg14[%dma_wait3A_299, %dma_wait3A_300] : memref<10000x128xf32, #tpu.memory_space<vmem_shared>> -> memref<128x128xf32, #tpu.memory_space<vmem_shared>>
        %dma_wait3A_302 = arith.constant 0 : i32
        %dma_wait3A_303 = arith.constant 0 : i32
        %dma_wait3A_304 = tpu.memref_slice %arg14[%dma_wait3A_302, %dma_wait3A_303] : memref<10000x128xf32, #tpu.memory_space<vmem_shared>> -> memref<128x128xf32, #tpu.memory_space<vmem_shared>>
        tpu.wait_dma2 semaphore(%arg12 : memref<!tpu.dma_semaphore, #tpu.memory_space<semaphore_mem>>) src(%arg8 : memref<128x128xf32, #tpu.memory_space<vmem>>) dst(%dma_wait3A_304 : memref<128x128xf32, #tpu.memory_space<vmem_shared>>)
        %add3A_305 = arith.constant 1 : i32
        %add3A_306 = arith.addi %add3A_284, %add3A_305 : i32
        %dma_start3A_307 = arith.constant 0 : i32
        %dma_start3A_308 = tpu.memref_slice %arg6[%add3A_306, %dma_start3A_307] : memref<40x128xi32, #tpu.memory_space<vmem>> -> memref<1x128xi32, #tpu.memory_space<vmem>>
        %dma_start3A_309 = tpu.memref_squeeze %dma_start3A_308 : memref<1x128xi32, #tpu.memory_space<vmem>> -> memref<128xi32, #tpu.memory_space<vmem>>
        %dma_start3A_310 = arith.constant 0 : i32
        %dma_start3A_311 = arith.constant 0 : i32
        %dma_start3A_312 = tpu.memref_slice %arg2[%while3A_223, %dma_start3A_310, %dma_start3A_311] : memref<4x10000x128xf32, #tpu.memory_space<hbm>> -> memref<1x10000x128xf32, #tpu.memory_space<hbm>>
        %dma_start3A_313 = tpu.memref_squeeze %dma_start3A_312 : memref<1x10000x128xf32, #tpu.memory_space<hbm>> -> memref<10000x128xf32, #tpu.memory_space<hbm>>
        %dma_start3A_314 = arith.constant 0 : i32
        %dma_start3A_315 = arith.constant 0 : i32
        %dma_start3A_316 = tpu.memref_slice %dma_start3A_313[%dma_start3A_314, %dma_start3A_315] : memref<10000x128xf32, #tpu.memory_space<hbm>> -> memref<10000x128xf32, #tpu.memory_space<hbm>>
        tpu.enqueue_indirect_dma source(%dma_start3A_316 : memref<10000x128xf32, #tpu.memory_space<hbm>>) target(%arg8 : memref<128x128xf32, #tpu.memory_space<vmem>>) offsets(%dma_start3A_309 : memref<128xi32, #tpu.memory_space<vmem>>) semaphore(%arg10 : memref<!tpu.dma_semaphore, #tpu.memory_space<semaphore_mem>>)
        %dma_start3A_317 = arith.constant 0 : i32
        %dma_start3A_318 = tpu.memref_slice %arg7[%add3A_284, %dma_start3A_317] : memref<40x128xi32, #tpu.memory_space<vmem>> -> memref<1x128xi32, #tpu.memory_space<vmem>>
        %dma_start3A_319 = tpu.memref_squeeze %dma_start3A_318 : memref<1x128xi32, #tpu.memory_space<vmem>> -> memref<128xi32, #tpu.memory_space<vmem>>
        %dma_start3A_320 = arith.constant 0 : i32
        %dma_start3A_321 = arith.constant 0 : i32
        %dma_start3A_322 = tpu.memref_slice %arg14[%dma_start3A_320, %dma_start3A_321] : memref<10000x128xf32, #tpu.memory_space<vmem_shared>> -> memref<10000x128xf32, #tpu.memory_space<vmem_shared>>
        tpu.enqueue_indirect_dma source(%arg9 : memref<128x128xf32, #tpu.memory_space<vmem>>) target(%dma_start3A_322 : memref<10000x128xf32, #tpu.memory_space<vmem_shared>>) offsets(%dma_start3A_319 : memref<128xi32, #tpu.memory_space<vmem>>) semaphore(%arg13 : memref<!tpu.dma_semaphore, #tpu.memory_space<semaphore_mem>>) {add = true}
        %mul3A_323 = arith.constant 2 : i32
        %mul3A_324 = arith.muli %mul3A_323, %while3A_280 : i32
        %add3A_325 = arith.constant 2 : i32
        %add3A_326 = arith.addi %mul3A_324, %add3A_325 : i32
        %dma_wait3A_327 = arith.constant 0 : i32
        %dma_wait3A_328 = arith.constant 0 : i32
        %dma_wait3A_329 = tpu.memref_slice %arg2[%while3A_223, %dma_wait3A_327, %dma_wait3A_328] : memref<4x10000x128xf32, #tpu.memory_space<hbm>> -> memref<1x10000x128xf32, #tpu.memory_space<hbm>>
        %dma_wait3A_330 = tpu.memref_squeeze %dma_wait3A_329 : memref<1x10000x128xf32, #tpu.memory_space<hbm>> -> memref<10000x128xf32, #tpu.memory_space<hbm>>
        %dma_wait3A_331 = arith.constant 0 : i32
        %dma_wait3A_332 = arith.constant 0 : i32
        %dma_wait3A_333 = tpu.memref_slice %dma_wait3A_330[%dma_wait3A_331, %dma_wait3A_332] : memref<10000x128xf32, #tpu.memory_space<hbm>> -> memref<128x128xf32, #tpu.memory_space<hbm>>
        %dma_wait3A_334 = arith.constant 0 : i32
        %dma_wait3A_335 = arith.constant 0 : i32
        %dma_wait3A_336 = tpu.memref_slice %arg2[%while3A_223, %dma_wait3A_334, %dma_wait3A_335] : memref<4x10000x128xf32, #tpu.memory_space<hbm>> -> memref<1x10000x128xf32, #tpu.memory_space<hbm>>
        %dma_wait3A_337 = tpu.memref_squeeze %dma_wait3A_336 : memref<1x10000x128xf32, #tpu.memory_space<hbm>> -> memref<10000x128xf32, #tpu.memory_space<hbm>>
        %dma_wait3A_338 = arith.constant 0 : i32
        %dma_wait3A_339 = arith.constant 0 : i32
        %dma_wait3A_340 = tpu.memref_slice %dma_wait3A_337[%dma_wait3A_338, %dma_wait3A_339] : memref<10000x128xf32, #tpu.memory_space<hbm>> -> memref<128x128xf32, #tpu.memory_space<hbm>>
        tpu.wait_dma2 semaphore(%arg10 : memref<!tpu.dma_semaphore, #tpu.memory_space<semaphore_mem>>) src(%dma_wait3A_340 : memref<128x128xf32, #tpu.memory_space<hbm>>) dst(%arg8 : memref<128x128xf32, #tpu.memory_space<vmem>>)
        %dma_wait3A_341 = arith.constant 0 : i32
        %dma_wait3A_342 = arith.constant 0 : i32
        %dma_wait3A_343 = tpu.memref_slice %arg14[%dma_wait3A_341, %dma_wait3A_342] : memref<10000x128xf32, #tpu.memory_space<vmem_shared>> -> memref<128x128xf32, #tpu.memory_space<vmem_shared>>
        %dma_wait3A_344 = arith.constant 0 : i32
        %dma_wait3A_345 = arith.constant 0 : i32
        %dma_wait3A_346 = tpu.memref_slice %arg14[%dma_wait3A_344, %dma_wait3A_345] : memref<10000x128xf32, #tpu.memory_space<vmem_shared>> -> memref<128x128xf32, #tpu.memory_space<vmem_shared>>
        tpu.wait_dma2 semaphore(%arg13 : memref<!tpu.dma_semaphore, #tpu.memory_space<semaphore_mem>>) src(%arg9 : memref<128x128xf32, #tpu.memory_space<vmem>>) dst(%dma_wait3A_346 : memref<128x128xf32, #tpu.memory_space<vmem_shared>>)
        %add3A_347 = arith.constant 1 : i32
        %add3A_348 = arith.addi %add3A_326, %add3A_347 : i32
        %dma_start3A_349 = arith.constant 0 : i32
        %dma_start3A_350 = tpu.memref_slice %arg6[%add3A_348, %dma_start3A_349] : memref<40x128xi32, #tpu.memory_space<vmem>> -> memref<1x128xi32, #tpu.memory_space<vmem>>
        %dma_start3A_351 = tpu.memref_squeeze %dma_start3A_350 : memref<1x128xi32, #tpu.memory_space<vmem>> -> memref<128xi32, #tpu.memory_space<vmem>>
        %dma_start3A_352 = arith.constant 0 : i32
        %dma_start3A_353 = arith.constant 0 : i32
        %dma_start3A_354 = tpu.memref_slice %arg2[%while3A_223, %dma_start3A_352, %dma_start3A_353] : memref<4x10000x128xf32, #tpu.memory_space<hbm>> -> memref<1x10000x128xf32, #tpu.memory_space<hbm>>
        %dma_start3A_355 = tpu.memref_squeeze %dma_start3A_354 : memref<1x10000x128xf32, #tpu.memory_space<hbm>> -> memref<10000x128xf32, #tpu.memory_space<hbm>>
        %dma_start3A_356 = arith.constant 0 : i32
        %dma_start3A_357 = arith.constant 0 : i32
        %dma_start3A_358 = tpu.memref_slice %dma_start3A_355[%dma_start3A_356, %dma_start3A_357] : memref<10000x128xf32, #tpu.memory_space<hbm>> -> memref<10000x128xf32, #tpu.memory_space<hbm>>
        tpu.enqueue_indirect_dma source(%dma_start3A_358 : memref<10000x128xf32, #tpu.memory_space<hbm>>) target(%arg9 : memref<128x128xf32, #tpu.memory_space<vmem>>) offsets(%dma_start3A_351 : memref<128xi32, #tpu.memory_space<vmem>>) semaphore(%arg11 : memref<!tpu.dma_semaphore, #tpu.memory_space<semaphore_mem>>)
        %dma_start3A_359 = arith.constant 0 : i32
        %dma_start3A_360 = tpu.memref_slice %arg7[%add3A_326, %dma_start3A_359] : memref<40x128xi32, #tpu.memory_space<vmem>> -> memref<1x128xi32, #tpu.memory_space<vmem>>
        %dma_start3A_361 = tpu.memref_squeeze %dma_start3A_360 : memref<1x128xi32, #tpu.memory_space<vmem>> -> memref<128xi32, #tpu.memory_space<vmem>>
        %dma_start3A_362 = arith.constant 0 : i32
        %dma_start3A_363 = arith.constant 0 : i32
        %dma_start3A_364 = tpu.memref_slice %arg14[%dma_start3A_362, %dma_start3A_363] : memref<10000x128xf32, #tpu.memory_space<vmem_shared>> -> memref<10000x128xf32, #tpu.memory_space<vmem_shared>>
        tpu.enqueue_indirect_dma source(%arg8 : memref<128x128xf32, #tpu.memory_space<vmem>>) target(%dma_start3A_364 : memref<10000x128xf32, #tpu.memory_space<vmem_shared>>) offsets(%dma_start3A_361 : memref<128xi32, #tpu.memory_space<vmem>>) semaphore(%arg12 : memref<!tpu.dma_semaphore, #tpu.memory_space<semaphore_mem>>) {add = true}
      }
      %dma_wait3A_233 = arith.constant 3 : i32
      %dma_wait3A_234 = arith.constant 0 : i32
      %dma_wait3A_235 = arith.constant 0 : i32
      %dma_wait3A_236 = tpu.memref_slice %arg2[%dma_wait3A_233, %dma_wait3A_234, %dma_wait3A_235] : memref<4x10000x128xf32, #tpu.memory_space<hbm>> -> memref<1x10000x128xf32, #tpu.memory_space<hbm>>
      %dma_wait3A_237 = tpu.memref_squeeze %dma_wait3A_236 : memref<1x10000x128xf32, #tpu.memory_space<hbm>> -> memref<10000x128xf32, #tpu.memory_space<hbm>>
      %dma_wait3A_238 = arith.constant 0 : i32
      %dma_wait3A_239 = arith.constant 0 : i32
      %dma_wait3A_240 = tpu.memref_slice %dma_wait3A_237[%dma_wait3A_238, %dma_wait3A_239] : memref<10000x128xf32, #tpu.memory_space<hbm>> -> memref<128x128xf32, #tpu.memory_space<hbm>>
      %dma_wait3A_241 = arith.constant 0 : i32
      %dma_wait3A_242 = arith.constant 0 : i32
      %dma_wait3A_243 = tpu.memref_slice %arg2[%dma_wait3A_233, %dma_wait3A_241, %dma_wait3A_242] : memref<4x10000x128xf32, #tpu.memory_space<hbm>> -> memref<1x10000x128xf32, #tpu.memory_space<hbm>>
      %dma_wait3A_244 = tpu.memref_squeeze %dma_wait3A_243 : memref<1x10000x128xf32, #tpu.memory_space<hbm>> -> memref<10000x128xf32, #tpu.memory_space<hbm>>
      %dma_wait3A_245 = arith.constant 0 : i32
      %dma_wait3A_246 = arith.constant 0 : i32
      %dma_wait3A_247 = tpu.memref_slice %dma_wait3A_244[%dma_wait3A_245, %dma_wait3A_246] : memref<10000x128xf32, #tpu.memory_space<hbm>> -> memref<128x128xf32, #tpu.memory_space<hbm>>
      tpu.wait_dma2 semaphore(%arg11 : memref<!tpu.dma_semaphore, #tpu.memory_space<semaphore_mem>>) src(%dma_wait3A_247 : memref<128x128xf32, #tpu.memory_space<hbm>>) dst(%arg9 : memref<128x128xf32, #tpu.memory_space<vmem>>)
      %sub3A_248 = arith.constant 1 : i32
      %sub3A_249 = arith.subi %min3A_149, %sub3A_248 : i32
      %dma_start3A_250 = arith.constant 0 : i32
      %dma_start3A_251 = tpu.memref_slice %arg7[%sub3A_249, %dma_start3A_250] : memref<40x128xi32, #tpu.memory_space<vmem>> -> memref<1x128xi32, #tpu.memory_space<vmem>>
      %dma_start3A_252 = tpu.memref_squeeze %dma_start3A_251 : memref<1x128xi32, #tpu.memory_space<vmem>> -> memref<128xi32, #tpu.memory_space<vmem>>
      %dma_start3A_253 = arith.constant 0 : i32
      %dma_start3A_254 = arith.constant 0 : i32
      %dma_start3A_255 = tpu.memref_slice %arg14[%dma_start3A_253, %dma_start3A_254] : memref<10000x128xf32, #tpu.memory_space<vmem_shared>> -> memref<10000x128xf32, #tpu.memory_space<vmem_shared>>
      tpu.enqueue_indirect_dma source(%arg9 : memref<128x128xf32, #tpu.memory_space<vmem>>) target(%dma_start3A_255 : memref<10000x128xf32, #tpu.memory_space<vmem_shared>>) offsets(%dma_start3A_252 : memref<128xi32, #tpu.memory_space<vmem>>) semaphore(%arg13 : memref<!tpu.dma_semaphore, #tpu.memory_space<semaphore_mem>>) {add = true}
      %dma_wait3A_256 = arith.constant 0 : i32
      %dma_wait3A_257 = arith.constant 0 : i32
      %dma_wait3A_258 = tpu.memref_slice %arg14[%dma_wait3A_256, %dma_wait3A_257] : memref<10000x128xf32, #tpu.memory_space<vmem_shared>> -> memref<128x128xf32, #tpu.memory_space<vmem_shared>>
      %dma_wait3A_259 = arith.constant 0 : i32
      %dma_wait3A_260 = arith.constant 0 : i32
      %dma_wait3A_261 = tpu.memref_slice %arg14[%dma_wait3A_259, %dma_wait3A_260] : memref<10000x128xf32, #tpu.memory_space<vmem_shared>> -> memref<128x128xf32, #tpu.memory_space<vmem_shared>>
      tpu.wait_dma2 semaphore(%arg12 : memref<!tpu.dma_semaphore, #tpu.memory_space<semaphore_mem>>) src(%arg8 : memref<128x128xf32, #tpu.memory_space<vmem>>) dst(%dma_wait3A_261 : memref<128x128xf32, #tpu.memory_space<vmem_shared>>)
      %dma_wait3A_262 = arith.constant 0 : i32
      %dma_wait3A_263 = arith.constant 0 : i32
      %dma_wait3A_264 = tpu.memref_slice %arg14[%dma_wait3A_262, %dma_wait3A_263] : memref<10000x128xf32, #tpu.memory_space<vmem_shared>> -> memref<128x128xf32, #tpu.memory_space<vmem_shared>>
      %dma_wait3A_265 = arith.constant 0 : i32
      %dma_wait3A_266 = arith.constant 0 : i32
      %dma_wait3A_267 = tpu.memref_slice %arg14[%dma_wait3A_265, %dma_wait3A_266] : memref<10000x128xf32, #tpu.memory_space<vmem_shared>> -> memref<128x128xf32, #tpu.memory_space<vmem_shared>>
      tpu.wait_dma2 semaphore(%arg13 : memref<!tpu.dma_semaphore, #tpu.memory_space<semaphore_mem>>) src(%arg9 : memref<128x128xf32, #tpu.memory_space<vmem>>) dst(%dma_wait3A_267 : memref<128x128xf32, #tpu.memory_space<vmem_shared>>)
      %barrier3A_268 = arith.constant 0 : index
      tpu.barrier barrier_id(%barrier3A_268)
      %mul3A_269 = arith.constant 624 : i32
      %mul3A_270 = arith.muli %arg1, %mul3A_269 : i32
      %mul3A_271 = arith.constant 624 : i32
      %mul3A_272 = arith.muli %arg1, %mul3A_271 : i32
      %run_scoped3A_273 = arith.constant 3 : i32
      "tpu.region"() ({
        %run_scoped3A_280 = tpu.sem_alloc : memref<!tpu.dma_semaphore, #tpu.memory_space<semaphore_mem>>
        %dma_start3A_281 = arith.constant 0 : i32
        %dma_start3A_282 = arith.constant 0 : i32
        %dma_start3A_283 = tpu.memref_slice %arg5[%run_scoped3A_273, %dma_start3A_281, %dma_start3A_282] : memref<4x10000x128xf32, #tpu.memory_space<hbm>> -> memref<1x10000x128xf32, #tpu.memory_space<hbm>>
        %dma_start3A_284 = tpu.memref_squeeze %dma_start3A_283 : memref<1x10000x128xf32, #tpu.memory_space<hbm>> -> memref<10000x128xf32, #tpu.memory_space<hbm>>
        %dma_start3A_285 = arith.constant 0 : i32
        %dma_start3A_286 = tpu.memref_slice %dma_start3A_284[%mul3A_272, %dma_start3A_285] : memref<10000x128xf32, #tpu.memory_space<hbm>> -> memref<624x128xf32, #tpu.memory_space<hbm>>
        %dma_start3A_287 = arith.constant 0 : i32
        %dma_start3A_288 = tpu.memref_slice %arg14[%mul3A_270, %dma_start3A_287] : memref<10000x128xf32, #tpu.memory_space<vmem_shared>> -> memref<624x128xf32, #tpu.memory_space<vmem_shared>>
        tpu.enqueue_dma source(%dma_start3A_288 : memref<624x128xf32, #tpu.memory_space<vmem_shared>>) target(%dma_start3A_286 : memref<624x128xf32, #tpu.memory_space<hbm>>) target_semaphore(%run_scoped3A_280 : memref<!tpu.dma_semaphore, #tpu.memory_space<semaphore_mem>>)
        %dma_wait3A_289 = arith.constant 0 : i32
        %dma_wait3A_290 = arith.constant 0 : i32
        %dma_wait3A_291 = tpu.memref_slice %arg5[%run_scoped3A_273, %dma_wait3A_289, %dma_wait3A_290] : memref<4x10000x128xf32, #tpu.memory_space<hbm>> -> memref<1x10000x128xf32, #tpu.memory_space<hbm>>
        %dma_wait3A_292 = tpu.memref_squeeze %dma_wait3A_291 : memref<1x10000x128xf32, #tpu.memory_space<hbm>> -> memref<10000x128xf32, #tpu.memory_space<hbm>>
        %dma_wait3A_293 = arith.constant 0 : i32
        %dma_wait3A_294 = tpu.memref_slice %dma_wait3A_292[%mul3A_272, %dma_wait3A_293] : memref<10000x128xf32, #tpu.memory_space<hbm>> -> memref<624x128xf32, #tpu.memory_space<hbm>>
        %dma_wait3A_295 = arith.constant 0 : i32
        %dma_wait3A_296 = tpu.memref_slice %arg14[%mul3A_270, %dma_wait3A_295] : memref<10000x128xf32, #tpu.memory_space<vmem_shared>> -> memref<624x128xf32, #tpu.memory_space<vmem_shared>>
        tpu.wait_dma2 semaphore(%run_scoped3A_280 : memref<!tpu.dma_semaphore, #tpu.memory_space<semaphore_mem>>) src(%dma_wait3A_296 : memref<624x128xf32, #tpu.memory_space<vmem_shared>>) dst(%dma_wait3A_294 : memref<624x128xf32, #tpu.memory_space<hbm>>)
        tpu.yield
      }) : () -> ()
      %eq3A_274 = arith.constant 15 : i32
      %eq3A_275 = arith.cmpi eq, %arg1, %eq3A_274 : i32
      %convert_element_type3A_276 = arith.extui %eq3A_275 : i1 to i32
      %cond3A_277 = arith.constant 3 : i32
      %cond3A_278 = arith.constant 0 : i32
      %cond3A_279 = arith.cmpi ne, %convert_element_type3A_276, %cond3A_278 : i32
      scf.if %cond3A_279 {
        "tpu.region"() ({
          %run_scoped3A_280 = tpu.sem_alloc : memref<!tpu.dma_semaphore, #tpu.memory_space<semaphore_mem>>
          %dma_start3A_281 = arith.constant 0 : i32
          %dma_start3A_282 = arith.constant 0 : i32
          %dma_start3A_283 = tpu.memref_slice %arg5[%cond3A_277, %dma_start3A_281, %dma_start3A_282] : memref<4x10000x128xf32, #tpu.memory_space<hbm>> -> memref<1x10000x128xf32, #tpu.memory_space<hbm>>
          %dma_start3A_284 = tpu.memref_squeeze %dma_start3A_283 : memref<1x10000x128xf32, #tpu.memory_space<hbm>> -> memref<10000x128xf32, #tpu.memory_space<hbm>>
          %dma_start3A_285 = arith.constant 9984 : i32
          %dma_start3A_286 = arith.constant 0 : i32
          %dma_start3A_287 = tpu.memref_slice %dma_start3A_284[%dma_start3A_285, %dma_start3A_286] : memref<10000x128xf32, #tpu.memory_space<hbm>> -> memref<16x128xf32, #tpu.memory_space<hbm>>
          %dma_start3A_288 = arith.constant 9984 : i32
          %dma_start3A_289 = arith.constant 0 : i32
          %dma_start3A_290 = tpu.memref_slice %arg14[%dma_start3A_288, %dma_start3A_289] : memref<10000x128xf32, #tpu.memory_space<vmem_shared>> -> memref<16x128xf32, #tpu.memory_space<vmem_shared>>
          tpu.enqueue_dma source(%dma_start3A_290 : memref<16x128xf32, #tpu.memory_space<vmem_shared>>) target(%dma_start3A_287 : memref<16x128xf32, #tpu.memory_space<hbm>>) target_semaphore(%run_scoped3A_280 : memref<!tpu.dma_semaphore, #tpu.memory_space<semaphore_mem>>)
          %dma_wait3A_291 = arith.constant 0 : i32
          %dma_wait3A_292 = arith.constant 0 : i32
          %dma_wait3A_293 = tpu.memref_slice %arg5[%cond3A_277, %dma_wait3A_291, %dma_wait3A_292] : memref<4x10000x128xf32, #tpu.memory_space<hbm>> -> memref<1x10000x128xf32, #tpu.memory_space<hbm>>
          %dma_wait3A_294 = tpu.memref_squeeze %dma_wait3A_293 : memref<1x10000x128xf32, #tpu.memory_space<hbm>> -> memref<10000x128xf32, #tpu.memory_space<hbm>>
          %dma_wait3A_295 = arith.constant 9984 : i32
          %dma_wait3A_296 = arith.constant 0 : i32
          %dma_wait3A_297 = tpu.memref_slice %dma_wait3A_294[%dma_wait3A_295, %dma_wait3A_296] : memref<10000x128xf32, #tpu.memory_space<hbm>> -> memref<16x128xf32, #tpu.memory_space<hbm>>
          %dma_wait3A_298 = arith.constant 9984 : i32
          %dma_wait3A_299 = arith.constant 0 : i32
          %dma_wait3A_300 = tpu.memref_slice %arg14[%dma_wait3A_298, %dma_wait3A_299] : memref<10000x128xf32, #tpu.memory_space<vmem_shared>> -> memref<16x128xf32, #tpu.memory_space<vmem_shared>>
          tpu.wait_dma2 semaphore(%run_scoped3A_280 : memref<!tpu.dma_semaphore, #tpu.memory_space<semaphore_mem>>) src(%dma_wait3A_300 : memref<16x128xf32, #tpu.memory_space<vmem_shared>>) dst(%dma_wait3A_297 : memref<16x128xf32, #tpu.memory_space<hbm>>)
          tpu.yield
        }) : () -> ()
      } else {
      }
    } else {
    }
    return
  }
}

module attributes {stable_mosaic.version = 14 : i64} {
  func.func @_mm1_body(%arg0: i32, %arg1: i32, %arg2: memref<1000x256xf32, #tpu.memory_space<vmem>>, %arg3: memref<256x128xf32, #tpu.memory_space<vmem>>, %arg4: memref<2x1000x128xf32, #tpu.memory_space<vmem>>, %arg5: memref<1x1000x128xf32, #tpu.memory_space<vmem>>, %arg6: memref<1000x1xf32, #tpu.memory_space<vmem>>) attributes {dimension_semantics = [#tpu.dimension_semantics<arbitrary>, #tpu.dimension_semantics<arbitrary>], iteration_bounds = array<i64: 10, 4>, scalar_prefetch = 0 : i64, scratch_operands = 0 : i64, tpu.core_type = #tpu.core_type<tc>, window_params = [{transform_indices = @transform_0, window_bounds = array<i64: 1000, 256>}, {transform_indices = @transform_1, window_bounds = array<i64: 256, 128>}, {transform_indices = @transform_2, window_bounds = array<i64: 2, 1000, 128>}, {transform_indices = @transform_3, window_bounds = array<i64: 1, 1000, 128>}, {transform_indices = @transform_4, window_bounds = array<i64: 1000, 1>}]} {
    %get3A = arith.constant 0 : index
    %get3A_0 = arith.constant 0 : index
    %get3A_1 = arith.constant 0 : index
    %get3A_2 = vector.load %arg4[%get3A, %get3A_0, %get3A_1] : memref<2x1000x128xf32, #tpu.memory_space<vmem>>, vector<1x1000x1xf32>
    %get3A_3 = vector.shape_cast %get3A_2 : vector<1x1000x1xf32> to vector<1000x1xf32>
    %get3A_4 = arith.constant 1 : index
    %get3A_5 = arith.constant 0 : index
    %get3A_6 = arith.constant 0 : index
    %get3A_7 = vector.load %arg4[%get3A_4, %get3A_5, %get3A_6] : memref<2x1000x128xf32, #tpu.memory_space<vmem>>, vector<1x1000x1xf32>
    %get3A_8 = vector.shape_cast %get3A_7 : vector<1x1000x1xf32> to vector<1000x1xf32>
    %add3A = arith.addf %get3A_3, %get3A_8 : vector<1000x1xf32>
    %add3A_9 = arith.constant 1.000000e+00 : f32
    %add3A_10 = vector.broadcast %add3A_9 : f32 to vector<1000x1xf32>
    %add3A_11 = arith.addf %add3A, %add3A_10 : vector<1000x1xf32>
    %max3A = arith.constant 1.000000e+00 : f32
    %max3A_12 = vector.broadcast %max3A : f32 to vector<1000x1xf32>
    %max3A_13 = arith.maximumf %add3A_11, %max3A_12 : vector<1000x1xf32>
    %rsqrt3A = math.rsqrt %max3A_13 : vector<1000x1xf32>
    %get3A_14 = arith.constant 0 : index
    %get3A_15 = arith.constant 0 : index
    %get3A_16 = vector.load %arg2[%get3A_14, %get3A_15] : memref<1000x256xf32, #tpu.memory_space<vmem>>, vector<1000x256xf32>
    %convert_element_type3A = arith.truncf %get3A_16 : vector<1000x256xf32> to vector<1000x256xbf16>
    %get3A_17 = arith.constant 0 : index
    %get3A_18 = arith.constant 0 : index
    %get3A_19 = vector.load %arg3[%get3A_17, %get3A_18] : memref<256x128xf32, #tpu.memory_space<vmem>>, vector<256x128xf32>
    %convert_element_type3A_20 = arith.truncf %get3A_19 : vector<256x128xf32> to vector<256x128xbf16>
    %dot_general3A = arith.constant dense<0.000000e+00> : vector<1000x128xf32>
    %dot_general3A_21 = tpu.matmul %convert_element_type3A, %convert_element_type3A_20, %dot_general3A {dimension_numbers = #tpu.dot_dimension_numbers<[1], [0], [0], [1], [0, 0, 1, 1], [], []>, transpose_lhs_hint = false} : vector<1000x256xbf16>, vector<256x128xbf16>, vector<1000x128xf32> -> vector<1000x128xf32>
    %mul3A = vector.broadcast %rsqrt3A : vector<1000x1xf32> to vector<1000x128xf32>
    %mul3A_22 = arith.mulf %dot_general3A_21, %mul3A : vector<1000x128xf32>
    %swap3A = arith.constant 0 : index
    %swap3A_23 = arith.constant 0 : index
    %swap3A_24 = arith.constant 0 : index
    %swap3A_25 = vector.load %arg5[%swap3A, %swap3A_23, %swap3A_24] : memref<1x1000x128xf32, #tpu.memory_space<vmem>>, vector<1x1000x128xf32>
    %swap3A_26 = vector.shape_cast %swap3A_25 : vector<1x1000x128xf32> to vector<1000x128xf32>
    %swap3A_27 = vector.shape_cast %mul3A_22 : vector<1000x128xf32> to vector<1x1000x128xf32>
    tpu.vector_store %arg5[%swap3A, %swap3A_23, %swap3A_24], %swap3A_27 {strides = array<i32>} : memref<1x1000x128xf32, #tpu.memory_space<vmem>>, vector<1x1000x128xf32>,
    %swap3A_28 = arith.constant 0 : index
    %swap3A_29 = arith.constant 0 : index
    %swap3A_30 = vector.load %arg6[%swap3A_28, %swap3A_29] : memref<1000x1xf32, #tpu.memory_space<vmem>>, vector<1000x1xf32>
    tpu.vector_store %arg6[%swap3A_28, %swap3A_29], %rsqrt3A {strides = array<i32>} : memref<1000x1xf32, #tpu.memory_space<vmem>>, vector<1000x1xf32>,
    return
  }
  func.func @transform_0(%arg0: i32, %arg1: i32) -> (i32, i32) {
    %c0_i32 = arith.constant 0 : i32
    %c0_i32_0 = arith.constant 0 : i32
    return %arg0, %c0_i32 : i32, i32
  }
  func.func @transform_1(%arg0: i32, %arg1: i32) -> (i32, i32) {
    %c0_i32 = arith.constant 0 : i32
    %c0_i32_0 = arith.constant 0 : i32
    return %c0_i32, %arg1 : i32, i32
  }
  func.func @transform_2(%arg0: i32, %arg1: i32) -> (i32, i32, i32) {
    %c0_i32 = arith.constant 0 : i32
    %c0_i32_0 = arith.constant 0 : i32
    %c0_i32_1 = arith.constant 0 : i32
    return %c0_i32, %arg0, %c0_i32_0 : i32, i32, i32
  }
  func.func @transform_3(%arg0: i32, %arg1: i32) -> (i32, i32, i32) {
    %c0_i32 = arith.constant 0 : i32
    %c0_i32_0 = arith.constant 0 : i32
    return %arg1, %arg0, %c0_i32 : i32, i32, i32
  }
  func.func @transform_4(%arg0: i32, %arg1: i32) -> (i32, i32) {
    %c0_i32 = arith.constant 0 : i32
    %c0_i32_0 = arith.constant 0 : i32
    return %arg0, %c0_i32 : i32, i32
  }
}

module attributes {stable_mosaic.version = 14 : i64} {
  func.func @_mm2_body(%arg0: i32, %arg1: memref<4x1000x128xf32, #tpu.memory_space<vmem>>, %arg2: memref<1000x1xf32, #tpu.memory_space<vmem>>, %arg3: memref<4x1x128xf32, #tpu.memory_space<vmem>>, %arg4: memref<4x128x128xf32, #tpu.memory_space<vmem>>, %arg5: memref<1000x128xf32, #tpu.memory_space<vmem>>) attributes {dimension_semantics = [#tpu.dimension_semantics<arbitrary>], iteration_bounds = array<i64: 10>, scalar_prefetch = 0 : i64, scratch_operands = 0 : i64, tpu.core_type = #tpu.core_type<tc>, window_params = [{transform_indices = @transform_0, window_bounds = array<i64: 4, 1000, 128>}, {transform_indices = @transform_1, window_bounds = array<i64: 1000, 1>}, {pipeline_mode = #tpu.pipeline_mode<synchronous>, transform_indices = @transform_2, window_bounds = array<i64: 4, 1, 128>}, {pipeline_mode = #tpu.pipeline_mode<synchronous>, transform_indices = @transform_3, window_bounds = array<i64: 4, 128, 128>}, {transform_indices = @transform_4, window_bounds = array<i64: 1000, 128>}]} {
    %get3A = arith.constant 0 : index
    %get3A_0 = arith.constant 0 : index
    %get3A_1 = vector.load %arg2[%get3A, %get3A_0] : memref<1000x1xf32, #tpu.memory_space<vmem>>, vector<1000x1xf32>
    %broadcast_in_dim3A = arith.constant 0.000000e+00 : f32
    %broadcast_in_dim3A_2 = vector.broadcast %broadcast_in_dim3A : f32 to vector<1000x128xf32>
    %get3A_3 = arith.constant 0 : index
    %get3A_4 = arith.constant 0 : index
    %get3A_5 = arith.constant 0 : index
    %get3A_6 = vector.load %arg1[%get3A_3, %get3A_4, %get3A_5] : memref<4x1000x128xf32, #tpu.memory_space<vmem>>, vector<1x1000x128xf32>
    %get3A_7 = vector.shape_cast %get3A_6 : vector<1x1000x128xf32> to vector<1000x128xf32>
    %mul3A = vector.broadcast %get3A_1 : vector<1000x1xf32> to vector<1000x128xf32>
    %mul3A_8 = arith.mulf %get3A_7, %mul3A : vector<1000x128xf32>
    %get3A_9 = arith.constant 0 : index
    %get3A_10 = arith.constant 0 : index
    %get3A_11 = arith.constant 0 : index
    %get3A_12 = vector.load %arg3[%get3A_9, %get3A_10, %get3A_11] : memref<4x1x128xf32, #tpu.memory_space<vmem>>, vector<1x1x128xf32>
    %get3A_13 = vector.shape_cast %get3A_12 : vector<1x1x128xf32> to vector<1x128xf32>
    %add3A = vector.broadcast %get3A_13 : vector<1x128xf32> to vector<1000x128xf32>
    %add3A_14 = arith.addf %mul3A_8, %add3A : vector<1000x128xf32>
    %max3A = arith.constant 0.000000e+00 : f32
    %max3A_15 = vector.broadcast %max3A : f32 to vector<1000x128xf32>
    %max3A_16 = arith.maximumf %add3A_14, %max3A_15 : vector<1000x128xf32>
    %convert_element_type3A = arith.truncf %max3A_16 : vector<1000x128xf32> to vector<1000x128xbf16>
    %get3A_17 = arith.constant 0 : index
    %get3A_18 = arith.constant 0 : index
    %get3A_19 = arith.constant 0 : index
    %get3A_20 = vector.load %arg4[%get3A_17, %get3A_18, %get3A_19] : memref<4x128x128xf32, #tpu.memory_space<vmem>>, vector<1x128x128xf32>
    %get3A_21 = vector.shape_cast %get3A_20 : vector<1x128x128xf32> to vector<128x128xf32>
    %convert_element_type3A_22 = arith.truncf %get3A_21 : vector<128x128xf32> to vector<128x128xbf16>
    %dot_general3A = arith.constant dense<0.000000e+00> : vector<1000x128xf32>
    %dot_general3A_23 = tpu.matmul %convert_element_type3A, %convert_element_type3A_22, %dot_general3A {dimension_numbers = #tpu.dot_dimension_numbers<[1], [0], [0], [1], [0, 0, 1, 1], [], []>, transpose_lhs_hint = false} : vector<1000x128xbf16>, vector<128x128xbf16>, vector<1000x128xf32> -> vector<1000x128xf32>
    %add3A_24 = arith.addf %broadcast_in_dim3A_2, %dot_general3A_23 : vector<1000x128xf32>
    %get3A_25 = arith.constant 1 : index
    %get3A_26 = arith.constant 0 : index
    %get3A_27 = arith.constant 0 : index
    %get3A_28 = vector.load %arg1[%get3A_25, %get3A_26, %get3A_27] : memref<4x1000x128xf32, #tpu.memory_space<vmem>>, vector<1x1000x128xf32>
    %get3A_29 = vector.shape_cast %get3A_28 : vector<1x1000x128xf32> to vector<1000x128xf32>
    %mul3A_30 = vector.broadcast %get3A_1 : vector<1000x1xf32> to vector<1000x128xf32>
    %mul3A_31 = arith.mulf %get3A_29, %mul3A_30 : vector<1000x128xf32>
    %get3A_32 = arith.constant 1 : index
    %get3A_33 = arith.constant 0 : index
    %get3A_34 = arith.constant 0 : index
    %get3A_35 = vector.load %arg3[%get3A_32, %get3A_33, %get3A_34] : memref<4x1x128xf32, #tpu.memory_space<vmem>>, vector<1x1x128xf32>
    %get3A_36 = vector.shape_cast %get3A_35 : vector<1x1x128xf32> to vector<1x128xf32>
    %add3A_37 = vector.broadcast %get3A_36 : vector<1x128xf32> to vector<1000x128xf32>
    %add3A_38 = arith.addf %mul3A_31, %add3A_37 : vector<1000x128xf32>
    %max3A_39 = arith.constant 0.000000e+00 : f32
    %max3A_40 = vector.broadcast %max3A_39 : f32 to vector<1000x128xf32>
    %max3A_41 = arith.maximumf %add3A_38, %max3A_40 : vector<1000x128xf32>
    %convert_element_type3A_42 = arith.truncf %max3A_41 : vector<1000x128xf32> to vector<1000x128xbf16>
    %get3A_43 = arith.constant 1 : index
    %get3A_44 = arith.constant 0 : index
    %get3A_45 = arith.constant 0 : index
    %get3A_46 = vector.load %arg4[%get3A_43, %get3A_44, %get3A_45] : memref<4x128x128xf32, #tpu.memory_space<vmem>>, vector<1x128x128xf32>
    %get3A_47 = vector.shape_cast %get3A_46 : vector<1x128x128xf32> to vector<128x128xf32>
    %convert_element_type3A_48 = arith.truncf %get3A_47 : vector<128x128xf32> to vector<128x128xbf16>
    %dot_general3A_49 = arith.constant dense<0.000000e+00> : vector<1000x128xf32>
    %dot_general3A_50 = tpu.matmul %convert_element_type3A_42, %convert_element_type3A_48, %dot_general3A_49 {dimension_numbers = #tpu.dot_dimension_numbers<[1], [0], [0], [1], [0, 0, 1, 1], [], []>, transpose_lhs_hint = false} : vector<1000x128xbf16>, vector<128x128xbf16>, vector<1000x128xf32> -> vector<1000x128xf32>
    %add3A_51 = arith.addf %add3A_24, %dot_general3A_50 : vector<1000x128xf32>
    %get3A_52 = arith.constant 2 : index
    %get3A_53 = arith.constant 0 : index
    %get3A_54 = arith.constant 0 : index
    %get3A_55 = vector.load %arg1[%get3A_52, %get3A_53, %get3A_54] : memref<4x1000x128xf32, #tpu.memory_space<vmem>>, vector<1x1000x128xf32>
    %get3A_56 = vector.shape_cast %get3A_55 : vector<1x1000x128xf32> to vector<1000x128xf32>
    %mul3A_57 = vector.broadcast %get3A_1 : vector<1000x1xf32> to vector<1000x128xf32>
    %mul3A_58 = arith.mulf %get3A_56, %mul3A_57 : vector<1000x128xf32>
    %get3A_59 = arith.constant 2 : index
    %get3A_60 = arith.constant 0 : index
    %get3A_61 = arith.constant 0 : index
    %get3A_62 = vector.load %arg3[%get3A_59, %get3A_60, %get3A_61] : memref<4x1x128xf32, #tpu.memory_space<vmem>>, vector<1x1x128xf32>
    %get3A_63 = vector.shape_cast %get3A_62 : vector<1x1x128xf32> to vector<1x128xf32>
    %add3A_64 = vector.broadcast %get3A_63 : vector<1x128xf32> to vector<1000x128xf32>
    %add3A_65 = arith.addf %mul3A_58, %add3A_64 : vector<1000x128xf32>
    %max3A_66 = arith.constant 0.000000e+00 : f32
    %max3A_67 = vector.broadcast %max3A_66 : f32 to vector<1000x128xf32>
    %max3A_68 = arith.maximumf %add3A_65, %max3A_67 : vector<1000x128xf32>
    %convert_element_type3A_69 = arith.truncf %max3A_68 : vector<1000x128xf32> to vector<1000x128xbf16>
    %get3A_70 = arith.constant 2 : index
    %get3A_71 = arith.constant 0 : index
    %get3A_72 = arith.constant 0 : index
    %get3A_73 = vector.load %arg4[%get3A_70, %get3A_71, %get3A_72] : memref<4x128x128xf32, #tpu.memory_space<vmem>>, vector<1x128x128xf32>
    %get3A_74 = vector.shape_cast %get3A_73 : vector<1x128x128xf32> to vector<128x128xf32>
    %convert_element_type3A_75 = arith.truncf %get3A_74 : vector<128x128xf32> to vector<128x128xbf16>
    %dot_general3A_76 = arith.constant dense<0.000000e+00> : vector<1000x128xf32>
    %dot_general3A_77 = tpu.matmul %convert_element_type3A_69, %convert_element_type3A_75, %dot_general3A_76 {dimension_numbers = #tpu.dot_dimension_numbers<[1], [0], [0], [1], [0, 0, 1, 1], [], []>, transpose_lhs_hint = false} : vector<1000x128xbf16>, vector<128x128xbf16>, vector<1000x128xf32> -> vector<1000x128xf32>
    %add3A_78 = arith.addf %add3A_51, %dot_general3A_77 : vector<1000x128xf32>
    %get3A_79 = arith.constant 3 : index
    %get3A_80 = arith.constant 0 : index
    %get3A_81 = arith.constant 0 : index
    %get3A_82 = vector.load %arg1[%get3A_79, %get3A_80, %get3A_81] : memref<4x1000x128xf32, #tpu.memory_space<vmem>>, vector<1x1000x128xf32>
    %get3A_83 = vector.shape_cast %get3A_82 : vector<1x1000x128xf32> to vector<1000x128xf32>
    %mul3A_84 = vector.broadcast %get3A_1 : vector<1000x1xf32> to vector<1000x128xf32>
    %mul3A_85 = arith.mulf %get3A_83, %mul3A_84 : vector<1000x128xf32>
    %get3A_86 = arith.constant 3 : index
    %get3A_87 = arith.constant 0 : index
    %get3A_88 = arith.constant 0 : index
    %get3A_89 = vector.load %arg3[%get3A_86, %get3A_87, %get3A_88] : memref<4x1x128xf32, #tpu.memory_space<vmem>>, vector<1x1x128xf32>
    %get3A_90 = vector.shape_cast %get3A_89 : vector<1x1x128xf32> to vector<1x128xf32>
    %add3A_91 = vector.broadcast %get3A_90 : vector<1x128xf32> to vector<1000x128xf32>
    %add3A_92 = arith.addf %mul3A_85, %add3A_91 : vector<1000x128xf32>
    %max3A_93 = arith.constant 0.000000e+00 : f32
    %max3A_94 = vector.broadcast %max3A_93 : f32 to vector<1000x128xf32>
    %max3A_95 = arith.maximumf %add3A_92, %max3A_94 : vector<1000x128xf32>
    %convert_element_type3A_96 = arith.truncf %max3A_95 : vector<1000x128xf32> to vector<1000x128xbf16>
    %get3A_97 = arith.constant 3 : index
    %get3A_98 = arith.constant 0 : index
    %get3A_99 = arith.constant 0 : index
    %get3A_100 = vector.load %arg4[%get3A_97, %get3A_98, %get3A_99] : memref<4x128x128xf32, #tpu.memory_space<vmem>>, vector<1x128x128xf32>
    %get3A_101 = vector.shape_cast %get3A_100 : vector<1x128x128xf32> to vector<128x128xf32>
    %convert_element_type3A_102 = arith.truncf %get3A_101 : vector<128x128xf32> to vector<128x128xbf16>
    %dot_general3A_103 = arith.constant dense<0.000000e+00> : vector<1000x128xf32>
    %dot_general3A_104 = tpu.matmul %convert_element_type3A_96, %convert_element_type3A_102, %dot_general3A_103 {dimension_numbers = #tpu.dot_dimension_numbers<[1], [0], [0], [1], [0, 0, 1, 1], [], []>, transpose_lhs_hint = false} : vector<1000x128xbf16>, vector<128x128xbf16>, vector<1000x128xf32> -> vector<1000x128xf32>
    %add3A_105 = arith.addf %add3A_78, %dot_general3A_104 : vector<1000x128xf32>
    %mul3A_106 = vector.broadcast %get3A_1 : vector<1000x1xf32> to vector<1000x128xf32>
    %mul3A_107 = arith.mulf %add3A_105, %mul3A_106 : vector<1000x128xf32>
    %swap3A = arith.constant 0 : index
    %swap3A_108 = arith.constant 0 : index
    %swap3A_109 = vector.load %arg5[%swap3A, %swap3A_108] : memref<1000x128xf32, #tpu.memory_space<vmem>>, vector<1000x128xf32>
    tpu.vector_store %arg5[%swap3A, %swap3A_108], %mul3A_107 {strides = array<i32>} : memref<1000x128xf32, #tpu.memory_space<vmem>>, vector<1000x128xf32>,
    return
  }
  func.func @transform_0(%arg0: i32) -> (i32, i32, i32) {
    %c0_i32 = arith.constant 0 : i32
    %c0_i32_0 = arith.constant 0 : i32
    %c0_i32_1 = arith.constant 0 : i32
    return %c0_i32, %arg0, %c0_i32_0 : i32, i32, i32
  }
  func.func @transform_1(%arg0: i32) -> (i32, i32) {
    %c0_i32 = arith.constant 0 : i32
    %c0_i32_0 = arith.constant 0 : i32
    return %arg0, %c0_i32 : i32, i32
  }
  func.func @transform_2(%arg0: i32) -> (i32, i32, i32) {
    %c0_i32 = arith.constant 0 : i32
    %c0_i32_0 = arith.constant 0 : i32
    %c0_i32_1 = arith.constant 0 : i32
    %c0_i32_2 = arith.constant 0 : i32
    return %c0_i32, %c0_i32_0, %c0_i32_1 : i32, i32, i32
  }
  func.func @transform_3(%arg0: i32) -> (i32, i32, i32) {
    %c0_i32 = arith.constant 0 : i32
    %c0_i32_0 = arith.constant 0 : i32
    %c0_i32_1 = arith.constant 0 : i32
    %c0_i32_2 = arith.constant 0 : i32
    return %c0_i32, %c0_i32_0, %c0_i32_1 : i32, i32, i32
  }
  func.func @transform_4(%arg0: i32) -> (i32, i32) {
    %c0_i32 = arith.constant 0 : i32
    %c0_i32_0 = arith.constant 0 : i32
    return %arg0, %c0_i32 : i32, i32
  }
}

module attributes {stable_mosaic.version = 14 : i64} {
  func.func @_fin_body(%arg0: i32, %arg1: memref<2x1000x128xf32, #tpu.memory_space<vmem>>, %arg2: memref<1000x128xf32, #tpu.memory_space<vmem>>, %arg3: memref<1000x1xf32, #tpu.memory_space<vmem>>, %arg4: memref<1x128xf32, #tpu.memory_space<vmem>>, %arg5: memref<1000x128xf32, #tpu.memory_space<vmem>>) attributes {dimension_semantics = [#tpu.dimension_semantics<arbitrary>], iteration_bounds = array<i64: 10>, scalar_prefetch = 0 : i64, scratch_operands = 0 : i64, tpu.core_type = #tpu.core_type<tc>, window_params = [{transform_indices = @transform_0, window_bounds = array<i64: 2, 1000, 128>}, {transform_indices = @transform_1, window_bounds = array<i64: 1000, 128>}, {transform_indices = @transform_2, window_bounds = array<i64: 1000, 1>}, {pipeline_mode = #tpu.pipeline_mode<synchronous>, transform_indices = @transform_3, window_bounds = array<i64: 1, 128>}, {transform_indices = @transform_4, window_bounds = array<i64: 1000, 128>}]} {
    %get3A = arith.constant 0 : index
    %get3A_0 = arith.constant 0 : index
    %get3A_1 = arith.constant 0 : index
    %get3A_2 = vector.load %arg1[%get3A, %get3A_0, %get3A_1] : memref<2x1000x128xf32, #tpu.memory_space<vmem>>, vector<1x1000x128xf32>
    %get3A_3 = vector.shape_cast %get3A_2 : vector<1x1000x128xf32> to vector<1000x128xf32>
    %get3A_4 = arith.constant 1 : index
    %get3A_5 = arith.constant 0 : index
    %get3A_6 = arith.constant 0 : index
    %get3A_7 = vector.load %arg1[%get3A_4, %get3A_5, %get3A_6] : memref<2x1000x128xf32, #tpu.memory_space<vmem>>, vector<1x1000x128xf32>
    %get3A_8 = vector.shape_cast %get3A_7 : vector<1x1000x128xf32> to vector<1000x128xf32>
    %add3A = arith.addf %get3A_3, %get3A_8 : vector<1000x128xf32>
    %get3A_9 = arith.constant 0 : index
    %get3A_10 = arith.constant 0 : index
    %get3A_11 = vector.load %arg2[%get3A_9, %get3A_10] : memref<1000x128xf32, #tpu.memory_space<vmem>>, vector<1000x128xf32>
    %sub3A = arith.subf %add3A, %get3A_11 : vector<1000x128xf32>
    %get3A_12 = arith.constant 0 : index
    %get3A_13 = arith.constant 0 : index
    %get3A_14 = vector.load %arg3[%get3A_12, %get3A_13] : memref<1000x1xf32, #tpu.memory_space<vmem>>, vector<1000x1xf32>
    %mul3A = vector.broadcast %get3A_14 : vector<1000x1xf32> to vector<1000x128xf32>
    %mul3A_15 = arith.mulf %sub3A, %mul3A : vector<1000x128xf32>
    %get3A_16 = arith.constant 0 : index
    %get3A_17 = arith.constant 0 : index
    %get3A_18 = vector.load %arg4[%get3A_16, %get3A_17] : memref<1x128xf32, #tpu.memory_space<vmem>>, vector<1x128xf32>
    %add3A_19 = vector.broadcast %get3A_18 : vector<1x128xf32> to vector<1000x128xf32>
    %add3A_20 = arith.addf %mul3A_15, %add3A_19 : vector<1000x128xf32>
    %reduce_max3A = arith.constant dense<0xFF800000> : vector<1000xf32>
    %reduce_max3A_21 = vector.multi_reduction <maximumf>, %add3A_20, %reduce_max3A [1] : vector<1000x128xf32> to vector<1000xf32>
    %broadcast_in_dim3A = vector.shape_cast %reduce_max3A_21 : vector<1000xf32> to vector<1000x1xf32>
    %sub3A_22 = vector.broadcast %broadcast_in_dim3A : vector<1000x1xf32> to vector<1000x128xf32>
    %sub3A_23 = arith.subf %add3A_20, %sub3A_22 : vector<1000x128xf32>
    %exp3A = math.exp %sub3A_23 : vector<1000x128xf32>
    %reduce_sum3A = arith.constant dense<0.000000e+00> : vector<1000xf32>
    %reduce_sum3A_24 = vector.multi_reduction <add>, %exp3A, %reduce_sum3A [1] : vector<1000x128xf32> to vector<1000xf32>
    %broadcast_in_dim3A_25 = vector.shape_cast %reduce_sum3A_24 : vector<1000xf32> to vector<1000x1xf32>
    %log3A = math.log %broadcast_in_dim3A_25 : vector<1000x1xf32>
    %sub3A_26 = vector.broadcast %log3A : vector<1000x1xf32> to vector<1000x128xf32>
    %sub3A_27 = arith.subf %sub3A_23, %sub3A_26 : vector<1000x128xf32>
    %swap3A = arith.constant 0 : index
    %swap3A_28 = arith.constant 0 : index
    %swap3A_29 = vector.load %arg5[%swap3A, %swap3A_28] : memref<1000x128xf32, #tpu.memory_space<vmem>>, vector<1000x128xf32>
    tpu.vector_store %arg5[%swap3A, %swap3A_28], %sub3A_27 {strides = array<i32>} : memref<1000x128xf32, #tpu.memory_space<vmem>>, vector<1000x128xf32>,
    return
  }
  func.func @transform_0(%arg0: i32) -> (i32, i32, i32) {
    %c0_i32 = arith.constant 0 : i32
    %c0_i32_0 = arith.constant 0 : i32
    %c0_i32_1 = arith.constant 0 : i32
    return %c0_i32, %arg0, %c0_i32_0 : i32, i32, i32
  }
  func.func @transform_1(%arg0: i32) -> (i32, i32) {
    %c0_i32 = arith.constant 0 : i32
    %c0_i32_0 = arith.constant 0 : i32
    return %arg0, %c0_i32 : i32, i32
  }
  func.func @transform_2(%arg0: i32) -> (i32, i32) {
    %c0_i32 = arith.constant 0 : i32
    %c0_i32_0 = arith.constant 0 : i32
    return %arg0, %c0_i32 : i32, i32
  }
  func.func @transform_3(%arg0: i32) -> (i32, i32) {
    %c0_i32 = arith.constant 0 : i32
    %c0_i32_0 = arith.constant 0 : i32
    %c0_i32_1 = arith.constant 0 : i32
    return %c0_i32, %c0_i32_0 : i32, i32
  }
  func.func @transform_4(%arg0: i32) -> (i32, i32) {
    %c0_i32 = arith.constant 0 : i32
    %c0_i32_0 = arith.constant 0 : i32
    return %arg0, %c0_i32 : i32, i32
  }
}

</mosaic_0001>

<sc_bundles>
// kernel: kernel.11.cloned.1.call-start
scs
__scs_entry_jumppad:
0x0: {  	(pc) =	sbr.rel $0x88, $3  }
0x1: {  	(tag) =	ssettag $0x0;
	lr =	simm.s32 $0x1  }
0x2: {  	[smem:$0x3F9B] =	sst lr;
	_ =	strace $0xD0000000  }
0x3: {  	_ = 	snop  }
0x4: {  	_ = 	snop  }
0x5: {  	_ = 	snop  }
0x6: {  	_ = 	snop  }
0x7: {  	_ = 	snop  }
__scs_overlays_trampoline_lowered:
0x8: {  	[smem:$0x3FAA] =	sst s0  }
0x9: {  	[smem:$0x3FAB] =	sst s1  }
0xa: {  	[smem:$0x3FAC] =	sst s2  }
0xb: {  	[smem:$0x3FAD] =	sst s3  }
0xc: {  	[smem:$0x3FAE] =	sst s4  }
0xd: {  	[smem:$0x3FAF] =	sst s5  }
0xe: {  	[smem:$0x3FB0] =	sst s6  }
0xf: {  	[smem:$0x3FB1] =	sst s7  }
0x10: {  	[smem:$0x3FB2] =	sst s8  }
0x11: {  	[smem:$0x3FB3] =	sst s9;
	s0 =	simm.s32 @!p0 $0x0  }
0x12: {  	s1 =	sld [smem:$0x3F99];
	s0 =	simm.s32 @p0 $0x1  }
0x13: {  	[smem:$0x3FB4] =	sst s0;
	s0 =	simm.s32 @!p1 $0x0  }
0x14: {  	s2 =	sld [smem:$0x3F98];
	s0 =	simm.s32 @p1 $0x1  }
0x15: {  	[smem:$0x3FB5] =	sst s0;
	s0 =	simm.s32 @!p2 $0x0  }
0x16: {  	s3 =	sld [smem:$0x3FDB];
	s0 =	simm.s32 @p2 $0x1  }
0x17: {  	s4 =	simm.s32 $0x1BF5;
	[smem:$0x3FB7] =	sst s0  }
0x18: {  	s0 =	sld [smem:$0x3F9A];
	_ =	swait.ge [sflag:s4], $0x0  }
0x19: {  	s7 =	sld [smem:$0x3F9B]  }
0x1a: {  	s8 =	sadd.s32 $0xFFFFE003, lr  }
0x1b: {  	s9 =	sadd.s32 $0xFFFFFEF7, lr;
	s5 =	simm.s32 $0xFFFFFFFF;
	p2 =	slt.u32 s8, $0xFFFFF086  }
0x1c: {  	p1 =	slt.u32 s9, $0xF7A;
	s5 =	simm.s32 @!p2 $0x0  }
0x1d: {  	s5 =	simm.s32 @p1 $0x1;
	p0 =	seq.s32 s7, s2  }
0x1e: {  	s7 =	smul.u32 @!p0 $0xF7A, s2;
	p2 =	seq.s32 @!p0 s5, $0x0  }
0x1f: {  	s9 =	smul.u32 $0xF7A, s1;
	s8 =	simm.s32 @!p0 $0x1BF5;
	p2 =	por !p2, p0  }
0x20: {  	[sflag:s8] =	ssyncset.s32 @!p0 $0xFFFFF086;
	s6 =	sadd.s32 @!p0 s3, s7;
	s7 =	simm.s32 @!p0 $0x108  }
0x21: {  	s3 =	sadd.s32 s3, s9;
	s6 =	sadd.s32 @!p0 $0x88, s6;
	s7 =	simm.s32 @p2 $0x1082  }
0x22: {  	[simem:s7], [sflag:s8] =	dma.local @!p0 [hbm:s6], $0xF7A  }
0x23: {  	s9 =	sor.u32 $0xD0000000, s2;
	s6 =	simm.s32 $0x108;
	_ =	swait.ge @!p0 [sflag:s8], $0x0  }
0x24: {  	s3 =	sadd.s32 $0x88, s3;
	s6 =	simm.s32 @!p1 $0x1082;
	[sflag:s4] =	ssyncset.s32 $0xFFFFF086  }
0x25: {  	[simem:s6], [sflag:s4] =	dma.local [hbm:s3], $0xF7A  }
0x26: {  	[smem:$0x3F9B] =	sst s1;
	(tag) =	ssettag s2;
	_ =	strace s9  }
0x27: {  	s1 =	sld [smem:$0x3FAB]  }
0x28: {  	s2 =	sld [smem:$0x3FAC]  }
0x29: {  	s4 =	sld [smem:$0x3FAE]  }
0x2a: {  	p0 =	seq.s32 s5, $0x0;
	s5 =	sld [smem:$0x3FAF]  }
0x2b: {  	s6 =	sld [smem:$0x3FB0]  }
0x2c: {  	s7 =	sld [smem:$0x3FB1]  }
0x2d: {  	s3 =	simm.s32 $0x108;
	s8 =	sld [smem:$0x3FB2]  }
0x2e: {  	s3 =	simm.s32 @!p0 $0x1082;
	s9 =	sld [smem:$0x3FB3]  }
0x2f: {  	lr =	sadd.s32 s0, s3;
	s0 =	sld [smem:$0x3FAA]  }
0x30: {  	s3 =	sld [smem:$0x3FAD]  }
0x31: {  	[smem:$0x3FB6] =	sst s10  }
0x32: {  	s10 =	sld [smem:$0x3FB4];
	_ =	sdelay $0x3  }
0x33: {  	p0 =	seq.s32 s10, $0x1;
	s10 =	sld [smem:$0x3FB6];
	_ =	sdelay $0x3  }
0x34: {  	[smem:$0x3FB6] =	sst s10  }
0x35: {  	s10 =	sld [smem:$0x3FB5];
	_ =	sdelay $0x3  }
0x36: {  	p1 =	seq.s32 s10, $0x1;
	s10 =	sld [smem:$0x3FB6];
	_ =	sdelay $0x3  }
0x37: {  	[smem:$0x3FB6] =	sst s10  }
0x38: {  	s10 =	sld [smem:$0x3FB7]  }
0x39: {  	_ = 	snop;
	(pc) =	sbr.ind lr, $3  }
0x3a: {  	_ = 	snop  }
0x3b: {  	_ = 	snop  }
0x3c: {  	p2 =	seq.s32 s10, $0x1;
	s10 =	sld [smem:$0x3FB6]  }
0x3d: {  	_ =	shalt  }
0x3e: {  	_ =	shalt  }
0x3f: {  	_ =	shalt  }
0x40: {  	_ =	shalt  }
0x41: {  	_ =	shalt  }
0x42: {  	_ =	shalt  }
0x43: {  	_ =	shalt  }
0x44: {  	_ =	shalt  }
0x45: {  	_ =	shalt  }
0x46: {  	_ =	shalt  }
0x47: {  	_ =	shalt  }
0x48: {  	_ =	shalt  }
0x49: {  	_ =	shalt  }
0x4a: {  	_ =	shalt  }
0x4b: {  	_ =	shalt  }
0x4c: {  	_ =	shalt  }
0x4d: {  	_ =	shalt  }
0x4e: {  	_ =	shalt  }
0x4f: {  	_ =	shalt  }
0x50: {  	_ =	shalt  }
0x51: {  	_ =	shalt  }
0x52: {  	_ =	shalt  }
0x53: {  	_ =	shalt  }
0x54: {  	_ =	shalt  }
0x55: {  	_ =	shalt  }
0x56: {  	_ =	shalt  }
0x57: {  	_ =	shalt  }
0x58: {  	_ =	shalt  }
0x59: {  	_ =	shalt  }
0x5a: {  	_ =	shalt  }
0x5b: {  	_ =	shalt  }
0x5c: {  	_ =	shalt  }
0x5d: {  	_ =	shalt  }
0x5e: {  	_ =	shalt  }
0x5f: {  	_ =	shalt  }
0x60: {  	_ =	shalt  }
0x61: {  	_ =	shalt  }
0x62: {  	_ =	shalt  }
0x63: {  	_ =	shalt  }
0x64: {  	_ =	shalt  }
0x65: {  	_ =	shalt  }
0x66: {  	_ =	shalt  }
0x67: {  	_ =	shalt  }
0x68: {  	_ =	shalt  }
0x69: {  	_ =	shalt  }
0x6a: {  	_ =	shalt  }
0x6b: {  	_ =	shalt  }
0x6c: {  	_ =	shalt  }
0x6d: {  	_ =	shalt  }
0x6e: {  	_ =	shalt  }
0x6f: {  	_ =	shalt  }
0x70: {  	_ =	shalt  }
0x71: {  	_ =	shalt  }
0x72: {  	_ =	shalt  }
0x73: {  	_ =	shalt  }
0x74: {  	_ =	shalt  }
0x75: {  	_ =	shalt  }
0x76: {  	_ =	shalt  }
0x77: {  	_ =	shalt  }
0x78: {  	_ =	shalt  }
0x79: {  	_ =	shalt  }
0x7a: {  	_ =	shalt  }
0x7b: {  	_ =	shalt  }
0x7c: {  	_ =	shalt  }
0x7d: {  	_ =	shalt  }
0x7e: {  	_ =	shalt  }
0x7f: {  	_ =	shalt  }
0x80: {  	_ =	shalt  }
0x81: {  	_ =	shalt  }
0x82: {  	_ =	shalt  }
0x83: {  	_ =	shalt  }
0x84: {  	_ =	shalt  }
0x85: {  	_ =	shalt  }
0x86: {  	_ =	shalt  }
0x87: {  	_ =	shalt  }
.Lfunc_end0:
.L_simem_size_0:
called_computation.1_lowered:
.L_overlay_start_0:
0x88: {  	s2 =	sld [smem:$0x3FD9]  }
0x89: {  	s3 =	sld [smem:$0x3FFE];
	_ =	sdelay $0x1  }
0x8a: {  	s1 =	srdreg.scid  }
0x8b: {  	s0 =	sand.u32 $0x1, s1  }
0x8c: {  	s16 =	sshll.u32 s0, $0xA;
	s2 =	sadd.s32 s3, s2  }
0x8d: {  	s2 =	sadd.s32 s2, s16  }
0x8e: {  	[smem:$0x3FC2] =	sst s2  }
0x8f: {  	_ = 	snop  }
0x90: {  	(tm) =	ssettm $0x1  }
0x91: {  	s17 =	sld [smem:$0x3FFB];
	_ =	sdelay $0x3  }
0x92: {  	_ =	strace s17  }
0x93: {  	s2 =	sld [smem:$0x3FFC];
	_ =	sdelay $0x3  }
0x94: {  	_ =	strace s2  }
0x95: {  	s2 =	sld [smem:$0x3FFD];
	_ =	sdelay $0x3  }
0x96: {  	_ =	strace s2  }
0x97: {  	_ =	strace $0x8FFFFFFF  }
0x98: {  	s18 =	sld [smem:$0x3FDB];
	_ =	sdelay $0x1  }
0x99: {  	s19 =	simm.s32 $_scs_section_size  }
0x9a: {  	s4 =	simm.s32 $_size__tile_overlayer_lowered;
	s5 =	simm.s32 $_tile_overlayer_lowered  }
0x9b: {  	s22 =	simm.s32 $0x1BFF;
	s21 =	sshll.u32 s5, $0x1;
	s2 =	sadd.s32 s19, s18  }
0x9c: {  	s6 =	simm.s32 $0x0;
	s20 =	sshll.u32 s4, $0x1;
	s4 =	sadd.s32 s21, s2  }
0x9d: {  	[timem:s6], [sflag:s22] =	dma.local [hbm:s4], s20  }
0x9e: {  	_ =	swait.ge [sflag:s22], s20  }
0x9f: {  	s3 =	ssub.s32 $0x0, s20;
	[sflag:s22] =	ssyncset.done $0x0  }
0xa0: {  	[sflag:s22] =	ssyncadd.s32 s3;
	_ =	sdelay $0x1  }
0xa1: {  	s23 =	simm.s32 $0x1B8B  }
0xa2: {  	_ =	swait.ge [sflag:s23], $0x1  }
0xa3: {  	[sflag:s23] =	ssyncset.done $0x0  }
0xa4: {  	s25 =	simm.s32 $0x1B8E;
	s24 =	sld [smem:$0x3FFE];
	[sflag:s23] =	ssyncadd.s32 $0xFFFFFFFF  }
0xa5: {  	s26 =	simm.s32 $execute0_lowered;
	[smem:$0x3FD2] =	sst s25  }
0xa6: {  	s4 =	sshll.u32 s26, $0x1;
	_ =	strace $0x80000049;
	[dreg:$0x1] =	wrdreg $0xFFFFFFFF  }
0xa7: {  	s28 =	simm.s32 $_size_execute0_lowered;
	s2 =	sadd.s32 s2, s4;
	[dreg:$0x0] =	wrdreg $0x0  }
0xa8: {  	s4 =	sshll.u32 s28, $0x1;
	[dreg:$0x2] =	wrdreg s2  }
0xa9: {  	[dreg:$0x3] =	wrdreg s4  }
0xaa: {  	[dreg:$0x4] =	wrdreg $0xC0  }
0xab: {  	_ =	task [dreg:s6], $0x5FFFF  }
0xac: {  	[dreg:$0x1] =	wrdreg $0xFFFFFFFF  }
0xad: {  	[dreg:$0x0] =	wrdreg $0x60  }
0xae: {  	[dreg:$0x2] =	wrdreg s24  }
0xaf: {  	[dreg:$0x3] =	wrdreg $0xA8000  }
0xb0: {  	[dreg:$0x4] =	wrdreg $0x9  }
0xb1: {  	_ =	task.clear_ibuf [dreg:s6], $0x5FFFF;
	_ =	strace $0x90000049  }
0xb2: {  	s29 =	simm.s32 $0x9;
	_ =	strace $0x8000004B  }
0xb3: {  	_ =	swait.ge [sflag:s29], $0x1  }
0xb4: {  	[sflag:s29] =	ssyncadd.s32 $0xFFFFFFFF  }
0xb5: {  	_ =	strace $0x9000004B  }
0xb6: {  	_ =	sfence  }
0xb7: {  	s30 =	sld [smem:$0x0];
	_ =	sdelay $0x2  }
0xb8: {  	s31 =	sshll.u32 s1, $0xD;
	s1 =	sshrl.u32 s1, $0x2  }
0xb9: {  	s3 =	sand.u32 $0x4000, s31;
	s1 =	sadd.s32 s1, s30  }
0xba: {  	s0 =	sor.u32 s3, s0;
	s1 =	sshll.u32 s1, $0x11  }
0xbb: {  	s0 =	sor.u32 s1, s0  }
0xbc: {  	s0 =	sadd.s32 $0x8F2B, s0  }
0xbd: {  	[sflag:s0] =	ssyncadd.remote.s32 $0x1  }
0xbe: {  	_ =	sfence.sel $0xFFFF  }
0xbf: {  	[dreg:$0x0] =	wrdreg $0xFFFFFFFF;
	(pc) =	sbr.abs _section_cstart, $3  }
0xc0: {  	[dreg:$0x1] =	wrdreg $0xFFFFFFFF  }
0xc1: {  	_ =	task.clear_ibuf [dreg:s6], $0x2FFFF;
	_ =	strace $0x9FFFFFFF  }
0xc2: {  	(tm) =	ssettm $0x7FFFFFFF  }
0xc3: {  	_ =	shalt  }
tec
execute0_lowered:
.L_overlay_start_1:
0x0: {  	(tag) =	ssettag $0x1  }
0x1: {  	s0 =	rddreg [dreg:$0x0]  }
0x2: {  	s1 =	rddreg [dreg:$0x1]  }
0x3: {  	s3 =	simm.s32 $0x0;
	s18 =	stileid.u32;
	s6 =	srdreg.scid  }
0x4: {  	s28 =	simm.s32 $0x80;
	s29 =	simm.s32 $0x2800;
	s5 =	smul.u32 $0x2700, s18  }
0x5: {  	s30 =	simm.s32 $0x1;
	s31 =	simm.s32 $0x6800;
	s7 =	smul.u32 $0x4E000, s18  }
0x6: {  	[smem:$0x7FF] =	sst s3;
	s4 =	sadd.s32 $0x5AC00, s0;
	s13 =	smul.u32 $0xFFFFFFB0, s18  }
0x7: {  	s2 =	sadd.s32 $0x2200, s0;
	s12 =	sadd.s32 $0x7200, s0;
	s10 =	smul.u32 $0x500, s18  }
0x8: {  	s6 =	sand.u32 $0x1, s6;
	s11 =	smul.u32 $0x2800, s18;
	s20 =	sadd.s32 $0x11E100, s0  }
0x9: {  	s22 =	sadd.s32 $0x81C00, s0;
	_ =	strace $0x8000004A;
	[dreg:$0x4] =	wrdreg s20  }
0xa: {  	s24 =	sadd.s32 $0x11E000, s0;
	s25 =	sadd.s32 $0x145200, s0;
	[dreg:$0x6] =	wrdreg s22  }
0xb: {  	p1 =	sne.s32 s18, $0xF;
	p2 =	seq.s32 s18, $0xF;
	[dreg:$0x8] =	wrdreg s24  }
0xc: {  	s8 =	ssub.s32 $0x2, s6;
	[dreg:$0x9] =	wrdreg s25;
	s22 =	sadd.s32 $0xCFF00, s0  }
0xd: {  	s25 =	simm.s32 $0x5;
	s24 =	simm.s32 $0x2780;
	s15 =	sadd.s32 s5, s0  }
0xe: {  	s9 =	sshrl.u32 s8, $0x1;
	s7 =	sshrl.u32 s7, $0x2;
	p0 =	slt.s32 s13, $0xFFFFFB6E  }
0xf: {  	s11 =	sshrl.u32 s11, $0x3;
	s21 =	sadd.s32 s4, s5;
	s16 =	ssub.s32 s8, s9  }
0x10: {  	s7 =	sadd.s32 s7, s1;
	s8 =	sadd.s32 $0x138000, s1;
	s9 =	sadd.s32 s2, s10  }
0x11: {  	s13 =	simm.s32 @!p0 $0xFFFFFB6E;
	s10 =	sadd.s32 s12, s10;
	s14 =	sadd.s32 $0x280, s11  }
0x12: {  	[dreg:$0x5] =	wrdreg s21;
	s23 =	sadd.s32 $0xF7000, s15;
	s21 =	sadd.s32 $0xA8E00, s0  }
0x13: {  	p0 =	sne.s32 s6, $0x0;
	[dreg:$0x3] =	wrdreg s7;
	s7 =	sadd.s32 $0x81D00, s0  }
0x14: {  	s17 =	sshll.u32 s13, $0x9;
	s11 =	sadd.s32 s2, s14;
	s19 =	sadd.s32 $0x4B8, s13  }
.Ltmp0:
0x15: {  	s12 =	sadd.s32 s12, s14;
	[dreg:$0x7] =	wrdreg s23;
	(pc) =	sbr.rel .LBB2_1-.Ltmp0, $4  }
0x16: {  	s0 =	sadd.s32 $0x16C300, s0;
	s26 =	smax.u32 s16, $0x1;
	s16 =	simm.s32 $0x3  }
0x17: {  	s17 =	sshra.s32 s17, $0x2;
	s13 =	sshrl.u32 s19, $0x1;
	[dreg:$0xa] =	wrdreg s0  }
0x18: {  	[dreg:$0xb] =	wrdreg s26;
	s26 =	simm.s32 $0x1400;
	s0 =	simm.s32 $0x2  }
0x19: {  	s19 =	simm.s32 $0x0;
	s14 =	sadd.s32 $0x27080, s17;
	s17 =	simm.s32 $0x4  }
.LBB2_20:
0x1a: {  	s6 =	sadd.s32 $0x27000, s6;
	s15 =	sshrl.u32 s8, $0x3  }
0x1b: {  	[hbm:s6], [sflag:s2] =	dma.local [spmem:s15], $0x100  }
0x1c: {  	_ =	swait.ge [sflag:s25], $0x100  }
0x1d: {  	[sflag:s25] =	ssyncset.done $0x0  }
0x1e: {  	[sflag:s25] =	ssyncadd.s32 $0xFFFFFF00  }
.LBB2_21:
0x1f: {  	s19 =	sadd.s32 $0x1, s19;
	s2 =	rddreg [dreg:$0xb]  }
0x20: {  	p3 =	sne.s32 s19, s2  }
.Ltmp1:
0x21: {  	_ = 	snop;
	(pc) =	sbr.rel @!p3 .LBB2_22-.Ltmp1, $1  }
0x22: {  	_ =	sdelay $0x3  }
.LBB2_1:
.Ltmp2:
0x23: {  	(pc) =	sbr.rel @p0 .LBB2_11-.Ltmp2, $4  }
0x24: {  	_ = 	snop  }
0x25: {  	s2 =	stileid.u32  }
0x26: {  	s23 =	rddreg [dreg:$0x3];
	s18 =	sshll.u32 s2, $0x6  }
0x27: {  	s15 =	sshrl.u32 @!p1 s8, $0x3;
	s6 =	sshrl.u32 s23, $0x3;
	s2 =	sor.u32 $0x1C05, s18  }
0x28: {  	s2 =	sor.u32 $0x1C05, s18;
	s20 =	rddreg [dreg:$0x5]  }
0x29: {  	[spmem:s6], [sflag:s2] =	dma.local [hbm:s20], $0x2700  }
0x2a: {  	_ =	swait.ge [sflag:s25], $0x2700  }
0x2b: {  	[sflag:s25] =	ssyncset.done $0x0  }
0x2c: {  	s18 =	rddreg [dreg:$0x6];
	[sflag:s25] =	ssyncadd.s32 $0xFFFFD900  }
0x2d: {  	[spmem:s15], [sflag:s2] =	dma.local @!p1 [hbm:s18], $0x100  }
0x2e: {  	s18 =	simm.s32 @!p1 $0x5  }
0x2f: {  	_ =	swait.ge @!p1 [sflag:s18], $0x100  }
0x30: {  	[sflag:s18] =	ssyncset.done @!p1 $0x0  }
0x31: {  	[sflag:s18] =	ssyncadd.s32 @!p1 $0xFFFFFF00  }
0x32: {  	[bflag:$0x0] =	sbarrier.arrive $0xFFFF  }
0x33: {  	[tilespmem:s3], [sflag:$0x5] =	stream.linear.gather [hbm4b:s9+s3], $0x1400, $0x38;
	[tilespmem:$0x1E080] =	vst v63  }
0x34: {  	_ =	swait.ge [sflag:s25], $0x1400  }
0x35: {  	[sflag:s25] =	ssyncset.done $0x0  }
0x36: {  	[sflag:s25] =	ssyncadd.s32 $0xFFFFEC00  }
0x37: {  	[tilespmem:s26], [sflag:$0x5] =	stream.linear.gather [hbm4b:s10+s3], $0x1400, $0x38;
	[tilespmem:$0x1E080] =	vst v63  }
0x38: {  	_ =	swait.ge [sflag:s25], $0x1400  }
0x39: {  	[sflag:s25] =	ssyncset.done $0x0  }
0x3a: {  	[sflag:s25] =	ssyncadd.s32 $0xFFFFEC00  }
0x3b: {  	[tilespmem:s29], [sflag:$0x1] =	stream.indirect.gather [hbm4b:s4+s28], $0x80, s3, s28, $0xb8;
	[tilespmem:$0x1E080] =	vst v63  }
0x3c: {  	_ =	swait.ge [sflag:s30], $0x4000  }
0x3d: {  	[sflag:s30] =	ssyncset.done $0x0  }
0x3e: {  	[sflag:s30] =	ssyncadd.s32 $0xFFFFC000  }
0x3f: {  	[spmem:s1] =	stream.indirect.scatter.add.f32 [tilespmem:s29], [sflag:$0x3], $0x80, s26, s28, $0xb8;
	[tilespmem:$0x1E080] =	vst v63  }
0x40: {  	_ = 	snop  }
0x41: {  	[tilespmem:s31], [sflag:$0x2] =	stream.indirect.gather [hbm4b:s4+s28], $0x80, s28, s28, $0xb8;
	[tilespmem:$0x1E080] =	vst v63  }
0x42: {  	_ =	swait.ge [sflag:s0], $0x4000  }
0x43: {  	[sflag:s0] =	ssyncset.done $0x0  }
0x44: {  	[sflag:s0] =	ssyncadd.s32 $0xFFFFC000  }
0x45: {  	_ =	swait.ge [sflag:s16], $0x4000  }
0x46: {  	[sflag:s16] =	ssyncset.done $0x0  }
0x47: {  	s23 =	simm.s32 $0x100;
	[sflag:s16] =	ssyncadd.s32 $0xFFFFC000  }
0x48: {  	[tilespmem:s29], [sflag:$0x1] =	stream.indirect.gather [hbm4b:s4+s28], $0x80, s23, s28, $0xb8;
	[tilespmem:$0x1E080] =	vst v63  }
0x49: {  	s20 =	simm.s32 $0x1480  }
0x4a: {  	[spmem:s1] =	stream.indirect.scatter.add.f32 [tilespmem:s31], [sflag:$0x4], $0x80, s20, s28, $0xb8;
	[tilespmem:$0x1E080] =	vst v63  }
0x4b: {  	_ =	swait.ge [sflag:s30], $0x4000  }
0x4c: {  	[sflag:s30] =	ssyncset.done $0x0  }
0x4d: {  	[sflag:s30] =	ssyncadd.s32 $0xFFFFC000  }
0x4e: {  	_ =	swait.ge [sflag:s17], $0x4000  }
0x4f: {  	s18 =	simm.s32 $0xFFFFB800;
	[sflag:s17] =	ssyncset.done $0x0  }
0x50: {  	s23 =	simm.s32 $0x180;
	s20 =	simm.s32 $0x1500;
	[sflag:s17] =	ssyncadd.s32 $0xFFFFC000  }
0x51: {  	[tilespmem:s31], [sflag:$0x2] =	stream.indirect.gather [hbm4b:s4+s28], $0x80, s23, s28, $0xb8;
	[tilespmem:$0x1E080] =	vst v63  }
.LBB2_3:
0x52: {  	[spmem:s1] =	stream.indirect.scatter.add.f32 [tilespmem:s29], [sflag:$0x3], $0x80, s20, s28, $0xb8;
	[tilespmem:$0x1E080] =	vst v63  }
0x53: {  	s20 =	smov.u32 s18  }
0x54: {  	p3 =	sne.s32 s18, $0xFFFFFC00;
	s18 =	sadd.s32 $0x400, s18;
	_ =	swait.ge [sflag:s0], $0x4000  }
0x55: {  	[sflag:s0] =	ssyncset.done $0x0  }
0x56: {  	[sflag:s0] =	ssyncadd.s32 $0xFFFFC000  }
0x57: {  	_ =	swait.ge [sflag:s16], $0x4000  }
0x58: {  	s20 =	sshra.s32 s20, $0x2;
	[sflag:s16] =	ssyncset.done $0x0  }
0x59: {  	s23 =	sadd.s32 $0x1400, s20;
	[sflag:s16] =	ssyncadd.s32 $0xFFFFC000  }
0x5a: {  	[tilespmem:s29], [sflag:$0x1] =	stream.indirect.gather [hbm4b:s4+s28], $0x80, s23, s28, $0xb8;
	[tilespmem:$0x1E080] =	vst v63  }
0x5b: {  	s23 =	sadd.s32 $0x2780, s20  }
0x5c: {  	[spmem:s1] =	stream.indirect.scatter.add.f32 [tilespmem:s31], [sflag:$0x4], $0x80, s23, s28, $0xb8;
	[tilespmem:$0x1E080] =	vst v63  }
0x5d: {  	_ =	swait.ge [sflag:s30], $0x4000  }
0x5e: {  	[sflag:s30] =	ssyncset.done $0x0  }
0x5f: {  	[sflag:s30] =	ssyncadd.s32 $0xFFFFC000  }
.Ltmp3:
0x60: {  	_ =	swait.ge [sflag:s17], $0x4000;
	(pc) =	sbr.rel @p3 .LBB2_3-.Ltmp3, $4  }
0x61: {  	[sflag:s17] =	ssyncset.done $0x0  }
0x62: {  	s23 =	sadd.s32 $0x1480, s20;
	[sflag:s17] =	ssyncadd.s32 $0xFFFFC000  }
0x63: {  	[tilespmem:s31], [sflag:$0x2] =	stream.indirect.gather [hbm4b:s4+s28], $0x80, s23, s28, $0xb8;
	[tilespmem:$0x1E080] =	vst v63  }
0x64: {  	s20 =	sadd.s32 $0x2800, s20  }
0x65: {  	[spmem:s1] =	stream.indirect.scatter.add.f32 [tilespmem:s29], [sflag:$0x3], $0x80, s20, s28, $0xb8;
	[tilespmem:$0x1E080] =	vst v63  }
0x66: {  	_ =	swait.ge [sflag:s0], $0x4000  }
0x67: {  	[sflag:s0] =	ssyncset.done $0x0  }
0x68: {  	[sflag:s0] =	ssyncadd.s32 $0xFFFFC000  }
0x69: {  	[spmem:s1] =	stream.indirect.scatter.add.f32 [tilespmem:s31], [sflag:$0x4], $0x80, s24, s28, $0xb8;
	[tilespmem:$0x1E080] =	vst v63  }
0x6a: {  	_ =	swait.ge [sflag:s16], $0x4000  }
0x6b: {  	[sflag:s16] =	ssyncset.done $0x0  }
0x6c: {  	[sflag:s16] =	ssyncadd.s32 $0xFFFFC000  }
0x6d: {  	_ =	swait.ge [sflag:s17], $0x4000  }
0x6e: {  	[sflag:s17] =	ssyncset.done $0x0  }
0x6f: {  	[sflag:s17] =	ssyncadd.s32 $0xFFFFC000  }
0x70: {  	[tilespmem:s3], [sflag:$0x5] =	stream.linear.gather [hbm4b:s11+s3], $0x1400, $0x38;
	[tilespmem:$0x1E080] =	vst v63  }
0x71: {  	_ =	swait.ge [sflag:s25], $0x1400  }
0x72: {  	[sflag:s25] =	ssyncset.done $0x0  }
0x73: {  	[sflag:s25] =	ssyncadd.s32 $0xFFFFEC00  }
0x74: {  	[tilespmem:s26], [sflag:$0x5] =	stream.linear.gather [hbm4b:s12+s3], $0x1400, $0x38;
	[tilespmem:$0x1E080] =	vst v63  }
0x75: {  	_ =	swait.ge [sflag:s25], $0x1400  }
0x76: {  	[sflag:s25] =	ssyncset.done $0x0  }
0x77: {  	[sflag:s25] =	ssyncadd.s32 $0xFFFFEC00  }
0x78: {  	[tilespmem:s29], [sflag:$0x1] =	stream.indirect.gather [hbm4b:s4+s28], $0x80, s3, s28, $0xb8;
	[tilespmem:$0x1E080] =	vst v63  }
0x79: {  	_ =	swait.ge [sflag:s30], $0x4000  }
0x7a: {  	[sflag:s30] =	ssyncset.done $0x0  }
0x7b: {  	[sflag:s30] =	ssyncadd.s32 $0xFFFFC000  }
0x7c: {  	[spmem:s1] =	stream.indirect.scatter.add.f32 [tilespmem:s29], [sflag:$0x3], $0x80, s26, s28, $0xb8;
	[tilespmem:$0x1E080] =	vst v63  }
0x7d: {  	_ = 	snop  }
0x7e: {  	[tilespmem:s31], [sflag:$0x2] =	stream.indirect.gather [hbm4b:s4+s28], $0x80, s28, s28, $0xb8;
	[tilespmem:$0x1E080] =	vst v63  }
0x7f: {  	_ =	swait.ge [sflag:s0], $0x4000  }
0x80: {  	[sflag:s0] =	ssyncset.done $0x0  }
0x81: {  	[sflag:s0] =	ssyncadd.s32 $0xFFFFC000  }
0x82: {  	_ =	swait.ge [sflag:s16], $0x4000  }
0x83: {  	[sflag:s16] =	ssyncset.done $0x0  }
0x84: {  	s18 =	simm.s32 $0x100;
	[sflag:s16] =	ssyncadd.s32 $0xFFFFC000  }
0x85: {  	[tilespmem:s29], [sflag:$0x1] =	stream.indirect.gather [hbm4b:s4+s28], $0x80, s18, s28, $0xb8;
	[tilespmem:$0x1E080] =	vst v63  }
0x86: {  	s23 =	simm.s32 $0x1480  }
0x87: {  	[spmem:s1] =	stream.indirect.scatter.add.f32 [tilespmem:s31], [sflag:$0x4], $0x80, s23, s28, $0xb8;
	[tilespmem:$0x1E080] =	vst v63  }
0x88: {  	_ =	swait.ge [sflag:s30], $0x4000  }
0x89: {  	[sflag:s30] =	ssyncset.done $0x0  }
0x8a: {  	p3 =	sne.s32 s13, $0x1;
	[sflag:s30] =	ssyncadd.s32 $0xFFFFC000  }
.Ltmp4:
0x8b: {  	_ =	swait.ge [sflag:s17], $0x4000;
	(pc) =	sbr.rel @!p3 .LBB2_6-.Ltmp4, $4  }
0x8c: {  	[sflag:s17] =	ssyncset.done $0x0  }
0x8d: {  	s20 =	simm.s32 $0x1580;
	s24 =	simm.s32 $0x180;
	[sflag:s17] =	ssyncadd.s32 $0xFFFFC000  }
0x8e: {  	[tilespmem:s31], [sflag:$0x2] =	stream.indirect.gather [hbm4b:s4+s28], $0x80, s24, s28, $0xb8;
	[tilespmem:$0x1E080] =	vst v63  }
0x8f: {  	s18 =	sadd.s32 $0xFFFFFFFF, s13;
	s23 =	simm.s32 $0x1500;
	s24 =	simm.s32 $0x280  }
.LBB2_5:
0x90: {  	[spmem:s1] =	stream.indirect.scatter.add.f32 [tilespmem:s29], [sflag:$0x3], $0x80, s23, s28, $0xb8;
	[tilespmem:$0x1E080] =	vst v63  }
0x91: {  	p4 =	sne.s32 s18, $0x1;
	s18 =	sadd.s32 $0xFFFFFFFF, s18;
	_ =	swait.ge [sflag:s0], $0x4000  }
0x92: {  	[sflag:s0] =	ssyncset.done $0x0  }
0x93: {  	[sflag:s0] =	ssyncadd.s32 $0xFFFFC000  }
0x94: {  	_ =	swait.ge [sflag:s16], $0x4000  }
0x95: {  	[sflag:s16] =	ssyncset.done $0x0  }
0x96: {  	s23 =	sadd.s32 $0xFFFFFF80, s24;
	[sflag:s16] =	ssyncadd.s32 $0xFFFFC000  }
0x97: {  	[tilespmem:s29], [sflag:$0x1] =	stream.indirect.gather [hbm4b:s4+s28], $0x80, s23, s28, $0xb8;
	[tilespmem:$0x1E080] =	vst v63  }
0x98: {  	_ = 	snop  }
0x99: {  	[spmem:s1] =	stream.indirect.scatter.add.f32 [tilespmem:s31], [sflag:$0x4], $0x80, s20, s28, $0xb8;
	[tilespmem:$0x1E080] =	vst v63  }
0x9a: {  	_ =	swait.ge [sflag:s30], $0x4000  }
0x9b: {  	[sflag:s30] =	ssyncset.done $0x0  }
0x9c: {  	[sflag:s30] =	ssyncadd.s32 $0xFFFFC000  }
.Ltmp5:
0x9d: {  	_ =	swait.ge [sflag:s17], $0x4000;
	(pc) =	sbr.rel @p4 .LBB2_5-.Ltmp5, $4  }
0x9e: {  	[sflag:s17] =	ssyncset.done $0x0  }
0x9f: {  	[sflag:s17] =	ssyncadd.s32 $0xFFFFC000  }
0xa0: {  	[tilespmem:s31], [sflag:$0x2] =	stream.indirect.gather [hbm4b:s4+s28], $0x80, s24, s28, $0xb8;
	[tilespmem:$0x1E080] =	vst v63  }
0xa1: {  	s23 =	sadd.s32 $0x80, s20;
	s20 =	sadd.s32 $0x100, s20;
	s24 =	sadd.s32 $0x100, s24  }
.LBB2_6:
0xa2: {  	[spmem:s1] =	stream.indirect.scatter.add.f32 [tilespmem:s29], [sflag:$0x3], $0x80, s23, s28, $0xb8;
	[tilespmem:$0x1E080] =	vst v63  }
0xa3: {  	_ =	swait.ge [sflag:s0], $0x4000  }
0xa4: {  	[sflag:s0] =	ssyncset.done $0x0  }
0xa5: {  	[sflag:s0] =	ssyncadd.s32 $0xFFFFC000  }
0xa6: {  	[spmem:s1] =	stream.indirect.scatter.add.f32 [tilespmem:s31], [sflag:$0x4], $0x80, s14, s28, $0xb8;
	[tilespmem:$0x1E080] =	vst v63  }
0xa7: {  	_ =	swait.ge [sflag:s16], $0x4000  }
0xa8: {  	[sflag:s16] =	ssyncset.done $0x0  }
0xa9: {  	[sflag:s16] =	ssyncadd.s32 $0xFFFFC000  }
0xaa: {  	_ =	swait.ge [sflag:s17], $0x4000  }
0xab: {  	[sflag:s17] =	ssyncset.done $0x0  }
0xac: {  	[sflag:s17] =	ssyncadd.s32 $0xFFFFC000  }
0xad: {  	[bflag:$0x0] =	sbarrier.arrive $0xFFFF  }
0xae: {  	s18 =	rddreg [dreg:$0x7]  }
0xaf: {  	[hbm:s18], [sflag:s2] =	dma.local [spmem:s6], $0x2700  }
0xb0: {  	_ =	swait.ge [sflag:s25], $0x2700  }
0xb1: {  	[sflag:s25] =	ssyncset.done $0x0  }
0xb2: {  	s18 =	rddreg [dreg:$0x8];
	[sflag:s25] =	ssyncadd.s32 $0xFFFFD900  }
0xb3: {  	[hbm:s18], [sflag:s2] =	dma.local @!p1 [spmem:s15], $0x100  }
0xb4: {  	s18 =	simm.s32 @!p1 $0x5  }
0xb5: {  	_ =	swait.ge @!p1 [sflag:s18], $0x100  }
0xb6: {  	[sflag:s18] =	ssyncset.done @!p1 $0x0  }
0xb7: {  	s20 =	sadd.s32 s5, s21;
	[sflag:s18] =	ssyncadd.s32 @!p1 $0xFFFFFF00  }
0xb8: {  	[spmem:s6], [sflag:s2] =	dma.local [hbm:s20], $0x2700  }
0xb9: {  	_ =	swait.ge [sflag:s25], $0x2700  }
0xba: {  	[sflag:s25] =	ssyncset.done $0x0  }
0xbb: {  	s20 =	sadd.s32 @!p1 $0x27000, s21;
	[sflag:s25] =	ssyncadd.s32 $0xFFFFD900  }
0xbc: {  	[spmem:s15], [sflag:s2] =	dma.local @!p1 [hbm:s20], $0x100  }
0xbd: {  	_ =	swait.ge @!p1 [sflag:s18], $0x100  }
0xbe: {  	[sflag:s18] =	ssyncset.done @!p1 $0x0  }
0xbf: {  	[sflag:s18] =	ssyncadd.s32 @!p1 $0xFFFFFF00  }
0xc0: {  	[bflag:$0x0] =	sbarrier.arrive $0xFFFF  }
0xc1: {  	[tilespmem:s3], [sflag:$0x5] =	stream.linear.gather [hbm4b:s9+s3], $0x1400, $0x38;
	[tilespmem:$0x1E080] =	vst v63  }
0xc2: {  	_ =	swait.ge [sflag:s25], $0x1400  }
0xc3: {  	[sflag:s25] =	ssyncset.done $0x0  }
0xc4: {  	[sflag:s25] =	ssyncadd.s32 $0xFFFFEC00  }
0xc5: {  	[tilespmem:s26], [sflag:$0x5] =	stream.linear.gather [hbm4b:s10+s3], $0x1400, $0x38;
	[tilespmem:$0x1E080] =	vst v63  }
0xc6: {  	_ =	swait.ge [sflag:s25], $0x1400  }
0xc7: {  	[sflag:s25] =	ssyncset.done $0x0  }
0xc8: {  	[sflag:s25] =	ssyncadd.s32 $0xFFFFEC00  }
0xc9: {  	[tilespmem:s29], [sflag:$0x1] =	stream.indirect.gather [hbm4b:s21+s28], $0x80, s3, s28, $0xb8;
	[tilespmem:$0x1E080] =	vst v63  }
0xca: {  	_ =	swait.ge [sflag:s30], $0x4000  }
0xcb: {  	[sflag:s30] =	ssyncset.done $0x0  }
0xcc: {  	[sflag:s30] =	ssyncadd.s32 $0xFFFFC000  }
0xcd: {  	[spmem:s1] =	stream.indirect.scatter.add.f32 [tilespmem:s29], [sflag:$0x3], $0x80, s26, s28, $0xb8;
	[tilespmem:$0x1E080] =	vst v63  }
0xce: {  	_ = 	snop  }
0xcf: {  	[tilespmem:s31], [sflag:$0x2] =	stream.indirect.gather [hbm4b:s21+s28], $0x80, s28, s28, $0xb8;
	[tilespmem:$0x1E080] =	vst v63  }
0xd0: {  	_ =	swait.ge [sflag:s0], $0x4000  }
0xd1: {  	[sflag:s0] =	ssyncset.done $0x0  }
0xd2: {  	[sflag:s0] =	ssyncadd.s32 $0xFFFFC000  }
0xd3: {  	_ =	swait.ge [sflag:s16], $0x4000  }
0xd4: {  	[sflag:s16] =	ssyncset.done $0x0  }
0xd5: {  	s20 =	simm.s32 $0x100;
	[sflag:s16] =	ssyncadd.s32 $0xFFFFC000  }
0xd6: {  	[tilespmem:s29], [sflag:$0x1] =	stream.indirect.gather [hbm4b:s21+s28], $0x80, s20, s28, $0xb8;
	[tilespmem:$0x1E080] =	vst v63  }
0xd7: {  	s23 =	simm.s32 $0x1480  }
0xd8: {  	[spmem:s1] =	stream.indirect.scatter.add.f32 [tilespmem:s31], [sflag:$0x4], $0x80, s23, s28, $0xb8;
	[tilespmem:$0x1E080] =	vst v63  }
0xd9: {  	_ =	swait.ge [sflag:s30], $0x4000  }
0xda: {  	[sflag:s30] =	ssyncset.done $0x0  }
0xdb: {  	[sflag:s30] =	ssyncadd.s32 $0xFFFFC000  }
0xdc: {  	_ =	swait.ge [sflag:s17], $0x4000  }
0xdd: {  	[sflag:s17] =	ssyncset.done $0x0  }
0xde: {  	s24 =	simm.s32 $0x180;
	[sflag:s17] =	ssyncadd.s32 $0xFFFFC000  }
0xdf: {  	[tilespmem:s31], [sflag:$0x2] =	stream.indirect.gather [hbm4b:s21+s28], $0x80, s24, s28, $0xb8;
	[tilespmem:$0x1E080] =	vst v63  }
0xe0: {  	s15 =	simm.s32 $0xFFFFB800;
	s18 =	simm.s32 $0x1500;
	s24 =	simm.s32 $0x2780  }
.LBB2_7:
0xe1: {  	[spmem:s1] =	stream.indirect.scatter.add.f32 [tilespmem:s29], [sflag:$0x3], $0x80, s18, s28, $0xb8;
	[tilespmem:$0x1E080] =	vst v63  }
0xe2: {  	s18 =	smov.u32 s15  }
0xe3: {  	p4 =	sne.s32 s15, $0xFFFFFC00;
	s15 =	sadd.s32 $0x400, s15;
	_ =	swait.ge [sflag:s0], $0x4000  }
0xe4: {  	[sflag:s0] =	ssyncset.done $0x0  }
0xe5: {  	[sflag:s0] =	ssyncadd.s32 $0xFFFFC000  }
0xe6: {  	_ =	swait.ge [sflag:s16], $0x4000  }
0xe7: {  	s18 =	sshra.s32 s18, $0x2;
	[sflag:s16] =	ssyncset.done $0x0  }
0xe8: {  	s20 =	sadd.s32 $0x1400, s18;
	[sflag:s16] =	ssyncadd.s32 $0xFFFFC000  }
0xe9: {  	[tilespmem:s29], [sflag:$0x1] =	stream.indirect.gather [hbm4b:s21+s28], $0x80, s20, s28, $0xb8;
	[tilespmem:$0x1E080] =	vst v63  }
0xea: {  	s20 =	sadd.s32 $0x2780, s18  }
0xeb: {  	[spmem:s1] =	stream.indirect.scatter.add.f32 [tilespmem:s31], [sflag:$0x4], $0x80, s20, s28, $0xb8;
	[tilespmem:$0x1E080] =	vst v63  }
0xec: {  	_ =	swait.ge [sflag:s30], $0x4000  }
0xed: {  	[sflag:s30] =	ssyncset.done $0x0  }
0xee: {  	[sflag:s30] =	ssyncadd.s32 $0xFFFFC000  }
.Ltmp6:
0xef: {  	_ =	swait.ge [sflag:s17], $0x4000;
	(pc) =	sbr.rel @p4 .LBB2_7-.Ltmp6, $4  }
0xf0: {  	[sflag:s17] =	ssyncset.done $0x0  }
0xf1: {  	s20 =	sadd.s32 $0x1480, s18;
	[sflag:s17] =	ssyncadd.s32 $0xFFFFC000  }
0xf2: {  	[tilespmem:s31], [sflag:$0x2] =	stream.indirect.gather [hbm4b:s21+s28], $0x80, s20, s28, $0xb8;
	[tilespmem:$0x1E080] =	vst v63  }
0xf3: {  	s18 =	sadd.s32 $0x2800, s18  }
0xf4: {  	[spmem:s1] =	stream.indirect.scatter.add.f32 [tilespmem:s29], [sflag:$0x3], $0x80, s18, s28, $0xb8;
	[tilespmem:$0x1E080] =	vst v63  }
0xf5: {  	_ =	swait.ge [sflag:s0], $0x4000  }
0xf6: {  	[sflag:s0] =	ssyncset.done $0x0  }
0xf7: {  	[sflag:s0] =	ssyncadd.s32 $0xFFFFC000  }
0xf8: {  	[spmem:s1] =	stream.indirect.scatter.add.f32 [tilespmem:s31], [sflag:$0x4], $0x80, s24, s28, $0xb8;
	[tilespmem:$0x1E080] =	vst v63  }
0xf9: {  	_ =	swait.ge [sflag:s16], $0x4000  }
0xfa: {  	[sflag:s16] =	ssyncset.done $0x0  }
0xfb: {  	[sflag:s16] =	ssyncadd.s32 $0xFFFFC000  }
0xfc: {  	_ =	swait.ge [sflag:s17], $0x4000  }
0xfd: {  	[sflag:s17] =	ssyncset.done $0x0  }
0xfe: {  	[sflag:s17] =	ssyncadd.s32 $0xFFFFC000  }
0xff: {  	[tilespmem:s3], [sflag:$0x5] =	stream.linear.gather [hbm4b:s11+s3], $0x1400, $0x38;
	[tilespmem:$0x1E080] =	vst v63  }
0x100: {  	_ =	swait.ge [sflag:s25], $0x1400  }
0x101: {  	[sflag:s25] =	ssyncset.done $0x0  }
0x102: {  	[sflag:s25] =	ssyncadd.s32 $0xFFFFEC00  }
0x103: {  	[tilespmem:s26], [sflag:$0x5] =	stream.linear.gather [hbm4b:s12+s3], $0x1400, $0x38;
	[tilespmem:$0x1E080] =	vst v63  }
0x104: {  	_ =	swait.ge [sflag:s25], $0x1400  }
0x105: {  	[sflag:s25] =	ssyncset.done $0x0  }
0x106: {  	[sflag:s25] =	ssyncadd.s32 $0xFFFFEC00  }
0x107: {  	[tilespmem:s29], [sflag:$0x1] =	stream.indirect.gather [hbm4b:s21+s28], $0x80, s3, s28, $0xb8;
	[tilespmem:$0x1E080] =	vst v63  }
0x108: {  	_ =	swait.ge [sflag:s30], $0x4000  }
0x109: {  	[sflag:s30] =	ssyncset.done $0x0  }
0x10a: {  	[sflag:s30] =	ssyncadd.s32 $0xFFFFC000  }
0x10b: {  	[spmem:s1] =	stream.indirect.scatter.add.f32 [tilespmem:s29], [sflag:$0x3], $0x80, s26, s28, $0xb8;
	[tilespmem:$0x1E080] =	vst v63  }
0x10c: {  	_ = 	snop  }
0x10d: {  	[tilespmem:s31], [sflag:$0x2] =	stream.indirect.gather [hbm4b:s21+s28], $0x80, s28, s28, $0xb8;
	[tilespmem:$0x1E080] =	vst v63  }
0x10e: {  	_ =	swait.ge [sflag:s0], $0x4000  }
0x10f: {  	[sflag:s0] =	ssyncset.done $0x0  }
0x110: {  	[sflag:s0] =	ssyncadd.s32 $0xFFFFC000  }
0x111: {  	_ =	swait.ge [sflag:s16], $0x4000  }
0x112: {  	[sflag:s16] =	ssyncset.done $0x0  }
0x113: {  	s15 =	simm.s32 $0x100;
	[sflag:s16] =	ssyncadd.s32 $0xFFFFC000  }
0x114: {  	[tilespmem:s29], [sflag:$0x1] =	stream.indirect.gather [hbm4b:s21+s28], $0x80, s15, s28, $0xb8;
	[tilespmem:$0x1E080] =	vst v63  }
0x115: {  	s20 =	simm.s32 $0x1480  }
0x116: {  	[spmem:s1] =	stream.indirect.scatter.add.f32 [tilespmem:s31], [sflag:$0x4], $0x80, s20, s28, $0xb8;
	[tilespmem:$0x1E080] =	vst v63  }
0x117: {  	_ =	swait.ge [sflag:s30], $0x4000  }
0x118: {  	[sflag:s30] =	ssyncset.done $0x0  }
0x119: {  	[sflag:s30] =	ssyncadd.s32 $0xFFFFC000  }
.Ltmp7:
0x11a: {  	_ =	swait.ge [sflag:s17], $0x4000;
	(pc) =	sbr.rel @!p3 .LBB2_10-.Ltmp7, $4  }
0x11b: {  	[sflag:s17] =	ssyncset.done $0x0  }
0x11c: {  	s23 =	simm.s32 $0x180;
	s18 =	simm.s32 $0x280;
	[sflag:s17] =	ssyncadd.s32 $0xFFFFC000  }
0x11d: {  	[tilespmem:s31], [sflag:$0x2] =	stream.indirect.gather [hbm4b:s21+s28], $0x80, s23, s28, $0xb8;
	[tilespmem:$0x1E080] =	vst v63  }
0x11e: {  	s15 =	sadd.s32 $0xFFFFFFFF, s13;
	s20 =	simm.s32 $0x1580;
	s23 =	simm.s32 $0x1500  }
.LBB2_9:
0x11f: {  	[spmem:s1] =	stream.indirect.scatter.add.f32 [tilespmem:s29], [sflag:$0x3], $0x80, s23, s28, $0xb8;
	[tilespmem:$0x1E080] =	vst v63  }
0x120: {  	p3 =	sne.s32 s15, $0x1;
	s15 =	sadd.s32 $0xFFFFFFFF, s15;
	_ =	swait.ge [sflag:s0], $0x4000  }
0x121: {  	[sflag:s0] =	ssyncset.done $0x0  }
0x122: {  	[sflag:s0] =	ssyncadd.s32 $0xFFFFC000  }
0x123: {  	_ =	swait.ge [sflag:s16], $0x4000  }
0x124: {  	[sflag:s16] =	ssyncset.done $0x0  }
0x125: {  	s23 =	sadd.s32 $0xFFFFFF80, s18;
	[sflag:s16] =	ssyncadd.s32 $0xFFFFC000  }
0x126: {  	[tilespmem:s29], [sflag:$0x1] =	stream.indirect.gather [hbm4b:s21+s28], $0x80, s23, s28, $0xb8;
	[tilespmem:$0x1E080] =	vst v63  }
0x127: {  	_ = 	snop  }
0x128: {  	[spmem:s1] =	stream.indirect.scatter.add.f32 [tilespmem:s31], [sflag:$0x4], $0x80, s20, s28, $0xb8;
	[tilespmem:$0x1E080] =	vst v63  }
0x129: {  	_ =	swait.ge [sflag:s30], $0x4000  }
0x12a: {  	[sflag:s30] =	ssyncset.done $0x0  }
0x12b: {  	[sflag:s30] =	ssyncadd.s32 $0xFFFFC000  }
.Ltmp8:
0x12c: {  	_ =	swait.ge [sflag:s17], $0x4000;
	(pc) =	sbr.rel @p3 .LBB2_9-.Ltmp8, $4  }
0x12d: {  	[sflag:s17] =	ssyncset.done $0x0  }
0x12e: {  	[sflag:s17] =	ssyncadd.s32 $0xFFFFC000  }
0x12f: {  	[tilespmem:s31], [sflag:$0x2] =	stream.indirect.gather [hbm4b:s21+s28], $0x80, s18, s28, $0xb8;
	[tilespmem:$0x1E080] =	vst v63  }
0x130: {  	s23 =	sadd.s32 $0x80, s20;
	s20 =	sadd.s32 $0x100, s20;
	s18 =	sadd.s32 $0x100, s18  }
.LBB2_10:
0x131: {  	[spmem:s1] =	stream.indirect.scatter.add.f32 [tilespmem:s29], [sflag:$0x3], $0x80, s23, s28, $0xb8;
	[tilespmem:$0x1E080] =	vst v63  }
0x132: {  	_ =	swait.ge [sflag:s0], $0x4000  }
0x133: {  	[sflag:s0] =	ssyncset.done $0x0  }
0x134: {  	[sflag:s0] =	ssyncadd.s32 $0xFFFFC000  }
0x135: {  	[spmem:s1] =	stream.indirect.scatter.add.f32 [tilespmem:s31], [sflag:$0x4], $0x80, s14, s28, $0xb8;
	[tilespmem:$0x1E080] =	vst v63  }
0x136: {  	_ =	swait.ge [sflag:s16], $0x4000  }
0x137: {  	[sflag:s16] =	ssyncset.done $0x0  }
0x138: {  	[sflag:s16] =	ssyncadd.s32 $0xFFFFC000  }
0x139: {  	_ =	swait.ge [sflag:s17], $0x4000  }
0x13a: {  	[sflag:s17] =	ssyncset.done $0x0  }
0x13b: {  	[sflag:s17] =	ssyncadd.s32 $0xFFFFC000  }
0x13c: {  	[bflag:$0x0] =	sbarrier.arrive $0xFFFF  }
0x13d: {  	s18 =	rddreg [dreg:$0x9]  }
0x13e: {  	s15 =	sadd.s32 s5, s18  }
0x13f: {  	[hbm:s15], [sflag:s2] =	dma.local [spmem:s6], $0x2700  }
.Ltmp9:
0x140: {  	_ = 	snop;
	(pc) =	sbr.rel @p2 .LBB2_20-.Ltmp9, $4  }
.Ltmp10:
0x141: {  	_ = 	snop;
	(pc) =	sbr.rel @!p2 .LBB2_21-.Ltmp10, $4  }
0x142: {  	_ =	swait.ge [sflag:s25], $0x2700  }
0x143: {  	[sflag:s25] =	ssyncset.done $0x0  }
0x144: {  	s6 =	smov.u32 s18;
	[sflag:s25] =	ssyncadd.s32 $0xFFFFD900  }
0x145: {  	_ = 	snop  }
.LBB2_11:
0x146: {  	s18 =	sadd.s32 s5, s7  }
0x147: {  	[spmem:s6], [sflag:s2] =	dma.local [hbm:s18], $0x2700  }
0x148: {  	_ =	swait.ge [sflag:s25], $0x2700  }
0x149: {  	[sflag:s25] =	ssyncset.done $0x0  }
0x14a: {  	s18 =	sadd.s32 @!p1 $0x27000, s7;
	[sflag:s25] =	ssyncadd.s32 $0xFFFFD900  }
0x14b: {  	[spmem:s15], [sflag:s2] =	dma.local @!p1 [hbm:s18], $0x100  }
0x14c: {  	s18 =	simm.s32 @!p1 $0x5  }
0x14d: {  	_ =	swait.ge @!p1 [sflag:s18], $0x100  }
0x14e: {  	[sflag:s18] =	ssyncset.done @!p1 $0x0  }
0x14f: {  	[sflag:s18] =	ssyncadd.s32 @!p1 $0xFFFFFF00  }
0x150: {  	[bflag:$0x0] =	sbarrier.arrive $0xFFFF  }
0x151: {  	[tilespmem:s3], [sflag:$0x5] =	stream.linear.gather [hbm4b:s9+s3], $0x1400, $0x38;
	[tilespmem:$0x1E080] =	vst v63  }
0x152: {  	_ =	swait.ge [sflag:s25], $0x1400  }
0x153: {  	[sflag:s25] =	ssyncset.done $0x0  }
0x154: {  	[sflag:s25] =	ssyncadd.s32 $0xFFFFEC00  }
0x155: {  	[tilespmem:s26], [sflag:$0x5] =	stream.linear.gather [hbm4b:s10+s3], $0x1400, $0x38;
	[tilespmem:$0x1E080] =	vst v63  }
0x156: {  	_ =	swait.ge [sflag:s25], $0x1400  }
0x157: {  	[sflag:s25] =	ssyncset.done $0x0  }
0x158: {  	[sflag:s25] =	ssyncadd.s32 $0xFFFFEC00  }
0x159: {  	[tilespmem:s29], [sflag:$0x1] =	stream.indirect.gather [hbm4b:s7+s28], $0x80, s3, s28, $0xb8;
	[tilespmem:$0x1E080] =	vst v63  }
0x15a: {  	_ =	swait.ge [sflag:s30], $0x4000  }
0x15b: {  	[sflag:s30] =	ssyncset.done $0x0  }
0x15c: {  	[sflag:s30] =	ssyncadd.s32 $0xFFFFC000  }
0x15d: {  	[spmem:s1] =	stream.indirect.scatter.add.f32 [tilespmem:s29], [sflag:$0x3], $0x80, s26, s28, $0xb8;
	[tilespmem:$0x1E080] =	vst v63  }
0x15e: {  	_ = 	snop  }
0x15f: {  	[tilespmem:s31], [sflag:$0x2] =	stream.indirect.gather [hbm4b:s7+s28], $0x80, s28, s28, $0xb8;
	[tilespmem:$0x1E080] =	vst v63  }
0x160: {  	_ =	swait.ge [sflag:s0], $0x4000  }
0x161: {  	[sflag:s0] =	ssyncset.done $0x0  }
0x162: {  	[sflag:s0] =	ssyncadd.s32 $0xFFFFC000  }
0x163: {  	_ =	swait.ge [sflag:s16], $0x4000  }
0x164: {  	[sflag:s16] =	ssyncset.done $0x0  }
0x165: {  	s23 =	simm.s32 $0x100;
	[sflag:s16] =	ssyncadd.s32 $0xFFFFC000  }
0x166: {  	[tilespmem:s29], [sflag:$0x1] =	stream.indirect.gather [hbm4b:s7+s28], $0x80, s23, s28, $0xb8;
	[tilespmem:$0x1E080] =	vst v63  }
0x167: {  	s20 =	simm.s32 $0x1480  }
0x168: {  	[spmem:s1] =	stream.indirect.scatter.add.f32 [tilespmem:s31], [sflag:$0x4], $0x80, s20, s28, $0xb8;
	[tilespmem:$0x1E080] =	vst v63  }
0x169: {  	_ =	swait.ge [sflag:s30], $0x4000  }
0x16a: {  	[sflag:s30] =	ssyncset.done $0x0  }
0x16b: {  	[sflag:s30] =	ssyncadd.s32 $0xFFFFC000  }
0x16c: {  	_ =	swait.ge [sflag:s17], $0x4000  }
0x16d: {  	s18 =	simm.s32 $0xFFFFB800;
	[sflag:s17] =	ssyncset.done $0x0  }
0x16e: {  	s23 =	simm.s32 $0x180;
	s20 =	simm.s32 $0x1500;
	[sflag:s17] =	ssyncadd.s32 $0xFFFFC000  }
0x16f: {  	[tilespmem:s31], [sflag:$0x2] =	stream.indirect.gather [hbm4b:s7+s28], $0x80, s23, s28, $0xb8;
	[tilespmem:$0x1E080] =	vst v63  }
.LBB2_12:
0x170: {  	[spmem:s1] =	stream.indirect.scatter.add.f32 [tilespmem:s29], [sflag:$0x3], $0x80, s20, s28, $0xb8;
	[tilespmem:$0x1E080] =	vst v63  }
0x171: {  	s20 =	smov.u32 s18  }
0x172: {  	p3 =	sne.s32 s18, $0xFFFFFC00;
	s18 =	sadd.s32 $0x400, s18;
	_ =	swait.ge [sflag:s0], $0x4000  }
0x173: {  	[sflag:s0] =	ssyncset.done $0x0  }
0x174: {  	[sflag:s0] =	ssyncadd.s32 $0xFFFFC000  }
0x175: {  	_ =	swait.ge [sflag:s16], $0x4000  }
0x176: {  	s20 =	sshra.s32 s20, $0x2;
	[sflag:s16] =	ssyncset.done $0x0  }
0x177: {  	s23 =	sadd.s32 $0x1400, s20;
	[sflag:s16] =	ssyncadd.s32 $0xFFFFC000  }
0x178: {  	[tilespmem:s29], [sflag:$0x1] =	stream.indirect.gather [hbm4b:s7+s28], $0x80, s23, s28, $0xb8;
	[tilespmem:$0x1E080] =	vst v63  }
0x179: {  	s23 =	sadd.s32 $0x2780, s20  }
0x17a: {  	[spmem:s1] =	stream.indirect.scatter.add.f32 [tilespmem:s31], [sflag:$0x4], $0x80, s23, s28, $0xb8;
	[tilespmem:$0x1E080] =	vst v63  }
0x17b: {  	_ =	swait.ge [sflag:s30], $0x4000  }
0x17c: {  	[sflag:s30] =	ssyncset.done $0x0  }
0x17d: {  	[sflag:s30] =	ssyncadd.s32 $0xFFFFC000  }
.Ltmp11:
0x17e: {  	_ =	swait.ge [sflag:s17], $0x4000;
	(pc) =	sbr.rel @p3 .LBB2_12-.Ltmp11, $4  }
0x17f: {  	[sflag:s17] =	ssyncset.done $0x0  }
0x180: {  	s23 =	sadd.s32 $0x1480, s20;
	[sflag:s17] =	ssyncadd.s32 $0xFFFFC000  }
0x181: {  	[tilespmem:s31], [sflag:$0x2] =	stream.indirect.gather [hbm4b:s7+s28], $0x80, s23, s28, $0xb8;
	[tilespmem:$0x1E080] =	vst v63  }
0x182: {  	s20 =	sadd.s32 $0x2800, s20  }
0x183: {  	[spmem:s1] =	stream.indirect.scatter.add.f32 [tilespmem:s29], [sflag:$0x3], $0x80, s20, s28, $0xb8;
	[tilespmem:$0x1E080] =	vst v63  }
0x184: {  	_ =	swait.ge [sflag:s0], $0x4000  }
0x185: {  	[sflag:s0] =	ssyncset.done $0x0  }
0x186: {  	[sflag:s0] =	ssyncadd.s32 $0xFFFFC000  }
0x187: {  	[spmem:s1] =	stream.indirect.scatter.add.f32 [tilespmem:s31], [sflag:$0x4], $0x80, s24, s28, $0xb8;
	[tilespmem:$0x1E080] =	vst v63  }
0x188: {  	_ =	swait.ge [sflag:s16], $0x4000  }
0x189: {  	[sflag:s16] =	ssyncset.done $0x0  }
0x18a: {  	[sflag:s16] =	ssyncadd.s32 $0xFFFFC000  }
0x18b: {  	_ =	swait.ge [sflag:s17], $0x4000  }
0x18c: {  	[sflag:s17] =	ssyncset.done $0x0  }
0x18d: {  	[sflag:s17] =	ssyncadd.s32 $0xFFFFC000  }
0x18e: {  	[tilespmem:s3], [sflag:$0x5] =	stream.linear.gather [hbm4b:s11+s3], $0x1400, $0x38;
	[tilespmem:$0x1E080] =	vst v63  }
0x18f: {  	_ =	swait.ge [sflag:s25], $0x1400  }
0x190: {  	[sflag:s25] =	ssyncset.done $0x0  }
0x191: {  	[sflag:s25] =	ssyncadd.s32 $0xFFFFEC00  }
0x192: {  	[tilespmem:s26], [sflag:$0x5] =	stream.linear.gather [hbm4b:s12+s3], $0x1400, $0x38;
	[tilespmem:$0x1E080] =	vst v63  }
0x193: {  	_ =	swait.ge [sflag:s25], $0x1400  }
0x194: {  	[sflag:s25] =	ssyncset.done $0x0  }
0x195: {  	[sflag:s25] =	ssyncadd.s32 $0xFFFFEC00  }
0x196: {  	[tilespmem:s29], [sflag:$0x1] =	stream.indirect.gather [hbm4b:s7+s28], $0x80, s3, s28, $0xb8;
	[tilespmem:$0x1E080] =	vst v63  }
0x197: {  	_ =	swait.ge [sflag:s30], $0x4000  }
0x198: {  	[sflag:s30] =	ssyncset.done $0x0  }
0x199: {  	[sflag:s30] =	ssyncadd.s32 $0xFFFFC000  }
0x19a: {  	[spmem:s1] =	stream.indirect.scatter.add.f32 [tilespmem:s29], [sflag:$0x3], $0x80, s26, s28, $0xb8;
	[tilespmem:$0x1E080] =	vst v63  }
0x19b: {  	_ = 	snop  }
0x19c: {  	[tilespmem:s31], [sflag:$0x2] =	stream.indirect.gather [hbm4b:s7+s28], $0x80, s28, s28, $0xb8;
	[tilespmem:$0x1E080] =	vst v63  }
0x19d: {  	_ =	swait.ge [sflag:s0], $0x4000  }
0x19e: {  	[sflag:s0] =	ssyncset.done $0x0  }
0x19f: {  	[sflag:s0] =	ssyncadd.s32 $0xFFFFC000  }
0x1a0: {  	_ =	swait.ge [sflag:s16], $0x4000  }
0x1a1: {  	[sflag:s16] =	ssyncset.done $0x0  }
0x1a2: {  	s18 =	simm.s32 $0x100;
	[sflag:s16] =	ssyncadd.s32 $0xFFFFC000  }
0x1a3: {  	[tilespmem:s29], [sflag:$0x1] =	stream.indirect.gather [hbm4b:s7+s28], $0x80, s18, s28, $0xb8;
	[tilespmem:$0x1E080] =	vst v63  }
0x1a4: {  	s23 =	simm.s32 $0x1480  }
0x1a5: {  	[spmem:s1] =	stream.indirect.scatter.add.f32 [tilespmem:s31], [sflag:$0x4], $0x80, s23, s28, $0xb8;
	[tilespmem:$0x1E080] =	vst v63  }
0x1a6: {  	_ =	swait.ge [sflag:s30], $0x4000  }
0x1a7: {  	[sflag:s30] =	ssyncset.done $0x0  }
0x1a8: {  	p3 =	sne.s32 s13, $0x1;
	[sflag:s30] =	ssyncadd.s32 $0xFFFFC000  }
.Ltmp12:
0x1a9: {  	_ =	swait.ge [sflag:s17], $0x4000;
	(pc) =	sbr.rel @!p3 .LBB2_15-.Ltmp12, $4  }
0x1aa: {  	[sflag:s17] =	ssyncset.done $0x0  }
0x1ab: {  	s20 =	simm.s32 $0x1580;
	s24 =	simm.s32 $0x180;
	[sflag:s17] =	ssyncadd.s32 $0xFFFFC000  }
0x1ac: {  	[tilespmem:s31], [sflag:$0x2] =	stream.indirect.gather [hbm4b:s7+s28], $0x80, s24, s28, $0xb8;
	[tilespmem:$0x1E080] =	vst v63  }
0x1ad: {  	s18 =	sadd.s32 $0xFFFFFFFF, s13;
	s23 =	simm.s32 $0x1500;
	s24 =	simm.s32 $0x280  }
.LBB2_14:
0x1ae: {  	[spmem:s1] =	stream.indirect.scatter.add.f32 [tilespmem:s29], [sflag:$0x3], $0x80, s23, s28, $0xb8;
	[tilespmem:$0x1E080] =	vst v63  }
0x1af: {  	p4 =	sne.s32 s18, $0x1;
	s18 =	sadd.s32 $0xFFFFFFFF, s18;
	_ =	swait.ge [sflag:s0], $0x4000  }
0x1b0: {  	[sflag:s0] =	ssyncset.done $0x0  }
0x1b1: {  	[sflag:s0] =	ssyncadd.s32 $0xFFFFC000  }
0x1b2: {  	_ =	swait.ge [sflag:s16], $0x4000  }
0x1b3: {  	[sflag:s16] =	ssyncset.done $0x0  }
0x1b4: {  	s23 =	sadd.s32 $0xFFFFFF80, s24;
	[sflag:s16] =	ssyncadd.s32 $0xFFFFC000  }
0x1b5: {  	[tilespmem:s29], [sflag:$0x1] =	stream.indirect.gather [hbm4b:s7+s28], $0x80, s23, s28, $0xb8;
	[tilespmem:$0x1E080] =	vst v63  }
0x1b6: {  	_ = 	snop  }
0x1b7: {  	[spmem:s1] =	stream.indirect.scatter.add.f32 [tilespmem:s31], [sflag:$0x4], $0x80, s20, s28, $0xb8;
	[tilespmem:$0x1E080] =	vst v63  }
0x1b8: {  	_ =	swait.ge [sflag:s30], $0x4000  }
0x1b9: {  	[sflag:s30] =	ssyncset.done $0x0  }
0x1ba: {  	[sflag:s30] =	ssyncadd.s32 $0xFFFFC000  }
.Ltmp13:
0x1bb: {  	_ =	swait.ge [sflag:s17], $0x4000;
	(pc) =	sbr.rel @p4 .LBB2_14-.Ltmp13, $4  }
0x1bc: {  	[sflag:s17] =	ssyncset.done $0x0  }
0x1bd: {  	[sflag:s17] =	ssyncadd.s32 $0xFFFFC000  }
0x1be: {  	[tilespmem:s31], [sflag:$0x2] =	stream.indirect.gather [hbm4b:s7+s28], $0x80, s24, s28, $0xb8;
	[tilespmem:$0x1E080] =	vst v63  }
0x1bf: {  	s23 =	sadd.s32 $0x80, s20;
	s20 =	sadd.s32 $0x100, s20;
	s24 =	sadd.s32 $0x100, s24  }
.LBB2_15:
0x1c0: {  	[spmem:s1] =	stream.indirect.scatter.add.f32 [tilespmem:s29], [sflag:$0x3], $0x80, s23, s28, $0xb8;
	[tilespmem:$0x1E080] =	vst v63  }
0x1c1: {  	_ =	swait.ge [sflag:s0], $0x4000  }
0x1c2: {  	[sflag:s0] =	ssyncset.done $0x0  }
0x1c3: {  	[sflag:s0] =	ssyncadd.s32 $0xFFFFC000  }
0x1c4: {  	[spmem:s1] =	stream.indirect.scatter.add.f32 [tilespmem:s31], [sflag:$0x4], $0x80, s14, s28, $0xb8;
	[tilespmem:$0x1E080] =	vst v63  }
0x1c5: {  	_ =	swait.ge [sflag:s16], $0x4000  }
0x1c6: {  	[sflag:s16] =	ssyncset.done $0x0  }
0x1c7: {  	[sflag:s16] =	ssyncadd.s32 $0xFFFFC000  }
0x1c8: {  	_ =	swait.ge [sflag:s17], $0x4000  }
0x1c9: {  	[sflag:s17] =	ssyncset.done $0x0  }
0x1ca: {  	[sflag:s17] =	ssyncadd.s32 $0xFFFFC000  }
0x1cb: {  	[bflag:$0x0] =	sbarrier.arrive $0xFFFF  }
0x1cc: {  	s20 =	rddreg [dreg:$0x4]  }
0x1cd: {  	s18 =	sadd.s32 s5, s20  }
0x1ce: {  	[hbm:s18], [sflag:s2] =	dma.local [spmem:s6], $0x2700  }
0x1cf: {  	_ =	swait.ge [sflag:s25], $0x2700  }
0x1d0: {  	[sflag:s25] =	ssyncset.done $0x0  }
0x1d1: {  	s18 =	sadd.s32 @!p1 $0x27000, s20;
	[sflag:s25] =	ssyncadd.s32 $0xFFFFD900  }
0x1d2: {  	[hbm:s18], [sflag:s2] =	dma.local @!p1 [spmem:s15], $0x100  }
0x1d3: {  	s18 =	simm.s32 @!p1 $0x5  }
0x1d4: {  	_ =	swait.ge @!p1 [sflag:s18], $0x100  }
0x1d5: {  	[sflag:s18] =	ssyncset.done @!p1 $0x0  }
0x1d6: {  	s24 =	sadd.s32 s5, s22;
	[sflag:s18] =	ssyncadd.s32 @!p1 $0xFFFFFF00  }
0x1d7: {  	[spmem:s6], [sflag:s2] =	dma.local [hbm:s24], $0x2700  }
0x1d8: {  	_ =	swait.ge [sflag:s25], $0x2700  }
0x1d9: {  	[sflag:s25] =	ssyncset.done $0x0  }
0x1da: {  	s20 =	sadd.s32 @!p1 $0x27000, s22;
	[sflag:s25] =	ssyncadd.s32 $0xFFFFD900  }
0x1db: {  	[spmem:s15], [sflag:s2] =	dma.local @!p1 [hbm:s20], $0x100  }
0x1dc: {  	_ =	swait.ge @!p1 [sflag:s18], $0x100  }
0x1dd: {  	[sflag:s18] =	ssyncset.done @!p1 $0x0  }
0x1de: {  	[sflag:s18] =	ssyncadd.s32 @!p1 $0xFFFFFF00  }
0x1df: {  	[bflag:$0x0] =	sbarrier.arrive $0xFFFF  }
0x1e0: {  	[tilespmem:s3], [sflag:$0x5] =	stream.linear.gather [hbm4b:s9+s3], $0x1400, $0x38;
	[tilespmem:$0x1E080] =	vst v63  }
0x1e1: {  	_ =	swait.ge [sflag:s25], $0x1400  }
0x1e2: {  	[sflag:s25] =	ssyncset.done $0x0  }
0x1e3: {  	[sflag:s25] =	ssyncadd.s32 $0xFFFFEC00  }
0x1e4: {  	[tilespmem:s26], [sflag:$0x5] =	stream.linear.gather [hbm4b:s10+s3], $0x1400, $0x38;
	[tilespmem:$0x1E080] =	vst v63  }
0x1e5: {  	_ =	swait.ge [sflag:s25], $0x1400  }
0x1e6: {  	[sflag:s25] =	ssyncset.done $0x0  }
0x1e7: {  	[sflag:s25] =	ssyncadd.s32 $0xFFFFEC00  }
0x1e8: {  	[tilespmem:s29], [sflag:$0x1] =	stream.indirect.gather [hbm4b:s22+s28], $0x80, s3, s28, $0xb8;
	[tilespmem:$0x1E080] =	vst v63  }
0x1e9: {  	_ =	swait.ge [sflag:s30], $0x4000  }
0x1ea: {  	[sflag:s30] =	ssyncset.done $0x0  }
0x1eb: {  	[sflag:s30] =	ssyncadd.s32 $0xFFFFC000  }
0x1ec: {  	[spmem:s1] =	stream.indirect.scatter.add.f32 [tilespmem:s29], [sflag:$0x3], $0x80, s26, s28, $0xb8;
	[tilespmem:$0x1E080] =	vst v63  }
0x1ed: {  	_ = 	snop  }
0x1ee: {  	[tilespmem:s31], [sflag:$0x2] =	stream.indirect.gather [hbm4b:s22+s28], $0x80, s28, s28, $0xb8;
	[tilespmem:$0x1E080] =	vst v63  }
0x1ef: {  	_ =	swait.ge [sflag:s0], $0x4000  }
0x1f0: {  	[sflag:s0] =	ssyncset.done $0x0  }
0x1f1: {  	[sflag:s0] =	ssyncadd.s32 $0xFFFFC000  }
0x1f2: {  	_ =	swait.ge [sflag:s16], $0x4000  }
0x1f3: {  	[sflag:s16] =	ssyncset.done $0x0  }
0x1f4: {  	s20 =	simm.s32 $0x100;
	[sflag:s16] =	ssyncadd.s32 $0xFFFFC000  }
0x1f5: {  	[tilespmem:s29], [sflag:$0x1] =	stream.indirect.gather [hbm4b:s22+s28], $0x80, s20, s28, $0xb8;
	[tilespmem:$0x1E080] =	vst v63  }
0x1f6: {  	s23 =	simm.s32 $0x1480  }
0x1f7: {  	[spmem:s1] =	stream.indirect.scatter.add.f32 [tilespmem:s31], [sflag:$0x4], $0x80, s23, s28, $0xb8;
	[tilespmem:$0x1E080] =	vst v63  }
0x1f8: {  	_ =	swait.ge [sflag:s30], $0x4000  }
0x1f9: {  	[sflag:s30] =	ssyncset.done $0x0  }
0x1fa: {  	[sflag:s30] =	ssyncadd.s32 $0xFFFFC000  }
0x1fb: {  	_ =	swait.ge [sflag:s17], $0x4000  }
0x1fc: {  	[sflag:s17] =	ssyncset.done $0x0  }
0x1fd: {  	s24 =	simm.s32 $0x180;
	[sflag:s17] =	ssyncadd.s32 $0xFFFFC000  }
0x1fe: {  	[tilespmem:s31], [sflag:$0x2] =	stream.indirect.gather [hbm4b:s22+s28], $0x80, s24, s28, $0xb8;
	[tilespmem:$0x1E080] =	vst v63  }
0x1ff: {  	s15 =	simm.s32 $0xFFFFB800;
	s18 =	simm.s32 $0x1500;
	s24 =	simm.s32 $0x2780  }
.LBB2_16:
0x200: {  	[spmem:s1] =	stream.indirect.scatter.add.f32 [tilespmem:s29], [sflag:$0x3], $0x80, s18, s28, $0xb8;
	[tilespmem:$0x1E080] =	vst v63  }
0x201: {  	s18 =	smov.u32 s15  }
0x202: {  	p4 =	sne.s32 s15, $0xFFFFFC00;
	s15 =	sadd.s32 $0x400, s15;
	_ =	swait.ge [sflag:s0], $0x4000  }
0x203: {  	[sflag:s0] =	ssyncset.done $0x0  }
0x204: {  	[sflag:s0] =	ssyncadd.s32 $0xFFFFC000  }
0x205: {  	_ =	swait.ge [sflag:s16], $0x4000  }
0x206: {  	s18 =	sshra.s32 s18, $0x2;
	[sflag:s16] =	ssyncset.done $0x0  }
0x207: {  	s20 =	sadd.s32 $0x1400, s18;
	[sflag:s16] =	ssyncadd.s32 $0xFFFFC000  }
0x208: {  	[tilespmem:s29], [sflag:$0x1] =	stream.indirect.gather [hbm4b:s22+s28], $0x80, s20, s28, $0xb8;
	[tilespmem:$0x1E080] =	vst v63  }
0x209: {  	s20 =	sadd.s32 $0x2780, s18  }
0x20a: {  	[spmem:s1] =	stream.indirect.scatter.add.f32 [tilespmem:s31], [sflag:$0x4], $0x80, s20, s28, $0xb8;
	[tilespmem:$0x1E080] =	vst v63  }
0x20b: {  	_ =	swait.ge [sflag:s30], $0x4000  }
0x20c: {  	[sflag:s30] =	ssyncset.done $0x0  }
0x20d: {  	[sflag:s30] =	ssyncadd.s32 $0xFFFFC000  }
.Ltmp14:
0x20e: {  	_ =	swait.ge [sflag:s17], $0x4000;
	(pc) =	sbr.rel @p4 .LBB2_16-.Ltmp14, $4  }
0x20f: {  	[sflag:s17] =	ssyncset.done $0x0  }
0x210: {  	s20 =	sadd.s32 $0x1480, s18;
	[sflag:s17] =	ssyncadd.s32 $0xFFFFC000  }
0x211: {  	[tilespmem:s31], [sflag:$0x2] =	stream.indirect.gather [hbm4b:s22+s28], $0x80, s20, s28, $0xb8;
	[tilespmem:$0x1E080] =	vst v63  }
0x212: {  	s18 =	sadd.s32 $0x2800, s18  }
0x213: {  	[spmem:s1] =	stream.indirect.scatter.add.f32 [tilespmem:s29], [sflag:$0x3], $0x80, s18, s28, $0xb8;
	[tilespmem:$0x1E080] =	vst v63  }
0x214: {  	_ =	swait.ge [sflag:s0], $0x4000  }
0x215: {  	[sflag:s0] =	ssyncset.done $0x0  }
0x216: {  	[sflag:s0] =	ssyncadd.s32 $0xFFFFC000  }
0x217: {  	[spmem:s1] =	stream.indirect.scatter.add.f32 [tilespmem:s31], [sflag:$0x4], $0x80, s24, s28, $0xb8;
	[tilespmem:$0x1E080] =	vst v63  }
0x218: {  	_ =	swait.ge [sflag:s16], $0x4000  }
0x219: {  	[sflag:s16] =	ssyncset.done $0x0  }
0x21a: {  	[sflag:s16] =	ssyncadd.s32 $0xFFFFC000  }
0x21b: {  	_ =	swait.ge [sflag:s17], $0x4000  }
0x21c: {  	[sflag:s17] =	ssyncset.done $0x0  }
0x21d: {  	[sflag:s17] =	ssyncadd.s32 $0xFFFFC000  }
0x21e: {  	[tilespmem:s3], [sflag:$0x5] =	stream.linear.gather [hbm4b:s11+s3], $0x1400, $0x38;
	[tilespmem:$0x1E080] =	vst v63  }
0x21f: {  	_ =	swait.ge [sflag:s25], $0x1400  }
0x220: {  	[sflag:s25] =	ssyncset.done $0x0  }
0x221: {  	[sflag:s25] =	ssyncadd.s32 $0xFFFFEC00  }
0x222: {  	[tilespmem:s26], [sflag:$0x5] =	stream.linear.gather [hbm4b:s12+s3], $0x1400, $0x38;
	[tilespmem:$0x1E080] =	vst v63  }
0x223: {  	_ =	swait.ge [sflag:s25], $0x1400  }
0x224: {  	[sflag:s25] =	ssyncset.done $0x0  }
0x225: {  	[sflag:s25] =	ssyncadd.s32 $0xFFFFEC00  }
0x226: {  	[tilespmem:s29], [sflag:$0x1] =	stream.indirect.gather [hbm4b:s22+s28], $0x80, s3, s28, $0xb8;
	[tilespmem:$0x1E080] =	vst v63  }
0x227: {  	_ =	swait.ge [sflag:s30], $0x4000  }
0x228: {  	[sflag:s30] =	ssyncset.done $0x0  }
0x229: {  	[sflag:s30] =	ssyncadd.s32 $0xFFFFC000  }
0x22a: {  	[spmem:s1] =	stream.indirect.scatter.add.f32 [tilespmem:s29], [sflag:$0x3], $0x80, s26, s28, $0xb8;
	[tilespmem:$0x1E080] =	vst v63  }
0x22b: {  	_ = 	snop  }
0x22c: {  	[tilespmem:s31], [sflag:$0x2] =	stream.indirect.gather [hbm4b:s22+s28], $0x80, s28, s28, $0xb8;
	[tilespmem:$0x1E080] =	vst v63  }
0x22d: {  	_ =	swait.ge [sflag:s0], $0x4000  }
0x22e: {  	[sflag:s0] =	ssyncset.done $0x0  }
0x22f: {  	[sflag:s0] =	ssyncadd.s32 $0xFFFFC000  }
0x230: {  	_ =	swait.ge [sflag:s16], $0x4000  }
0x231: {  	[sflag:s16] =	ssyncset.done $0x0  }
0x232: {  	s15 =	simm.s32 $0x100;
	[sflag:s16] =	ssyncadd.s32 $0xFFFFC000  }
0x233: {  	[tilespmem:s29], [sflag:$0x1] =	stream.indirect.gather [hbm4b:s22+s28], $0x80, s15, s28, $0xb8;
	[tilespmem:$0x1E080] =	vst v63  }
0x234: {  	s20 =	simm.s32 $0x1480  }
0x235: {  	[spmem:s1] =	stream.indirect.scatter.add.f32 [tilespmem:s31], [sflag:$0x4], $0x80, s20, s28, $0xb8;
	[tilespmem:$0x1E080] =	vst v63  }
0x236: {  	_ =	swait.ge [sflag:s30], $0x4000  }
0x237: {  	[sflag:s30] =	ssyncset.done $0x0  }
0x238: {  	[sflag:s30] =	ssyncadd.s32 $0xFFFFC000  }
.Ltmp15:
0x239: {  	_ =	swait.ge [sflag:s17], $0x4000;
	(pc) =	sbr.rel @!p3 .LBB2_19-.Ltmp15, $4  }
0x23a: {  	[sflag:s17] =	ssyncset.done $0x0  }
0x23b: {  	s23 =	simm.s32 $0x180;
	s18 =	simm.s32 $0x280;
	[sflag:s17] =	ssyncadd.s32 $0xFFFFC000  }
0x23c: {  	[tilespmem:s31], [sflag:$0x2] =	stream.indirect.gather [hbm4b:s22+s28], $0x80, s23, s28, $0xb8;
	[tilespmem:$0x1E080] =	vst v63  }
0x23d: {  	s15 =	sadd.s32 $0xFFFFFFFF, s13;
	s20 =	simm.s32 $0x1580;
	s23 =	simm.s32 $0x1500  }
.LBB2_18:
0x23e: {  	[spmem:s1] =	stream.indirect.scatter.add.f32 [tilespmem:s29], [sflag:$0x3], $0x80, s23, s28, $0xb8;
	[tilespmem:$0x1E080] =	vst v63  }
0x23f: {  	p3 =	sne.s32 s15, $0x1;
	s15 =	sadd.s32 $0xFFFFFFFF, s15;
	_ =	swait.ge [sflag:s0], $0x4000  }
0x240: {  	[sflag:s0] =	ssyncset.done $0x0  }
0x241: {  	[sflag:s0] =	ssyncadd.s32 $0xFFFFC000  }
0x242: {  	_ =	swait.ge [sflag:s16], $0x4000  }
0x243: {  	[sflag:s16] =	ssyncset.done $0x0  }
0x244: {  	s23 =	sadd.s32 $0xFFFFFF80, s18;
	[sflag:s16] =	ssyncadd.s32 $0xFFFFC000  }
0x245: {  	[tilespmem:s29], [sflag:$0x1] =	stream.indirect.gather [hbm4b:s22+s28], $0x80, s23, s28, $0xb8;
	[tilespmem:$0x1E080] =	vst v63  }
0x246: {  	_ = 	snop  }
0x247: {  	[spmem:s1] =	stream.indirect.scatter.add.f32 [tilespmem:s31], [sflag:$0x4], $0x80, s20, s28, $0xb8;
	[tilespmem:$0x1E080] =	vst v63  }
0x248: {  	_ =	swait.ge [sflag:s30], $0x4000  }
0x249: {  	[sflag:s30] =	ssyncset.done $0x0  }
0x24a: {  	[sflag:s30] =	ssyncadd.s32 $0xFFFFC000  }
.Ltmp16:
0x24b: {  	_ =	swait.ge [sflag:s17], $0x4000;
	(pc) =	sbr.rel @p3 .LBB2_18-.Ltmp16, $4  }
0x24c: {  	[sflag:s17] =	ssyncset.done $0x0  }
0x24d: {  	[sflag:s17] =	ssyncadd.s32 $0xFFFFC000  }
0x24e: {  	[tilespmem:s31], [sflag:$0x2] =	stream.indirect.gather [hbm4b:s22+s28], $0x80, s18, s28, $0xb8;
	[tilespmem:$0x1E080] =	vst v63  }
0x24f: {  	s23 =	sadd.s32 $0x80, s20;
	s20 =	sadd.s32 $0x100, s20;
	s18 =	sadd.s32 $0x100, s18  }
.LBB2_19:
0x250: {  	[spmem:s1] =	stream.indirect.scatter.add.f32 [tilespmem:s29], [sflag:$0x3], $0x80, s23, s28, $0xb8;
	[tilespmem:$0x1E080] =	vst v63  }
0x251: {  	_ =	swait.ge [sflag:s0], $0x4000  }
0x252: {  	[sflag:s0] =	ssyncset.done $0x0  }
0x253: {  	[sflag:s0] =	ssyncadd.s32 $0xFFFFC000  }
0x254: {  	[spmem:s1] =	stream.indirect.scatter.add.f32 [tilespmem:s31], [sflag:$0x4], $0x80, s14, s28, $0xb8;
	[tilespmem:$0x1E080] =	vst v63  }
0x255: {  	_ =	swait.ge [sflag:s16], $0x4000  }
0x256: {  	[sflag:s16] =	ssyncset.done $0x0  }
0x257: {  	[sflag:s16] =	ssyncadd.s32 $0xFFFFC000  }
0x258: {  	_ =	swait.ge [sflag:s17], $0x4000  }
0x259: {  	[sflag:s17] =	ssyncset.done $0x0  }
0x25a: {  	[sflag:s17] =	ssyncadd.s32 $0xFFFFC000  }
0x25b: {  	[bflag:$0x0] =	sbarrier.arrive $0xFFFF  }
0x25c: {  	s18 =	rddreg [dreg:$0xa]  }
0x25d: {  	s15 =	sadd.s32 s5, s18  }
0x25e: {  	[hbm:s15], [sflag:s2] =	dma.local [spmem:s6], $0x2700  }
.Ltmp17:
0x25f: {  	_ = 	snop;
	(pc) =	sbr.rel @p1 .LBB2_21-.Ltmp17, $4  }
.Ltmp18:
0x260: {  	_ = 	snop;
	(pc) =	sbr.rel @!p1 .LBB2_20-.Ltmp18, $4  }
0x261: {  	_ =	swait.ge [sflag:s25], $0x2700  }
0x262: {  	[sflag:s25] =	ssyncset.done $0x0  }
0x263: {  	s6 =	smov.u32 s18;
	[sflag:s25] =	ssyncadd.s32 $0xFFFFD900  }
0x264: {  	_ = 	snop  }
.LBB2_22:
0x265: {  	_ =	sfence.sel $0x180000  }
0x266: {  	[bflag:$0x0] =	sbarrier.arrive $0xFFFF  }
0x267: {  	_ =	strace $0x9000004A  }
0x268: {  	s0 =	stileid.u32;
	[bflag:$0x2] =	sbarrier.arrive $0xFFFF  }
0x269: {  	p0 =	sne.s32 s0, $0x0;
	s0 =	rddreg [dreg:$0x2]  }
0x26a: {  	s0 =	sadd.s32 @!p0 $0x100000, s0  }
0x26b: {  	[sflag:s0] =	ssyncadd.tile.s32 @!p0 $0x1;
	_ =	shalt  }
.Lfunc_end2:
_tile_overlayer_lowered:
.L_overlay_start_2:
0x26c: {  	(tag) =	ssettag $0x2  }
0x26d: {  	s0 =	rddreg [dreg:$0x0];
	s2 =	stileid.u32  }
0x26e: {  	s1 =	rddreg [dreg:$0x1];
	p0 =	sne.s32 s2, $0x0  }
0x26f: {  	s3 =	rddreg [dreg:$0x2];
	[bflag:$0x3] =	sbarrier.arrive $0xFFFF;
	s2 =	simm.s32 @!p0 $0x1C05  }
0x270: {  	[timem:s3], [sflag:s2] =	dma.local @!p0 [hbm:s0], s1  }
0x271: {  	s0 =	simm.s32 @!p0 $0x5  }
0x272: {  	_ =	swait.ge @!p0 [sflag:s0], s1  }
0x273: {  	s1 =	ssub.s32 @!p0 $0x0, s1;
	[sflag:s0] =	ssyncset.done @!p0 $0x0  }
0x274: {  	[sflag:s0] =	ssyncadd.s32 @!p0 s1  }
0x275: {  	[bflag:$0x3] =	sbarrier.arrive $0xFFFF  }
0x276: {  	_ =	shalt  }

// kernel: kernel.14.cloned.1.call-start
scs
__scs_entry_jumppad:
0x0: {  	(pc) =	sbr.rel $0x88, $3  }
0x1: {  	(tag) =	ssettag $0x0;
	lr =	simm.s32 $0x1  }
0x2: {  	[smem:$0x3F9B] =	sst lr;
	_ =	strace $0xD0000000  }
0x3: {  	_ = 	snop  }
0x4: {  	_ = 	snop  }
0x5: {  	_ = 	snop  }
0x6: {  	_ = 	snop  }
0x7: {  	_ = 	snop  }
__scs_overlays_trampoline_lowered:
0x8: {  	[smem:$0x3FAA] =	sst s0  }
0x9: {  	[smem:$0x3FAB] =	sst s1  }
0xa: {  	[smem:$0x3FAC] =	sst s2  }
0xb: {  	[smem:$0x3FAD] =	sst s3  }
0xc: {  	[smem:$0x3FAE] =	sst s4  }
0xd: {  	[smem:$0x3FAF] =	sst s5  }
0xe: {  	[smem:$0x3FB0] =	sst s6  }
0xf: {  	[smem:$0x3FB1] =	sst s7  }
0x10: {  	[smem:$0x3FB2] =	sst s8  }
0x11: {  	[smem:$0x3FB3] =	sst s9;
	s0 =	simm.s32 @!p0 $0x0  }
0x12: {  	s1 =	sld [smem:$0x3F99];
	s0 =	simm.s32 @p0 $0x1  }
0x13: {  	[smem:$0x3FB4] =	sst s0;
	s0 =	simm.s32 @!p1 $0x0  }
0x14: {  	s2 =	sld [smem:$0x3F98];
	s0 =	simm.s32 @p1 $0x1  }
0x15: {  	[smem:$0x3FB5] =	sst s0;
	s0 =	simm.s32 @!p2 $0x0  }
0x16: {  	s3 =	sld [smem:$0x3FDB];
	s0 =	simm.s32 @p2 $0x1  }
0x17: {  	s4 =	simm.s32 $0x1BF5;
	[smem:$0x3FB7] =	sst s0  }
0x18: {  	s0 =	sld [smem:$0x3F9A];
	_ =	swait.ge [sflag:s4], $0x0  }
0x19: {  	s7 =	sld [smem:$0x3F9B]  }
0x1a: {  	s8 =	sadd.s32 $0xFFFFE003, lr  }
0x1b: {  	s9 =	sadd.s32 $0xFFFFFEF7, lr;
	s5 =	simm.s32 $0xFFFFFFFF;
	p2 =	slt.u32 s8, $0xFFFFF086  }
0x1c: {  	p1 =	slt.u32 s9, $0xF7A;
	s5 =	simm.s32 @!p2 $0x0  }
0x1d: {  	s5 =	simm.s32 @p1 $0x1;
	p0 =	seq.s32 s7, s2  }
0x1e: {  	s7 =	smul.u32 @!p0 $0xF7A, s2;
	p2 =	seq.s32 @!p0 s5, $0x0  }
0x1f: {  	s9 =	smul.u32 $0xF7A, s1;
	s8 =	simm.s32 @!p0 $0x1BF5;
	p2 =	por !p2, p0  }
0x20: {  	[sflag:s8] =	ssyncset.s32 @!p0 $0xFFFFF086;
	s6 =	sadd.s32 @!p0 s3, s7;
	s7 =	simm.s32 @!p0 $0x108  }
0x21: {  	s3 =	sadd.s32 s3, s9;
	s6 =	sadd.s32 @!p0 $0x88, s6;
	s7 =	simm.s32 @p2 $0x1082  }
0x22: {  	[simem:s7], [sflag:s8] =	dma.local @!p0 [hbm:s6], $0xF7A  }
0x23: {  	s9 =	sor.u32 $0xD0000000, s2;
	s6 =	simm.s32 $0x108;
	_ =	swait.ge @!p0 [sflag:s8], $0x0  }
0x24: {  	s3 =	sadd.s32 $0x88, s3;
	s6 =	simm.s32 @!p1 $0x1082;
	[sflag:s4] =	ssyncset.s32 $0xFFFFF086  }
0x25: {  	[simem:s6], [sflag:s4] =	dma.local [hbm:s3], $0xF7A  }
0x26: {  	[smem:$0x3F9B] =	sst s1;
	(tag) =	ssettag s2;
	_ =	strace s9  }
0x27: {  	s1 =	sld [smem:$0x3FAB]  }
0x28: {  	s2 =	sld [smem:$0x3FAC]  }
0x29: {  	s4 =	sld [smem:$0x3FAE]  }
0x2a: {  	p0 =	seq.s32 s5, $0x0;
	s5 =	sld [smem:$0x3FAF]  }
0x2b: {  	s6 =	sld [smem:$0x3FB0]  }
0x2c: {  	s7 =	sld [smem:$0x3FB1]  }
0x2d: {  	s3 =	simm.s32 $0x108;
	s8 =	sld [smem:$0x3FB2]  }
0x2e: {  	s3 =	simm.s32 @!p0 $0x1082;
	s9 =	sld [smem:$0x3FB3]  }
0x2f: {  	lr =	sadd.s32 s0, s3;
	s0 =	sld [smem:$0x3FAA]  }
0x30: {  	s3 =	sld [smem:$0x3FAD]  }
0x31: {  	[smem:$0x3FB6] =	sst s10  }
0x32: {  	s10 =	sld [smem:$0x3FB4];
	_ =	sdelay $0x3  }
0x33: {  	p0 =	seq.s32 s10, $0x1;
	s10 =	sld [smem:$0x3FB6];
	_ =	sdelay $0x3  }
0x34: {  	[smem:$0x3FB6] =	sst s10  }
0x35: {  	s10 =	sld [smem:$0x3FB5];
	_ =	sdelay $0x3  }
0x36: {  	p1 =	seq.s32 s10, $0x1;
	s10 =	sld [smem:$0x3FB6];
	_ =	sdelay $0x3  }
0x37: {  	[smem:$0x3FB6] =	sst s10  }
0x38: {  	s10 =	sld [smem:$0x3FB7]  }
0x39: {  	_ = 	snop;
	(pc) =	sbr.ind lr, $3  }
0x3a: {  	_ = 	snop  }
0x3b: {  	_ = 	snop  }
0x3c: {  	p2 =	seq.s32 s10, $0x1;
	s10 =	sld [smem:$0x3FB6]  }
0x3d: {  	_ =	shalt  }
0x3e: {  	_ =	shalt  }
0x3f: {  	_ =	shalt  }
0x40: {  	_ =	shalt  }
0x41: {  	_ =	shalt  }
0x42: {  	_ =	shalt  }
0x43: {  	_ =	shalt  }
0x44: {  	_ =	shalt  }
0x45: {  	_ =	shalt  }
0x46: {  	_ =	shalt  }
0x47: {  	_ =	shalt  }
0x48: {  	_ =	shalt  }
0x49: {  	_ =	shalt  }
0x4a: {  	_ =	shalt  }
0x4b: {  	_ =	shalt  }
0x4c: {  	_ =	shalt  }
0x4d: {  	_ =	shalt  }
0x4e: {  	_ =	shalt  }
0x4f: {  	_ =	shalt  }
0x50: {  	_ =	shalt  }
0x51: {  	_ =	shalt  }
0x52: {  	_ =	shalt  }
0x53: {  	_ =	shalt  }
0x54: {  	_ =	shalt  }
0x55: {  	_ =	shalt  }
0x56: {  	_ =	shalt  }
0x57: {  	_ =	shalt  }
0x58: {  	_ =	shalt  }
0x59: {  	_ =	shalt  }
0x5a: {  	_ =	shalt  }
0x5b: {  	_ =	shalt  }
0x5c: {  	_ =	shalt  }
0x5d: {  	_ =	shalt  }
0x5e: {  	_ =	shalt  }
0x5f: {  	_ =	shalt  }
0x60: {  	_ =	shalt  }
0x61: {  	_ =	shalt  }
0x62: {  	_ =	shalt  }
0x63: {  	_ =	shalt  }
0x64: {  	_ =	shalt  }
0x65: {  	_ =	shalt  }
0x66: {  	_ =	shalt  }
0x67: {  	_ =	shalt  }
0x68: {  	_ =	shalt  }
0x69: {  	_ =	shalt  }
0x6a: {  	_ =	shalt  }
0x6b: {  	_ =	shalt  }
0x6c: {  	_ =	shalt  }
0x6d: {  	_ =	shalt  }
0x6e: {  	_ =	shalt  }
0x6f: {  	_ =	shalt  }
0x70: {  	_ =	shalt  }
0x71: {  	_ =	shalt  }
0x72: {  	_ =	shalt  }
0x73: {  	_ =	shalt  }
0x74: {  	_ =	shalt  }
0x75: {  	_ =	shalt  }
0x76: {  	_ =	shalt  }
0x77: {  	_ =	shalt  }
0x78: {  	_ =	shalt  }
0x79: {  	_ =	shalt  }
0x7a: {  	_ =	shalt  }
0x7b: {  	_ =	shalt  }
0x7c: {  	_ =	shalt  }
0x7d: {  	_ =	shalt  }
0x7e: {  	_ =	shalt  }
0x7f: {  	_ =	shalt  }
0x80: {  	_ =	shalt  }
0x81: {  	_ =	shalt  }
0x82: {  	_ =	shalt  }
0x83: {  	_ =	shalt  }
0x84: {  	_ =	shalt  }
0x85: {  	_ =	shalt  }
0x86: {  	_ =	shalt  }
0x87: {  	_ =	shalt  }
.Lfunc_end0:
.L_simem_size_0:
called_computation.2_lowered:
.L_overlay_start_0:
0x88: {  	s2 =	sld [smem:$0x3FD9]  }
0x89: {  	s3 =	sld [smem:$0x3FFE];
	_ =	sdelay $0x1  }
0x8a: {  	s1 =	srdreg.scid  }
0x8b: {  	s0 =	sand.u32 $0x1, s1  }
0x8c: {  	s17 =	sshll.u32 s0, $0xA;
	s2 =	sadd.s32 s3, s2  }
0x8d: {  	s2 =	sadd.s32 s2, s17  }
0x8e: {  	[smem:$0x3FC2] =	sst s2  }
0x8f: {  	_ = 	snop  }
0x90: {  	s2 =	sld [smem:$0x3FD0];
	(tm) =	ssettm $0x1  }
0x91: {  	s18 =	sld [smem:$0x3FFB];
	_ =	sdelay $0x3  }
0x92: {  	_ =	strace s18  }
0x93: {  	s3 =	sld [smem:$0x3FFC];
	_ =	sdelay $0x3  }
0x94: {  	_ =	strace s3  }
0x95: {  	s3 =	sld [smem:$0x3FFD];
	_ =	sdelay $0x3  }
0x96: {  	_ =	strace s3  }
0x97: {  	_ =	strace $0x8FFFFFFF  }
0x98: {  	s19 =	sld [smem:$0x3FDB];
	_ =	sdelay $0x1  }
0x99: {  	s4 =	simm.s32 $_scs_section_size  }
0x9a: {  	s5 =	simm.s32 $_size__tile_overlayer_lowered;
	s6 =	simm.s32 $_tile_overlayer_lowered  }
0x9b: {  	s22 =	simm.s32 $0x1BFF;
	s21 =	sshll.u32 s6, $0x1;
	s3 =	sadd.s32 s4, s19  }
0x9c: {  	s7 =	simm.s32 $0x0;
	s20 =	sshll.u32 s5, $0x1;
	s5 =	sadd.s32 s21, s3  }
0x9d: {  	[timem:s7], [sflag:s22] =	dma.local [hbm:s5], s20  }
0x9e: {  	_ =	swait.ge [sflag:s22], s20  }
0x9f: {  	s4 =	ssub.s32 $0x0, s20;
	[sflag:s22] =	ssyncset.done $0x0  }
0xa0: {  	[sflag:s22] =	ssyncadd.s32 s4;
	_ =	sdelay $0x1  }
0xa1: {  	s23 =	simm.s32 $0x1B8B  }
0xa2: {  	_ =	swait.ge [sflag:s23], $0x1  }
0xa3: {  	[sflag:s23] =	ssyncset.done $0x0  }
0xa4: {  	s25 =	simm.s32 $0x1B8E;
	s24 =	sld [smem:$0x3FFE];
	[sflag:s23] =	ssyncadd.s32 $0xFFFFFFFF  }
0xa5: {  	s26 =	simm.s32 $execute0_lowered;
	[smem:$0x3FD2] =	sst s25  }
0xa6: {  	s5 =	sshll.u32 s26, $0x1;
	_ =	strace $0x8000004C;
	[dreg:$0x1] =	wrdreg $0xFFFFFFFF  }
0xa7: {  	s28 =	simm.s32 $_size_execute0_lowered;
	s3 =	sadd.s32 s3, s5;
	[dreg:$0x0] =	wrdreg $0x0  }
0xa8: {  	s5 =	sshll.u32 s28, $0x1;
	[dreg:$0x2] =	wrdreg s3  }
0xa9: {  	[dreg:$0x3] =	wrdreg s5  }
0xaa: {  	[dreg:$0x4] =	wrdreg $0xC0  }
0xab: {  	_ =	task [dreg:s7], $0x5FFFF  }
0xac: {  	[dreg:$0x1] =	wrdreg $0xFFFFFFFF  }
0xad: {  	[dreg:$0x0] =	wrdreg $0x60  }
0xae: {  	[dreg:$0x2] =	wrdreg s2  }
0xaf: {  	[dreg:$0x3] =	wrdreg s24  }
0xb0: {  	[dreg:$0x4] =	wrdreg $0xA8000  }
0xb1: {  	[dreg:$0x5] =	wrdreg $0x9  }
0xb2: {  	_ =	task.clear_ibuf [dreg:s7], $0x6FFFF;
	_ =	strace $0x9000004C  }
0xb3: {  	s29 =	simm.s32 $0x9;
	_ =	strace $0x8000004E  }
0xb4: {  	_ =	swait.ge [sflag:s29], $0x1  }
0xb5: {  	[sflag:s29] =	ssyncadd.s32 $0xFFFFFFFF  }
0xb6: {  	_ =	strace $0x9000004E  }
0xb7: {  	_ =	sfence  }
0xb8: {  	s30 =	sld [smem:$0x0];
	_ =	sdelay $0x2  }
0xb9: {  	s31 =	sshll.u32 s1, $0xD;
	s1 =	sshrl.u32 s1, $0x2  }
0xba: {  	s3 =	sand.u32 $0x4000, s31;
	s1 =	sadd.s32 s1, s30  }
0xbb: {  	s0 =	sor.u32 s3, s0;
	s1 =	sshll.u32 s1, $0x11  }
0xbc: {  	s0 =	sor.u32 s1, s0  }
0xbd: {  	s0 =	sadd.s32 $0x8F2B, s0  }
0xbe: {  	[sflag:s0] =	ssyncadd.remote.s32 $0x1  }
0xbf: {  	_ =	sfence.sel $0xFFFF  }
0xc0: {  	[dreg:$0x0] =	wrdreg $0xFFFFFFFF;
	(pc) =	sbr.abs _section_cstart, $3  }
0xc1: {  	[dreg:$0x1] =	wrdreg $0xFFFFFFFF  }
0xc2: {  	_ =	task.clear_ibuf [dreg:s7], $0x2FFFF;
	_ =	strace $0x9FFFFFFF  }
0xc3: {  	(tm) =	ssettm $0x7FFFFFFF  }
tec
execute0_lowered:
.L_overlay_start_1:
0x0: {  	(tag) =	ssettag $0x1  }
0x1: {  	s1 =	rddreg [dreg:$0x0]  }
0x2: {  	s0 =	srdreg.scid;
	s2 =	rddreg [dreg:$0x1]  }
0x3: {  	s3 =	rddreg [dreg:$0x2];
	s4 =	simm.s32 $0x0;
	s16 =	simm.s32 $0x5  }
0x4: {  	s18 =	simm.s32 $0x1400;
	s19 =	simm.s32 $0x80;
	s20 =	simm.s32 $0x2800  }
0x5: {  	s21 =	simm.s32 $0x1;
	s22 =	simm.s32 $0x6800;
	s5 =	sand.u32 $0x1, s0  }
0x6: {  	s23 =	simm.s32 $0x2;
	s0 =	stileid.u32;
	s6 =	smul.u32 $0x280, s5  }
0x7: {  	s24 =	simm.s32 $0x3;
	s25 =	simm.s32 $0x4;
	s7 =	smul.u32 $0x28, s0  }
0x8: {  	[smem:$0x7FF] =	sst s4;
	s17 =	sadd.s32 $0x138000, s3;
	s26 =	smul.u32 $0x27100, s5  }
0x9: {  	_ =	strace $0x8000004D;
	s9 =	smul.u32 $0x4E000, s0;
	s28 =	ssub.s32 $0x2, s5  }
0xa: {  	s5 =	smul.u32 $0x2700, s0;
	s30 =	sshll.u32 s0, $0x6;
	p0 =	sne.s32 s0, $0xF  }
0xb: {  	s29 =	sshrl.u32 s28, $0x1;
	s17 =	sshrl.u32 @!p0 s17, $0x3;
	s8 =	sadd.s32 s7, s6  }
0xc: {  	s9 =	sshrl.u32 s9, $0x2;
	s14 =	ssub.s32 s28, s29;
	s6 =	sadd.s32 s1, s5  }
0xd: {  	s7 =	sshll.u32 s8, $0x4;
	s15 =	sadd.s32 s9, s3;
	s31 =	ssub.s32 $0x4E2, s8  }
0xe: {  	s8 =	sadd.s32 $0x27000, s1;
	s14 =	smax.u32 s14, $0x1;
	s10 =	sadd.s32 s7, s2  }
0xf: {  	s2 =	sadd.s32 s26, s2;
	s7 =	sor.u32 $0x1C05, s30;
	s11 =	smin.u32 s31, $0x28  }
0x10: {  	s15 =	sshrl.u32 s15, $0x3;
	s26 =	simm.s32 $0x0;
	s9 =	sadd.s32 $0x2200, s10  }
0x11: {  	s12 =	sadd.s32 $0xFFFFFFFE, s11;
	s13 =	sshll.u32 s11, $0x7;
	s10 =	sadd.s32 $0x7200, s10  }
0x12: {  	s11 =	sshrl.u32 s12, $0x1;
	s12 =	sadd.s32 $0x1380, s13;
	s13 =	sadd.s32 $0xC200, s2  }
.LBB2_1:
0x13: {  	[spmem:s15], [sflag:s7] =	dma.local [hbm:s6], $0x2700  }
0x14: {  	_ =	swait.ge [sflag:s16], $0x2700  }
0x15: {  	[sflag:s16] =	ssyncset.done $0x0  }
0x16: {  	s28 =	simm.s32 @!p0 $0x5;
	[sflag:s16] =	ssyncadd.s32 $0xFFFFD900  }
0x17: {  	[spmem:s17], [sflag:s7] =	dma.local @!p0 [hbm:s8], $0x100  }
0x18: {  	_ =	swait.ge @!p0 [sflag:s28], $0x100  }
0x19: {  	[sflag:s28] =	ssyncset.done @!p0 $0x0  }
0x1a: {  	[sflag:s28] =	ssyncadd.s32 @!p0 $0xFFFFFF00  }
0x1b: {  	[tilespmem:s4], [sflag:$0x5] =	stream.linear.gather [hbm4b:s9+s4], $0x1400, $0x38;
	[tilespmem:$0x1E080] =	vst v63  }
0x1c: {  	_ =	swait.ge [sflag:s16], $0x1400  }
0x1d: {  	[sflag:s16] =	ssyncset.done $0x0  }
0x1e: {  	[sflag:s16] =	ssyncadd.s32 $0xFFFFEC00  }
0x1f: {  	[tilespmem:s18], [sflag:$0x5] =	stream.linear.gather [hbm4b:s10+s4], $0x1400, $0x38;
	[tilespmem:$0x1E080] =	vst v63  }
0x20: {  	_ =	swait.ge [sflag:s16], $0x1400  }
0x21: {  	[sflag:s16] =	ssyncset.done $0x0  }
0x22: {  	[sflag:s16] =	ssyncadd.s32 $0xFFFFEC00  }
0x23: {  	[bflag:$0x0] =	sbarrier.arrive $0xFFFF  }
0x24: {  	[tilespmem:s20], [sflag:$0x1] =	stream.indirect.gather [hbm4b:s1+s19], $0x80, s4, s19, $0xb8;
	[tilespmem:$0x1E080] =	vst v63  }
0x25: {  	_ =	swait.ge [sflag:s21], $0x4000  }
0x26: {  	[sflag:s21] =	ssyncset.done $0x0  }
0x27: {  	[sflag:s21] =	ssyncadd.s32 $0xFFFFC000  }
0x28: {  	[spmem:s3] =	stream.indirect.scatter.add.f32 [tilespmem:s20], [sflag:$0x3], $0x80, s18, s19, $0xb8;
	[tilespmem:$0x1E080] =	vst v63  }
0x29: {  	_ = 	snop  }
0x2a: {  	[tilespmem:s22], [sflag:$0x2] =	stream.indirect.gather [hbm4b:s1+s19], $0x80, s19, s19, $0xb8;
	[tilespmem:$0x1E080] =	vst v63  }
0x2b: {  	_ =	swait.ge [sflag:s23], $0x4000  }
0x2c: {  	[sflag:s23] =	ssyncset.done $0x0  }
0x2d: {  	[sflag:s23] =	ssyncadd.s32 $0xFFFFC000  }
0x2e: {  	_ =	swait.ge [sflag:s24], $0x4000  }
0x2f: {  	[sflag:s24] =	ssyncset.done $0x0  }
0x30: {  	s2 =	simm.s32 $0x100;
	[sflag:s24] =	ssyncadd.s32 $0xFFFFC000  }
0x31: {  	[tilespmem:s20], [sflag:$0x1] =	stream.indirect.gather [hbm4b:s1+s19], $0x80, s2, s19, $0xb8;
	[tilespmem:$0x1E080] =	vst v63  }
0x32: {  	s2 =	simm.s32 $0x1480  }
0x33: {  	[spmem:s3] =	stream.indirect.scatter.add.f32 [tilespmem:s22], [sflag:$0x4], $0x80, s2, s19, $0xb8;
	[tilespmem:$0x1E080] =	vst v63  }
0x34: {  	_ =	swait.ge [sflag:s21], $0x4000  }
0x35: {  	[sflag:s21] =	ssyncset.done $0x0  }
0x36: {  	p1 =	sne.s32 s11, $0x1;
	[sflag:s21] =	ssyncadd.s32 $0xFFFFC000  }
.Ltmp0:
0x37: {  	_ =	swait.ge [sflag:s25], $0x4000;
	(pc) =	sbr.rel @!p1 .LBB2_3-.Ltmp0, $4  }
0x38: {  	[sflag:s25] =	ssyncset.done $0x0  }
0x39: {  	s29 =	sadd.s32 $0xFFFFFFFF, s11;
	s2 =	simm.s32 $0x180;
	[sflag:s25] =	ssyncadd.s32 $0xFFFFC000  }
0x3a: {  	[tilespmem:s22], [sflag:$0x2] =	stream.indirect.gather [hbm4b:s1+s19], $0x80, s2, s19, $0xb8;
	[tilespmem:$0x1E080] =	vst v63  }
0x3b: {  	s30 =	simm.s32 $0x280;
	s31 =	simm.s32 $0x1580;
	s2 =	simm.s32 $0x1500  }
.LBB2_2:
0x3c: {  	[spmem:s3] =	stream.indirect.scatter.add.f32 [tilespmem:s20], [sflag:$0x3], $0x80, s2, s19, $0xb8;
	[tilespmem:$0x1E080] =	vst v63  }
0x3d: {  	p1 =	sne.s32 s29, $0x1;
	s29 =	sadd.s32 $0xFFFFFFFF, s29;
	_ =	swait.ge [sflag:s23], $0x4000  }
0x3e: {  	[sflag:s23] =	ssyncset.done $0x0  }
0x3f: {  	[sflag:s23] =	ssyncadd.s32 $0xFFFFC000  }
0x40: {  	_ =	swait.ge [sflag:s24], $0x4000  }
0x41: {  	[sflag:s24] =	ssyncset.done $0x0  }
0x42: {  	s2 =	sadd.s32 $0xFFFFFF80, s30;
	[sflag:s24] =	ssyncadd.s32 $0xFFFFC000  }
0x43: {  	[tilespmem:s20], [sflag:$0x1] =	stream.indirect.gather [hbm4b:s1+s19], $0x80, s2, s19, $0xb8;
	[tilespmem:$0x1E080] =	vst v63  }
0x44: {  	_ = 	snop  }
0x45: {  	[spmem:s3] =	stream.indirect.scatter.add.f32 [tilespmem:s22], [sflag:$0x4], $0x80, s31, s19, $0xb8;
	[tilespmem:$0x1E080] =	vst v63  }
0x46: {  	_ =	swait.ge [sflag:s21], $0x4000  }
0x47: {  	[sflag:s21] =	ssyncset.done $0x0  }
0x48: {  	[sflag:s21] =	ssyncadd.s32 $0xFFFFC000  }
.Ltmp1:
0x49: {  	_ =	swait.ge [sflag:s25], $0x4000;
	(pc) =	sbr.rel @p1 .LBB2_2-.Ltmp1, $4  }
0x4a: {  	[sflag:s25] =	ssyncset.done $0x0  }
0x4b: {  	[sflag:s25] =	ssyncadd.s32 $0xFFFFC000  }
0x4c: {  	[tilespmem:s22], [sflag:$0x2] =	stream.indirect.gather [hbm4b:s1+s19], $0x80, s30, s19, $0xb8;
	[tilespmem:$0x1E080] =	vst v63  }
0x4d: {  	s2 =	sadd.s32 $0x80, s31;
	s31 =	sadd.s32 $0x100, s31;
	s30 =	sadd.s32 $0x100, s30  }
.LBB2_3:
0x4e: {  	[spmem:s3] =	stream.indirect.scatter.add.f32 [tilespmem:s20], [sflag:$0x3], $0x80, s2, s19, $0xb8;
	[tilespmem:$0x1E080] =	vst v63  }
0x4f: {  	_ =	swait.ge [sflag:s23], $0x4000  }
0x50: {  	[sflag:s23] =	ssyncset.done $0x0  }
0x51: {  	[sflag:s23] =	ssyncadd.s32 $0xFFFFC000  }
0x52: {  	[spmem:s3] =	stream.indirect.scatter.add.f32 [tilespmem:s22], [sflag:$0x4], $0x80, s12, s19, $0xb8;
	[tilespmem:$0x1E080] =	vst v63  }
0x53: {  	_ =	swait.ge [sflag:s24], $0x4000  }
0x54: {  	[sflag:s24] =	ssyncset.done $0x0  }
0x55: {  	[sflag:s24] =	ssyncadd.s32 $0xFFFFC000  }
0x56: {  	_ =	swait.ge [sflag:s25], $0x4000  }
0x57: {  	[sflag:s25] =	ssyncset.done $0x0  }
0x58: {  	[sflag:s25] =	ssyncadd.s32 $0xFFFFC000  }
0x59: {  	s31 =	sadd.s32 s5, s13;
	[bflag:$0x0] =	sbarrier.arrive $0xFFFF  }
0x5a: {  	[hbm:s31], [sflag:s7] =	dma.local [spmem:s15], $0x2700  }
0x5b: {  	s26 =	sadd.s32 $0x1, s26;
	_ =	swait.ge [sflag:s16], $0x2700  }
0x5c: {  	p1 =	sne.s32 s26, s14;
	[sflag:s16] =	ssyncset.done $0x0  }
.Ltmp2:
0x5d: {  	s2 =	sadd.s32 @!p0 $0x27000, s13;
	[sflag:s16] =	ssyncadd.s32 $0xFFFFD900;
	(pc) =	sbr.rel @p1 .LBB2_1-.Ltmp2, $4  }
0x5e: {  	[hbm:s2], [sflag:s7] =	dma.local @!p0 [spmem:s17], $0x100  }
0x5f: {  	_ =	swait.ge @!p0 [sflag:s28], $0x100  }
0x60: {  	[sflag:s28] =	ssyncset.done @!p0 $0x0  }
0x61: {  	[sflag:s28] =	ssyncadd.s32 @!p0 $0xFFFFFF00  }
0x62: {  	_ =	sfence.sel $0x180000  }
0x63: {  	[bflag:$0x0] =	sbarrier.arrive $0xFFFF  }
0x64: {  	_ =	strace $0x9000004D  }
0x65: {  	[bflag:$0x2] =	sbarrier.arrive $0xFFFF  }
0x66: {  	p0 =	sne.s32 s0, $0x0;
	s0 =	rddreg [dreg:$0x3]  }
0x67: {  	s0 =	sadd.s32 @!p0 $0x100000, s0  }
0x68: {  	[sflag:s0] =	ssyncadd.tile.s32 @!p0 $0x1;
	_ =	shalt  }
.Lfunc_end2:
_tile_overlayer_lowered:
.L_overlay_start_2:
0x69: {  	(tag) =	ssettag $0x2  }
0x6a: {  	s0 =	rddreg [dreg:$0x0];
	s2 =	stileid.u32  }
0x6b: {  	s1 =	rddreg [dreg:$0x1];
	p0 =	sne.s32 s2, $0x0  }
0x6c: {  	s3 =	rddreg [dreg:$0x2];
	[bflag:$0x3] =	sbarrier.arrive $0xFFFF;
	s2 =	simm.s32 @!p0 $0x1C05  }
0x6d: {  	[timem:s3], [sflag:s2] =	dma.local @!p0 [hbm:s0], s1  }
0x6e: {  	s0 =	simm.s32 @!p0 $0x5  }
0x6f: {  	_ =	swait.ge @!p0 [sflag:s0], s1  }
0x70: {  	s1 =	ssub.s32 @!p0 $0x0, s1;
	[sflag:s0] =	ssyncset.done @!p0 $0x0  }
0x71: {  	[sflag:s0] =	ssyncadd.s32 @!p0 s1  }
0x72: {  	[bflag:$0x3] =	sbarrier.arrive $0xFFFF  }
0x73: {  	_ =	shalt  }

// kernel: kernel.8.cloned.1.call-start
scs
__scs_entry_jumppad:
0x0: {  	(pc) =	sbr.rel $0x88, $3  }
0x1: {  	(tag) =	ssettag $0x0;
	lr =	simm.s32 $0x1  }
0x2: {  	[smem:$0x3F9B] =	sst lr;
	_ =	strace $0xD0000000  }
0x3: {  	_ = 	snop  }
0x4: {  	_ = 	snop  }
0x5: {  	_ = 	snop  }
0x6: {  	_ = 	snop  }
0x7: {  	_ = 	snop  }
__scs_overlays_trampoline_lowered:
0x8: {  	[smem:$0x3FAA] =	sst s0  }
0x9: {  	[smem:$0x3FAB] =	sst s1  }
0xa: {  	[smem:$0x3FAC] =	sst s2  }
0xb: {  	[smem:$0x3FAD] =	sst s3  }
0xc: {  	[smem:$0x3FAE] =	sst s4  }
0xd: {  	[smem:$0x3FAF] =	sst s5  }
0xe: {  	[smem:$0x3FB0] =	sst s6  }
0xf: {  	[smem:$0x3FB1] =	sst s7  }
0x10: {  	[smem:$0x3FB2] =	sst s8  }
0x11: {  	[smem:$0x3FB3] =	sst s9;
	s0 =	simm.s32 @!p0 $0x0  }
0x12: {  	s1 =	sld [smem:$0x3F99];
	s0 =	simm.s32 @p0 $0x1  }
0x13: {  	[smem:$0x3FB4] =	sst s0;
	s0 =	simm.s32 @!p1 $0x0  }
0x14: {  	s2 =	sld [smem:$0x3F98];
	s0 =	simm.s32 @p1 $0x1  }
0x15: {  	[smem:$0x3FB5] =	sst s0;
	s0 =	simm.s32 @!p2 $0x0  }
0x16: {  	s3 =	sld [smem:$0x3FDB];
	s0 =	simm.s32 @p2 $0x1  }
0x17: {  	s4 =	simm.s32 $0x1BF5;
	[smem:$0x3FB7] =	sst s0  }
0x18: {  	s0 =	sld [smem:$0x3F9A];
	_ =	swait.ge [sflag:s4], $0x0  }
0x19: {  	s7 =	sld [smem:$0x3F9B]  }
0x1a: {  	s8 =	sadd.s32 $0xFFFFE003, lr  }
0x1b: {  	s9 =	sadd.s32 $0xFFFFFEF7, lr;
	s5 =	simm.s32 $0xFFFFFFFF;
	p2 =	slt.u32 s8, $0xFFFFF086  }
0x1c: {  	p1 =	slt.u32 s9, $0xF7A;
	s5 =	simm.s32 @!p2 $0x0  }
0x1d: {  	s5 =	simm.s32 @p1 $0x1;
	p0 =	seq.s32 s7, s2  }
0x1e: {  	s7 =	smul.u32 @!p0 $0xF7A, s2;
	p2 =	seq.s32 @!p0 s5, $0x0  }
0x1f: {  	s9 =	smul.u32 $0xF7A, s1;
	s8 =	simm.s32 @!p0 $0x1BF5;
	p2 =	por !p2, p0  }
0x20: {  	[sflag:s8] =	ssyncset.s32 @!p0 $0xFFFFF086;
	s6 =	sadd.s32 @!p0 s3, s7;
	s7 =	simm.s32 @!p0 $0x108  }
0x21: {  	s3 =	sadd.s32 s3, s9;
	s6 =	sadd.s32 @!p0 $0x88, s6;
	s7 =	simm.s32 @p2 $0x1082  }
0x22: {  	[simem:s7], [sflag:s8] =	dma.local @!p0 [hbm:s6], $0xF7A  }
0x23: {  	s9 =	sor.u32 $0xD0000000, s2;
	s6 =	simm.s32 $0x108;
	_ =	swait.ge @!p0 [sflag:s8], $0x0  }
0x24: {  	s3 =	sadd.s32 $0x88, s3;
	s6 =	simm.s32 @!p1 $0x1082;
	[sflag:s4] =	ssyncset.s32 $0xFFFFF086  }
0x25: {  	[simem:s6], [sflag:s4] =	dma.local [hbm:s3], $0xF7A  }
0x26: {  	[smem:$0x3F9B] =	sst s1;
	(tag) =	ssettag s2;
	_ =	strace s9  }
0x27: {  	s1 =	sld [smem:$0x3FAB]  }
0x28: {  	s2 =	sld [smem:$0x3FAC]  }
0x29: {  	s4 =	sld [smem:$0x3FAE]  }
0x2a: {  	p0 =	seq.s32 s5, $0x0;
	s5 =	sld [smem:$0x3FAF]  }
0x2b: {  	s6 =	sld [smem:$0x3FB0]  }
0x2c: {  	s7 =	sld [smem:$0x3FB1]  }
0x2d: {  	s3 =	simm.s32 $0x108;
	s8 =	sld [smem:$0x3FB2]  }
0x2e: {  	s3 =	simm.s32 @!p0 $0x1082;
	s9 =	sld [smem:$0x3FB3]  }
0x2f: {  	lr =	sadd.s32 s0, s3;
	s0 =	sld [smem:$0x3FAA]  }
0x30: {  	s3 =	sld [smem:$0x3FAD]  }
0x31: {  	[smem:$0x3FB6] =	sst s10  }
0x32: {  	s10 =	sld [smem:$0x3FB4];
	_ =	sdelay $0x3  }
0x33: {  	p0 =	seq.s32 s10, $0x1;
	s10 =	sld [smem:$0x3FB6];
	_ =	sdelay $0x3  }
0x34: {  	[smem:$0x3FB6] =	sst s10  }
0x35: {  	s10 =	sld [smem:$0x3FB5];
	_ =	sdelay $0x3  }
0x36: {  	p1 =	seq.s32 s10, $0x1;
	s10 =	sld [smem:$0x3FB6];
	_ =	sdelay $0x3  }
0x37: {  	[smem:$0x3FB6] =	sst s10  }
0x38: {  	s10 =	sld [smem:$0x3FB7]  }
0x39: {  	_ = 	snop;
	(pc) =	sbr.ind lr, $3  }
0x3a: {  	_ = 	snop  }
0x3b: {  	_ = 	snop  }
0x3c: {  	p2 =	seq.s32 s10, $0x1;
	s10 =	sld [smem:$0x3FB6]  }
0x3d: {  	_ =	shalt  }
0x3e: {  	_ =	shalt  }
0x3f: {  	_ =	shalt  }
0x40: {  	_ =	shalt  }
0x41: {  	_ =	shalt  }
0x42: {  	_ =	shalt  }
0x43: {  	_ =	shalt  }
0x44: {  	_ =	shalt  }
0x45: {  	_ =	shalt  }
0x46: {  	_ =	shalt  }
0x47: {  	_ =	shalt  }
0x48: {  	_ =	shalt  }
0x49: {  	_ =	shalt  }
0x4a: {  	_ =	shalt  }
0x4b: {  	_ =	shalt  }
0x4c: {  	_ =	shalt  }
0x4d: {  	_ =	shalt  }
0x4e: {  	_ =	shalt  }
0x4f: {  	_ =	shalt  }
0x50: {  	_ =	shalt  }
0x51: {  	_ =	shalt  }
0x52: {  	_ =	shalt  }
0x53: {  	_ =	shalt  }
0x54: {  	_ =	shalt  }
0x55: {  	_ =	shalt  }
0x56: {  	_ =	shalt  }
0x57: {  	_ =	shalt  }
0x58: {  	_ =	shalt  }
0x59: {  	_ =	shalt  }
0x5a: {  	_ =	shalt  }
0x5b: {  	_ =	shalt  }
0x5c: {  	_ =	shalt  }
0x5d: {  	_ =	shalt  }
0x5e: {  	_ =	shalt  }
0x5f: {  	_ =	shalt  }
0x60: {  	_ =	shalt  }
0x61: {  	_ =	shalt  }
0x62: {  	_ =	shalt  }
0x63: {  	_ =	shalt  }
0x64: {  	_ =	shalt  }
0x65: {  	_ =	shalt  }
0x66: {  	_ =	shalt  }
0x67: {  	_ =	shalt  }
0x68: {  	_ =	shalt  }
0x69: {  	_ =	shalt  }
0x6a: {  	_ =	shalt  }
0x6b: {  	_ =	shalt  }
0x6c: {  	_ =	shalt  }
0x6d: {  	_ =	shalt  }
0x6e: {  	_ =	shalt  }
0x6f: {  	_ =	shalt  }
0x70: {  	_ =	shalt  }
0x71: {  	_ =	shalt  }
0x72: {  	_ =	shalt  }
0x73: {  	_ =	shalt  }
0x74: {  	_ =	shalt  }
0x75: {  	_ =	shalt  }
0x76: {  	_ =	shalt  }
0x77: {  	_ =	shalt  }
0x78: {  	_ =	shalt  }
0x79: {  	_ =	shalt  }
0x7a: {  	_ =	shalt  }
0x7b: {  	_ =	shalt  }
0x7c: {  	_ =	shalt  }
0x7d: {  	_ =	shalt  }
0x7e: {  	_ =	shalt  }
0x7f: {  	_ =	shalt  }
0x80: {  	_ =	shalt  }
0x81: {  	_ =	shalt  }
0x82: {  	_ =	shalt  }
0x83: {  	_ =	shalt  }
0x84: {  	_ =	shalt  }
0x85: {  	_ =	shalt  }
0x86: {  	_ =	shalt  }
0x87: {  	_ =	shalt  }
.Lfunc_end0:
.L_simem_size_0:
called_computation_lowered:
.L_overlay_start_0:
0x88: {  	s2 =	sld [smem:$0x3FD9]  }
0x89: {  	s3 =	sld [smem:$0x3FFE];
	_ =	sdelay $0x1  }
0x8a: {  	s1 =	srdreg.scid  }
0x8b: {  	s0 =	sand.u32 $0x1, s1  }
0x8c: {  	s17 =	sshll.u32 s0, $0xA;
	s2 =	sadd.s32 s3, s2  }
0x8d: {  	s2 =	sadd.s32 s2, s17  }
0x8e: {  	[smem:$0x3FC2] =	sst s2  }
0x8f: {  	_ = 	snop  }
0x90: {  	s2 =	sld [smem:$0x3FD0];
	(tm) =	ssettm $0x1  }
0x91: {  	s18 =	sld [smem:$0x3FFB];
	_ =	sdelay $0x3  }
0x92: {  	_ =	strace s18  }
0x93: {  	s3 =	sld [smem:$0x3FFC];
	_ =	sdelay $0x3  }
0x94: {  	_ =	strace s3  }
0x95: {  	s3 =	sld [smem:$0x3FFD];
	_ =	sdelay $0x3  }
0x96: {  	_ =	strace s3  }
0x97: {  	_ =	strace $0x8FFFFFFF  }
0x98: {  	s19 =	sld [smem:$0x3FDB];
	_ =	sdelay $0x1  }
0x99: {  	s4 =	simm.s32 $_scs_section_size  }
0x9a: {  	s5 =	simm.s32 $_size__tile_overlayer_lowered;
	s6 =	simm.s32 $_tile_overlayer_lowered  }
0x9b: {  	s22 =	simm.s32 $0x1BFF;
	s21 =	sshll.u32 s6, $0x1;
	s3 =	sadd.s32 s4, s19  }
0x9c: {  	s7 =	simm.s32 $0x0;
	s20 =	sshll.u32 s5, $0x1;
	s5 =	sadd.s32 s21, s3  }
0x9d: {  	[timem:s7], [sflag:s22] =	dma.local [hbm:s5], s20  }
0x9e: {  	_ =	swait.ge [sflag:s22], s20  }
0x9f: {  	s4 =	ssub.s32 $0x0, s20;
	[sflag:s22] =	ssyncset.done $0x0  }
0xa0: {  	[sflag:s22] =	ssyncadd.s32 s4;
	_ =	sdelay $0x1  }
0xa1: {  	s23 =	simm.s32 $0x1B8B  }
0xa2: {  	_ =	swait.ge [sflag:s23], $0x1  }
0xa3: {  	[sflag:s23] =	ssyncset.done $0x0  }
0xa4: {  	s25 =	simm.s32 $0x1B8E;
	s24 =	sld [smem:$0x3FFE];
	[sflag:s23] =	ssyncadd.s32 $0xFFFFFFFF  }
0xa5: {  	s26 =	simm.s32 $execute0_lowered;
	[smem:$0x3FD2] =	sst s25  }
0xa6: {  	s5 =	sshll.u32 s26, $0x1;
	_ =	strace $0x80000046;
	[dreg:$0x1] =	wrdreg $0xFFFFFFFF  }
0xa7: {  	s28 =	simm.s32 $_size_execute0_lowered;
	s3 =	sadd.s32 s3, s5;
	[dreg:$0x0] =	wrdreg $0x0  }
0xa8: {  	s5 =	sshll.u32 s28, $0x1;
	[dreg:$0x2] =	wrdreg s3  }
0xa9: {  	[dreg:$0x3] =	wrdreg s5  }
0xaa: {  	[dreg:$0x4] =	wrdreg $0xC0  }
0xab: {  	_ =	task [dreg:s7], $0x5FFFF  }
0xac: {  	[dreg:$0x1] =	wrdreg $0xFFFFFFFF  }
0xad: {  	[dreg:$0x0] =	wrdreg $0x60  }
0xae: {  	[dreg:$0x2] =	wrdreg s24  }
0xaf: {  	[dreg:$0x3] =	wrdreg s2  }
0xb0: {  	[dreg:$0x4] =	wrdreg $0x54000  }
0xb1: {  	[dreg:$0x5] =	wrdreg $0x9  }
0xb2: {  	_ =	task.clear_ibuf [dreg:s7], $0x6FFFF;
	_ =	strace $0x90000046  }
0xb3: {  	s29 =	simm.s32 $0x9;
	_ =	strace $0x80000048  }
0xb4: {  	_ =	swait.ge [sflag:s29], $0x1  }
0xb5: {  	[sflag:s29] =	ssyncadd.s32 $0xFFFFFFFF  }
0xb6: {  	_ =	strace $0x90000048  }
0xb7: {  	_ =	sfence  }
0xb8: {  	s30 =	sld [smem:$0x0];
	_ =	sdelay $0x2  }
0xb9: {  	s31 =	sshll.u32 s1, $0xD;
	s1 =	sshrl.u32 s1, $0x2  }
0xba: {  	s3 =	sand.u32 $0x4000, s31;
	s1 =	sadd.s32 s1, s30  }
0xbb: {  	s0 =	sor.u32 s3, s0;
	s1 =	sshll.u32 s1, $0x11  }
0xbc: {  	s0 =	sor.u32 s1, s0  }
0xbd: {  	s0 =	sadd.s32 $0x8F2B, s0  }
0xbe: {  	[sflag:s0] =	ssyncadd.remote.s32 $0x1  }
0xbf: {  	_ =	sfence.sel $0xFFFF  }
0xc0: {  	[dreg:$0x0] =	wrdreg $0xFFFFFFFF;
	(pc) =	sbr.abs _section_cstart, $3  }
0xc1: {  	[dreg:$0x1] =	wrdreg $0xFFFFFFFF  }
0xc2: {  	_ =	task.clear_ibuf [dreg:s7], $0x2FFFF;
	_ =	strace $0x9FFFFFFF  }
0xc3: {  	(tm) =	ssettm $0x7FFFFFFF  }
tec
execute0_lowered:
.L_overlay_start_1:
0x0: {  	(tag) =	ssettag $0x1  }
0x1: {  	s6 =	rddreg [dreg:$0x0]  }
0x2: {  	s0 =	srdreg.scid;
	s2 =	rddreg [dreg:$0x1]  }
0x3: {  	s3 =	rddreg [dreg:$0x2];
	s4 =	simm.s32 $0x0;
	s5 =	sand.u32 $0x1, s0  }
0x4: {  	s14 =	simm.s32 $0x80;
	s0 =	stileid.u32;
	s8 =	smul.u32 $0x27100, s5  }
0x5: {  	s15 =	simm.s32 $0x1;
	s16 =	simm.s32 $0x2;
	s9 =	smul.u32 $0xFFFFFFD8, s0  }
0x6: {  	s19 =	simm.s32 $0x0;
	[smem:$0x7FF] =	sst s4;
	s11 =	smul.u32 $0xFFFFFD80, s5  }
0x7: {  	s1 =	sshll.u32 s5, $0x4;
	s10 =	ssub.s32 $0x2, s5;
	s13 =	smul.u32 $0x4E000, s0  }
0x8: {  	s5 =	sadd.s32 $0xC200, s6;
	s30 =	sshll.u32 s0, $0x6;
	s17 =	smul.u32 $0x2700, s0  }
0x9: {  	s7 =	sor.u32 s0, s1;
	s1 =	rddreg [dreg:$0x3];
	_ =	strace $0x80000047  }
0xa: {  	s12 =	sshrl.u32 s10, $0x1;
	s7 =	smul.u32 $0x280, s7;
	s8 =	sadd.s32 s8, s6  }
0xb: {  	s10 =	ssub.s32 s10, s12;
	s9 =	sadd.s32 s9, s11;
	s29 =	sshrl.u32 s13, $0x2  }
0xc: {  	s13 =	sadd.s32 $0x138000, s3;
	s11 =	simm.s32 $0x3;
	p0 =	slt.s32 s9, $0xFFFFFB46  }
0xd: {  	s31 =	sadd.s32 s29, s3;
	s18 =	sadd.s32 $0xCA00, s8;
	s7 =	sadd.s32 s7, s6  }
0xe: {  	s6 =	sor.u32 $0x1C03, s30;
	s9 =	simm.s32 @!p0 $0xFFFFFB46;
	p0 =	sne.s32 s0, $0xF  }
0xf: {  	s17 =	sadd.s32 s17, s18;
	s7 =	sadd.s32 $0x7200, s7;
	s9 =	sadd.s32 $0x4E0, s9  }
0x10: {  	s12 =	sshrl.u32 @!p0 s13, $0x3;
	s13 =	simm.s32 $0x1400;
	s18 =	sadd.s32 @!p0 $0x27000, s18  }
0x11: {  	s8 =	sshrl.u32 s9, $0x1;
	s9 =	smax.u32 s10, $0x1;
	s10 =	sshrl.u32 s31, $0x3  }
.LBB2_1:
0x12: {  	[spmem:s10], [sflag:s6] =	dma.local [hbm:s2], $0x2700  }
0x13: {  	_ =	swait.ge [sflag:s11], $0x2700  }
0x14: {  	[sflag:s11] =	ssyncset.done $0x0  }
0x15: {  	s20 =	simm.s32 @!p0 $0x3;
	[sflag:s11] =	ssyncadd.s32 $0xFFFFD900  }
0x16: {  	[spmem:s12], [sflag:s6] =	dma.local @!p0 [hbm:s2], $0x100  }
0x17: {  	_ =	swait.ge @!p0 [sflag:s20], $0x100  }
0x18: {  	[sflag:s20] =	ssyncset.done @!p0 $0x0  }
0x19: {  	[sflag:s20] =	ssyncadd.s32 @!p0 $0xFFFFFF00  }
0x1a: {  	[tilespmem:s13], [sflag:$0x3] =	stream.linear.gather [hbm4b:s5+s4], $0x4000, $0x38;
	[tilespmem:$0x18C80] =	vst v63  }
0x1b: {  	_ =	swait.ge [sflag:s11], $0x4000  }
0x1c: {  	[sflag:s11] =	ssyncset.done $0x0  }
0x1d: {  	[sflag:s11] =	ssyncadd.s32 $0xFFFFC000  }
0x1e: {  	[tilespmem:s4], [sflag:$0x3] =	stream.linear.gather [hbm4b:s7+s4], $0x1400, $0x38;
	[tilespmem:$0x18C80] =	vst v63  }
0x1f: {  	_ =	swait.ge [sflag:s11], $0x1400  }
0x20: {  	[sflag:s11] =	ssyncset.done $0x0  }
0x21: {  	[sflag:s11] =	ssyncadd.s32 $0xFFFFEC00  }
0x22: {  	[bflag:$0x0] =	sbarrier.arrive $0xFFFF  }
0x23: {  	[spmem:s3] =	stream.indirect.scatter.add.f32 [tilespmem:s13], [sflag:$0x1], $0x80, s4, s14, $0xb8;
	[tilespmem:$0x18C80] =	vst v63  }
0x24: {  	_ = 	snop  }
0x25: {  	[spmem:s3] =	stream.indirect.scatter.add.f32 [tilespmem:s13], [sflag:$0x2], $0x80, s14, s14, $0xb8;
	[tilespmem:$0x18C80] =	vst v63  }
0x26: {  	_ =	swait.ge [sflag:s15], $0x4000  }
0x27: {  	p1 =	sne.s32 s8, $0x1;
	[sflag:s15] =	ssyncset.done $0x0  }
.Ltmp0:
0x28: {  	s21 =	simm.s32 $0x100;
	[sflag:s15] =	ssyncadd.s32 $0xFFFFC000;
	(pc) =	sbr.rel @!p1 .LBB2_3-.Ltmp0, $4  }
0x29: {  	[spmem:s3] =	stream.indirect.scatter.add.f32 [tilespmem:s13], [sflag:$0x1], $0x80, s21, s14, $0xb8;
	[tilespmem:$0x18C80] =	vst v63  }
0x2a: {  	_ =	swait.ge [sflag:s16], $0x4000  }
0x2b: {  	s23 =	simm.s32 $0x180;
	[sflag:s16] =	ssyncset.done $0x0  }
0x2c: {  	s22 =	simm.s32 $0x280;
	s21 =	sadd.s32 $0xFFFFFFFF, s8;
	[sflag:s16] =	ssyncadd.s32 $0xFFFFC000  }
.LBB2_2:
0x2d: {  	[spmem:s3] =	stream.indirect.scatter.add.f32 [tilespmem:s13], [sflag:$0x2], $0x80, s23, s14, $0xb8;
	[tilespmem:$0x18C80] =	vst v63  }
0x2e: {  	p1 =	sne.s32 s21, $0x1;
	s21 =	sadd.s32 $0xFFFFFFFF, s21;
	_ =	swait.ge [sflag:s15], $0x4000  }
0x2f: {  	s23 =	smov.u32 s22;
	[sflag:s15] =	ssyncset.done $0x0  }
.Ltmp1:
0x30: {  	s24 =	sadd.s32 $0xFFFFFF80, s22;
	[sflag:s15] =	ssyncadd.s32 $0xFFFFC000;
	(pc) =	sbr.rel @p1 .LBB2_2-.Ltmp1, $4  }
0x31: {  	[spmem:s3] =	stream.indirect.scatter.add.f32 [tilespmem:s13], [sflag:$0x1], $0x80, s24, s14, $0xb8;
	[tilespmem:$0x18C80] =	vst v63  }
0x32: {  	_ =	swait.ge [sflag:s16], $0x4000  }
0x33: {  	[sflag:s16] =	ssyncset.done $0x0  }
0x34: {  	s22 =	sadd.s32 $0x100, s22;
	[sflag:s16] =	ssyncadd.s32 $0xFFFFC000  }
.LBB2_3:
0x35: {  	[spmem:s3] =	stream.indirect.scatter.add.f32 [tilespmem:s13], [sflag:$0x2], $0x80, s23, s14, $0xb8;
	[tilespmem:$0x18C80] =	vst v63  }
0x36: {  	_ =	swait.ge [sflag:s15], $0x4000  }
0x37: {  	[sflag:s15] =	ssyncset.done $0x0  }
0x38: {  	[sflag:s15] =	ssyncadd.s32 $0xFFFFC000  }
0x39: {  	_ =	swait.ge [sflag:s16], $0x4000  }
0x3a: {  	[sflag:s16] =	ssyncset.done $0x0  }
0x3b: {  	[sflag:s16] =	ssyncadd.s32 $0xFFFFC000  }
0x3c: {  	[bflag:$0x0] =	sbarrier.arrive $0xFFFF  }
0x3d: {  	[hbm:s17], [sflag:s6] =	dma.local [spmem:s10], $0x2700  }
0x3e: {  	s19 =	sadd.s32 $0x1, s19;
	_ =	swait.ge [sflag:s11], $0x2700  }
0x3f: {  	p1 =	sne.s32 s19, s9;
	[sflag:s11] =	ssyncset.done $0x0  }
.Ltmp2:
0x40: {  	[sflag:s11] =	ssyncadd.s32 $0xFFFFD900;
	(pc) =	sbr.rel @p1 .LBB2_1-.Ltmp2, $4  }
0x41: {  	[hbm:s18], [sflag:s6] =	dma.local @!p0 [spmem:s12], $0x100  }
0x42: {  	_ =	swait.ge @!p0 [sflag:s20], $0x100  }
0x43: {  	[sflag:s20] =	ssyncset.done @!p0 $0x0  }
0x44: {  	[sflag:s20] =	ssyncadd.s32 @!p0 $0xFFFFFF00  }
0x45: {  	_ =	sfence.sel $0x180000  }
0x46: {  	[bflag:$0x0] =	sbarrier.arrive $0xFFFF  }
0x47: {  	p0 =	sne.s32 s0, $0x0;
	_ =	strace $0x90000047  }
0x48: {  	s0 =	sadd.s32 @!p0 $0x100000, s1;
	[bflag:$0x2] =	sbarrier.arrive $0xFFFF  }
0x49: {  	[sflag:s0] =	ssyncadd.tile.s32 @!p0 $0x1;
	_ =	shalt  }
.Lfunc_end2:
_tile_overlayer_lowered:
.L_overlay_start_2:
0x4a: {  	(tag) =	ssettag $0x2  }
0x4b: {  	s0 =	rddreg [dreg:$0x0];
	s2 =	stileid.u32  }
0x4c: {  	s1 =	rddreg [dreg:$0x1];
	p0 =	sne.s32 s2, $0x0  }
0x4d: {  	s3 =	rddreg [dreg:$0x2];
	[bflag:$0x3] =	sbarrier.arrive $0xFFFF;
	s2 =	simm.s32 @!p0 $0x1C03  }
0x4e: {  	[timem:s3], [sflag:s2] =	dma.local @!p0 [hbm:s0], s1  }
0x4f: {  	s0 =	simm.s32 @!p0 $0x3  }
0x50: {  	_ =	swait.ge @!p0 [sflag:s0], s1  }
0x51: {  	s1 =	ssub.s32 @!p0 $0x0, s1;
	[sflag:s0] =	ssyncset.done @!p0 $0x0  }
0x52: {  	[sflag:s0] =	ssyncadd.s32 @!p0 s1  }
0x53: {  	[bflag:$0x3] =	sbarrier.arrive $0xFFFF  }
0x54: {  	_ =	shalt  }

</sc_bundles>
